<compile_context>
chip_gen: v7x
topology: tpu7x:2x2x1
jax: 0.10.2.dev20260603
libtpu: 0.0.44.dev20260713+nightly
codegen_flags: <defaults>
</compile_context>

<pallas_src>
import functools

import jax
import jax.numpy as jnp
from jax import lax
from jax.experimental import pallas as pl
from jax.experimental.pallas import tpu as pltpu
from jax.experimental.pallas import tpu_sc as plsc

B = 16384
C = 128
LANES = 16
NCORES = 2
NSUBCORES = 16
NUM_WORKERS = NCORES * NSUBCORES
ROWS_PER_WORKER = B // NUM_WORKERS
CVECS = C // LANES
NEXPERTS = 64


def _sc_body(in_hbm, idx_hbm, w_hbm, fact_hbm, out_hbm,
             idx_v, tbl_f, fact_v, in_f,
             sem_stage, sem_in, sem_out):
    wid = lax.axis_index("s") * NCORES + lax.axis_index("c")
    row0 = wid * ROWS_PER_WORKER

    c_in = pltpu.async_copy(in_hbm.at[pl.ds(row0 * C, ROWS_PER_WORKER * C)],
                            in_f, sem_in)
    c_idx = pltpu.async_copy(idx_hbm.at[pl.ds(wid, 1), :], idx_v, sem_stage)
    c_tbl = pltpu.async_copy(w_hbm, tbl_f, sem_stage)
    c_fact = pltpu.async_copy(fact_hbm, fact_v, sem_stage)
    c_tbl.wait()
    c_fact.wait()

    fact_vs = [fact_v[pl.ds(j * LANES, LANES)] for j in range(CVECS)]

    @plsc.parallel_loop(0, NEXPERTS, step=1, unroll=4)
    def add_fact(e):
        eo = e * C
        for j in range(CVECS):
            sl = pl.ds(eo + j * LANES, LANES)
            tbl_f[sl] = tbl_f[sl] + fact_vs[j]

    c_idx.wait()
    c_in.wait()

    @plsc.parallel_loop(0, ROWS_PER_WORKER // LANES, step=1, unroll=1)
    def grp_body(rg):
        eo_v = idx_v[0, pl.ds(rg * LANES, LANES)] * C
        base = rg * (LANES * C)
        eos = [eo_v[t] for t in range(LANES)]
        for t in range(LANES):
            eo = eos[t]
            ro = base + t * C
            for j in range(CVECS):
                iv = in_f[pl.ds(ro + j * LANES, LANES)]
                sv = tbl_f[pl.ds(eo + j * LANES, LANES)]
                in_f[pl.ds(ro + j * LANES, LANES)] = jnp.where(
                    iv >= 0.0, iv, sv * iv)

    pltpu.async_copy(in_f, out_hbm.at[pl.ds(row0 * C, ROWS_PER_WORKER * C)],
                     sem_out).wait()


@jax.jit
def _run(input, route_index, weight, weight_fact):
    mesh = plsc.VectorSubcoreMesh(core_axis_name="c", subcore_axis_name="s")
    f = functools.partial(
        pl.kernel,
        out_type=jax.ShapeDtypeStruct((B * C,), jnp.float32),
        mesh=mesh,
        scratch_types=[
            pltpu.VMEM((1, ROWS_PER_WORKER), jnp.int32),
            pltpu.VMEM((NEXPERTS * C,), jnp.float32),
            pltpu.VMEM((C,), jnp.float32),
            pltpu.VMEM((ROWS_PER_WORKER * C,), jnp.float32),
            pltpu.SemaphoreType.DMA,
            pltpu.SemaphoreType.DMA,
            pltpu.SemaphoreType.DMA,
        ],
    )(_sc_body)
    idx2d = route_index.astype(jnp.int32).reshape(NUM_WORKERS, ROWS_PER_WORKER)
    out = f(input.reshape(B * C), idx2d, weight.reshape(NEXPERTS * C),
            weight_fact.reshape(C))
    return out.reshape(B, C)


def kernel(input, route_index, weight, weight_fact):
    return _run(input, route_index, weight, weight_fact)

# --- scband reference (transcript-rebuilt; emitter-appended) ---
"""Pipeline reference for scband-switch-pre-lu-48687749267566 (READ-ONLY COPY).

The authoritative reference and input builder live on the scoring server;
editing this copy changes nothing except your own understanding.
"""

import jax, jax.numpy as jnp
import numpy as np


def setup_inputs(seed: int = 0) -> dict:
    key = jax.random.key(seed)
    k1, k2, k3 = jax.random.split(key, 3)
    inp = jax.random.normal(k1, (16384, 128), dtype=jnp.float32)
    route_index = jax.random.randint(k2, (16384,), 0, 64)
    # learned parameters per init_kwargs: num_experts=64, num_parameters=128, init=0.25
    # (original init is zeros for weight; use small random so expert routing is observable)
    weight = jax.random.normal(k3, (64, 128), dtype=jnp.float32) * 0.01
    weight_fact = jnp.full((1, 128), 0.25, dtype=jnp.float32)
    return {"input": inp, "route_index": route_index, "weight": weight, "weight_fact": weight_fact}


def reference(input, route_index, weight, weight_fact):
    # get_weight: F.embedding(route_index, weight) + weight_fact
    neg_slope = jnp.take(weight, route_index, axis=0) + weight_fact  # [B, C]
    extra = input.ndim - neg_slope.ndim
    neg_slope = neg_slope.reshape(neg_slope.shape[0], neg_slope.shape[1], *([1] * extra))
    return jnp.where(input >= 0, input, neg_slope * input)

if __name__ == "__main__":
    import jax
    _d = setup_inputs()
    print(jax.jit(kernel)(*tuple(_d.values())))

</pallas_src>

<mosaic_0001>
#map = affine_map<(d0, d1) -> (0)>
#map1 = affine_map<(d0, d1) -> (0, 0)>
module attributes {stable_mosaic.version = 14 : i64} {
  func.func @_sc_body(%arg0: i32, %arg1: i32, %arg2: memref<2097152xf32, #tpu.memory_space<hbm>>, %arg3: memref<32x512xi32, #tpu.memory_space<hbm>>, %arg4: memref<8192xf32, #tpu.memory_space<hbm>>, %arg5: memref<128xf32, #tpu.memory_space<hbm>>, %arg6: memref<2097152xf32, #tpu.memory_space<hbm>>, %arg7: memref<1x512xi32, #tpu.memory_space<vmem>>, %arg8: memref<8192xf32, #tpu.memory_space<vmem>>, %arg9: memref<128xf32, #tpu.memory_space<vmem>>, %arg10: memref<65536xf32, #tpu.memory_space<vmem>>, %arg11: memref<!tpu.dma_semaphore, #tpu.memory_space<semaphore_mem>>, %arg12: memref<!tpu.dma_semaphore, #tpu.memory_space<semaphore_mem>>, %arg13: memref<!tpu.dma_semaphore, #tpu.memory_space<semaphore_mem>>) attributes {dimension_semantics = [#tpu.dimension_semantics<core_parallel>, #tpu.dimension_semantics<subcore_parallel>], iteration_bounds = array<i64: 2, 16>, scalar_prefetch = 0 : i64, scratch_operands = 7 : i64, tpu.core_type = #tpu.core_type<sc_vector_subcore>, window_params = [{transform_indices = #map}, {transform_indices = #map1}, {transform_indices = #map}, {transform_indices = #map}, {transform_indices = #map}]} {
    %mul3A = arith.constant 2 : i32
    %mul3A_0 = arith.muli %arg1, %mul3A : i32
    %add3A = arith.addi %mul3A_0, %arg0 : i32
    %mul3A_1 = arith.constant 512 : i32
    %mul3A_2 = arith.muli %add3A, %mul3A_1 : i32
    %mul3A_3 = arith.constant 128 : i32
    %mul3A_4 = arith.muli %mul3A_2, %mul3A_3 : i32
    %dma_start3A = tpu.memref_slice %arg2[%mul3A_4] : memref<2097152xf32, #tpu.memory_space<hbm>> -> memref<65536xf32, #tpu.memory_space<hbm>>
    %dma_start3A_5 = tpu.memref_slice %arg2[%mul3A_4] : memref<2097152xf32, #tpu.memory_space<hbm>> -> memref<65536xf32, #tpu.memory_space<hbm>>
    tpu.enqueue_dma source(%dma_start3A_5 : memref<65536xf32, #tpu.memory_space<hbm>>) target(%arg10 : memref<65536xf32, #tpu.memory_space<vmem>>) target_semaphore(%arg12 : memref<!tpu.dma_semaphore, #tpu.memory_space<semaphore_mem>>)
    %dma_start3A_6 = arith.constant 0 : i32
    %dma_start3A_7 = tpu.memref_slice %arg3[%add3A, %dma_start3A_6] : memref<32x512xi32, #tpu.memory_space<hbm>> -> memref<1x512xi32, #tpu.memory_space<hbm>>
    %dma_start3A_8 = arith.constant 0 : i32
    %dma_start3A_9 = tpu.memref_slice %arg3[%add3A, %dma_start3A_8] : memref<32x512xi32, #tpu.memory_space<hbm>> -> memref<1x512xi32, #tpu.memory_space<hbm>>
    tpu.enqueue_dma source(%dma_start3A_9 : memref<1x512xi32, #tpu.memory_space<hbm>>) target(%arg7 : memref<1x512xi32, #tpu.memory_space<vmem>>) target_semaphore(%arg11 : memref<!tpu.dma_semaphore, #tpu.memory_space<semaphore_mem>>)
    tpu.enqueue_dma source(%arg4 : memref<8192xf32, #tpu.memory_space<hbm>>) target(%arg8 : memref<8192xf32, #tpu.memory_space<vmem>>) target_semaphore(%arg11 : memref<!tpu.dma_semaphore, #tpu.memory_space<semaphore_mem>>)
    tpu.enqueue_dma source(%arg5 : memref<128xf32, #tpu.memory_space<hbm>>) target(%arg9 : memref<128xf32, #tpu.memory_space<vmem>>) target_semaphore(%arg11 : memref<!tpu.dma_semaphore, #tpu.memory_space<semaphore_mem>>)
    tpu.wait_dma2 semaphore(%arg11 : memref<!tpu.dma_semaphore, #tpu.memory_space<semaphore_mem>>) src(%arg4 : memref<8192xf32, #tpu.memory_space<hbm>>) dst(%arg8 : memref<8192xf32, #tpu.memory_space<vmem>>)
    tpu.wait_dma2 semaphore(%arg11 : memref<!tpu.dma_semaphore, #tpu.memory_space<semaphore_mem>>) src(%arg5 : memref<128xf32, #tpu.memory_space<hbm>>) dst(%arg9 : memref<128xf32, #tpu.memory_space<vmem>>)
    %get3A = arith.constant 0 : index
    %get3A_10 = tpu.vector_load %arg9[%get3A] {strides = array<i32>} : memref<128xf32, #tpu.memory_space<vmem>>, vector<16xf32>,
    %get3A_11 = vector.shape_cast %get3A_10 : vector<16xf32> to vector<16xf32>
    %get3A_12 = arith.constant 16 : index
    %get3A_13 = tpu.vector_load %arg9[%get3A_12] {strides = array<i32>} : memref<128xf32, #tpu.memory_space<vmem>>, vector<16xf32>,
    %get3A_14 = vector.shape_cast %get3A_13 : vector<16xf32> to vector<16xf32>
    %get3A_15 = arith.constant 32 : index
    %get3A_16 = tpu.vector_load %arg9[%get3A_15] {strides = array<i32>} : memref<128xf32, #tpu.memory_space<vmem>>, vector<16xf32>,
    %get3A_17 = vector.shape_cast %get3A_16 : vector<16xf32> to vector<16xf32>
    %get3A_18 = arith.constant 48 : index
    %get3A_19 = tpu.vector_load %arg9[%get3A_18] {strides = array<i32>} : memref<128xf32, #tpu.memory_space<vmem>>, vector<16xf32>,
    %get3A_20 = vector.shape_cast %get3A_19 : vector<16xf32> to vector<16xf32>
    %get3A_21 = arith.constant 64 : index
    %get3A_22 = tpu.vector_load %arg9[%get3A_21] {strides = array<i32>} : memref<128xf32, #tpu.memory_space<vmem>>, vector<16xf32>,
    %get3A_23 = vector.shape_cast %get3A_22 : vector<16xf32> to vector<16xf32>
    %get3A_24 = arith.constant 80 : index
    %get3A_25 = tpu.vector_load %arg9[%get3A_24] {strides = array<i32>} : memref<128xf32, #tpu.memory_space<vmem>>, vector<16xf32>,
    %get3A_26 = vector.shape_cast %get3A_25 : vector<16xf32> to vector<16xf32>
    %get3A_27 = arith.constant 96 : index
    %get3A_28 = tpu.vector_load %arg9[%get3A_27] {strides = array<i32>} : memref<128xf32, #tpu.memory_space<vmem>>, vector<16xf32>,
    %get3A_29 = vector.shape_cast %get3A_28 : vector<16xf32> to vector<16xf32>
    %get3A_30 = arith.constant 112 : index
    %get3A_31 = tpu.vector_load %arg9[%get3A_30] {strides = array<i32>} : memref<128xf32, #tpu.memory_space<vmem>>, vector<16xf32>,
    %get3A_32 = vector.shape_cast %get3A_31 : vector<16xf32> to vector<16xf32>
    %parallel_loop3A = arith.constant 0 : i32
    %parallel_loop3A_33 = arith.constant 64 : i32
    %parallel_loop3A_34 = arith.constant 1 : i32
    scf.for %parallel_loop3A_49 = %parallel_loop3A to %parallel_loop3A_33 step %parallel_loop3A_34  : i32 {
      %parallel_loop3A_50 = arith.constant 128 : i32
      %parallel_loop3A_51 = arith.muli %parallel_loop3A_49, %parallel_loop3A_50 : i32
      %parallel_loop3A_52 = arith.constant 0 : i32
      %parallel_loop3A_53 = arith.addi %parallel_loop3A_51, %parallel_loop3A_52 : i32
      %parallel_loop3A_54 = arith.index_cast %parallel_loop3A_53 : i32 to index
      %parallel_loop3A_55 = tpu.vector_load %arg8[%parallel_loop3A_54] {strides = array<i32>} : memref<8192xf32, #tpu.memory_space<vmem>>, vector<16xf32>,
      %parallel_loop3A_56 = vector.shape_cast %parallel_loop3A_55 : vector<16xf32> to vector<16xf32>
      %parallel_loop3A_57 = arith.addf %parallel_loop3A_56, %get3A_11 : vector<16xf32>
      %parallel_loop3A_58 = arith.index_cast %parallel_loop3A_53 : i32 to index
      %parallel_loop3A_59 = tpu.vector_load %arg8[%parallel_loop3A_58] {strides = array<i32>} : memref<8192xf32, #tpu.memory_space<vmem>>, vector<16xf32>,
      %parallel_loop3A_60 = vector.shape_cast %parallel_loop3A_59 : vector<16xf32> to vector<16xf32>
      %parallel_loop3A_61 = vector.shape_cast %parallel_loop3A_57 : vector<16xf32> to vector<16xf32>
      tpu.vector_store %arg8[%parallel_loop3A_58], %parallel_loop3A_61 {strides = array<i32>} : memref<8192xf32, #tpu.memory_space<vmem>>, vector<16xf32>,
      %parallel_loop3A_62 = arith.constant 16 : i32
      %parallel_loop3A_63 = arith.addi %parallel_loop3A_51, %parallel_loop3A_62 : i32
      %parallel_loop3A_64 = arith.index_cast %parallel_loop3A_63 : i32 to index
      %parallel_loop3A_65 = tpu.vector_load %arg8[%parallel_loop3A_64] {strides = array<i32>} : memref<8192xf32, #tpu.memory_space<vmem>>, vector<16xf32>,
      %parallel_loop3A_66 = vector.shape_cast %parallel_loop3A_65 : vector<16xf32> to vector<16xf32>
      %parallel_loop3A_67 = arith.addf %parallel_loop3A_66, %get3A_14 : vector<16xf32>
      %parallel_loop3A_68 = arith.index_cast %parallel_loop3A_63 : i32 to index
      %parallel_loop3A_69 = tpu.vector_load %arg8[%parallel_loop3A_68] {strides = array<i32>} : memref<8192xf32, #tpu.memory_space<vmem>>, vector<16xf32>,
      %parallel_loop3A_70 = vector.shape_cast %parallel_loop3A_69 : vector<16xf32> to vector<16xf32>
      %parallel_loop3A_71 = vector.shape_cast %parallel_loop3A_67 : vector<16xf32> to vector<16xf32>
      tpu.vector_store %arg8[%parallel_loop3A_68], %parallel_loop3A_71 {strides = array<i32>} : memref<8192xf32, #tpu.memory_space<vmem>>, vector<16xf32>,
      %parallel_loop3A_72 = arith.constant 32 : i32
      %parallel_loop3A_73 = arith.addi %parallel_loop3A_51, %parallel_loop3A_72 : i32
      %parallel_loop3A_74 = arith.index_cast %parallel_loop3A_73 : i32 to index
      %parallel_loop3A_75 = tpu.vector_load %arg8[%parallel_loop3A_74] {strides = array<i32>} : memref<8192xf32, #tpu.memory_space<vmem>>, vector<16xf32>,
      %parallel_loop3A_76 = vector.shape_cast %parallel_loop3A_75 : vector<16xf32> to vector<16xf32>
      %parallel_loop3A_77 = arith.addf %parallel_loop3A_76, %get3A_17 : vector<16xf32>
      %parallel_loop3A_78 = arith.index_cast %parallel_loop3A_73 : i32 to index
      %parallel_loop3A_79 = tpu.vector_load %arg8[%parallel_loop3A_78] {strides = array<i32>} : memref<8192xf32, #tpu.memory_space<vmem>>, vector<16xf32>,
      %parallel_loop3A_80 = vector.shape_cast %parallel_loop3A_79 : vector<16xf32> to vector<16xf32>
      %parallel_loop3A_81 = vector.shape_cast %parallel_loop3A_77 : vector<16xf32> to vector<16xf32>
      tpu.vector_store %arg8[%parallel_loop3A_78], %parallel_loop3A_81 {strides = array<i32>} : memref<8192xf32, #tpu.memory_space<vmem>>, vector<16xf32>,
      %parallel_loop3A_82 = arith.constant 48 : i32
      %parallel_loop3A_83 = arith.addi %parallel_loop3A_51, %parallel_loop3A_82 : i32
      %parallel_loop3A_84 = arith.index_cast %parallel_loop3A_83 : i32 to index
      %parallel_loop3A_85 = tpu.vector_load %arg8[%parallel_loop3A_84] {strides = array<i32>} : memref<8192xf32, #tpu.memory_space<vmem>>, vector<16xf32>,
      %parallel_loop3A_86 = vector.shape_cast %parallel_loop3A_85 : vector<16xf32> to vector<16xf32>
      %parallel_loop3A_87 = arith.addf %parallel_loop3A_86, %get3A_20 : vector<16xf32>
      %parallel_loop3A_88 = arith.index_cast %parallel_loop3A_83 : i32 to index
      %parallel_loop3A_89 = tpu.vector_load %arg8[%parallel_loop3A_88] {strides = array<i32>} : memref<8192xf32, #tpu.memory_space<vmem>>, vector<16xf32>,
      %parallel_loop3A_90 = vector.shape_cast %parallel_loop3A_89 : vector<16xf32> to vector<16xf32>
      %parallel_loop3A_91 = vector.shape_cast %parallel_loop3A_87 : vector<16xf32> to vector<16xf32>
      tpu.vector_store %arg8[%parallel_loop3A_88], %parallel_loop3A_91 {strides = array<i32>} : memref<8192xf32, #tpu.memory_space<vmem>>, vector<16xf32>,
      %parallel_loop3A_92 = arith.constant 64 : i32
      %parallel_loop3A_93 = arith.addi %parallel_loop3A_51, %parallel_loop3A_92 : i32
      %parallel_loop3A_94 = arith.index_cast %parallel_loop3A_93 : i32 to index
      %parallel_loop3A_95 = tpu.vector_load %arg8[%parallel_loop3A_94] {strides = array<i32>} : memref<8192xf32, #tpu.memory_space<vmem>>, vector<16xf32>,
      %parallel_loop3A_96 = vector.shape_cast %parallel_loop3A_95 : vector<16xf32> to vector<16xf32>
      %parallel_loop3A_97 = arith.addf %parallel_loop3A_96, %get3A_23 : vector<16xf32>
      %parallel_loop3A_98 = arith.index_cast %parallel_loop3A_93 : i32 to index
      %parallel_loop3A_99 = tpu.vector_load %arg8[%parallel_loop3A_98] {strides = array<i32>} : memref<8192xf32, #tpu.memory_space<vmem>>, vector<16xf32>,
      %parallel_loop3A_100 = vector.shape_cast %parallel_loop3A_99 : vector<16xf32> to vector<16xf32>
      %parallel_loop3A_101 = vector.shape_cast %parallel_loop3A_97 : vector<16xf32> to vector<16xf32>
      tpu.vector_store %arg8[%parallel_loop3A_98], %parallel_loop3A_101 {strides = array<i32>} : memref<8192xf32, #tpu.memory_space<vmem>>, vector<16xf32>,
      %parallel_loop3A_102 = arith.constant 80 : i32
      %parallel_loop3A_103 = arith.addi %parallel_loop3A_51, %parallel_loop3A_102 : i32
      %parallel_loop3A_104 = arith.index_cast %parallel_loop3A_103 : i32 to index
      %parallel_loop3A_105 = tpu.vector_load %arg8[%parallel_loop3A_104] {strides = array<i32>} : memref<8192xf32, #tpu.memory_space<vmem>>, vector<16xf32>,
      %parallel_loop3A_106 = vector.shape_cast %parallel_loop3A_105 : vector<16xf32> to vector<16xf32>
      %parallel_loop3A_107 = arith.addf %parallel_loop3A_106, %get3A_26 : vector<16xf32>
      %parallel_loop3A_108 = arith.index_cast %parallel_loop3A_103 : i32 to index
      %parallel_loop3A_109 = tpu.vector_load %arg8[%parallel_loop3A_108] {strides = array<i32>} : memref<8192xf32, #tpu.memory_space<vmem>>, vector<16xf32>,
      %parallel_loop3A_110 = vector.shape_cast %parallel_loop3A_109 : vector<16xf32> to vector<16xf32>
      %parallel_loop3A_111 = vector.shape_cast %parallel_loop3A_107 : vector<16xf32> to vector<16xf32>
      tpu.vector_store %arg8[%parallel_loop3A_108], %parallel_loop3A_111 {strides = array<i32>} : memref<8192xf32, #tpu.memory_space<vmem>>, vector<16xf32>,
      %parallel_loop3A_112 = arith.constant 96 : i32
      %parallel_loop3A_113 = arith.addi %parallel_loop3A_51, %parallel_loop3A_112 : i32
      %parallel_loop3A_114 = arith.index_cast %parallel_loop3A_113 : i32 to index
      %parallel_loop3A_115 = tpu.vector_load %arg8[%parallel_loop3A_114] {strides = array<i32>} : memref<8192xf32, #tpu.memory_space<vmem>>, vector<16xf32>,
      %parallel_loop3A_116 = vector.shape_cast %parallel_loop3A_115 : vector<16xf32> to vector<16xf32>
      %parallel_loop3A_117 = arith.addf %parallel_loop3A_116, %get3A_29 : vector<16xf32>
      %parallel_loop3A_118 = arith.index_cast %parallel_loop3A_113 : i32 to index
      %parallel_loop3A_119 = tpu.vector_load %arg8[%parallel_loop3A_118] {strides = array<i32>} : memref<8192xf32, #tpu.memory_space<vmem>>, vector<16xf32>,
      %parallel_loop3A_120 = vector.shape_cast %parallel_loop3A_119 : vector<16xf32> to vector<16xf32>
      %parallel_loop3A_121 = vector.shape_cast %parallel_loop3A_117 : vector<16xf32> to vector<16xf32>
      tpu.vector_store %arg8[%parallel_loop3A_118], %parallel_loop3A_121 {strides = array<i32>} : memref<8192xf32, #tpu.memory_space<vmem>>, vector<16xf32>,
      %parallel_loop3A_122 = arith.constant 112 : i32
      %parallel_loop3A_123 = arith.addi %parallel_loop3A_51, %parallel_loop3A_122 : i32
      %parallel_loop3A_124 = arith.index_cast %parallel_loop3A_123 : i32 to index
      %parallel_loop3A_125 = tpu.vector_load %arg8[%parallel_loop3A_124] {strides = array<i32>} : memref<8192xf32, #tpu.memory_space<vmem>>, vector<16xf32>,
      %parallel_loop3A_126 = vector.shape_cast %parallel_loop3A_125 : vector<16xf32> to vector<16xf32>
      %parallel_loop3A_127 = arith.addf %parallel_loop3A_126, %get3A_32 : vector<16xf32>
      %parallel_loop3A_128 = arith.index_cast %parallel_loop3A_123 : i32 to index
      %parallel_loop3A_129 = tpu.vector_load %arg8[%parallel_loop3A_128] {strides = array<i32>} : memref<8192xf32, #tpu.memory_space<vmem>>, vector<16xf32>,
      %parallel_loop3A_130 = vector.shape_cast %parallel_loop3A_129 : vector<16xf32> to vector<16xf32>
      %parallel_loop3A_131 = vector.shape_cast %parallel_loop3A_127 : vector<16xf32> to vector<16xf32>
      tpu.vector_store %arg8[%parallel_loop3A_128], %parallel_loop3A_131 {strides = array<i32>} : memref<8192xf32, #tpu.memory_space<vmem>>, vector<16xf32>,
    } {sc.loop_unroll_factor = 4 : i64, sc.parallel_access}
    %dma_wait3A = arith.constant 0 : i32
    %dma_wait3A_35 = tpu.memref_slice %arg3[%add3A, %dma_wait3A] : memref<32x512xi32, #tpu.memory_space<hbm>> -> memref<1x512xi32, #tpu.memory_space<hbm>>
    %dma_wait3A_36 = arith.constant 0 : i32
    %dma_wait3A_37 = tpu.memref_slice %arg3[%add3A, %dma_wait3A_36] : memref<32x512xi32, #tpu.memory_space<hbm>> -> memref<1x512xi32, #tpu.memory_space<hbm>>
    tpu.wait_dma2 semaphore(%arg11 : memref<!tpu.dma_semaphore, #tpu.memory_space<semaphore_mem>>) src(%dma_wait3A_37 : memref<1x512xi32, #tpu.memory_space<hbm>>) dst(%arg7 : memref<1x512xi32, #tpu.memory_space<vmem>>)
    %dma_wait3A_38 = tpu.memref_slice %arg2[%mul3A_4] : memref<2097152xf32, #tpu.memory_space<hbm>> -> memref<65536xf32, #tpu.memory_space<hbm>>
    %dma_wait3A_39 = tpu.memref_slice %arg2[%mul3A_4] : memref<2097152xf32, #tpu.memory_space<hbm>> -> memref<65536xf32, #tpu.memory_space<hbm>>
    tpu.wait_dma2 semaphore(%arg12 : memref<!tpu.dma_semaphore, #tpu.memory_space<semaphore_mem>>) src(%dma_wait3A_39 : memref<65536xf32, #tpu.memory_space<hbm>>) dst(%arg10 : memref<65536xf32, #tpu.memory_space<vmem>>)
    %parallel_loop3A_40 = arith.constant 0 : i32
    %parallel_loop3A_41 = arith.constant 32 : i32
    %parallel_loop3A_42 = arith.constant 1 : i32
    scf.for %parallel_loop3A_49 = %parallel_loop3A_40 to %parallel_loop3A_41 step %parallel_loop3A_42  : i32 {
      %parallel_loop3A_50 = arith.constant 16 : i32
      %parallel_loop3A_51 = arith.muli %parallel_loop3A_49, %parallel_loop3A_50 : i32
      %parallel_loop3A_52 = arith.constant 0 : i32
      %parallel_loop3A_53 = arith.index_cast %parallel_loop3A_52 : i32 to index
      %parallel_loop3A_54 = arith.index_cast %parallel_loop3A_51 : i32 to index
      %parallel_loop3A_55 = tpu.vector_load %arg7[%parallel_loop3A_53, %parallel_loop3A_54] {strides = array<i32>} : memref<1x512xi32, #tpu.memory_space<vmem>>, vector<1x16xi32>,
      %parallel_loop3A_56 = vector.shape_cast %parallel_loop3A_55 : vector<1x16xi32> to vector<16xi32>
      %parallel_loop3A_57 = arith.constant 128 : i32
      %parallel_loop3A_58 = vector.broadcast %parallel_loop3A_57 : i32 to vector<16xi32>
      %parallel_loop3A_59 = arith.muli %parallel_loop3A_56, %parallel_loop3A_58 : vector<16xi32>
      %parallel_loop3A_60 = arith.constant 2048 : i32
      %parallel_loop3A_61 = arith.muli %parallel_loop3A_49, %parallel_loop3A_60 : i32
      %parallel_loop3A_62 = vector.extract_strided_slice %parallel_loop3A_59 {offsets = [0], sizes = [1], strides = [1]} : vector<16xi32> to vector<1xi32>
      %parallel_loop3A_63 = vector.extract %parallel_loop3A_62[0] : i32 from vector<1xi32>
      %parallel_loop3A_64 = vector.extract_strided_slice %parallel_loop3A_59 {offsets = [1], sizes = [1], strides = [1]} : vector<16xi32> to vector<1xi32>
      %parallel_loop3A_65 = vector.extract %parallel_loop3A_64[0] : i32 from vector<1xi32>
      %parallel_loop3A_66 = vector.extract_strided_slice %parallel_loop3A_59 {offsets = [2], sizes = [1], strides = [1]} : vector<16xi32> to vector<1xi32>
      %parallel_loop3A_67 = vector.extract %parallel_loop3A_66[0] : i32 from vector<1xi32>
      %parallel_loop3A_68 = vector.extract_strided_slice %parallel_loop3A_59 {offsets = [3], sizes = [1], strides = [1]} : vector<16xi32> to vector<1xi32>
      %parallel_loop3A_69 = vector.extract %parallel_loop3A_68[0] : i32 from vector<1xi32>
      %parallel_loop3A_70 = vector.extract_strided_slice %parallel_loop3A_59 {offsets = [4], sizes = [1], strides = [1]} : vector<16xi32> to vector<1xi32>
      %parallel_loop3A_71 = vector.extract %parallel_loop3A_70[0] : i32 from vector<1xi32>
      %parallel_loop3A_72 = vector.extract_strided_slice %parallel_loop3A_59 {offsets = [5], sizes = [1], strides = [1]} : vector<16xi32> to vector<1xi32>
      %parallel_loop3A_73 = vector.extract %parallel_loop3A_72[0] : i32 from vector<1xi32>
      %parallel_loop3A_74 = vector.extract_strided_slice %parallel_loop3A_59 {offsets = [6], sizes = [1], strides = [1]} : vector<16xi32> to vector<1xi32>
      %parallel_loop3A_75 = vector.extract %parallel_loop3A_74[0] : i32 from vector<1xi32>
      %parallel_loop3A_76 = vector.extract_strided_slice %parallel_loop3A_59 {offsets = [7], sizes = [1], strides = [1]} : vector<16xi32> to vector<1xi32>
      %parallel_loop3A_77 = vector.extract %parallel_loop3A_76[0] : i32 from vector<1xi32>
      %parallel_loop3A_78 = vector.extract_strided_slice %parallel_loop3A_59 {offsets = [8], sizes = [1], strides = [1]} : vector<16xi32> to vector<1xi32>
      %parallel_loop3A_79 = vector.extract %parallel_loop3A_78[0] : i32 from vector<1xi32>
      %parallel_loop3A_80 = vector.extract_strided_slice %parallel_loop3A_59 {offsets = [9], sizes = [1], strides = [1]} : vector<16xi32> to vector<1xi32>
      %parallel_loop3A_81 = vector.extract %parallel_loop3A_80[0] : i32 from vector<1xi32>
      %parallel_loop3A_82 = vector.extract_strided_slice %parallel_loop3A_59 {offsets = [10], sizes = [1], strides = [1]} : vector<16xi32> to vector<1xi32>
      %parallel_loop3A_83 = vector.extract %parallel_loop3A_82[0] : i32 from vector<1xi32>
      %parallel_loop3A_84 = vector.extract_strided_slice %parallel_loop3A_59 {offsets = [11], sizes = [1], strides = [1]} : vector<16xi32> to vector<1xi32>
      %parallel_loop3A_85 = vector.extract %parallel_loop3A_84[0] : i32 from vector<1xi32>
      %parallel_loop3A_86 = vector.extract_strided_slice %parallel_loop3A_59 {offsets = [12], sizes = [1], strides = [1]} : vector<16xi32> to vector<1xi32>
      %parallel_loop3A_87 = vector.extract %parallel_loop3A_86[0] : i32 from vector<1xi32>
      %parallel_loop3A_88 = vector.extract_strided_slice %parallel_loop3A_59 {offsets = [13], sizes = [1], strides = [1]} : vector<16xi32> to vector<1xi32>
      %parallel_loop3A_89 = vector.extract %parallel_loop3A_88[0] : i32 from vector<1xi32>
      %parallel_loop3A_90 = vector.extract_strided_slice %parallel_loop3A_59 {offsets = [14], sizes = [1], strides = [1]} : vector<16xi32> to vector<1xi32>
      %parallel_loop3A_91 = vector.extract %parallel_loop3A_90[0] : i32 from vector<1xi32>
      %parallel_loop3A_92 = vector.extract_strided_slice %parallel_loop3A_59 {offsets = [15], sizes = [1], strides = [1]} : vector<16xi32> to vector<1xi32>
      %parallel_loop3A_93 = vector.extract %parallel_loop3A_92[0] : i32 from vector<1xi32>
      %parallel_loop3A_94 = arith.constant 0 : i32
      %parallel_loop3A_95 = arith.addi %parallel_loop3A_61, %parallel_loop3A_94 : i32
      %parallel_loop3A_96 = arith.constant 0 : i32
      %parallel_loop3A_97 = arith.addi %parallel_loop3A_95, %parallel_loop3A_96 : i32
      %parallel_loop3A_98 = arith.index_cast %parallel_loop3A_97 : i32 to index
      %parallel_loop3A_99 = tpu.vector_load %arg10[%parallel_loop3A_98] {strides = array<i32>} : memref<65536xf32, #tpu.memory_space<vmem>>, vector<16xf32>,
      %parallel_loop3A_100 = vector.shape_cast %parallel_loop3A_99 : vector<16xf32> to vector<16xf32>
      %parallel_loop3A_101 = arith.constant 0 : i32
      %parallel_loop3A_102 = arith.addi %parallel_loop3A_63, %parallel_loop3A_101 : i32
      %parallel_loop3A_103 = arith.index_cast %parallel_loop3A_102 : i32 to index
      %parallel_loop3A_104 = tpu.vector_load %arg8[%parallel_loop3A_103] {strides = array<i32>} : memref<8192xf32, #tpu.memory_space<vmem>>, vector<16xf32>,
      %parallel_loop3A_105 = vector.shape_cast %parallel_loop3A_104 : vector<16xf32> to vector<16xf32>
      %parallel_loop3A_106 = arith.constant 0.000000e+00 : f32
      %parallel_loop3A_107 = vector.broadcast %parallel_loop3A_106 : f32 to vector<16xf32>
      %parallel_loop3A_108 = arith.cmpf oge, %parallel_loop3A_100, %parallel_loop3A_107 : vector<16xf32>
      %parallel_loop3A_109 = arith.mulf %parallel_loop3A_105, %parallel_loop3A_100 : vector<16xf32>
      %parallel_loop3A_110 = arith.select %parallel_loop3A_108, %parallel_loop3A_100, %parallel_loop3A_109 : vector<16xi1>, vector<16xf32>
      %parallel_loop3A_111 = arith.constant 0 : i32
      %parallel_loop3A_112 = arith.addi %parallel_loop3A_95, %parallel_loop3A_111 : i32
      %parallel_loop3A_113 = arith.index_cast %parallel_loop3A_112 : i32 to index
      %parallel_loop3A_114 = tpu.vector_load %arg10[%parallel_loop3A_113] {strides = array<i32>} : memref<65536xf32, #tpu.memory_space<vmem>>, vector<16xf32>,
      %parallel_loop3A_115 = vector.shape_cast %parallel_loop3A_114 : vector<16xf32> to vector<16xf32>
      %parallel_loop3A_116 = vector.shape_cast %parallel_loop3A_110 : vector<16xf32> to vector<16xf32>
      tpu.vector_store %arg10[%parallel_loop3A_113], %parallel_loop3A_116 {strides = array<i32>} : memref<65536xf32, #tpu.memory_space<vmem>>, vector<16xf32>,
      %parallel_loop3A_117 = arith.constant 16 : i32
      %parallel_loop3A_118 = arith.addi %parallel_loop3A_95, %parallel_loop3A_117 : i32
      %parallel_loop3A_119 = arith.index_cast %parallel_loop3A_118 : i32 to index
      %parallel_loop3A_120 = tpu.vector_load %arg10[%parallel_loop3A_119] {strides = array<i32>} : memref<65536xf32, #tpu.memory_space<vmem>>, vector<16xf32>,
      %parallel_loop3A_121 = vector.shape_cast %parallel_loop3A_120 : vector<16xf32> to vector<16xf32>
      %parallel_loop3A_122 = arith.constant 16 : i32
      %parallel_loop3A_123 = arith.addi %parallel_loop3A_63, %parallel_loop3A_122 : i32
      %parallel_loop3A_124 = arith.index_cast %parallel_loop3A_123 : i32 to index
      %parallel_loop3A_125 = tpu.vector_load %arg8[%parallel_loop3A_124] {strides = array<i32>} : memref<8192xf32, #tpu.memory_space<vmem>>, vector<16xf32>,
      %parallel_loop3A_126 = vector.shape_cast %parallel_loop3A_125 : vector<16xf32> to vector<16xf32>
      %parallel_loop3A_127 = arith.constant 0.000000e+00 : f32
      %parallel_loop3A_128 = vector.broadcast %parallel_loop3A_127 : f32 to vector<16xf32>
      %parallel_loop3A_129 = arith.cmpf oge, %parallel_loop3A_121, %parallel_loop3A_128 : vector<16xf32>
      %parallel_loop3A_130 = arith.mulf %parallel_loop3A_126, %parallel_loop3A_121 : vector<16xf32>
      %parallel_loop3A_131 = arith.select %parallel_loop3A_129, %parallel_loop3A_121, %parallel_loop3A_130 : vector<16xi1>, vector<16xf32>
      %parallel_loop3A_132 = arith.constant 16 : i32
      %parallel_loop3A_133 = arith.addi %parallel_loop3A_95, %parallel_loop3A_132 : i32
      %parallel_loop3A_134 = arith.index_cast %parallel_loop3A_133 : i32 to index
      %parallel_loop3A_135 = tpu.vector_load %arg10[%parallel_loop3A_134] {strides = array<i32>} : memref<65536xf32, #tpu.memory_space<vmem>>, vector<16xf32>,
      %parallel_loop3A_136 = vector.shape_cast %parallel_loop3A_135 : vector<16xf32> to vector<16xf32>
      %parallel_loop3A_137 = vector.shape_cast %parallel_loop3A_131 : vector<16xf32> to vector<16xf32>
      tpu.vector_store %arg10[%parallel_loop3A_134], %parallel_loop3A_137 {strides = array<i32>} : memref<65536xf32, #tpu.memory_space<vmem>>, vector<16xf32>,
      %parallel_loop3A_138 = arith.constant 32 : i32
      %parallel_loop3A_139 = arith.addi %parallel_loop3A_95, %parallel_loop3A_138 : i32
      %parallel_loop3A_140 = arith.index_cast %parallel_loop3A_139 : i32 to index
      %parallel_loop3A_141 = tpu.vector_load %arg10[%parallel_loop3A_140] {strides = array<i32>} : memref<65536xf32, #tpu.memory_space<vmem>>, vector<16xf32>,
      %parallel_loop3A_142 = vector.shape_cast %parallel_loop3A_141 : vector<16xf32> to vector<16xf32>
      %parallel_loop3A_143 = arith.constant 32 : i32
      %parallel_loop3A_144 = arith.addi %parallel_loop3A_63, %parallel_loop3A_143 : i32
      %parallel_loop3A_145 = arith.index_cast %parallel_loop3A_144 : i32 to index
      %parallel_loop3A_146 = tpu.vector_load %arg8[%parallel_loop3A_145] {strides = array<i32>} : memref<8192xf32, #tpu.memory_space<vmem>>, vector<16xf32>,
      %parallel_loop3A_147 = vector.shape_cast %parallel_loop3A_146 : vector<16xf32> to vector<16xf32>
      %parallel_loop3A_148 = arith.constant 0.000000e+00 : f32
      %parallel_loop3A_149 = vector.broadcast %parallel_loop3A_148 : f32 to vector<16xf32>
      %parallel_loop3A_150 = arith.cmpf oge, %parallel_loop3A_142, %parallel_loop3A_149 : vector<16xf32>
      %parallel_loop3A_151 = arith.mulf %parallel_loop3A_147, %parallel_loop3A_142 : vector<16xf32>
      %parallel_loop3A_152 = arith.select %parallel_loop3A_150, %parallel_loop3A_142, %parallel_loop3A_151 : vector<16xi1>, vector<16xf32>
      %parallel_loop3A_153 = arith.constant 32 : i32
      %parallel_loop3A_154 = arith.addi %parallel_loop3A_95, %parallel_loop3A_153 : i32
      %parallel_loop3A_155 = arith.index_cast %parallel_loop3A_154 : i32 to index
      %parallel_loop3A_156 = tpu.vector_load %arg10[%parallel_loop3A_155] {strides = array<i32>} : memref<65536xf32, #tpu.memory_space<vmem>>, vector<16xf32>,
      %parallel_loop3A_157 = vector.shape_cast %parallel_loop3A_156 : vector<16xf32> to vector<16xf32>
      %parallel_loop3A_158 = vector.shape_cast %parallel_loop3A_152 : vector<16xf32> to vector<16xf32>
      tpu.vector_store %arg10[%parallel_loop3A_155], %parallel_loop3A_158 {strides = array<i32>} : memref<65536xf32, #tpu.memory_space<vmem>>, vector<16xf32>,
      %parallel_loop3A_159 = arith.constant 48 : i32
      %parallel_loop3A_160 = arith.addi %parallel_loop3A_95, %parallel_loop3A_159 : i32
      %parallel_loop3A_161 = arith.index_cast %parallel_loop3A_160 : i32 to index
      %parallel_loop3A_162 = tpu.vector_load %arg10[%parallel_loop3A_161] {strides = array<i32>} : memref<65536xf32, #tpu.memory_space<vmem>>, vector<16xf32>,
      %parallel_loop3A_163 = vector.shape_cast %parallel_loop3A_162 : vector<16xf32> to vector<16xf32>
      %parallel_loop3A_164 = arith.constant 48 : i32
      %parallel_loop3A_165 = arith.addi %parallel_loop3A_63, %parallel_loop3A_164 : i32
      %parallel_loop3A_166 = arith.index_cast %parallel_loop3A_165 : i32 to index
      %parallel_loop3A_167 = tpu.vector_load %arg8[%parallel_loop3A_166] {strides = array<i32>} : memref<8192xf32, #tpu.memory_space<vmem>>, vector<16xf32>,
      %parallel_loop3A_168 = vector.shape_cast %parallel_loop3A_167 : vector<16xf32> to vector<16xf32>
      %parallel_loop3A_169 = arith.constant 0.000000e+00 : f32
      %parallel_loop3A_170 = vector.broadcast %parallel_loop3A_169 : f32 to vector<16xf32>
      %parallel_loop3A_171 = arith.cmpf oge, %parallel_loop3A_163, %parallel_loop3A_170 : vector<16xf32>
      %parallel_loop3A_172 = arith.mulf %parallel_loop3A_168, %parallel_loop3A_163 : vector<16xf32>
      %parallel_loop3A_173 = arith.select %parallel_loop3A_171, %parallel_loop3A_163, %parallel_loop3A_172 : vector<16xi1>, vector<16xf32>
      %parallel_loop3A_174 = arith.constant 48 : i32
      %parallel_loop3A_175 = arith.addi %parallel_loop3A_95, %parallel_loop3A_174 : i32
      %parallel_loop3A_176 = arith.index_cast %parallel_loop3A_175 : i32 to index
      %parallel_loop3A_177 = tpu.vector_load %arg10[%parallel_loop3A_176] {strides = array<i32>} : memref<65536xf32, #tpu.memory_space<vmem>>, vector<16xf32>,
      %parallel_loop3A_178 = vector.shape_cast %parallel_loop3A_177 : vector<16xf32> to vector<16xf32>
      %parallel_loop3A_179 = vector.shape_cast %parallel_loop3A_173 : vector<16xf32> to vector<16xf32>
      tpu.vector_store %arg10[%parallel_loop3A_176], %parallel_loop3A_179 {strides = array<i32>} : memref<65536xf32, #tpu.memory_space<vmem>>, vector<16xf32>,
      %parallel_loop3A_180 = arith.constant 64 : i32
      %parallel_loop3A_181 = arith.addi %parallel_loop3A_95, %parallel_loop3A_180 : i32
      %parallel_loop3A_182 = arith.index_cast %parallel_loop3A_181 : i32 to index
      %parallel_loop3A_183 = tpu.vector_load %arg10[%parallel_loop3A_182] {strides = array<i32>} : memref<65536xf32, #tpu.memory_space<vmem>>, vector<16xf32>,
      %parallel_loop3A_184 = vector.shape_cast %parallel_loop3A_183 : vector<16xf32> to vector<16xf32>
      %parallel_loop3A_185 = arith.constant 64 : i32
      %parallel_loop3A_186 = arith.addi %parallel_loop3A_63, %parallel_loop3A_185 : i32
      %parallel_loop3A_187 = arith.index_cast %parallel_loop3A_186 : i32 to index
      %parallel_loop3A_188 = tpu.vector_load %arg8[%parallel_loop3A_187] {strides = array<i32>} : memref<8192xf32, #tpu.memory_space<vmem>>, vector<16xf32>,
      %parallel_loop3A_189 = vector.shape_cast %parallel_loop3A_188 : vector<16xf32> to vector<16xf32>
      %parallel_loop3A_190 = arith.constant 0.000000e+00 : f32
      %parallel_loop3A_191 = vector.broadcast %parallel_loop3A_190 : f32 to vector<16xf32>
      %parallel_loop3A_192 = arith.cmpf oge, %parallel_loop3A_184, %parallel_loop3A_191 : vector<16xf32>
      %parallel_loop3A_193 = arith.mulf %parallel_loop3A_189, %parallel_loop3A_184 : vector<16xf32>
      %parallel_loop3A_194 = arith.select %parallel_loop3A_192, %parallel_loop3A_184, %parallel_loop3A_193 : vector<16xi1>, vector<16xf32>
      %parallel_loop3A_195 = arith.constant 64 : i32
      %parallel_loop3A_196 = arith.addi %parallel_loop3A_95, %parallel_loop3A_195 : i32
      %parallel_loop3A_197 = arith.index_cast %parallel_loop3A_196 : i32 to index
      %parallel_loop3A_198 = tpu.vector_load %arg10[%parallel_loop3A_197] {strides = array<i32>} : memref<65536xf32, #tpu.memory_space<vmem>>, vector<16xf32>,
      %parallel_loop3A_199 = vector.shape_cast %parallel_loop3A_198 : vector<16xf32> to vector<16xf32>
      %parallel_loop3A_200 = vector.shape_cast %parallel_loop3A_194 : vector<16xf32> to vector<16xf32>
      tpu.vector_store %arg10[%parallel_loop3A_197], %parallel_loop3A_200 {strides = array<i32>} : memref<65536xf32, #tpu.memory_space<vmem>>, vector<16xf32>,
      %parallel_loop3A_201 = arith.constant 80 : i32
      %parallel_loop3A_202 = arith.addi %parallel_loop3A_95, %parallel_loop3A_201 : i32
      %parallel_loop3A_203 = arith.index_cast %parallel_loop3A_202 : i32 to index
      %parallel_loop3A_204 = tpu.vector_load %arg10[%parallel_loop3A_203] {strides = array<i32>} : memref<65536xf32, #tpu.memory_space<vmem>>, vector<16xf32>,
      %parallel_loop3A_205 = vector.shape_cast %parallel_loop3A_204 : vector<16xf32> to vector<16xf32>
      %parallel_loop3A_206 = arith.constant 80 : i32
      %parallel_loop3A_207 = arith.addi %parallel_loop3A_63, %parallel_loop3A_206 : i32
      %parallel_loop3A_208 = arith.index_cast %parallel_loop3A_207 : i32 to index
      %parallel_loop3A_209 = tpu.vector_load %arg8[%parallel_loop3A_208] {strides = array<i32>} : memref<8192xf32, #tpu.memory_space<vmem>>, vector<16xf32>,
      %parallel_loop3A_210 = vector.shape_cast %parallel_loop3A_209 : vector<16xf32> to vector<16xf32>
      %parallel_loop3A_211 = arith.constant 0.000000e+00 : f32
      %parallel_loop3A_212 = vector.broadcast %parallel_loop3A_211 : f32 to vector<16xf32>
      %parallel_loop3A_213 = arith.cmpf oge, %parallel_loop3A_205, %parallel_loop3A_212 : vector<16xf32>
      %parallel_loop3A_214 = arith.mulf %parallel_loop3A_210, %parallel_loop3A_205 : vector<16xf32>
      %parallel_loop3A_215 = arith.select %parallel_loop3A_213, %parallel_loop3A_205, %parallel_loop3A_214 : vector<16xi1>, vector<16xf32>
      %parallel_loop3A_216 = arith.constant 80 : i32
      %parallel_loop3A_217 = arith.addi %parallel_loop3A_95, %parallel_loop3A_216 : i32
      %parallel_loop3A_218 = arith.index_cast %parallel_loop3A_217 : i32 to index
      %parallel_loop3A_219 = tpu.vector_load %arg10[%parallel_loop3A_218] {strides = array<i32>} : memref<65536xf32, #tpu.memory_space<vmem>>, vector<16xf32>,
      %parallel_loop3A_220 = vector.shape_cast %parallel_loop3A_219 : vector<16xf32> to vector<16xf32>
      %parallel_loop3A_221 = vector.shape_cast %parallel_loop3A_215 : vector<16xf32> to vector<16xf32>
      tpu.vector_store %arg10[%parallel_loop3A_218], %parallel_loop3A_221 {strides = array<i32>} : memref<65536xf32, #tpu.memory_space<vmem>>, vector<16xf32>,
      %parallel_loop3A_222 = arith.constant 96 : i32
      %parallel_loop3A_223 = arith.addi %parallel_loop3A_95, %parallel_loop3A_222 : i32
      %parallel_loop3A_224 = arith.index_cast %parallel_loop3A_223 : i32 to index
      %parallel_loop3A_225 = tpu.vector_load %arg10[%parallel_loop3A_224] {strides = array<i32>} : memref<65536xf32, #tpu.memory_space<vmem>>, vector<16xf32>,
      %parallel_loop3A_226 = vector.shape_cast %parallel_loop3A_225 : vector<16xf32> to vector<16xf32>
      %parallel_loop3A_227 = arith.constant 96 : i32
      %parallel_loop3A_228 = arith.addi %parallel_loop3A_63, %parallel_loop3A_227 : i32
      %parallel_loop3A_229 = arith.index_cast %parallel_loop3A_228 : i32 to index
      %parallel_loop3A_230 = tpu.vector_load %arg8[%parallel_loop3A_229] {strides = array<i32>} : memref<8192xf32, #tpu.memory_space<vmem>>, vector<16xf32>,
      %parallel_loop3A_231 = vector.shape_cast %parallel_loop3A_230 : vector<16xf32> to vector<16xf32>
      %parallel_loop3A_232 = arith.constant 0.000000e+00 : f32
      %parallel_loop3A_233 = vector.broadcast %parallel_loop3A_232 : f32 to vector<16xf32>
      %parallel_loop3A_234 = arith.cmpf oge, %parallel_loop3A_226, %parallel_loop3A_233 : vector<16xf32>
      %parallel_loop3A_235 = arith.mulf %parallel_loop3A_231, %parallel_loop3A_226 : vector<16xf32>
      %parallel_loop3A_236 = arith.select %parallel_loop3A_234, %parallel_loop3A_226, %parallel_loop3A_235 : vector<16xi1>, vector<16xf32>
      %parallel_loop3A_237 = arith.constant 96 : i32
      %parallel_loop3A_238 = arith.addi %parallel_loop3A_95, %parallel_loop3A_237 : i32
      %parallel_loop3A_239 = arith.index_cast %parallel_loop3A_238 : i32 to index
      %parallel_loop3A_240 = tpu.vector_load %arg10[%parallel_loop3A_239] {strides = array<i32>} : memref<65536xf32, #tpu.memory_space<vmem>>, vector<16xf32>,
      %parallel_loop3A_241 = vector.shape_cast %parallel_loop3A_240 : vector<16xf32> to vector<16xf32>
      %parallel_loop3A_242 = vector.shape_cast %parallel_loop3A_236 : vector<16xf32> to vector<16xf32>
      tpu.vector_store %arg10[%parallel_loop3A_239], %parallel_loop3A_242 {strides = array<i32>} : memref<65536xf32, #tpu.memory_space<vmem>>, vector<16xf32>,
      %parallel_loop3A_243 = arith.constant 112 : i32
      %parallel_loop3A_244 = arith.addi %parallel_loop3A_95, %parallel_loop3A_243 : i32
      %parallel_loop3A_245 = arith.index_cast %parallel_loop3A_244 : i32 to index
      %parallel_loop3A_246 = tpu.vector_load %arg10[%parallel_loop3A_245] {strides = array<i32>} : memref<65536xf32, #tpu.memory_space<vmem>>, vector<16xf32>,
      %parallel_loop3A_247 = vector.shape_cast %parallel_loop3A_246 : vector<16xf32> to vector<16xf32>
      %parallel_loop3A_248 = arith.constant 112 : i32
      %parallel_loop3A_249 = arith.addi %parallel_loop3A_63, %parallel_loop3A_248 : i32
      %parallel_loop3A_250 = arith.index_cast %parallel_loop3A_249 : i32 to index
      %parallel_loop3A_251 = tpu.vector_load %arg8[%parallel_loop3A_250] {strides = array<i32>} : memref<8192xf32, #tpu.memory_space<vmem>>, vector<16xf32>,
      %parallel_loop3A_252 = vector.shape_cast %parallel_loop3A_251 : vector<16xf32> to vector<16xf32>
      %parallel_loop3A_253 = arith.constant 0.000000e+00 : f32
      %parallel_loop3A_254 = vector.broadcast %parallel_loop3A_253 : f32 to vector<16xf32>
      %parallel_loop3A_255 = arith.cmpf oge, %parallel_loop3A_247, %parallel_loop3A_254 : vector<16xf32>
      %parallel_loop3A_256 = arith.mulf %parallel_loop3A_252, %parallel_loop3A_247 : vector<16xf32>
      %parallel_loop3A_257 = arith.select %parallel_loop3A_255, %parallel_loop3A_247, %parallel_loop3A_256 : vector<16xi1>, vector<16xf32>
      %parallel_loop3A_258 = arith.constant 112 : i32
      %parallel_loop3A_259 = arith.addi %parallel_loop3A_95, %parallel_loop3A_258 : i32
      %parallel_loop3A_260 = arith.index_cast %parallel_loop3A_259 : i32 to index
      %parallel_loop3A_261 = tpu.vector_load %arg10[%parallel_loop3A_260] {strides = array<i32>} : memref<65536xf32, #tpu.memory_space<vmem>>, vector<16xf32>,
      %parallel_loop3A_262 = vector.shape_cast %parallel_loop3A_261 : vector<16xf32> to vector<16xf32>
      %parallel_loop3A_263 = vector.shape_cast %parallel_loop3A_257 : vector<16xf32> to vector<16xf32>
      tpu.vector_store %arg10[%parallel_loop3A_260], %parallel_loop3A_263 {strides = array<i32>} : memref<65536xf32, #tpu.memory_space<vmem>>, vector<16xf32>,
      %parallel_loop3A_264 = arith.constant 128 : i32
      %parallel_loop3A_265 = arith.addi %parallel_loop3A_61, %parallel_loop3A_264 : i32
      %parallel_loop3A_266 = arith.constant 0 : i32
      %parallel_loop3A_267 = arith.addi %parallel_loop3A_265, %parallel_loop3A_266 : i32
      %parallel_loop3A_268 = arith.index_cast %parallel_loop3A_267 : i32 to index
      %parallel_loop3A_269 = tpu.vector_load %arg10[%parallel_loop3A_268] {strides = array<i32>} : memref<65536xf32, #tpu.memory_space<vmem>>, vector<16xf32>,
      %parallel_loop3A_270 = vector.shape_cast %parallel_loop3A_269 : vector<16xf32> to vector<16xf32>
      %parallel_loop3A_271 = arith.constant 0 : i32
      %parallel_loop3A_272 = arith.addi %parallel_loop3A_65, %parallel_loop3A_271 : i32
      %parallel_loop3A_273 = arith.index_cast %parallel_loop3A_272 : i32 to index
      %parallel_loop3A_274 = tpu.vector_load %arg8[%parallel_loop3A_273] {strides = array<i32>} : memref<8192xf32, #tpu.memory_space<vmem>>, vector<16xf32>,
      %parallel_loop3A_275 = vector.shape_cast %parallel_loop3A_274 : vector<16xf32> to vector<16xf32>
      %parallel_loop3A_276 = arith.constant 0.000000e+00 : f32
      %parallel_loop3A_277 = vector.broadcast %parallel_loop3A_276 : f32 to vector<16xf32>
      %parallel_loop3A_278 = arith.cmpf oge, %parallel_loop3A_270, %parallel_loop3A_277 : vector<16xf32>
      %parallel_loop3A_279 = arith.mulf %parallel_loop3A_275, %parallel_loop3A_270 : vector<16xf32>
      %parallel_loop3A_280 = arith.select %parallel_loop3A_278, %parallel_loop3A_270, %parallel_loop3A_279 : vector<16xi1>, vector<16xf32>
      %parallel_loop3A_281 = arith.constant 0 : i32
      %parallel_loop3A_282 = arith.addi %parallel_loop3A_265, %parallel_loop3A_281 : i32
      %parallel_loop3A_283 = arith.index_cast %parallel_loop3A_282 : i32 to index
      %parallel_loop3A_284 = tpu.vector_load %arg10[%parallel_loop3A_283] {strides = array<i32>} : memref<65536xf32, #tpu.memory_space<vmem>>, vector<16xf32>,
      %parallel_loop3A_285 = vector.shape_cast %parallel_loop3A_284 : vector<16xf32> to vector<16xf32>
      %parallel_loop3A_286 = vector.shape_cast %parallel_loop3A_280 : vector<16xf32> to vector<16xf32>
      tpu.vector_store %arg10[%parallel_loop3A_283], %parallel_loop3A_286 {strides = array<i32>} : memref<65536xf32, #tpu.memory_space<vmem>>, vector<16xf32>,
      %parallel_loop3A_287 = arith.constant 16 : i32
      %parallel_loop3A_288 = arith.addi %parallel_loop3A_265, %parallel_loop3A_287 : i32
      %parallel_loop3A_289 = arith.index_cast %parallel_loop3A_288 : i32 to index
      %parallel_loop3A_290 = tpu.vector_load %arg10[%parallel_loop3A_289] {strides = array<i32>} : memref<65536xf32, #tpu.memory_space<vmem>>, vector<16xf32>,
      %parallel_loop3A_291 = vector.shape_cast %parallel_loop3A_290 : vector<16xf32> to vector<16xf32>
      %parallel_loop3A_292 = arith.constant 16 : i32
      %parallel_loop3A_293 = arith.addi %parallel_loop3A_65, %parallel_loop3A_292 : i32
      %parallel_loop3A_294 = arith.index_cast %parallel_loop3A_293 : i32 to index
      %parallel_loop3A_295 = tpu.vector_load %arg8[%parallel_loop3A_294] {strides = array<i32>} : memref<8192xf32, #tpu.memory_space<vmem>>, vector<16xf32>,
      %parallel_loop3A_296 = vector.shape_cast %parallel_loop3A_295 : vector<16xf32> to vector<16xf32>
      %parallel_loop3A_297 = arith.constant 0.000000e+00 : f32
      %parallel_loop3A_298 = vector.broadcast %parallel_loop3A_297 : f32 to vector<16xf32>
      %parallel_loop3A_299 = arith.cmpf oge, %parallel_loop3A_291, %parallel_loop3A_298 : vector<16xf32>
      %parallel_loop3A_300 = arith.mulf %parallel_loop3A_296, %parallel_loop3A_291 : vector<16xf32>
      %parallel_loop3A_301 = arith.select %parallel_loop3A_299, %parallel_loop3A_291, %parallel_loop3A_300 : vector<16xi1>, vector<16xf32>
      %parallel_loop3A_302 = arith.constant 16 : i32
      %parallel_loop3A_303 = arith.addi %parallel_loop3A_265, %parallel_loop3A_302 : i32
      %parallel_loop3A_304 = arith.index_cast %parallel_loop3A_303 : i32 to index
      %parallel_loop3A_305 = tpu.vector_load %arg10[%parallel_loop3A_304] {strides = array<i32>} : memref<65536xf32, #tpu.memory_space<vmem>>, vector<16xf32>,
      %parallel_loop3A_306 = vector.shape_cast %parallel_loop3A_305 : vector<16xf32> to vector<16xf32>
      %parallel_loop3A_307 = vector.shape_cast %parallel_loop3A_301 : vector<16xf32> to vector<16xf32>
      tpu.vector_store %arg10[%parallel_loop3A_304], %parallel_loop3A_307 {strides = array<i32>} : memref<65536xf32, #tpu.memory_space<vmem>>, vector<16xf32>,
      %parallel_loop3A_308 = arith.constant 32 : i32
      %parallel_loop3A_309 = arith.addi %parallel_loop3A_265, %parallel_loop3A_308 : i32
      %parallel_loop3A_310 = arith.index_cast %parallel_loop3A_309 : i32 to index
      %parallel_loop3A_311 = tpu.vector_load %arg10[%parallel_loop3A_310] {strides = array<i32>} : memref<65536xf32, #tpu.memory_space<vmem>>, vector<16xf32>,
      %parallel_loop3A_312 = vector.shape_cast %parallel_loop3A_311 : vector<16xf32> to vector<16xf32>
      %parallel_loop3A_313 = arith.constant 32 : i32
      %parallel_loop3A_314 = arith.addi %parallel_loop3A_65, %parallel_loop3A_313 : i32
      %parallel_loop3A_315 = arith.index_cast %parallel_loop3A_314 : i32 to index
      %parallel_loop3A_316 = tpu.vector_load %arg8[%parallel_loop3A_315] {strides = array<i32>} : memref<8192xf32, #tpu.memory_space<vmem>>, vector<16xf32>,
      %parallel_loop3A_317 = vector.shape_cast %parallel_loop3A_316 : vector<16xf32> to vector<16xf32>
      %parallel_loop3A_318 = arith.constant 0.000000e+00 : f32
      %parallel_loop3A_319 = vector.broadcast %parallel_loop3A_318 : f32 to vector<16xf32>
      %parallel_loop3A_320 = arith.cmpf oge, %parallel_loop3A_312, %parallel_loop3A_319 : vector<16xf32>
      %parallel_loop3A_321 = arith.mulf %parallel_loop3A_317, %parallel_loop3A_312 : vector<16xf32>
      %parallel_loop3A_322 = arith.select %parallel_loop3A_320, %parallel_loop3A_312, %parallel_loop3A_321 : vector<16xi1>, vector<16xf32>
      %parallel_loop3A_323 = arith.constant 32 : i32
      %parallel_loop3A_324 = arith.addi %parallel_loop3A_265, %parallel_loop3A_323 : i32
      %parallel_loop3A_325 = arith.index_cast %parallel_loop3A_324 : i32 to index
      %parallel_loop3A_326 = tpu.vector_load %arg10[%parallel_loop3A_325] {strides = array<i32>} : memref<65536xf32, #tpu.memory_space<vmem>>, vector<16xf32>,
      %parallel_loop3A_327 = vector.shape_cast %parallel_loop3A_326 : vector<16xf32> to vector<16xf32>
      %parallel_loop3A_328 = vector.shape_cast %parallel_loop3A_322 : vector<16xf32> to vector<16xf32>
      tpu.vector_store %arg10[%parallel_loop3A_325], %parallel_loop3A_328 {strides = array<i32>} : memref<65536xf32, #tpu.memory_space<vmem>>, vector<16xf32>,
      %parallel_loop3A_329 = arith.constant 48 : i32
      %parallel_loop3A_330 = arith.addi %parallel_loop3A_265, %parallel_loop3A_329 : i32
      %parallel_loop3A_331 = arith.index_cast %parallel_loop3A_330 : i32 to index
      %parallel_loop3A_332 = tpu.vector_load %arg10[%parallel_loop3A_331] {strides = array<i32>} : memref<65536xf32, #tpu.memory_space<vmem>>, vector<16xf32>,
      %parallel_loop3A_333 = vector.shape_cast %parallel_loop3A_332 : vector<16xf32> to vector<16xf32>
      %parallel_loop3A_334 = arith.constant 48 : i32
      %parallel_loop3A_335 = arith.addi %parallel_loop3A_65, %parallel_loop3A_334 : i32
      %parallel_loop3A_336 = arith.index_cast %parallel_loop3A_335 : i32 to index
      %parallel_loop3A_337 = tpu.vector_load %arg8[%parallel_loop3A_336] {strides = array<i32>} : memref<8192xf32, #tpu.memory_space<vmem>>, vector<16xf32>,
      %parallel_loop3A_338 = vector.shape_cast %parallel_loop3A_337 : vector<16xf32> to vector<16xf32>
      %parallel_loop3A_339 = arith.constant 0.000000e+00 : f32
      %parallel_loop3A_340 = vector.broadcast %parallel_loop3A_339 : f32 to vector<16xf32>
      %parallel_loop3A_341 = arith.cmpf oge, %parallel_loop3A_333, %parallel_loop3A_340 : vector<16xf32>
      %parallel_loop3A_342 = arith.mulf %parallel_loop3A_338, %parallel_loop3A_333 : vector<16xf32>
      %parallel_loop3A_343 = arith.select %parallel_loop3A_341, %parallel_loop3A_333, %parallel_loop3A_342 : vector<16xi1>, vector<16xf32>
      %parallel_loop3A_344 = arith.constant 48 : i32
      %parallel_loop3A_345 = arith.addi %parallel_loop3A_265, %parallel_loop3A_344 : i32
      %parallel_loop3A_346 = arith.index_cast %parallel_loop3A_345 : i32 to index
      %parallel_loop3A_347 = tpu.vector_load %arg10[%parallel_loop3A_346] {strides = array<i32>} : memref<65536xf32, #tpu.memory_space<vmem>>, vector<16xf32>,
      %parallel_loop3A_348 = vector.shape_cast %parallel_loop3A_347 : vector<16xf32> to vector<16xf32>
      %parallel_loop3A_349 = vector.shape_cast %parallel_loop3A_343 : vector<16xf32> to vector<16xf32>
      tpu.vector_store %arg10[%parallel_loop3A_346], %parallel_loop3A_349 {strides = array<i32>} : memref<65536xf32, #tpu.memory_space<vmem>>, vector<16xf32>,
      %parallel_loop3A_350 = arith.constant 64 : i32
      %parallel_loop3A_351 = arith.addi %parallel_loop3A_265, %parallel_loop3A_350 : i32
      %parallel_loop3A_352 = arith.index_cast %parallel_loop3A_351 : i32 to index
      %parallel_loop3A_353 = tpu.vector_load %arg10[%parallel_loop3A_352] {strides = array<i32>} : memref<65536xf32, #tpu.memory_space<vmem>>, vector<16xf32>,
      %parallel_loop3A_354 = vector.shape_cast %parallel_loop3A_353 : vector<16xf32> to vector<16xf32>
      %parallel_loop3A_355 = arith.constant 64 : i32
      %parallel_loop3A_356 = arith.addi %parallel_loop3A_65, %parallel_loop3A_355 : i32
      %parallel_loop3A_357 = arith.index_cast %parallel_loop3A_356 : i32 to index
      %parallel_loop3A_358 = tpu.vector_load %arg8[%parallel_loop3A_357] {strides = array<i32>} : memref<8192xf32, #tpu.memory_space<vmem>>, vector<16xf32>,
      %parallel_loop3A_359 = vector.shape_cast %parallel_loop3A_358 : vector<16xf32> to vector<16xf32>
      %parallel_loop3A_360 = arith.constant 0.000000e+00 : f32
      %parallel_loop3A_361 = vector.broadcast %parallel_loop3A_360 : f32 to vector<16xf32>
      %parallel_loop3A_362 = arith.cmpf oge, %parallel_loop3A_354, %parallel_loop3A_361 : vector<16xf32>
      %parallel_loop3A_363 = arith.mulf %parallel_loop3A_359, %parallel_loop3A_354 : vector<16xf32>
      %parallel_loop3A_364 = arith.select %parallel_loop3A_362, %parallel_loop3A_354, %parallel_loop3A_363 : vector<16xi1>, vector<16xf32>
      %parallel_loop3A_365 = arith.constant 64 : i32
      %parallel_loop3A_366 = arith.addi %parallel_loop3A_265, %parallel_loop3A_365 : i32
      %parallel_loop3A_367 = arith.index_cast %parallel_loop3A_366 : i32 to index
      %parallel_loop3A_368 = tpu.vector_load %arg10[%parallel_loop3A_367] {strides = array<i32>} : memref<65536xf32, #tpu.memory_space<vmem>>, vector<16xf32>,
      %parallel_loop3A_369 = vector.shape_cast %parallel_loop3A_368 : vector<16xf32> to vector<16xf32>
      %parallel_loop3A_370 = vector.shape_cast %parallel_loop3A_364 : vector<16xf32> to vector<16xf32>
      tpu.vector_store %arg10[%parallel_loop3A_367], %parallel_loop3A_370 {strides = array<i32>} : memref<65536xf32, #tpu.memory_space<vmem>>, vector<16xf32>,
      %parallel_loop3A_371 = arith.constant 80 : i32
      %parallel_loop3A_372 = arith.addi %parallel_loop3A_265, %parallel_loop3A_371 : i32
      %parallel_loop3A_373 = arith.index_cast %parallel_loop3A_372 : i32 to index
      %parallel_loop3A_374 = tpu.vector_load %arg10[%parallel_loop3A_373] {strides = array<i32>} : memref<65536xf32, #tpu.memory_space<vmem>>, vector<16xf32>,
      %parallel_loop3A_375 = vector.shape_cast %parallel_loop3A_374 : vector<16xf32> to vector<16xf32>
      %parallel_loop3A_376 = arith.constant 80 : i32
      %parallel_loop3A_377 = arith.addi %parallel_loop3A_65, %parallel_loop3A_376 : i32
      %parallel_loop3A_378 = arith.index_cast %parallel_loop3A_377 : i32 to index
      %parallel_loop3A_379 = tpu.vector_load %arg8[%parallel_loop3A_378] {strides = array<i32>} : memref<8192xf32, #tpu.memory_space<vmem>>, vector<16xf32>,
      %parallel_loop3A_380 = vector.shape_cast %parallel_loop3A_379 : vector<16xf32> to vector<16xf32>
      %parallel_loop3A_381 = arith.constant 0.000000e+00 : f32
      %parallel_loop3A_382 = vector.broadcast %parallel_loop3A_381 : f32 to vector<16xf32>
      %parallel_loop3A_383 = arith.cmpf oge, %parallel_loop3A_375, %parallel_loop3A_382 : vector<16xf32>
      %parallel_loop3A_384 = arith.mulf %parallel_loop3A_380, %parallel_loop3A_375 : vector<16xf32>
      %parallel_loop3A_385 = arith.select %parallel_loop3A_383, %parallel_loop3A_375, %parallel_loop3A_384 : vector<16xi1>, vector<16xf32>
      %parallel_loop3A_386 = arith.constant 80 : i32
      %parallel_loop3A_387 = arith.addi %parallel_loop3A_265, %parallel_loop3A_386 : i32
      %parallel_loop3A_388 = arith.index_cast %parallel_loop3A_387 : i32 to index
      %parallel_loop3A_389 = tpu.vector_load %arg10[%parallel_loop3A_388] {strides = array<i32>} : memref<65536xf32, #tpu.memory_space<vmem>>, vector<16xf32>,
      %parallel_loop3A_390 = vector.shape_cast %parallel_loop3A_389 : vector<16xf32> to vector<16xf32>
      %parallel_loop3A_391 = vector.shape_cast %parallel_loop3A_385 : vector<16xf32> to vector<16xf32>
      tpu.vector_store %arg10[%parallel_loop3A_388], %parallel_loop3A_391 {strides = array<i32>} : memref<65536xf32, #tpu.memory_space<vmem>>, vector<16xf32>,
      %parallel_loop3A_392 = arith.constant 96 : i32
      %parallel_loop3A_393 = arith.addi %parallel_loop3A_265, %parallel_loop3A_392 : i32
      %parallel_loop3A_394 = arith.index_cast %parallel_loop3A_393 : i32 to index
      %parallel_loop3A_395 = tpu.vector_load %arg10[%parallel_loop3A_394] {strides = array<i32>} : memref<65536xf32, #tpu.memory_space<vmem>>, vector<16xf32>,
      %parallel_loop3A_396 = vector.shape_cast %parallel_loop3A_395 : vector<16xf32> to vector<16xf32>
      %parallel_loop3A_397 = arith.constant 96 : i32
      %parallel_loop3A_398 = arith.addi %parallel_loop3A_65, %parallel_loop3A_397 : i32
      %parallel_loop3A_399 = arith.index_cast %parallel_loop3A_398 : i32 to index
      %parallel_loop3A_400 = tpu.vector_load %arg8[%parallel_loop3A_399] {strides = array<i32>} : memref<8192xf32, #tpu.memory_space<vmem>>, vector<16xf32>,
      %parallel_loop3A_401 = vector.shape_cast %parallel_loop3A_400 : vector<16xf32> to vector<16xf32>
      %parallel_loop3A_402 = arith.constant 0.000000e+00 : f32
      %parallel_loop3A_403 = vector.broadcast %parallel_loop3A_402 : f32 to vector<16xf32>
      %parallel_loop3A_404 = arith.cmpf oge, %parallel_loop3A_396, %parallel_loop3A_403 : vector<16xf32>
      %parallel_loop3A_405 = arith.mulf %parallel_loop3A_401, %parallel_loop3A_396 : vector<16xf32>
      %parallel_loop3A_406 = arith.select %parallel_loop3A_404, %parallel_loop3A_396, %parallel_loop3A_405 : vector<16xi1>, vector<16xf32>
      %parallel_loop3A_407 = arith.constant 96 : i32
      %parallel_loop3A_408 = arith.addi %parallel_loop3A_265, %parallel_loop3A_407 : i32
      %parallel_loop3A_409 = arith.index_cast %parallel_loop3A_408 : i32 to index
      %parallel_loop3A_410 = tpu.vector_load %arg10[%parallel_loop3A_409] {strides = array<i32>} : memref<65536xf32, #tpu.memory_space<vmem>>, vector<16xf32>,
      %parallel_loop3A_411 = vector.shape_cast %parallel_loop3A_410 : vector<16xf32> to vector<16xf32>
      %parallel_loop3A_412 = vector.shape_cast %parallel_loop3A_406 : vector<16xf32> to vector<16xf32>
      tpu.vector_store %arg10[%parallel_loop3A_409], %parallel_loop3A_412 {strides = array<i32>} : memref<65536xf32, #tpu.memory_space<vmem>>, vector<16xf32>,
      %parallel_loop3A_413 = arith.constant 112 : i32
      %parallel_loop3A_414 = arith.addi %parallel_loop3A_265, %parallel_loop3A_413 : i32
      %parallel_loop3A_415 = arith.index_cast %parallel_loop3A_414 : i32 to index
      %parallel_loop3A_416 = tpu.vector_load %arg10[%parallel_loop3A_415] {strides = array<i32>} : memref<65536xf32, #tpu.memory_space<vmem>>, vector<16xf32>,
      %parallel_loop3A_417 = vector.shape_cast %parallel_loop3A_416 : vector<16xf32> to vector<16xf32>
      %parallel_loop3A_418 = arith.constant 112 : i32
      %parallel_loop3A_419 = arith.addi %parallel_loop3A_65, %parallel_loop3A_418 : i32
      %parallel_loop3A_420 = arith.index_cast %parallel_loop3A_419 : i32 to index
      %parallel_loop3A_421 = tpu.vector_load %arg8[%parallel_loop3A_420] {strides = array<i32>} : memref<8192xf32, #tpu.memory_space<vmem>>, vector<16xf32>,
      %parallel_loop3A_422 = vector.shape_cast %parallel_loop3A_421 : vector<16xf32> to vector<16xf32>
      %parallel_loop3A_423 = arith.constant 0.000000e+00 : f32
      %parallel_loop3A_424 = vector.broadcast %parallel_loop3A_423 : f32 to vector<16xf32>
      %parallel_loop3A_425 = arith.cmpf oge, %parallel_loop3A_417, %parallel_loop3A_424 : vector<16xf32>
      %parallel_loop3A_426 = arith.mulf %parallel_loop3A_422, %parallel_loop3A_417 : vector<16xf32>
      %parallel_loop3A_427 = arith.select %parallel_loop3A_425, %parallel_loop3A_417, %parallel_loop3A_426 : vector<16xi1>, vector<16xf32>
      %parallel_loop3A_428 = arith.constant 112 : i32
      %parallel_loop3A_429 = arith.addi %parallel_loop3A_265, %parallel_loop3A_428 : i32
      %parallel_loop3A_430 = arith.index_cast %parallel_loop3A_429 : i32 to index
      %parallel_loop3A_431 = tpu.vector_load %arg10[%parallel_loop3A_430] {strides = array<i32>} : memref<65536xf32, #tpu.memory_space<vmem>>, vector<16xf32>,
      %parallel_loop3A_432 = vector.shape_cast %parallel_loop3A_431 : vector<16xf32> to vector<16xf32>
      %parallel_loop3A_433 = vector.shape_cast %parallel_loop3A_427 : vector<16xf32> to vector<16xf32>
      tpu.vector_store %arg10[%parallel_loop3A_430], %parallel_loop3A_433 {strides = array<i32>} : memref<65536xf32, #tpu.memory_space<vmem>>, vector<16xf32>,
      %parallel_loop3A_434 = arith.constant 256 : i32
      %parallel_loop3A_435 = arith.addi %parallel_loop3A_61, %parallel_loop3A_434 : i32
      %parallel_loop3A_436 = arith.constant 0 : i32
      %parallel_loop3A_437 = arith.addi %parallel_loop3A_435, %parallel_loop3A_436 : i32
      %parallel_loop3A_438 = arith.index_cast %parallel_loop3A_437 : i32 to index
      %parallel_loop3A_439 = tpu.vector_load %arg10[%parallel_loop3A_438] {strides = array<i32>} : memref<65536xf32, #tpu.memory_space<vmem>>, vector<16xf32>,
      %parallel_loop3A_440 = vector.shape_cast %parallel_loop3A_439 : vector<16xf32> to vector<16xf32>
      %parallel_loop3A_441 = arith.constant 0 : i32
      %parallel_loop3A_442 = arith.addi %parallel_loop3A_67, %parallel_loop3A_441 : i32
      %parallel_loop3A_443 = arith.index_cast %parallel_loop3A_442 : i32 to index
      %parallel_loop3A_444 = tpu.vector_load %arg8[%parallel_loop3A_443] {strides = array<i32>} : memref<8192xf32, #tpu.memory_space<vmem>>, vector<16xf32>,
      %parallel_loop3A_445 = vector.shape_cast %parallel_loop3A_444 : vector<16xf32> to vector<16xf32>
      %parallel_loop3A_446 = arith.constant 0.000000e+00 : f32
      %parallel_loop3A_447 = vector.broadcast %parallel_loop3A_446 : f32 to vector<16xf32>
      %parallel_loop3A_448 = arith.cmpf oge, %parallel_loop3A_440, %parallel_loop3A_447 : vector<16xf32>
      %parallel_loop3A_449 = arith.mulf %parallel_loop3A_445, %parallel_loop3A_440 : vector<16xf32>
      %parallel_loop3A_450 = arith.select %parallel_loop3A_448, %parallel_loop3A_440, %parallel_loop3A_449 : vector<16xi1>, vector<16xf32>
      %parallel_loop3A_451 = arith.constant 0 : i32
      %parallel_loop3A_452 = arith.addi %parallel_loop3A_435, %parallel_loop3A_451 : i32
      %parallel_loop3A_453 = arith.index_cast %parallel_loop3A_452 : i32 to index
      %parallel_loop3A_454 = tpu.vector_load %arg10[%parallel_loop3A_453] {strides = array<i32>} : memref<65536xf32, #tpu.memory_space<vmem>>, vector<16xf32>,
      %parallel_loop3A_455 = vector.shape_cast %parallel_loop3A_454 : vector<16xf32> to vector<16xf32>
      %parallel_loop3A_456 = vector.shape_cast %parallel_loop3A_450 : vector<16xf32> to vector<16xf32>
      tpu.vector_store %arg10[%parallel_loop3A_453], %parallel_loop3A_456 {strides = array<i32>} : memref<65536xf32, #tpu.memory_space<vmem>>, vector<16xf32>,
      %parallel_loop3A_457 = arith.constant 16 : i32
      %parallel_loop3A_458 = arith.addi %parallel_loop3A_435, %parallel_loop3A_457 : i32
      %parallel_loop3A_459 = arith.index_cast %parallel_loop3A_458 : i32 to index
      %parallel_loop3A_460 = tpu.vector_load %arg10[%parallel_loop3A_459] {strides = array<i32>} : memref<65536xf32, #tpu.memory_space<vmem>>, vector<16xf32>,
      %parallel_loop3A_461 = vector.shape_cast %parallel_loop3A_460 : vector<16xf32> to vector<16xf32>
      %parallel_loop3A_462 = arith.constant 16 : i32
      %parallel_loop3A_463 = arith.addi %parallel_loop3A_67, %parallel_loop3A_462 : i32
      %parallel_loop3A_464 = arith.index_cast %parallel_loop3A_463 : i32 to index
      %parallel_loop3A_465 = tpu.vector_load %arg8[%parallel_loop3A_464] {strides = array<i32>} : memref<8192xf32, #tpu.memory_space<vmem>>, vector<16xf32>,
      %parallel_loop3A_466 = vector.shape_cast %parallel_loop3A_465 : vector<16xf32> to vector<16xf32>
      %parallel_loop3A_467 = arith.constant 0.000000e+00 : f32
      %parallel_loop3A_468 = vector.broadcast %parallel_loop3A_467 : f32 to vector<16xf32>
      %parallel_loop3A_469 = arith.cmpf oge, %parallel_loop3A_461, %parallel_loop3A_468 : vector<16xf32>
      %parallel_loop3A_470 = arith.mulf %parallel_loop3A_466, %parallel_loop3A_461 : vector<16xf32>
      %parallel_loop3A_471 = arith.select %parallel_loop3A_469, %parallel_loop3A_461, %parallel_loop3A_470 : vector<16xi1>, vector<16xf32>
      %parallel_loop3A_472 = arith.constant 16 : i32
      %parallel_loop3A_473 = arith.addi %parallel_loop3A_435, %parallel_loop3A_472 : i32
      %parallel_loop3A_474 = arith.index_cast %parallel_loop3A_473 : i32 to index
      %parallel_loop3A_475 = tpu.vector_load %arg10[%parallel_loop3A_474] {strides = array<i32>} : memref<65536xf32, #tpu.memory_space<vmem>>, vector<16xf32>,
      %parallel_loop3A_476 = vector.shape_cast %parallel_loop3A_475 : vector<16xf32> to vector<16xf32>
      %parallel_loop3A_477 = vector.shape_cast %parallel_loop3A_471 : vector<16xf32> to vector<16xf32>
      tpu.vector_store %arg10[%parallel_loop3A_474], %parallel_loop3A_477 {strides = array<i32>} : memref<65536xf32, #tpu.memory_space<vmem>>, vector<16xf32>,
      %parallel_loop3A_478 = arith.constant 32 : i32
      %parallel_loop3A_479 = arith.addi %parallel_loop3A_435, %parallel_loop3A_478 : i32
      %parallel_loop3A_480 = arith.index_cast %parallel_loop3A_479 : i32 to index
      %parallel_loop3A_481 = tpu.vector_load %arg10[%parallel_loop3A_480] {strides = array<i32>} : memref<65536xf32, #tpu.memory_space<vmem>>, vector<16xf32>,
      %parallel_loop3A_482 = vector.shape_cast %parallel_loop3A_481 : vector<16xf32> to vector<16xf32>
      %parallel_loop3A_483 = arith.constant 32 : i32
      %parallel_loop3A_484 = arith.addi %parallel_loop3A_67, %parallel_loop3A_483 : i32
      %parallel_loop3A_485 = arith.index_cast %parallel_loop3A_484 : i32 to index
      %parallel_loop3A_486 = tpu.vector_load %arg8[%parallel_loop3A_485] {strides = array<i32>} : memref<8192xf32, #tpu.memory_space<vmem>>, vector<16xf32>,
      %parallel_loop3A_487 = vector.shape_cast %parallel_loop3A_486 : vector<16xf32> to vector<16xf32>
      %parallel_loop3A_488 = arith.constant 0.000000e+00 : f32
      %parallel_loop3A_489 = vector.broadcast %parallel_loop3A_488 : f32 to vector<16xf32>
      %parallel_loop3A_490 = arith.cmpf oge, %parallel_loop3A_482, %parallel_loop3A_489 : vector<16xf32>
      %parallel_loop3A_491 = arith.mulf %parallel_loop3A_487, %parallel_loop3A_482 : vector<16xf32>
      %parallel_loop3A_492 = arith.select %parallel_loop3A_490, %parallel_loop3A_482, %parallel_loop3A_491 : vector<16xi1>, vector<16xf32>
      %parallel_loop3A_493 = arith.constant 32 : i32
      %parallel_loop3A_494 = arith.addi %parallel_loop3A_435, %parallel_loop3A_493 : i32
      %parallel_loop3A_495 = arith.index_cast %parallel_loop3A_494 : i32 to index
      %parallel_loop3A_496 = tpu.vector_load %arg10[%parallel_loop3A_495] {strides = array<i32>} : memref<65536xf32, #tpu.memory_space<vmem>>, vector<16xf32>,
      %parallel_loop3A_497 = vector.shape_cast %parallel_loop3A_496 : vector<16xf32> to vector<16xf32>
      %parallel_loop3A_498 = vector.shape_cast %parallel_loop3A_492 : vector<16xf32> to vector<16xf32>
      tpu.vector_store %arg10[%parallel_loop3A_495], %parallel_loop3A_498 {strides = array<i32>} : memref<65536xf32, #tpu.memory_space<vmem>>, vector<16xf32>,
      %parallel_loop3A_499 = arith.constant 48 : i32
      %parallel_loop3A_500 = arith.addi %parallel_loop3A_435, %parallel_loop3A_499 : i32
      %parallel_loop3A_501 = arith.index_cast %parallel_loop3A_500 : i32 to index
      %parallel_loop3A_502 = tpu.vector_load %arg10[%parallel_loop3A_501] {strides = array<i32>} : memref<65536xf32, #tpu.memory_space<vmem>>, vector<16xf32>,
      %parallel_loop3A_503 = vector.shape_cast %parallel_loop3A_502 : vector<16xf32> to vector<16xf32>
      %parallel_loop3A_504 = arith.constant 48 : i32
      %parallel_loop3A_505 = arith.addi %parallel_loop3A_67, %parallel_loop3A_504 : i32
      %parallel_loop3A_506 = arith.index_cast %parallel_loop3A_505 : i32 to index
      %parallel_loop3A_507 = tpu.vector_load %arg8[%parallel_loop3A_506] {strides = array<i32>} : memref<8192xf32, #tpu.memory_space<vmem>>, vector<16xf32>,
      %parallel_loop3A_508 = vector.shape_cast %parallel_loop3A_507 : vector<16xf32> to vector<16xf32>
      %parallel_loop3A_509 = arith.constant 0.000000e+00 : f32
      %parallel_loop3A_510 = vector.broadcast %parallel_loop3A_509 : f32 to vector<16xf32>
      %parallel_loop3A_511 = arith.cmpf oge, %parallel_loop3A_503, %parallel_loop3A_510 : vector<16xf32>
      %parallel_loop3A_512 = arith.mulf %parallel_loop3A_508, %parallel_loop3A_503 : vector<16xf32>
      %parallel_loop3A_513 = arith.select %parallel_loop3A_511, %parallel_loop3A_503, %parallel_loop3A_512 : vector<16xi1>, vector<16xf32>
      %parallel_loop3A_514 = arith.constant 48 : i32
      %parallel_loop3A_515 = arith.addi %parallel_loop3A_435, %parallel_loop3A_514 : i32
      %parallel_loop3A_516 = arith.index_cast %parallel_loop3A_515 : i32 to index
      %parallel_loop3A_517 = tpu.vector_load %arg10[%parallel_loop3A_516] {strides = array<i32>} : memref<65536xf32, #tpu.memory_space<vmem>>, vector<16xf32>,
      %parallel_loop3A_518 = vector.shape_cast %parallel_loop3A_517 : vector<16xf32> to vector<16xf32>
      %parallel_loop3A_519 = vector.shape_cast %parallel_loop3A_513 : vector<16xf32> to vector<16xf32>
      tpu.vector_store %arg10[%parallel_loop3A_516], %parallel_loop3A_519 {strides = array<i32>} : memref<65536xf32, #tpu.memory_space<vmem>>, vector<16xf32>,
      %parallel_loop3A_520 = arith.constant 64 : i32
      %parallel_loop3A_521 = arith.addi %parallel_loop3A_435, %parallel_loop3A_520 : i32
      %parallel_loop3A_522 = arith.index_cast %parallel_loop3A_521 : i32 to index
      %parallel_loop3A_523 = tpu.vector_load %arg10[%parallel_loop3A_522] {strides = array<i32>} : memref<65536xf32, #tpu.memory_space<vmem>>, vector<16xf32>,
      %parallel_loop3A_524 = vector.shape_cast %parallel_loop3A_523 : vector<16xf32> to vector<16xf32>
      %parallel_loop3A_525 = arith.constant 64 : i32
      %parallel_loop3A_526 = arith.addi %parallel_loop3A_67, %parallel_loop3A_525 : i32
      %parallel_loop3A_527 = arith.index_cast %parallel_loop3A_526 : i32 to index
      %parallel_loop3A_528 = tpu.vector_load %arg8[%parallel_loop3A_527] {strides = array<i32>} : memref<8192xf32, #tpu.memory_space<vmem>>, vector<16xf32>,
      %parallel_loop3A_529 = vector.shape_cast %parallel_loop3A_528 : vector<16xf32> to vector<16xf32>
      %parallel_loop3A_530 = arith.constant 0.000000e+00 : f32
      %parallel_loop3A_531 = vector.broadcast %parallel_loop3A_530 : f32 to vector<16xf32>
      %parallel_loop3A_532 = arith.cmpf oge, %parallel_loop3A_524, %parallel_loop3A_531 : vector<16xf32>
      %parallel_loop3A_533 = arith.mulf %parallel_loop3A_529, %parallel_loop3A_524 : vector<16xf32>
      %parallel_loop3A_534 = arith.select %parallel_loop3A_532, %parallel_loop3A_524, %parallel_loop3A_533 : vector<16xi1>, vector<16xf32>
      %parallel_loop3A_535 = arith.constant 64 : i32
      %parallel_loop3A_536 = arith.addi %parallel_loop3A_435, %parallel_loop3A_535 : i32
      %parallel_loop3A_537 = arith.index_cast %parallel_loop3A_536 : i32 to index
      %parallel_loop3A_538 = tpu.vector_load %arg10[%parallel_loop3A_537] {strides = array<i32>} : memref<65536xf32, #tpu.memory_space<vmem>>, vector<16xf32>,
      %parallel_loop3A_539 = vector.shape_cast %parallel_loop3A_538 : vector<16xf32> to vector<16xf32>
      %parallel_loop3A_540 = vector.shape_cast %parallel_loop3A_534 : vector<16xf32> to vector<16xf32>
      tpu.vector_store %arg10[%parallel_loop3A_537], %parallel_loop3A_540 {strides = array<i32>} : memref<65536xf32, #tpu.memory_space<vmem>>, vector<16xf32>,
      %parallel_loop3A_541 = arith.constant 80 : i32
      %parallel_loop3A_542 = arith.addi %parallel_loop3A_435, %parallel_loop3A_541 : i32
      %parallel_loop3A_543 = arith.index_cast %parallel_loop3A_542 : i32 to index
      %parallel_loop3A_544 = tpu.vector_load %arg10[%parallel_loop3A_543] {strides = array<i32>} : memref<65536xf32, #tpu.memory_space<vmem>>, vector<16xf32>,
      %parallel_loop3A_545 = vector.shape_cast %parallel_loop3A_544 : vector<16xf32> to vector<16xf32>
      %parallel_loop3A_546 = arith.constant 80 : i32
      %parallel_loop3A_547 = arith.addi %parallel_loop3A_67, %parallel_loop3A_546 : i32
      %parallel_loop3A_548 = arith.index_cast %parallel_loop3A_547 : i32 to index
      %parallel_loop3A_549 = tpu.vector_load %arg8[%parallel_loop3A_548] {strides = array<i32>} : memref<8192xf32, #tpu.memory_space<vmem>>, vector<16xf32>,
      %parallel_loop3A_550 = vector.shape_cast %parallel_loop3A_549 : vector<16xf32> to vector<16xf32>
      %parallel_loop3A_551 = arith.constant 0.000000e+00 : f32
      %parallel_loop3A_552 = vector.broadcast %parallel_loop3A_551 : f32 to vector<16xf32>
      %parallel_loop3A_553 = arith.cmpf oge, %parallel_loop3A_545, %parallel_loop3A_552 : vector<16xf32>
      %parallel_loop3A_554 = arith.mulf %parallel_loop3A_550, %parallel_loop3A_545 : vector<16xf32>
      %parallel_loop3A_555 = arith.select %parallel_loop3A_553, %parallel_loop3A_545, %parallel_loop3A_554 : vector<16xi1>, vector<16xf32>
      %parallel_loop3A_556 = arith.constant 80 : i32
      %parallel_loop3A_557 = arith.addi %parallel_loop3A_435, %parallel_loop3A_556 : i32
      %parallel_loop3A_558 = arith.index_cast %parallel_loop3A_557 : i32 to index
      %parallel_loop3A_559 = tpu.vector_load %arg10[%parallel_loop3A_558] {strides = array<i32>} : memref<65536xf32, #tpu.memory_space<vmem>>, vector<16xf32>,
      %parallel_loop3A_560 = vector.shape_cast %parallel_loop3A_559 : vector<16xf32> to vector<16xf32>
      %parallel_loop3A_561 = vector.shape_cast %parallel_loop3A_555 : vector<16xf32> to vector<16xf32>
      tpu.vector_store %arg10[%parallel_loop3A_558], %parallel_loop3A_561 {strides = array<i32>} : memref<65536xf32, #tpu.memory_space<vmem>>, vector<16xf32>,
      %parallel_loop3A_562 = arith.constant 96 : i32
      %parallel_loop3A_563 = arith.addi %parallel_loop3A_435, %parallel_loop3A_562 : i32
      %parallel_loop3A_564 = arith.index_cast %parallel_loop3A_563 : i32 to index
      %parallel_loop3A_565 = tpu.vector_load %arg10[%parallel_loop3A_564] {strides = array<i32>} : memref<65536xf32, #tpu.memory_space<vmem>>, vector<16xf32>,
      %parallel_loop3A_566 = vector.shape_cast %parallel_loop3A_565 : vector<16xf32> to vector<16xf32>
      %parallel_loop3A_567 = arith.constant 96 : i32
      %parallel_loop3A_568 = arith.addi %parallel_loop3A_67, %parallel_loop3A_567 : i32
      %parallel_loop3A_569 = arith.index_cast %parallel_loop3A_568 : i32 to index
      %parallel_loop3A_570 = tpu.vector_load %arg8[%parallel_loop3A_569] {strides = array<i32>} : memref<8192xf32, #tpu.memory_space<vmem>>, vector<16xf32>,
      %parallel_loop3A_571 = vector.shape_cast %parallel_loop3A_570 : vector<16xf32> to vector<16xf32>
      %parallel_loop3A_572 = arith.constant 0.000000e+00 : f32
      %parallel_loop3A_573 = vector.broadcast %parallel_loop3A_572 : f32 to vector<16xf32>
      %parallel_loop3A_574 = arith.cmpf oge, %parallel_loop3A_566, %parallel_loop3A_573 : vector<16xf32>
      %parallel_loop3A_575 = arith.mulf %parallel_loop3A_571, %parallel_loop3A_566 : vector<16xf32>
      %parallel_loop3A_576 = arith.select %parallel_loop3A_574, %parallel_loop3A_566, %parallel_loop3A_575 : vector<16xi1>, vector<16xf32>
      %parallel_loop3A_577 = arith.constant 96 : i32
      %parallel_loop3A_578 = arith.addi %parallel_loop3A_435, %parallel_loop3A_577 : i32
      %parallel_loop3A_579 = arith.index_cast %parallel_loop3A_578 : i32 to index
      %parallel_loop3A_580 = tpu.vector_load %arg10[%parallel_loop3A_579] {strides = array<i32>} : memref<65536xf32, #tpu.memory_space<vmem>>, vector<16xf32>,
      %parallel_loop3A_581 = vector.shape_cast %parallel_loop3A_580 : vector<16xf32> to vector<16xf32>
      %parallel_loop3A_582 = vector.shape_cast %parallel_loop3A_576 : vector<16xf32> to vector<16xf32>
      tpu.vector_store %arg10[%parallel_loop3A_579], %parallel_loop3A_582 {strides = array<i32>} : memref<65536xf32, #tpu.memory_space<vmem>>, vector<16xf32>,
      %parallel_loop3A_583 = arith.constant 112 : i32
      %parallel_loop3A_584 = arith.addi %parallel_loop3A_435, %parallel_loop3A_583 : i32
      %parallel_loop3A_585 = arith.index_cast %parallel_loop3A_584 : i32 to index
      %parallel_loop3A_586 = tpu.vector_load %arg10[%parallel_loop3A_585] {strides = array<i32>} : memref<65536xf32, #tpu.memory_space<vmem>>, vector<16xf32>,
      %parallel_loop3A_587 = vector.shape_cast %parallel_loop3A_586 : vector<16xf32> to vector<16xf32>
      %parallel_loop3A_588 = arith.constant 112 : i32
      %parallel_loop3A_589 = arith.addi %parallel_loop3A_67, %parallel_loop3A_588 : i32
      %parallel_loop3A_590 = arith.index_cast %parallel_loop3A_589 : i32 to index
      %parallel_loop3A_591 = tpu.vector_load %arg8[%parallel_loop3A_590] {strides = array<i32>} : memref<8192xf32, #tpu.memory_space<vmem>>, vector<16xf32>,
      %parallel_loop3A_592 = vector.shape_cast %parallel_loop3A_591 : vector<16xf32> to vector<16xf32>
      %parallel_loop3A_593 = arith.constant 0.000000e+00 : f32
      %parallel_loop3A_594 = vector.broadcast %parallel_loop3A_593 : f32 to vector<16xf32>
      %parallel_loop3A_595 = arith.cmpf oge, %parallel_loop3A_587, %parallel_loop3A_594 : vector<16xf32>
      %parallel_loop3A_596 = arith.mulf %parallel_loop3A_592, %parallel_loop3A_587 : vector<16xf32>
      %parallel_loop3A_597 = arith.select %parallel_loop3A_595, %parallel_loop3A_587, %parallel_loop3A_596 : vector<16xi1>, vector<16xf32>
      %parallel_loop3A_598 = arith.constant 112 : i32
      %parallel_loop3A_599 = arith.addi %parallel_loop3A_435, %parallel_loop3A_598 : i32
      %parallel_loop3A_600 = arith.index_cast %parallel_loop3A_599 : i32 to index
      %parallel_loop3A_601 = tpu.vector_load %arg10[%parallel_loop3A_600] {strides = array<i32>} : memref<65536xf32, #tpu.memory_space<vmem>>, vector<16xf32>,
      %parallel_loop3A_602 = vector.shape_cast %parallel_loop3A_601 : vector<16xf32> to vector<16xf32>
      %parallel_loop3A_603 = vector.shape_cast %parallel_loop3A_597 : vector<16xf32> to vector<16xf32>
      tpu.vector_store %arg10[%parallel_loop3A_600], %parallel_loop3A_603 {strides = array<i32>} : memref<65536xf32, #tpu.memory_space<vmem>>, vector<16xf32>,
      %parallel_loop3A_604 = arith.constant 384 : i32
      %parallel_loop3A_605 = arith.addi %parallel_loop3A_61, %parallel_loop3A_604 : i32
      %parallel_loop3A_606 = arith.constant 0 : i32
      %parallel_loop3A_607 = arith.addi %parallel_loop3A_605, %parallel_loop3A_606 : i32
      %parallel_loop3A_608 = arith.index_cast %parallel_loop3A_607 : i32 to index
      %parallel_loop3A_609 = tpu.vector_load %arg10[%parallel_loop3A_608] {strides = array<i32>} : memref<65536xf32, #tpu.memory_space<vmem>>, vector<16xf32>,
      %parallel_loop3A_610 = vector.shape_cast %parallel_loop3A_609 : vector<16xf32> to vector<16xf32>
      %parallel_loop3A_611 = arith.constant 0 : i32
      %parallel_loop3A_612 = arith.addi %parallel_loop3A_69, %parallel_loop3A_611 : i32
      %parallel_loop3A_613 = arith.index_cast %parallel_loop3A_612 : i32 to index
      %parallel_loop3A_614 = tpu.vector_load %arg8[%parallel_loop3A_613] {strides = array<i32>} : memref<8192xf32, #tpu.memory_space<vmem>>, vector<16xf32>,
      %parallel_loop3A_615 = vector.shape_cast %parallel_loop3A_614 : vector<16xf32> to vector<16xf32>
      %parallel_loop3A_616 = arith.constant 0.000000e+00 : f32
      %parallel_loop3A_617 = vector.broadcast %parallel_loop3A_616 : f32 to vector<16xf32>
      %parallel_loop3A_618 = arith.cmpf oge, %parallel_loop3A_610, %parallel_loop3A_617 : vector<16xf32>
      %parallel_loop3A_619 = arith.mulf %parallel_loop3A_615, %parallel_loop3A_610 : vector<16xf32>
      %parallel_loop3A_620 = arith.select %parallel_loop3A_618, %parallel_loop3A_610, %parallel_loop3A_619 : vector<16xi1>, vector<16xf32>
      %parallel_loop3A_621 = arith.constant 0 : i32
      %parallel_loop3A_622 = arith.addi %parallel_loop3A_605, %parallel_loop3A_621 : i32
      %parallel_loop3A_623 = arith.index_cast %parallel_loop3A_622 : i32 to index
      %parallel_loop3A_624 = tpu.vector_load %arg10[%parallel_loop3A_623] {strides = array<i32>} : memref<65536xf32, #tpu.memory_space<vmem>>, vector<16xf32>,
      %parallel_loop3A_625 = vector.shape_cast %parallel_loop3A_624 : vector<16xf32> to vector<16xf32>
      %parallel_loop3A_626 = vector.shape_cast %parallel_loop3A_620 : vector<16xf32> to vector<16xf32>
      tpu.vector_store %arg10[%parallel_loop3A_623], %parallel_loop3A_626 {strides = array<i32>} : memref<65536xf32, #tpu.memory_space<vmem>>, vector<16xf32>,
      %parallel_loop3A_627 = arith.constant 16 : i32
      %parallel_loop3A_628 = arith.addi %parallel_loop3A_605, %parallel_loop3A_627 : i32
      %parallel_loop3A_629 = arith.index_cast %parallel_loop3A_628 : i32 to index
      %parallel_loop3A_630 = tpu.vector_load %arg10[%parallel_loop3A_629] {strides = array<i32>} : memref<65536xf32, #tpu.memory_space<vmem>>, vector<16xf32>,
      %parallel_loop3A_631 = vector.shape_cast %parallel_loop3A_630 : vector<16xf32> to vector<16xf32>
      %parallel_loop3A_632 = arith.constant 16 : i32
      %parallel_loop3A_633 = arith.addi %parallel_loop3A_69, %parallel_loop3A_632 : i32
      %parallel_loop3A_634 = arith.index_cast %parallel_loop3A_633 : i32 to index
      %parallel_loop3A_635 = tpu.vector_load %arg8[%parallel_loop3A_634] {strides = array<i32>} : memref<8192xf32, #tpu.memory_space<vmem>>, vector<16xf32>,
      %parallel_loop3A_636 = vector.shape_cast %parallel_loop3A_635 : vector<16xf32> to vector<16xf32>
      %parallel_loop3A_637 = arith.constant 0.000000e+00 : f32
      %parallel_loop3A_638 = vector.broadcast %parallel_loop3A_637 : f32 to vector<16xf32>
      %parallel_loop3A_639 = arith.cmpf oge, %parallel_loop3A_631, %parallel_loop3A_638 : vector<16xf32>
      %parallel_loop3A_640 = arith.mulf %parallel_loop3A_636, %parallel_loop3A_631 : vector<16xf32>
      %parallel_loop3A_641 = arith.select %parallel_loop3A_639, %parallel_loop3A_631, %parallel_loop3A_640 : vector<16xi1>, vector<16xf32>
      %parallel_loop3A_642 = arith.constant 16 : i32
      %parallel_loop3A_643 = arith.addi %parallel_loop3A_605, %parallel_loop3A_642 : i32
      %parallel_loop3A_644 = arith.index_cast %parallel_loop3A_643 : i32 to index
      %parallel_loop3A_645 = tpu.vector_load %arg10[%parallel_loop3A_644] {strides = array<i32>} : memref<65536xf32, #tpu.memory_space<vmem>>, vector<16xf32>,
      %parallel_loop3A_646 = vector.shape_cast %parallel_loop3A_645 : vector<16xf32> to vector<16xf32>
      %parallel_loop3A_647 = vector.shape_cast %parallel_loop3A_641 : vector<16xf32> to vector<16xf32>
      tpu.vector_store %arg10[%parallel_loop3A_644], %parallel_loop3A_647 {strides = array<i32>} : memref<65536xf32, #tpu.memory_space<vmem>>, vector<16xf32>,
      %parallel_loop3A_648 = arith.constant 32 : i32
      %parallel_loop3A_649 = arith.addi %parallel_loop3A_605, %parallel_loop3A_648 : i32
      %parallel_loop3A_650 = arith.index_cast %parallel_loop3A_649 : i32 to index
      %parallel_loop3A_651 = tpu.vector_load %arg10[%parallel_loop3A_650] {strides = array<i32>} : memref<65536xf32, #tpu.memory_space<vmem>>, vector<16xf32>,
      %parallel_loop3A_652 = vector.shape_cast %parallel_loop3A_651 : vector<16xf32> to vector<16xf32>
      %parallel_loop3A_653 = arith.constant 32 : i32
      %parallel_loop3A_654 = arith.addi %parallel_loop3A_69, %parallel_loop3A_653 : i32
      %parallel_loop3A_655 = arith.index_cast %parallel_loop3A_654 : i32 to index
      %parallel_loop3A_656 = tpu.vector_load %arg8[%parallel_loop3A_655] {strides = array<i32>} : memref<8192xf32, #tpu.memory_space<vmem>>, vector<16xf32>,
      %parallel_loop3A_657 = vector.shape_cast %parallel_loop3A_656 : vector<16xf32> to vector<16xf32>
      %parallel_loop3A_658 = arith.constant 0.000000e+00 : f32
      %parallel_loop3A_659 = vector.broadcast %parallel_loop3A_658 : f32 to vector<16xf32>
      %parallel_loop3A_660 = arith.cmpf oge, %parallel_loop3A_652, %parallel_loop3A_659 : vector<16xf32>
      %parallel_loop3A_661 = arith.mulf %parallel_loop3A_657, %parallel_loop3A_652 : vector<16xf32>
      %parallel_loop3A_662 = arith.select %parallel_loop3A_660, %parallel_loop3A_652, %parallel_loop3A_661 : vector<16xi1>, vector<16xf32>
      %parallel_loop3A_663 = arith.constant 32 : i32
      %parallel_loop3A_664 = arith.addi %parallel_loop3A_605, %parallel_loop3A_663 : i32
      %parallel_loop3A_665 = arith.index_cast %parallel_loop3A_664 : i32 to index
      %parallel_loop3A_666 = tpu.vector_load %arg10[%parallel_loop3A_665] {strides = array<i32>} : memref<65536xf32, #tpu.memory_space<vmem>>, vector<16xf32>,
      %parallel_loop3A_667 = vector.shape_cast %parallel_loop3A_666 : vector<16xf32> to vector<16xf32>
      %parallel_loop3A_668 = vector.shape_cast %parallel_loop3A_662 : vector<16xf32> to vector<16xf32>
      tpu.vector_store %arg10[%parallel_loop3A_665], %parallel_loop3A_668 {strides = array<i32>} : memref<65536xf32, #tpu.memory_space<vmem>>, vector<16xf32>,
      %parallel_loop3A_669 = arith.constant 48 : i32
      %parallel_loop3A_670 = arith.addi %parallel_loop3A_605, %parallel_loop3A_669 : i32
      %parallel_loop3A_671 = arith.index_cast %parallel_loop3A_670 : i32 to index
      %parallel_loop3A_672 = tpu.vector_load %arg10[%parallel_loop3A_671] {strides = array<i32>} : memref<65536xf32, #tpu.memory_space<vmem>>, vector<16xf32>,
      %parallel_loop3A_673 = vector.shape_cast %parallel_loop3A_672 : vector<16xf32> to vector<16xf32>
      %parallel_loop3A_674 = arith.constant 48 : i32
      %parallel_loop3A_675 = arith.addi %parallel_loop3A_69, %parallel_loop3A_674 : i32
      %parallel_loop3A_676 = arith.index_cast %parallel_loop3A_675 : i32 to index
      %parallel_loop3A_677 = tpu.vector_load %arg8[%parallel_loop3A_676] {strides = array<i32>} : memref<8192xf32, #tpu.memory_space<vmem>>, vector<16xf32>,
      %parallel_loop3A_678 = vector.shape_cast %parallel_loop3A_677 : vector<16xf32> to vector<16xf32>
      %parallel_loop3A_679 = arith.constant 0.000000e+00 : f32
      %parallel_loop3A_680 = vector.broadcast %parallel_loop3A_679 : f32 to vector<16xf32>
      %parallel_loop3A_681 = arith.cmpf oge, %parallel_loop3A_673, %parallel_loop3A_680 : vector<16xf32>
      %parallel_loop3A_682 = arith.mulf %parallel_loop3A_678, %parallel_loop3A_673 : vector<16xf32>
      %parallel_loop3A_683 = arith.select %parallel_loop3A_681, %parallel_loop3A_673, %parallel_loop3A_682 : vector<16xi1>, vector<16xf32>
      %parallel_loop3A_684 = arith.constant 48 : i32
      %parallel_loop3A_685 = arith.addi %parallel_loop3A_605, %parallel_loop3A_684 : i32
      %parallel_loop3A_686 = arith.index_cast %parallel_loop3A_685 : i32 to index
      %parallel_loop3A_687 = tpu.vector_load %arg10[%parallel_loop3A_686] {strides = array<i32>} : memref<65536xf32, #tpu.memory_space<vmem>>, vector<16xf32>,
      %parallel_loop3A_688 = vector.shape_cast %parallel_loop3A_687 : vector<16xf32> to vector<16xf32>
      %parallel_loop3A_689 = vector.shape_cast %parallel_loop3A_683 : vector<16xf32> to vector<16xf32>
      tpu.vector_store %arg10[%parallel_loop3A_686], %parallel_loop3A_689 {strides = array<i32>} : memref<65536xf32, #tpu.memory_space<vmem>>, vector<16xf32>,
      %parallel_loop3A_690 = arith.constant 64 : i32
      %parallel_loop3A_691 = arith.addi %parallel_loop3A_605, %parallel_loop3A_690 : i32
      %parallel_loop3A_692 = arith.index_cast %parallel_loop3A_691 : i32 to index
      %parallel_loop3A_693 = tpu.vector_load %arg10[%parallel_loop3A_692] {strides = array<i32>} : memref<65536xf32, #tpu.memory_space<vmem>>, vector<16xf32>,
      %parallel_loop3A_694 = vector.shape_cast %parallel_loop3A_693 : vector<16xf32> to vector<16xf32>
      %parallel_loop3A_695 = arith.constant 64 : i32
      %parallel_loop3A_696 = arith.addi %parallel_loop3A_69, %parallel_loop3A_695 : i32
      %parallel_loop3A_697 = arith.index_cast %parallel_loop3A_696 : i32 to index
      %parallel_loop3A_698 = tpu.vector_load %arg8[%parallel_loop3A_697] {strides = array<i32>} : memref<8192xf32, #tpu.memory_space<vmem>>, vector<16xf32>,
      %parallel_loop3A_699 = vector.shape_cast %parallel_loop3A_698 : vector<16xf32> to vector<16xf32>
      %parallel_loop3A_700 = arith.constant 0.000000e+00 : f32
      %parallel_loop3A_701 = vector.broadcast %parallel_loop3A_700 : f32 to vector<16xf32>
      %parallel_loop3A_702 = arith.cmpf oge, %parallel_loop3A_694, %parallel_loop3A_701 : vector<16xf32>
      %parallel_loop3A_703 = arith.mulf %parallel_loop3A_699, %parallel_loop3A_694 : vector<16xf32>
      %parallel_loop3A_704 = arith.select %parallel_loop3A_702, %parallel_loop3A_694, %parallel_loop3A_703 : vector<16xi1>, vector<16xf32>
      %parallel_loop3A_705 = arith.constant 64 : i32
      %parallel_loop3A_706 = arith.addi %parallel_loop3A_605, %parallel_loop3A_705 : i32
      %parallel_loop3A_707 = arith.index_cast %parallel_loop3A_706 : i32 to index
      %parallel_loop3A_708 = tpu.vector_load %arg10[%parallel_loop3A_707] {strides = array<i32>} : memref<65536xf32, #tpu.memory_space<vmem>>, vector<16xf32>,
      %parallel_loop3A_709 = vector.shape_cast %parallel_loop3A_708 : vector<16xf32> to vector<16xf32>
      %parallel_loop3A_710 = vector.shape_cast %parallel_loop3A_704 : vector<16xf32> to vector<16xf32>
      tpu.vector_store %arg10[%parallel_loop3A_707], %parallel_loop3A_710 {strides = array<i32>} : memref<65536xf32, #tpu.memory_space<vmem>>, vector<16xf32>,
      %parallel_loop3A_711 = arith.constant 80 : i32
      %parallel_loop3A_712 = arith.addi %parallel_loop3A_605, %parallel_loop3A_711 : i32
      %parallel_loop3A_713 = arith.index_cast %parallel_loop3A_712 : i32 to index
      %parallel_loop3A_714 = tpu.vector_load %arg10[%parallel_loop3A_713] {strides = array<i32>} : memref<65536xf32, #tpu.memory_space<vmem>>, vector<16xf32>,
      %parallel_loop3A_715 = vector.shape_cast %parallel_loop3A_714 : vector<16xf32> to vector<16xf32>
      %parallel_loop3A_716 = arith.constant 80 : i32
      %parallel_loop3A_717 = arith.addi %parallel_loop3A_69, %parallel_loop3A_716 : i32
      %parallel_loop3A_718 = arith.index_cast %parallel_loop3A_717 : i32 to index
      %parallel_loop3A_719 = tpu.vector_load %arg8[%parallel_loop3A_718] {strides = array<i32>} : memref<8192xf32, #tpu.memory_space<vmem>>, vector<16xf32>,
      %parallel_loop3A_720 = vector.shape_cast %parallel_loop3A_719 : vector<16xf32> to vector<16xf32>
      %parallel_loop3A_721 = arith.constant 0.000000e+00 : f32
      %parallel_loop3A_722 = vector.broadcast %parallel_loop3A_721 : f32 to vector<16xf32>
      %parallel_loop3A_723 = arith.cmpf oge, %parallel_loop3A_715, %parallel_loop3A_722 : vector<16xf32>
      %parallel_loop3A_724 = arith.mulf %parallel_loop3A_720, %parallel_loop3A_715 : vector<16xf32>
      %parallel_loop3A_725 = arith.select %parallel_loop3A_723, %parallel_loop3A_715, %parallel_loop3A_724 : vector<16xi1>, vector<16xf32>
      %parallel_loop3A_726 = arith.constant 80 : i32
      %parallel_loop3A_727 = arith.addi %parallel_loop3A_605, %parallel_loop3A_726 : i32
      %parallel_loop3A_728 = arith.index_cast %parallel_loop3A_727 : i32 to index
      %parallel_loop3A_729 = tpu.vector_load %arg10[%parallel_loop3A_728] {strides = array<i32>} : memref<65536xf32, #tpu.memory_space<vmem>>, vector<16xf32>,
      %parallel_loop3A_730 = vector.shape_cast %parallel_loop3A_729 : vector<16xf32> to vector<16xf32>
      %parallel_loop3A_731 = vector.shape_cast %parallel_loop3A_725 : vector<16xf32> to vector<16xf32>
      tpu.vector_store %arg10[%parallel_loop3A_728], %parallel_loop3A_731 {strides = array<i32>} : memref<65536xf32, #tpu.memory_space<vmem>>, vector<16xf32>,
      %parallel_loop3A_732 = arith.constant 96 : i32
      %parallel_loop3A_733 = arith.addi %parallel_loop3A_605, %parallel_loop3A_732 : i32
      %parallel_loop3A_734 = arith.index_cast %parallel_loop3A_733 : i32 to index
      %parallel_loop3A_735 = tpu.vector_load %arg10[%parallel_loop3A_734] {strides = array<i32>} : memref<65536xf32, #tpu.memory_space<vmem>>, vector<16xf32>,
      %parallel_loop3A_736 = vector.shape_cast %parallel_loop3A_735 : vector<16xf32> to vector<16xf32>
      %parallel_loop3A_737 = arith.constant 96 : i32
      %parallel_loop3A_738 = arith.addi %parallel_loop3A_69, %parallel_loop3A_737 : i32
      %parallel_loop3A_739 = arith.index_cast %parallel_loop3A_738 : i32 to index
      %parallel_loop3A_740 = tpu.vector_load %arg8[%parallel_loop3A_739] {strides = array<i32>} : memref<8192xf32, #tpu.memory_space<vmem>>, vector<16xf32>,
      %parallel_loop3A_741 = vector.shape_cast %parallel_loop3A_740 : vector<16xf32> to vector<16xf32>
      %parallel_loop3A_742 = arith.constant 0.000000e+00 : f32
      %parallel_loop3A_743 = vector.broadcast %parallel_loop3A_742 : f32 to vector<16xf32>
      %parallel_loop3A_744 = arith.cmpf oge, %parallel_loop3A_736, %parallel_loop3A_743 : vector<16xf32>
      %parallel_loop3A_745 = arith.mulf %parallel_loop3A_741, %parallel_loop3A_736 : vector<16xf32>
      %parallel_loop3A_746 = arith.select %parallel_loop3A_744, %parallel_loop3A_736, %parallel_loop3A_745 : vector<16xi1>, vector<16xf32>
      %parallel_loop3A_747 = arith.constant 96 : i32
      %parallel_loop3A_748 = arith.addi %parallel_loop3A_605, %parallel_loop3A_747 : i32
      %parallel_loop3A_749 = arith.index_cast %parallel_loop3A_748 : i32 to index
      %parallel_loop3A_750 = tpu.vector_load %arg10[%parallel_loop3A_749] {strides = array<i32>} : memref<65536xf32, #tpu.memory_space<vmem>>, vector<16xf32>,
      %parallel_loop3A_751 = vector.shape_cast %parallel_loop3A_750 : vector<16xf32> to vector<16xf32>
      %parallel_loop3A_752 = vector.shape_cast %parallel_loop3A_746 : vector<16xf32> to vector<16xf32>
      tpu.vector_store %arg10[%parallel_loop3A_749], %parallel_loop3A_752 {strides = array<i32>} : memref<65536xf32, #tpu.memory_space<vmem>>, vector<16xf32>,
      %parallel_loop3A_753 = arith.constant 112 : i32
      %parallel_loop3A_754 = arith.addi %parallel_loop3A_605, %parallel_loop3A_753 : i32
      %parallel_loop3A_755 = arith.index_cast %parallel_loop3A_754 : i32 to index
      %parallel_loop3A_756 = tpu.vector_load %arg10[%parallel_loop3A_755] {strides = array<i32>} : memref<65536xf32, #tpu.memory_space<vmem>>, vector<16xf32>,
      %parallel_loop3A_757 = vector.shape_cast %parallel_loop3A_756 : vector<16xf32> to vector<16xf32>
      %parallel_loop3A_758 = arith.constant 112 : i32
      %parallel_loop3A_759 = arith.addi %parallel_loop3A_69, %parallel_loop3A_758 : i32
      %parallel_loop3A_760 = arith.index_cast %parallel_loop3A_759 : i32 to index
      %parallel_loop3A_761 = tpu.vector_load %arg8[%parallel_loop3A_760] {strides = array<i32>} : memref<8192xf32, #tpu.memory_space<vmem>>, vector<16xf32>,
      %parallel_loop3A_762 = vector.shape_cast %parallel_loop3A_761 : vector<16xf32> to vector<16xf32>
      %parallel_loop3A_763 = arith.constant 0.000000e+00 : f32
      %parallel_loop3A_764 = vector.broadcast %parallel_loop3A_763 : f32 to vector<16xf32>
      %parallel_loop3A_765 = arith.cmpf oge, %parallel_loop3A_757, %parallel_loop3A_764 : vector<16xf32>
      %parallel_loop3A_766 = arith.mulf %parallel_loop3A_762, %parallel_loop3A_757 : vector<16xf32>
      %parallel_loop3A_767 = arith.select %parallel_loop3A_765, %parallel_loop3A_757, %parallel_loop3A_766 : vector<16xi1>, vector<16xf32>
      %parallel_loop3A_768 = arith.constant 112 : i32
      %parallel_loop3A_769 = arith.addi %parallel_loop3A_605, %parallel_loop3A_768 : i32
      %parallel_loop3A_770 = arith.index_cast %parallel_loop3A_769 : i32 to index
      %parallel_loop3A_771 = tpu.vector_load %arg10[%parallel_loop3A_770] {strides = array<i32>} : memref<65536xf32, #tpu.memory_space<vmem>>, vector<16xf32>,
      %parallel_loop3A_772 = vector.shape_cast %parallel_loop3A_771 : vector<16xf32> to vector<16xf32>
      %parallel_loop3A_773 = vector.shape_cast %parallel_loop3A_767 : vector<16xf32> to vector<16xf32>
      tpu.vector_store %arg10[%parallel_loop3A_770], %parallel_loop3A_773 {strides = array<i32>} : memref<65536xf32, #tpu.memory_space<vmem>>, vector<16xf32>,
      %parallel_loop3A_774 = arith.constant 512 : i32
      %parallel_loop3A_775 = arith.addi %parallel_loop3A_61, %parallel_loop3A_774 : i32
      %parallel_loop3A_776 = arith.constant 0 : i32
      %parallel_loop3A_777 = arith.addi %parallel_loop3A_775, %parallel_loop3A_776 : i32
      %parallel_loop3A_778 = arith.index_cast %parallel_loop3A_777 : i32 to index
      %parallel_loop3A_779 = tpu.vector_load %arg10[%parallel_loop3A_778] {strides = array<i32>} : memref<65536xf32, #tpu.memory_space<vmem>>, vector<16xf32>,
      %parallel_loop3A_780 = vector.shape_cast %parallel_loop3A_779 : vector<16xf32> to vector<16xf32>
      %parallel_loop3A_781 = arith.constant 0 : i32
      %parallel_loop3A_782 = arith.addi %parallel_loop3A_71, %parallel_loop3A_781 : i32
      %parallel_loop3A_783 = arith.index_cast %parallel_loop3A_782 : i32 to index
      %parallel_loop3A_784 = tpu.vector_load %arg8[%parallel_loop3A_783] {strides = array<i32>} : memref<8192xf32, #tpu.memory_space<vmem>>, vector<16xf32>,
      %parallel_loop3A_785 = vector.shape_cast %parallel_loop3A_784 : vector<16xf32> to vector<16xf32>
      %parallel_loop3A_786 = arith.constant 0.000000e+00 : f32
      %parallel_loop3A_787 = vector.broadcast %parallel_loop3A_786 : f32 to vector<16xf32>
      %parallel_loop3A_788 = arith.cmpf oge, %parallel_loop3A_780, %parallel_loop3A_787 : vector<16xf32>
      %parallel_loop3A_789 = arith.mulf %parallel_loop3A_785, %parallel_loop3A_780 : vector<16xf32>
      %parallel_loop3A_790 = arith.select %parallel_loop3A_788, %parallel_loop3A_780, %parallel_loop3A_789 : vector<16xi1>, vector<16xf32>
      %parallel_loop3A_791 = arith.constant 0 : i32
      %parallel_loop3A_792 = arith.addi %parallel_loop3A_775, %parallel_loop3A_791 : i32
      %parallel_loop3A_793 = arith.index_cast %parallel_loop3A_792 : i32 to index
      %parallel_loop3A_794 = tpu.vector_load %arg10[%parallel_loop3A_793] {strides = array<i32>} : memref<65536xf32, #tpu.memory_space<vmem>>, vector<16xf32>,
      %parallel_loop3A_795 = vector.shape_cast %parallel_loop3A_794 : vector<16xf32> to vector<16xf32>
      %parallel_loop3A_796 = vector.shape_cast %parallel_loop3A_790 : vector<16xf32> to vector<16xf32>
      tpu.vector_store %arg10[%parallel_loop3A_793], %parallel_loop3A_796 {strides = array<i32>} : memref<65536xf32, #tpu.memory_space<vmem>>, vector<16xf32>,
      %parallel_loop3A_797 = arith.constant 16 : i32
      %parallel_loop3A_798 = arith.addi %parallel_loop3A_775, %parallel_loop3A_797 : i32
      %parallel_loop3A_799 = arith.index_cast %parallel_loop3A_798 : i32 to index
      %parallel_loop3A_800 = tpu.vector_load %arg10[%parallel_loop3A_799] {strides = array<i32>} : memref<65536xf32, #tpu.memory_space<vmem>>, vector<16xf32>,
      %parallel_loop3A_801 = vector.shape_cast %parallel_loop3A_800 : vector<16xf32> to vector<16xf32>
      %parallel_loop3A_802 = arith.constant 16 : i32
      %parallel_loop3A_803 = arith.addi %parallel_loop3A_71, %parallel_loop3A_802 : i32
      %parallel_loop3A_804 = arith.index_cast %parallel_loop3A_803 : i32 to index
      %parallel_loop3A_805 = tpu.vector_load %arg8[%parallel_loop3A_804] {strides = array<i32>} : memref<8192xf32, #tpu.memory_space<vmem>>, vector<16xf32>,
      %parallel_loop3A_806 = vector.shape_cast %parallel_loop3A_805 : vector<16xf32> to vector<16xf32>
      %parallel_loop3A_807 = arith.constant 0.000000e+00 : f32
      %parallel_loop3A_808 = vector.broadcast %parallel_loop3A_807 : f32 to vector<16xf32>
      %parallel_loop3A_809 = arith.cmpf oge, %parallel_loop3A_801, %parallel_loop3A_808 : vector<16xf32>
      %parallel_loop3A_810 = arith.mulf %parallel_loop3A_806, %parallel_loop3A_801 : vector<16xf32>
      %parallel_loop3A_811 = arith.select %parallel_loop3A_809, %parallel_loop3A_801, %parallel_loop3A_810 : vector<16xi1>, vector<16xf32>
      %parallel_loop3A_812 = arith.constant 16 : i32
      %parallel_loop3A_813 = arith.addi %parallel_loop3A_775, %parallel_loop3A_812 : i32
      %parallel_loop3A_814 = arith.index_cast %parallel_loop3A_813 : i32 to index
      %parallel_loop3A_815 = tpu.vector_load %arg10[%parallel_loop3A_814] {strides = array<i32>} : memref<65536xf32, #tpu.memory_space<vmem>>, vector<16xf32>,
      %parallel_loop3A_816 = vector.shape_cast %parallel_loop3A_815 : vector<16xf32> to vector<16xf32>
      %parallel_loop3A_817 = vector.shape_cast %parallel_loop3A_811 : vector<16xf32> to vector<16xf32>
      tpu.vector_store %arg10[%parallel_loop3A_814], %parallel_loop3A_817 {strides = array<i32>} : memref<65536xf32, #tpu.memory_space<vmem>>, vector<16xf32>,
      %parallel_loop3A_818 = arith.constant 32 : i32
      %parallel_loop3A_819 = arith.addi %parallel_loop3A_775, %parallel_loop3A_818 : i32
      %parallel_loop3A_820 = arith.index_cast %parallel_loop3A_819 : i32 to index
      %parallel_loop3A_821 = tpu.vector_load %arg10[%parallel_loop3A_820] {strides = array<i32>} : memref<65536xf32, #tpu.memory_space<vmem>>, vector<16xf32>,
      %parallel_loop3A_822 = vector.shape_cast %parallel_loop3A_821 : vector<16xf32> to vector<16xf32>
      %parallel_loop3A_823 = arith.constant 32 : i32
      %parallel_loop3A_824 = arith.addi %parallel_loop3A_71, %parallel_loop3A_823 : i32
      %parallel_loop3A_825 = arith.index_cast %parallel_loop3A_824 : i32 to index
      %parallel_loop3A_826 = tpu.vector_load %arg8[%parallel_loop3A_825] {strides = array<i32>} : memref<8192xf32, #tpu.memory_space<vmem>>, vector<16xf32>,
      %parallel_loop3A_827 = vector.shape_cast %parallel_loop3A_826 : vector<16xf32> to vector<16xf32>
      %parallel_loop3A_828 = arith.constant 0.000000e+00 : f32
      %parallel_loop3A_829 = vector.broadcast %parallel_loop3A_828 : f32 to vector<16xf32>
      %parallel_loop3A_830 = arith.cmpf oge, %parallel_loop3A_822, %parallel_loop3A_829 : vector<16xf32>
      %parallel_loop3A_831 = arith.mulf %parallel_loop3A_827, %parallel_loop3A_822 : vector<16xf32>
      %parallel_loop3A_832 = arith.select %parallel_loop3A_830, %parallel_loop3A_822, %parallel_loop3A_831 : vector<16xi1>, vector<16xf32>
      %parallel_loop3A_833 = arith.constant 32 : i32
      %parallel_loop3A_834 = arith.addi %parallel_loop3A_775, %parallel_loop3A_833 : i32
      %parallel_loop3A_835 = arith.index_cast %parallel_loop3A_834 : i32 to index
      %parallel_loop3A_836 = tpu.vector_load %arg10[%parallel_loop3A_835] {strides = array<i32>} : memref<65536xf32, #tpu.memory_space<vmem>>, vector<16xf32>,
      %parallel_loop3A_837 = vector.shape_cast %parallel_loop3A_836 : vector<16xf32> to vector<16xf32>
      %parallel_loop3A_838 = vector.shape_cast %parallel_loop3A_832 : vector<16xf32> to vector<16xf32>
      tpu.vector_store %arg10[%parallel_loop3A_835], %parallel_loop3A_838 {strides = array<i32>} : memref<65536xf32, #tpu.memory_space<vmem>>, vector<16xf32>,
      %parallel_loop3A_839 = arith.constant 48 : i32
      %parallel_loop3A_840 = arith.addi %parallel_loop3A_775, %parallel_loop3A_839 : i32
      %parallel_loop3A_841 = arith.index_cast %parallel_loop3A_840 : i32 to index
      %parallel_loop3A_842 = tpu.vector_load %arg10[%parallel_loop3A_841] {strides = array<i32>} : memref<65536xf32, #tpu.memory_space<vmem>>, vector<16xf32>,
      %parallel_loop3A_843 = vector.shape_cast %parallel_loop3A_842 : vector<16xf32> to vector<16xf32>
      %parallel_loop3A_844 = arith.constant 48 : i32
      %parallel_loop3A_845 = arith.addi %parallel_loop3A_71, %parallel_loop3A_844 : i32
      %parallel_loop3A_846 = arith.index_cast %parallel_loop3A_845 : i32 to index
      %parallel_loop3A_847 = tpu.vector_load %arg8[%parallel_loop3A_846] {strides = array<i32>} : memref<8192xf32, #tpu.memory_space<vmem>>, vector<16xf32>,
      %parallel_loop3A_848 = vector.shape_cast %parallel_loop3A_847 : vector<16xf32> to vector<16xf32>
      %parallel_loop3A_849 = arith.constant 0.000000e+00 : f32
      %parallel_loop3A_850 = vector.broadcast %parallel_loop3A_849 : f32 to vector<16xf32>
      %parallel_loop3A_851 = arith.cmpf oge, %parallel_loop3A_843, %parallel_loop3A_850 : vector<16xf32>
      %parallel_loop3A_852 = arith.mulf %parallel_loop3A_848, %parallel_loop3A_843 : vector<16xf32>
      %parallel_loop3A_853 = arith.select %parallel_loop3A_851, %parallel_loop3A_843, %parallel_loop3A_852 : vector<16xi1>, vector<16xf32>
      %parallel_loop3A_854 = arith.constant 48 : i32
      %parallel_loop3A_855 = arith.addi %parallel_loop3A_775, %parallel_loop3A_854 : i32
      %parallel_loop3A_856 = arith.index_cast %parallel_loop3A_855 : i32 to index
      %parallel_loop3A_857 = tpu.vector_load %arg10[%parallel_loop3A_856] {strides = array<i32>} : memref<65536xf32, #tpu.memory_space<vmem>>, vector<16xf32>,
      %parallel_loop3A_858 = vector.shape_cast %parallel_loop3A_857 : vector<16xf32> to vector<16xf32>
      %parallel_loop3A_859 = vector.shape_cast %parallel_loop3A_853 : vector<16xf32> to vector<16xf32>
      tpu.vector_store %arg10[%parallel_loop3A_856], %parallel_loop3A_859 {strides = array<i32>} : memref<65536xf32, #tpu.memory_space<vmem>>, vector<16xf32>,
      %parallel_loop3A_860 = arith.constant 64 : i32
      %parallel_loop3A_861 = arith.addi %parallel_loop3A_775, %parallel_loop3A_860 : i32
      %parallel_loop3A_862 = arith.index_cast %parallel_loop3A_861 : i32 to index
      %parallel_loop3A_863 = tpu.vector_load %arg10[%parallel_loop3A_862] {strides = array<i32>} : memref<65536xf32, #tpu.memory_space<vmem>>, vector<16xf32>,
      %parallel_loop3A_864 = vector.shape_cast %parallel_loop3A_863 : vector<16xf32> to vector<16xf32>
      %parallel_loop3A_865 = arith.constant 64 : i32
      %parallel_loop3A_866 = arith.addi %parallel_loop3A_71, %parallel_loop3A_865 : i32
      %parallel_loop3A_867 = arith.index_cast %parallel_loop3A_866 : i32 to index
      %parallel_loop3A_868 = tpu.vector_load %arg8[%parallel_loop3A_867] {strides = array<i32>} : memref<8192xf32, #tpu.memory_space<vmem>>, vector<16xf32>,
      %parallel_loop3A_869 = vector.shape_cast %parallel_loop3A_868 : vector<16xf32> to vector<16xf32>
      %parallel_loop3A_870 = arith.constant 0.000000e+00 : f32
      %parallel_loop3A_871 = vector.broadcast %parallel_loop3A_870 : f32 to vector<16xf32>
      %parallel_loop3A_872 = arith.cmpf oge, %parallel_loop3A_864, %parallel_loop3A_871 : vector<16xf32>
      %parallel_loop3A_873 = arith.mulf %parallel_loop3A_869, %parallel_loop3A_864 : vector<16xf32>
      %parallel_loop3A_874 = arith.select %parallel_loop3A_872, %parallel_loop3A_864, %parallel_loop3A_873 : vector<16xi1>, vector<16xf32>
      %parallel_loop3A_875 = arith.constant 64 : i32
      %parallel_loop3A_876 = arith.addi %parallel_loop3A_775, %parallel_loop3A_875 : i32
      %parallel_loop3A_877 = arith.index_cast %parallel_loop3A_876 : i32 to index
      %parallel_loop3A_878 = tpu.vector_load %arg10[%parallel_loop3A_877] {strides = array<i32>} : memref<65536xf32, #tpu.memory_space<vmem>>, vector<16xf32>,
      %parallel_loop3A_879 = vector.shape_cast %parallel_loop3A_878 : vector<16xf32> to vector<16xf32>
      %parallel_loop3A_880 = vector.shape_cast %parallel_loop3A_874 : vector<16xf32> to vector<16xf32>
      tpu.vector_store %arg10[%parallel_loop3A_877], %parallel_loop3A_880 {strides = array<i32>} : memref<65536xf32, #tpu.memory_space<vmem>>, vector<16xf32>,
      %parallel_loop3A_881 = arith.constant 80 : i32
      %parallel_loop3A_882 = arith.addi %parallel_loop3A_775, %parallel_loop3A_881 : i32
      %parallel_loop3A_883 = arith.index_cast %parallel_loop3A_882 : i32 to index
      %parallel_loop3A_884 = tpu.vector_load %arg10[%parallel_loop3A_883] {strides = array<i32>} : memref<65536xf32, #tpu.memory_space<vmem>>, vector<16xf32>,
      %parallel_loop3A_885 = vector.shape_cast %parallel_loop3A_884 : vector<16xf32> to vector<16xf32>
      %parallel_loop3A_886 = arith.constant 80 : i32
      %parallel_loop3A_887 = arith.addi %parallel_loop3A_71, %parallel_loop3A_886 : i32
      %parallel_loop3A_888 = arith.index_cast %parallel_loop3A_887 : i32 to index
      %parallel_loop3A_889 = tpu.vector_load %arg8[%parallel_loop3A_888] {strides = array<i32>} : memref<8192xf32, #tpu.memory_space<vmem>>, vector<16xf32>,
      %parallel_loop3A_890 = vector.shape_cast %parallel_loop3A_889 : vector<16xf32> to vector<16xf32>
      %parallel_loop3A_891 = arith.constant 0.000000e+00 : f32
      %parallel_loop3A_892 = vector.broadcast %parallel_loop3A_891 : f32 to vector<16xf32>
      %parallel_loop3A_893 = arith.cmpf oge, %parallel_loop3A_885, %parallel_loop3A_892 : vector<16xf32>
      %parallel_loop3A_894 = arith.mulf %parallel_loop3A_890, %parallel_loop3A_885 : vector<16xf32>
      %parallel_loop3A_895 = arith.select %parallel_loop3A_893, %parallel_loop3A_885, %parallel_loop3A_894 : vector<16xi1>, vector<16xf32>
      %parallel_loop3A_896 = arith.constant 80 : i32
      %parallel_loop3A_897 = arith.addi %parallel_loop3A_775, %parallel_loop3A_896 : i32
      %parallel_loop3A_898 = arith.index_cast %parallel_loop3A_897 : i32 to index
      %parallel_loop3A_899 = tpu.vector_load %arg10[%parallel_loop3A_898] {strides = array<i32>} : memref<65536xf32, #tpu.memory_space<vmem>>, vector<16xf32>,
      %parallel_loop3A_900 = vector.shape_cast %parallel_loop3A_899 : vector<16xf32> to vector<16xf32>
      %parallel_loop3A_901 = vector.shape_cast %parallel_loop3A_895 : vector<16xf32> to vector<16xf32>
      tpu.vector_store %arg10[%parallel_loop3A_898], %parallel_loop3A_901 {strides = array<i32>} : memref<65536xf32, #tpu.memory_space<vmem>>, vector<16xf32>,
      %parallel_loop3A_902 = arith.constant 96 : i32
      %parallel_loop3A_903 = arith.addi %parallel_loop3A_775, %parallel_loop3A_902 : i32
      %parallel_loop3A_904 = arith.index_cast %parallel_loop3A_903 : i32 to index
      %parallel_loop3A_905 = tpu.vector_load %arg10[%parallel_loop3A_904] {strides = array<i32>} : memref<65536xf32, #tpu.memory_space<vmem>>, vector<16xf32>,
      %parallel_loop3A_906 = vector.shape_cast %parallel_loop3A_905 : vector<16xf32> to vector<16xf32>
      %parallel_loop3A_907 = arith.constant 96 : i32
      %parallel_loop3A_908 = arith.addi %parallel_loop3A_71, %parallel_loop3A_907 : i32
      %parallel_loop3A_909 = arith.index_cast %parallel_loop3A_908 : i32 to index
      %parallel_loop3A_910 = tpu.vector_load %arg8[%parallel_loop3A_909] {strides = array<i32>} : memref<8192xf32, #tpu.memory_space<vmem>>, vector<16xf32>,
      %parallel_loop3A_911 = vector.shape_cast %parallel_loop3A_910 : vector<16xf32> to vector<16xf32>
      %parallel_loop3A_912 = arith.constant 0.000000e+00 : f32
      %parallel_loop3A_913 = vector.broadcast %parallel_loop3A_912 : f32 to vector<16xf32>
      %parallel_loop3A_914 = arith.cmpf oge, %parallel_loop3A_906, %parallel_loop3A_913 : vector<16xf32>
      %parallel_loop3A_915 = arith.mulf %parallel_loop3A_911, %parallel_loop3A_906 : vector<16xf32>
      %parallel_loop3A_916 = arith.select %parallel_loop3A_914, %parallel_loop3A_906, %parallel_loop3A_915 : vector<16xi1>, vector<16xf32>
      %parallel_loop3A_917 = arith.constant 96 : i32
      %parallel_loop3A_918 = arith.addi %parallel_loop3A_775, %parallel_loop3A_917 : i32
      %parallel_loop3A_919 = arith.index_cast %parallel_loop3A_918 : i32 to index
      %parallel_loop3A_920 = tpu.vector_load %arg10[%parallel_loop3A_919] {strides = array<i32>} : memref<65536xf32, #tpu.memory_space<vmem>>, vector<16xf32>,
      %parallel_loop3A_921 = vector.shape_cast %parallel_loop3A_920 : vector<16xf32> to vector<16xf32>
      %parallel_loop3A_922 = vector.shape_cast %parallel_loop3A_916 : vector<16xf32> to vector<16xf32>
      tpu.vector_store %arg10[%parallel_loop3A_919], %parallel_loop3A_922 {strides = array<i32>} : memref<65536xf32, #tpu.memory_space<vmem>>, vector<16xf32>,
      %parallel_loop3A_923 = arith.constant 112 : i32
      %parallel_loop3A_924 = arith.addi %parallel_loop3A_775, %parallel_loop3A_923 : i32
      %parallel_loop3A_925 = arith.index_cast %parallel_loop3A_924 : i32 to index
      %parallel_loop3A_926 = tpu.vector_load %arg10[%parallel_loop3A_925] {strides = array<i32>} : memref<65536xf32, #tpu.memory_space<vmem>>, vector<16xf32>,
      %parallel_loop3A_927 = vector.shape_cast %parallel_loop3A_926 : vector<16xf32> to vector<16xf32>
      %parallel_loop3A_928 = arith.constant 112 : i32
      %parallel_loop3A_929 = arith.addi %parallel_loop3A_71, %parallel_loop3A_928 : i32
      %parallel_loop3A_930 = arith.index_cast %parallel_loop3A_929 : i32 to index
      %parallel_loop3A_931 = tpu.vector_load %arg8[%parallel_loop3A_930] {strides = array<i32>} : memref<8192xf32, #tpu.memory_space<vmem>>, vector<16xf32>,
      %parallel_loop3A_932 = vector.shape_cast %parallel_loop3A_931 : vector<16xf32> to vector<16xf32>
      %parallel_loop3A_933 = arith.constant 0.000000e+00 : f32
      %parallel_loop3A_934 = vector.broadcast %parallel_loop3A_933 : f32 to vector<16xf32>
      %parallel_loop3A_935 = arith.cmpf oge, %parallel_loop3A_927, %parallel_loop3A_934 : vector<16xf32>
      %parallel_loop3A_936 = arith.mulf %parallel_loop3A_932, %parallel_loop3A_927 : vector<16xf32>
      %parallel_loop3A_937 = arith.select %parallel_loop3A_935, %parallel_loop3A_927, %parallel_loop3A_936 : vector<16xi1>, vector<16xf32>
      %parallel_loop3A_938 = arith.constant 112 : i32
      %parallel_loop3A_939 = arith.addi %parallel_loop3A_775, %parallel_loop3A_938 : i32
      %parallel_loop3A_940 = arith.index_cast %parallel_loop3A_939 : i32 to index
      %parallel_loop3A_941 = tpu.vector_load %arg10[%parallel_loop3A_940] {strides = array<i32>} : memref<65536xf32, #tpu.memory_space<vmem>>, vector<16xf32>,
      %parallel_loop3A_942 = vector.shape_cast %parallel_loop3A_941 : vector<16xf32> to vector<16xf32>
      %parallel_loop3A_943 = vector.shape_cast %parallel_loop3A_937 : vector<16xf32> to vector<16xf32>
      tpu.vector_store %arg10[%parallel_loop3A_940], %parallel_loop3A_943 {strides = array<i32>} : memref<65536xf32, #tpu.memory_space<vmem>>, vector<16xf32>,
      %parallel_loop3A_944 = arith.constant 640 : i32
      %parallel_loop3A_945 = arith.addi %parallel_loop3A_61, %parallel_loop3A_944 : i32
      %parallel_loop3A_946 = arith.constant 0 : i32
      %parallel_loop3A_947 = arith.addi %parallel_loop3A_945, %parallel_loop3A_946 : i32
      %parallel_loop3A_948 = arith.index_cast %parallel_loop3A_947 : i32 to index
      %parallel_loop3A_949 = tpu.vector_load %arg10[%parallel_loop3A_948] {strides = array<i32>} : memref<65536xf32, #tpu.memory_space<vmem>>, vector<16xf32>,
      %parallel_loop3A_950 = vector.shape_cast %parallel_loop3A_949 : vector<16xf32> to vector<16xf32>
      %parallel_loop3A_951 = arith.constant 0 : i32
      %parallel_loop3A_952 = arith.addi %parallel_loop3A_73, %parallel_loop3A_951 : i32
      %parallel_loop3A_953 = arith.index_cast %parallel_loop3A_952 : i32 to index
      %parallel_loop3A_954 = tpu.vector_load %arg8[%parallel_loop3A_953] {strides = array<i32>} : memref<8192xf32, #tpu.memory_space<vmem>>, vector<16xf32>,
      %parallel_loop3A_955 = vector.shape_cast %parallel_loop3A_954 : vector<16xf32> to vector<16xf32>
      %parallel_loop3A_956 = arith.constant 0.000000e+00 : f32
      %parallel_loop3A_957 = vector.broadcast %parallel_loop3A_956 : f32 to vector<16xf32>
      %parallel_loop3A_958 = arith.cmpf oge, %parallel_loop3A_950, %parallel_loop3A_957 : vector<16xf32>
      %parallel_loop3A_959 = arith.mulf %parallel_loop3A_955, %parallel_loop3A_950 : vector<16xf32>
      %parallel_loop3A_960 = arith.select %parallel_loop3A_958, %parallel_loop3A_950, %parallel_loop3A_959 : vector<16xi1>, vector<16xf32>
      %parallel_loop3A_961 = arith.constant 0 : i32
      %parallel_loop3A_962 = arith.addi %parallel_loop3A_945, %parallel_loop3A_961 : i32
      %parallel_loop3A_963 = arith.index_cast %parallel_loop3A_962 : i32 to index
      %parallel_loop3A_964 = tpu.vector_load %arg10[%parallel_loop3A_963] {strides = array<i32>} : memref<65536xf32, #tpu.memory_space<vmem>>, vector<16xf32>,
      %parallel_loop3A_965 = vector.shape_cast %parallel_loop3A_964 : vector<16xf32> to vector<16xf32>
      %parallel_loop3A_966 = vector.shape_cast %parallel_loop3A_960 : vector<16xf32> to vector<16xf32>
      tpu.vector_store %arg10[%parallel_loop3A_963], %parallel_loop3A_966 {strides = array<i32>} : memref<65536xf32, #tpu.memory_space<vmem>>, vector<16xf32>,
      %parallel_loop3A_967 = arith.constant 16 : i32
      %parallel_loop3A_968 = arith.addi %parallel_loop3A_945, %parallel_loop3A_967 : i32
      %parallel_loop3A_969 = arith.index_cast %parallel_loop3A_968 : i32 to index
      %parallel_loop3A_970 = tpu.vector_load %arg10[%parallel_loop3A_969] {strides = array<i32>} : memref<65536xf32, #tpu.memory_space<vmem>>, vector<16xf32>,
      %parallel_loop3A_971 = vector.shape_cast %parallel_loop3A_970 : vector<16xf32> to vector<16xf32>
      %parallel_loop3A_972 = arith.constant 16 : i32
      %parallel_loop3A_973 = arith.addi %parallel_loop3A_73, %parallel_loop3A_972 : i32
      %parallel_loop3A_974 = arith.index_cast %parallel_loop3A_973 : i32 to index
      %parallel_loop3A_975 = tpu.vector_load %arg8[%parallel_loop3A_974] {strides = array<i32>} : memref<8192xf32, #tpu.memory_space<vmem>>, vector<16xf32>,
      %parallel_loop3A_976 = vector.shape_cast %parallel_loop3A_975 : vector<16xf32> to vector<16xf32>
      %parallel_loop3A_977 = arith.constant 0.000000e+00 : f32
      %parallel_loop3A_978 = vector.broadcast %parallel_loop3A_977 : f32 to vector<16xf32>
      %parallel_loop3A_979 = arith.cmpf oge, %parallel_loop3A_971, %parallel_loop3A_978 : vector<16xf32>
      %parallel_loop3A_980 = arith.mulf %parallel_loop3A_976, %parallel_loop3A_971 : vector<16xf32>
      %parallel_loop3A_981 = arith.select %parallel_loop3A_979, %parallel_loop3A_971, %parallel_loop3A_980 : vector<16xi1>, vector<16xf32>
      %parallel_loop3A_982 = arith.constant 16 : i32
      %parallel_loop3A_983 = arith.addi %parallel_loop3A_945, %parallel_loop3A_982 : i32
      %parallel_loop3A_984 = arith.index_cast %parallel_loop3A_983 : i32 to index
      %parallel_loop3A_985 = tpu.vector_load %arg10[%parallel_loop3A_984] {strides = array<i32>} : memref<65536xf32, #tpu.memory_space<vmem>>, vector<16xf32>,
      %parallel_loop3A_986 = vector.shape_cast %parallel_loop3A_985 : vector<16xf32> to vector<16xf32>
      %parallel_loop3A_987 = vector.shape_cast %parallel_loop3A_981 : vector<16xf32> to vector<16xf32>
      tpu.vector_store %arg10[%parallel_loop3A_984], %parallel_loop3A_987 {strides = array<i32>} : memref<65536xf32, #tpu.memory_space<vmem>>, vector<16xf32>,
      %parallel_loop3A_988 = arith.constant 32 : i32
      %parallel_loop3A_989 = arith.addi %parallel_loop3A_945, %parallel_loop3A_988 : i32
      %parallel_loop3A_990 = arith.index_cast %parallel_loop3A_989 : i32 to index
      %parallel_loop3A_991 = tpu.vector_load %arg10[%parallel_loop3A_990] {strides = array<i32>} : memref<65536xf32, #tpu.memory_space<vmem>>, vector<16xf32>,
      %parallel_loop3A_992 = vector.shape_cast %parallel_loop3A_991 : vector<16xf32> to vector<16xf32>
      %parallel_loop3A_993 = arith.constant 32 : i32
      %parallel_loop3A_994 = arith.addi %parallel_loop3A_73, %parallel_loop3A_993 : i32
      %parallel_loop3A_995 = arith.index_cast %parallel_loop3A_994 : i32 to index
      %parallel_loop3A_996 = tpu.vector_load %arg8[%parallel_loop3A_995] {strides = array<i32>} : memref<8192xf32, #tpu.memory_space<vmem>>, vector<16xf32>,
      %parallel_loop3A_997 = vector.shape_cast %parallel_loop3A_996 : vector<16xf32> to vector<16xf32>
      %parallel_loop3A_998 = arith.constant 0.000000e+00 : f32
      %parallel_loop3A_999 = vector.broadcast %parallel_loop3A_998 : f32 to vector<16xf32>
      %parallel_loop3A_1000 = arith.cmpf oge, %parallel_loop3A_992, %parallel_loop3A_999 : vector<16xf32>
      %parallel_loop3A_1001 = arith.mulf %parallel_loop3A_997, %parallel_loop3A_992 : vector<16xf32>
      %parallel_loop3A_1002 = arith.select %parallel_loop3A_1000, %parallel_loop3A_992, %parallel_loop3A_1001 : vector<16xi1>, vector<16xf32>
      %parallel_loop3A_1003 = arith.constant 32 : i32
      %parallel_loop3A_1004 = arith.addi %parallel_loop3A_945, %parallel_loop3A_1003 : i32
      %parallel_loop3A_1005 = arith.index_cast %parallel_loop3A_1004 : i32 to index
      %parallel_loop3A_1006 = tpu.vector_load %arg10[%parallel_loop3A_1005] {strides = array<i32>} : memref<65536xf32, #tpu.memory_space<vmem>>, vector<16xf32>,
      %parallel_loop3A_1007 = vector.shape_cast %parallel_loop3A_1006 : vector<16xf32> to vector<16xf32>
      %parallel_loop3A_1008 = vector.shape_cast %parallel_loop3A_1002 : vector<16xf32> to vector<16xf32>
      tpu.vector_store %arg10[%parallel_loop3A_1005], %parallel_loop3A_1008 {strides = array<i32>} : memref<65536xf32, #tpu.memory_space<vmem>>, vector<16xf32>,
      %parallel_loop3A_1009 = arith.constant 48 : i32
      %parallel_loop3A_1010 = arith.addi %parallel_loop3A_945, %parallel_loop3A_1009 : i32
      %parallel_loop3A_1011 = arith.index_cast %parallel_loop3A_1010 : i32 to index
      %parallel_loop3A_1012 = tpu.vector_load %arg10[%parallel_loop3A_1011] {strides = array<i32>} : memref<65536xf32, #tpu.memory_space<vmem>>, vector<16xf32>,
      %parallel_loop3A_1013 = vector.shape_cast %parallel_loop3A_1012 : vector<16xf32> to vector<16xf32>
      %parallel_loop3A_1014 = arith.constant 48 : i32
      %parallel_loop3A_1015 = arith.addi %parallel_loop3A_73, %parallel_loop3A_1014 : i32
      %parallel_loop3A_1016 = arith.index_cast %parallel_loop3A_1015 : i32 to index
      %parallel_loop3A_1017 = tpu.vector_load %arg8[%parallel_loop3A_1016] {strides = array<i32>} : memref<8192xf32, #tpu.memory_space<vmem>>, vector<16xf32>,
      %parallel_loop3A_1018 = vector.shape_cast %parallel_loop3A_1017 : vector<16xf32> to vector<16xf32>
      %parallel_loop3A_1019 = arith.constant 0.000000e+00 : f32
      %parallel_loop3A_1020 = vector.broadcast %parallel_loop3A_1019 : f32 to vector<16xf32>
      %parallel_loop3A_1021 = arith.cmpf oge, %parallel_loop3A_1013, %parallel_loop3A_1020 : vector<16xf32>
      %parallel_loop3A_1022 = arith.mulf %parallel_loop3A_1018, %parallel_loop3A_1013 : vector<16xf32>
      %parallel_loop3A_1023 = arith.select %parallel_loop3A_1021, %parallel_loop3A_1013, %parallel_loop3A_1022 : vector<16xi1>, vector<16xf32>
      %parallel_loop3A_1024 = arith.constant 48 : i32
      %parallel_loop3A_1025 = arith.addi %parallel_loop3A_945, %parallel_loop3A_1024 : i32
      %parallel_loop3A_1026 = arith.index_cast %parallel_loop3A_1025 : i32 to index
      %parallel_loop3A_1027 = tpu.vector_load %arg10[%parallel_loop3A_1026] {strides = array<i32>} : memref<65536xf32, #tpu.memory_space<vmem>>, vector<16xf32>,
      %parallel_loop3A_1028 = vector.shape_cast %parallel_loop3A_1027 : vector<16xf32> to vector<16xf32>
      %parallel_loop3A_1029 = vector.shape_cast %parallel_loop3A_1023 : vector<16xf32> to vector<16xf32>
      tpu.vector_store %arg10[%parallel_loop3A_1026], %parallel_loop3A_1029 {strides = array<i32>} : memref<65536xf32, #tpu.memory_space<vmem>>, vector<16xf32>,
      %parallel_loop3A_1030 = arith.constant 64 : i32
      %parallel_loop3A_1031 = arith.addi %parallel_loop3A_945, %parallel_loop3A_1030 : i32
      %parallel_loop3A_1032 = arith.index_cast %parallel_loop3A_1031 : i32 to index
      %parallel_loop3A_1033 = tpu.vector_load %arg10[%parallel_loop3A_1032] {strides = array<i32>} : memref<65536xf32, #tpu.memory_space<vmem>>, vector<16xf32>,
      %parallel_loop3A_1034 = vector.shape_cast %parallel_loop3A_1033 : vector<16xf32> to vector<16xf32>
      %parallel_loop3A_1035 = arith.constant 64 : i32
      %parallel_loop3A_1036 = arith.addi %parallel_loop3A_73, %parallel_loop3A_1035 : i32
      %parallel_loop3A_1037 = arith.index_cast %parallel_loop3A_1036 : i32 to index
      %parallel_loop3A_1038 = tpu.vector_load %arg8[%parallel_loop3A_1037] {strides = array<i32>} : memref<8192xf32, #tpu.memory_space<vmem>>, vector<16xf32>,
      %parallel_loop3A_1039 = vector.shape_cast %parallel_loop3A_1038 : vector<16xf32> to vector<16xf32>
      %parallel_loop3A_1040 = arith.constant 0.000000e+00 : f32
      %parallel_loop3A_1041 = vector.broadcast %parallel_loop3A_1040 : f32 to vector<16xf32>
      %parallel_loop3A_1042 = arith.cmpf oge, %parallel_loop3A_1034, %parallel_loop3A_1041 : vector<16xf32>
      %parallel_loop3A_1043 = arith.mulf %parallel_loop3A_1039, %parallel_loop3A_1034 : vector<16xf32>
      %parallel_loop3A_1044 = arith.select %parallel_loop3A_1042, %parallel_loop3A_1034, %parallel_loop3A_1043 : vector<16xi1>, vector<16xf32>
      %parallel_loop3A_1045 = arith.constant 64 : i32
      %parallel_loop3A_1046 = arith.addi %parallel_loop3A_945, %parallel_loop3A_1045 : i32
      %parallel_loop3A_1047 = arith.index_cast %parallel_loop3A_1046 : i32 to index
      %parallel_loop3A_1048 = tpu.vector_load %arg10[%parallel_loop3A_1047] {strides = array<i32>} : memref<65536xf32, #tpu.memory_space<vmem>>, vector<16xf32>,
      %parallel_loop3A_1049 = vector.shape_cast %parallel_loop3A_1048 : vector<16xf32> to vector<16xf32>
      %parallel_loop3A_1050 = vector.shape_cast %parallel_loop3A_1044 : vector<16xf32> to vector<16xf32>
      tpu.vector_store %arg10[%parallel_loop3A_1047], %parallel_loop3A_1050 {strides = array<i32>} : memref<65536xf32, #tpu.memory_space<vmem>>, vector<16xf32>,
      %parallel_loop3A_1051 = arith.constant 80 : i32
      %parallel_loop3A_1052 = arith.addi %parallel_loop3A_945, %parallel_loop3A_1051 : i32
      %parallel_loop3A_1053 = arith.index_cast %parallel_loop3A_1052 : i32 to index
      %parallel_loop3A_1054 = tpu.vector_load %arg10[%parallel_loop3A_1053] {strides = array<i32>} : memref<65536xf32, #tpu.memory_space<vmem>>, vector<16xf32>,
      %parallel_loop3A_1055 = vector.shape_cast %parallel_loop3A_1054 : vector<16xf32> to vector<16xf32>
      %parallel_loop3A_1056 = arith.constant 80 : i32
      %parallel_loop3A_1057 = arith.addi %parallel_loop3A_73, %parallel_loop3A_1056 : i32
      %parallel_loop3A_1058 = arith.index_cast %parallel_loop3A_1057 : i32 to index
      %parallel_loop3A_1059 = tpu.vector_load %arg8[%parallel_loop3A_1058] {strides = array<i32>} : memref<8192xf32, #tpu.memory_space<vmem>>, vector<16xf32>,
      %parallel_loop3A_1060 = vector.shape_cast %parallel_loop3A_1059 : vector<16xf32> to vector<16xf32>
      %parallel_loop3A_1061 = arith.constant 0.000000e+00 : f32
      %parallel_loop3A_1062 = vector.broadcast %parallel_loop3A_1061 : f32 to vector<16xf32>
      %parallel_loop3A_1063 = arith.cmpf oge, %parallel_loop3A_1055, %parallel_loop3A_1062 : vector<16xf32>
      %parallel_loop3A_1064 = arith.mulf %parallel_loop3A_1060, %parallel_loop3A_1055 : vector<16xf32>
      %parallel_loop3A_1065 = arith.select %parallel_loop3A_1063, %parallel_loop3A_1055, %parallel_loop3A_1064 : vector<16xi1>, vector<16xf32>
      %parallel_loop3A_1066 = arith.constant 80 : i32
      %parallel_loop3A_1067 = arith.addi %parallel_loop3A_945, %parallel_loop3A_1066 : i32
      %parallel_loop3A_1068 = arith.index_cast %parallel_loop3A_1067 : i32 to index
      %parallel_loop3A_1069 = tpu.vector_load %arg10[%parallel_loop3A_1068] {strides = array<i32>} : memref<65536xf32, #tpu.memory_space<vmem>>, vector<16xf32>,
      %parallel_loop3A_1070 = vector.shape_cast %parallel_loop3A_1069 : vector<16xf32> to vector<16xf32>
      %parallel_loop3A_1071 = vector.shape_cast %parallel_loop3A_1065 : vector<16xf32> to vector<16xf32>
      tpu.vector_store %arg10[%parallel_loop3A_1068], %parallel_loop3A_1071 {strides = array<i32>} : memref<65536xf32, #tpu.memory_space<vmem>>, vector<16xf32>,
      %parallel_loop3A_1072 = arith.constant 96 : i32
      %parallel_loop3A_1073 = arith.addi %parallel_loop3A_945, %parallel_loop3A_1072 : i32
      %parallel_loop3A_1074 = arith.index_cast %parallel_loop3A_1073 : i32 to index
      %parallel_loop3A_1075 = tpu.vector_load %arg10[%parallel_loop3A_1074] {strides = array<i32>} : memref<65536xf32, #tpu.memory_space<vmem>>, vector<16xf32>,
      %parallel_loop3A_1076 = vector.shape_cast %parallel_loop3A_1075 : vector<16xf32> to vector<16xf32>
      %parallel_loop3A_1077 = arith.constant 96 : i32
      %parallel_loop3A_1078 = arith.addi %parallel_loop3A_73, %parallel_loop3A_1077 : i32
      %parallel_loop3A_1079 = arith.index_cast %parallel_loop3A_1078 : i32 to index
      %parallel_loop3A_1080 = tpu.vector_load %arg8[%parallel_loop3A_1079] {strides = array<i32>} : memref<8192xf32, #tpu.memory_space<vmem>>, vector<16xf32>,
      %parallel_loop3A_1081 = vector.shape_cast %parallel_loop3A_1080 : vector<16xf32> to vector<16xf32>
      %parallel_loop3A_1082 = arith.constant 0.000000e+00 : f32
      %parallel_loop3A_1083 = vector.broadcast %parallel_loop3A_1082 : f32 to vector<16xf32>
      %parallel_loop3A_1084 = arith.cmpf oge, %parallel_loop3A_1076, %parallel_loop3A_1083 : vector<16xf32>
      %parallel_loop3A_1085 = arith.mulf %parallel_loop3A_1081, %parallel_loop3A_1076 : vector<16xf32>
      %parallel_loop3A_1086 = arith.select %parallel_loop3A_1084, %parallel_loop3A_1076, %parallel_loop3A_1085 : vector<16xi1>, vector<16xf32>
      %parallel_loop3A_1087 = arith.constant 96 : i32
      %parallel_loop3A_1088 = arith.addi %parallel_loop3A_945, %parallel_loop3A_1087 : i32
      %parallel_loop3A_1089 = arith.index_cast %parallel_loop3A_1088 : i32 to index
      %parallel_loop3A_1090 = tpu.vector_load %arg10[%parallel_loop3A_1089] {strides = array<i32>} : memref<65536xf32, #tpu.memory_space<vmem>>, vector<16xf32>,
      %parallel_loop3A_1091 = vector.shape_cast %parallel_loop3A_1090 : vector<16xf32> to vector<16xf32>
      %parallel_loop3A_1092 = vector.shape_cast %parallel_loop3A_1086 : vector<16xf32> to vector<16xf32>
      tpu.vector_store %arg10[%parallel_loop3A_1089], %parallel_loop3A_1092 {strides = array<i32>} : memref<65536xf32, #tpu.memory_space<vmem>>, vector<16xf32>,
      %parallel_loop3A_1093 = arith.constant 112 : i32
      %parallel_loop3A_1094 = arith.addi %parallel_loop3A_945, %parallel_loop3A_1093 : i32
      %parallel_loop3A_1095 = arith.index_cast %parallel_loop3A_1094 : i32 to index
      %parallel_loop3A_1096 = tpu.vector_load %arg10[%parallel_loop3A_1095] {strides = array<i32>} : memref<65536xf32, #tpu.memory_space<vmem>>, vector<16xf32>,
      %parallel_loop3A_1097 = vector.shape_cast %parallel_loop3A_1096 : vector<16xf32> to vector<16xf32>
      %parallel_loop3A_1098 = arith.constant 112 : i32
      %parallel_loop3A_1099 = arith.addi %parallel_loop3A_73, %parallel_loop3A_1098 : i32
      %parallel_loop3A_1100 = arith.index_cast %parallel_loop3A_1099 : i32 to index
      %parallel_loop3A_1101 = tpu.vector_load %arg8[%parallel_loop3A_1100] {strides = array<i32>} : memref<8192xf32, #tpu.memory_space<vmem>>, vector<16xf32>,
      %parallel_loop3A_1102 = vector.shape_cast %parallel_loop3A_1101 : vector<16xf32> to vector<16xf32>
      %parallel_loop3A_1103 = arith.constant 0.000000e+00 : f32
      %parallel_loop3A_1104 = vector.broadcast %parallel_loop3A_1103 : f32 to vector<16xf32>
      %parallel_loop3A_1105 = arith.cmpf oge, %parallel_loop3A_1097, %parallel_loop3A_1104 : vector<16xf32>
      %parallel_loop3A_1106 = arith.mulf %parallel_loop3A_1102, %parallel_loop3A_1097 : vector<16xf32>
      %parallel_loop3A_1107 = arith.select %parallel_loop3A_1105, %parallel_loop3A_1097, %parallel_loop3A_1106 : vector<16xi1>, vector<16xf32>
      %parallel_loop3A_1108 = arith.constant 112 : i32
      %parallel_loop3A_1109 = arith.addi %parallel_loop3A_945, %parallel_loop3A_1108 : i32
      %parallel_loop3A_1110 = arith.index_cast %parallel_loop3A_1109 : i32 to index
      %parallel_loop3A_1111 = tpu.vector_load %arg10[%parallel_loop3A_1110] {strides = array<i32>} : memref<65536xf32, #tpu.memory_space<vmem>>, vector<16xf32>,
      %parallel_loop3A_1112 = vector.shape_cast %parallel_loop3A_1111 : vector<16xf32> to vector<16xf32>
      %parallel_loop3A_1113 = vector.shape_cast %parallel_loop3A_1107 : vector<16xf32> to vector<16xf32>
      tpu.vector_store %arg10[%parallel_loop3A_1110], %parallel_loop3A_1113 {strides = array<i32>} : memref<65536xf32, #tpu.memory_space<vmem>>, vector<16xf32>,
      %parallel_loop3A_1114 = arith.constant 768 : i32
      %parallel_loop3A_1115 = arith.addi %parallel_loop3A_61, %parallel_loop3A_1114 : i32
      %parallel_loop3A_1116 = arith.constant 0 : i32
      %parallel_loop3A_1117 = arith.addi %parallel_loop3A_1115, %parallel_loop3A_1116 : i32
      %parallel_loop3A_1118 = arith.index_cast %parallel_loop3A_1117 : i32 to index
      %parallel_loop3A_1119 = tpu.vector_load %arg10[%parallel_loop3A_1118] {strides = array<i32>} : memref<65536xf32, #tpu.memory_space<vmem>>, vector<16xf32>,
      %parallel_loop3A_1120 = vector.shape_cast %parallel_loop3A_1119 : vector<16xf32> to vector<16xf32>
      %parallel_loop3A_1121 = arith.constant 0 : i32
      %parallel_loop3A_1122 = arith.addi %parallel_loop3A_75, %parallel_loop3A_1121 : i32
      %parallel_loop3A_1123 = arith.index_cast %parallel_loop3A_1122 : i32 to index
      %parallel_loop3A_1124 = tpu.vector_load %arg8[%parallel_loop3A_1123] {strides = array<i32>} : memref<8192xf32, #tpu.memory_space<vmem>>, vector<16xf32>,
      %parallel_loop3A_1125 = vector.shape_cast %parallel_loop3A_1124 : vector<16xf32> to vector<16xf32>
      %parallel_loop3A_1126 = arith.constant 0.000000e+00 : f32
      %parallel_loop3A_1127 = vector.broadcast %parallel_loop3A_1126 : f32 to vector<16xf32>
      %parallel_loop3A_1128 = arith.cmpf oge, %parallel_loop3A_1120, %parallel_loop3A_1127 : vector<16xf32>
      %parallel_loop3A_1129 = arith.mulf %parallel_loop3A_1125, %parallel_loop3A_1120 : vector<16xf32>
      %parallel_loop3A_1130 = arith.select %parallel_loop3A_1128, %parallel_loop3A_1120, %parallel_loop3A_1129 : vector<16xi1>, vector<16xf32>
      %parallel_loop3A_1131 = arith.constant 0 : i32
      %parallel_loop3A_1132 = arith.addi %parallel_loop3A_1115, %parallel_loop3A_1131 : i32
      %parallel_loop3A_1133 = arith.index_cast %parallel_loop3A_1132 : i32 to index
      %parallel_loop3A_1134 = tpu.vector_load %arg10[%parallel_loop3A_1133] {strides = array<i32>} : memref<65536xf32, #tpu.memory_space<vmem>>, vector<16xf32>,
      %parallel_loop3A_1135 = vector.shape_cast %parallel_loop3A_1134 : vector<16xf32> to vector<16xf32>
      %parallel_loop3A_1136 = vector.shape_cast %parallel_loop3A_1130 : vector<16xf32> to vector<16xf32>
      tpu.vector_store %arg10[%parallel_loop3A_1133], %parallel_loop3A_1136 {strides = array<i32>} : memref<65536xf32, #tpu.memory_space<vmem>>, vector<16xf32>,
      %parallel_loop3A_1137 = arith.constant 16 : i32
      %parallel_loop3A_1138 = arith.addi %parallel_loop3A_1115, %parallel_loop3A_1137 : i32
      %parallel_loop3A_1139 = arith.index_cast %parallel_loop3A_1138 : i32 to index
      %parallel_loop3A_1140 = tpu.vector_load %arg10[%parallel_loop3A_1139] {strides = array<i32>} : memref<65536xf32, #tpu.memory_space<vmem>>, vector<16xf32>,
      %parallel_loop3A_1141 = vector.shape_cast %parallel_loop3A_1140 : vector<16xf32> to vector<16xf32>
      %parallel_loop3A_1142 = arith.constant 16 : i32
      %parallel_loop3A_1143 = arith.addi %parallel_loop3A_75, %parallel_loop3A_1142 : i32
      %parallel_loop3A_1144 = arith.index_cast %parallel_loop3A_1143 : i32 to index
      %parallel_loop3A_1145 = tpu.vector_load %arg8[%parallel_loop3A_1144] {strides = array<i32>} : memref<8192xf32, #tpu.memory_space<vmem>>, vector<16xf32>,
      %parallel_loop3A_1146 = vector.shape_cast %parallel_loop3A_1145 : vector<16xf32> to vector<16xf32>
      %parallel_loop3A_1147 = arith.constant 0.000000e+00 : f32
      %parallel_loop3A_1148 = vector.broadcast %parallel_loop3A_1147 : f32 to vector<16xf32>
      %parallel_loop3A_1149 = arith.cmpf oge, %parallel_loop3A_1141, %parallel_loop3A_1148 : vector<16xf32>
      %parallel_loop3A_1150 = arith.mulf %parallel_loop3A_1146, %parallel_loop3A_1141 : vector<16xf32>
      %parallel_loop3A_1151 = arith.select %parallel_loop3A_1149, %parallel_loop3A_1141, %parallel_loop3A_1150 : vector<16xi1>, vector<16xf32>
      %parallel_loop3A_1152 = arith.constant 16 : i32
      %parallel_loop3A_1153 = arith.addi %parallel_loop3A_1115, %parallel_loop3A_1152 : i32
      %parallel_loop3A_1154 = arith.index_cast %parallel_loop3A_1153 : i32 to index
      %parallel_loop3A_1155 = tpu.vector_load %arg10[%parallel_loop3A_1154] {strides = array<i32>} : memref<65536xf32, #tpu.memory_space<vmem>>, vector<16xf32>,
      %parallel_loop3A_1156 = vector.shape_cast %parallel_loop3A_1155 : vector<16xf32> to vector<16xf32>
      %parallel_loop3A_1157 = vector.shape_cast %parallel_loop3A_1151 : vector<16xf32> to vector<16xf32>
      tpu.vector_store %arg10[%parallel_loop3A_1154], %parallel_loop3A_1157 {strides = array<i32>} : memref<65536xf32, #tpu.memory_space<vmem>>, vector<16xf32>,
      %parallel_loop3A_1158 = arith.constant 32 : i32
      %parallel_loop3A_1159 = arith.addi %parallel_loop3A_1115, %parallel_loop3A_1158 : i32
      %parallel_loop3A_1160 = arith.index_cast %parallel_loop3A_1159 : i32 to index
      %parallel_loop3A_1161 = tpu.vector_load %arg10[%parallel_loop3A_1160] {strides = array<i32>} : memref<65536xf32, #tpu.memory_space<vmem>>, vector<16xf32>,
      %parallel_loop3A_1162 = vector.shape_cast %parallel_loop3A_1161 : vector<16xf32> to vector<16xf32>
      %parallel_loop3A_1163 = arith.constant 32 : i32
      %parallel_loop3A_1164 = arith.addi %parallel_loop3A_75, %parallel_loop3A_1163 : i32
      %parallel_loop3A_1165 = arith.index_cast %parallel_loop3A_1164 : i32 to index
      %parallel_loop3A_1166 = tpu.vector_load %arg8[%parallel_loop3A_1165] {strides = array<i32>} : memref<8192xf32, #tpu.memory_space<vmem>>, vector<16xf32>,
      %parallel_loop3A_1167 = vector.shape_cast %parallel_loop3A_1166 : vector<16xf32> to vector<16xf32>
      %parallel_loop3A_1168 = arith.constant 0.000000e+00 : f32
      %parallel_loop3A_1169 = vector.broadcast %parallel_loop3A_1168 : f32 to vector<16xf32>
      %parallel_loop3A_1170 = arith.cmpf oge, %parallel_loop3A_1162, %parallel_loop3A_1169 : vector<16xf32>
      %parallel_loop3A_1171 = arith.mulf %parallel_loop3A_1167, %parallel_loop3A_1162 : vector<16xf32>
      %parallel_loop3A_1172 = arith.select %parallel_loop3A_1170, %parallel_loop3A_1162, %parallel_loop3A_1171 : vector<16xi1>, vector<16xf32>
      %parallel_loop3A_1173 = arith.constant 32 : i32
      %parallel_loop3A_1174 = arith.addi %parallel_loop3A_1115, %parallel_loop3A_1173 : i32
      %parallel_loop3A_1175 = arith.index_cast %parallel_loop3A_1174 : i32 to index
      %parallel_loop3A_1176 = tpu.vector_load %arg10[%parallel_loop3A_1175] {strides = array<i32>} : memref<65536xf32, #tpu.memory_space<vmem>>, vector<16xf32>,
      %parallel_loop3A_1177 = vector.shape_cast %parallel_loop3A_1176 : vector<16xf32> to vector<16xf32>
      %parallel_loop3A_1178 = vector.shape_cast %parallel_loop3A_1172 : vector<16xf32> to vector<16xf32>
      tpu.vector_store %arg10[%parallel_loop3A_1175], %parallel_loop3A_1178 {strides = array<i32>} : memref<65536xf32, #tpu.memory_space<vmem>>, vector<16xf32>,
      %parallel_loop3A_1179 = arith.constant 48 : i32
      %parallel_loop3A_1180 = arith.addi %parallel_loop3A_1115, %parallel_loop3A_1179 : i32
      %parallel_loop3A_1181 = arith.index_cast %parallel_loop3A_1180 : i32 to index
      %parallel_loop3A_1182 = tpu.vector_load %arg10[%parallel_loop3A_1181] {strides = array<i32>} : memref<65536xf32, #tpu.memory_space<vmem>>, vector<16xf32>,
      %parallel_loop3A_1183 = vector.shape_cast %parallel_loop3A_1182 : vector<16xf32> to vector<16xf32>
      %parallel_loop3A_1184 = arith.constant 48 : i32
      %parallel_loop3A_1185 = arith.addi %parallel_loop3A_75, %parallel_loop3A_1184 : i32
      %parallel_loop3A_1186 = arith.index_cast %parallel_loop3A_1185 : i32 to index
      %parallel_loop3A_1187 = tpu.vector_load %arg8[%parallel_loop3A_1186] {strides = array<i32>} : memref<8192xf32, #tpu.memory_space<vmem>>, vector<16xf32>,
      %parallel_loop3A_1188 = vector.shape_cast %parallel_loop3A_1187 : vector<16xf32> to vector<16xf32>
      %parallel_loop3A_1189 = arith.constant 0.000000e+00 : f32
      %parallel_loop3A_1190 = vector.broadcast %parallel_loop3A_1189 : f32 to vector<16xf32>
      %parallel_loop3A_1191 = arith.cmpf oge, %parallel_loop3A_1183, %parallel_loop3A_1190 : vector<16xf32>
      %parallel_loop3A_1192 = arith.mulf %parallel_loop3A_1188, %parallel_loop3A_1183 : vector<16xf32>
      %parallel_loop3A_1193 = arith.select %parallel_loop3A_1191, %parallel_loop3A_1183, %parallel_loop3A_1192 : vector<16xi1>, vector<16xf32>
      %parallel_loop3A_1194 = arith.constant 48 : i32
      %parallel_loop3A_1195 = arith.addi %parallel_loop3A_1115, %parallel_loop3A_1194 : i32
      %parallel_loop3A_1196 = arith.index_cast %parallel_loop3A_1195 : i32 to index
      %parallel_loop3A_1197 = tpu.vector_load %arg10[%parallel_loop3A_1196] {strides = array<i32>} : memref<65536xf32, #tpu.memory_space<vmem>>, vector<16xf32>,
      %parallel_loop3A_1198 = vector.shape_cast %parallel_loop3A_1197 : vector<16xf32> to vector<16xf32>
      %parallel_loop3A_1199 = vector.shape_cast %parallel_loop3A_1193 : vector<16xf32> to vector<16xf32>
      tpu.vector_store %arg10[%parallel_loop3A_1196], %parallel_loop3A_1199 {strides = array<i32>} : memref<65536xf32, #tpu.memory_space<vmem>>, vector<16xf32>,
      %parallel_loop3A_1200 = arith.constant 64 : i32
      %parallel_loop3A_1201 = arith.addi %parallel_loop3A_1115, %parallel_loop3A_1200 : i32
      %parallel_loop3A_1202 = arith.index_cast %parallel_loop3A_1201 : i32 to index
      %parallel_loop3A_1203 = tpu.vector_load %arg10[%parallel_loop3A_1202] {strides = array<i32>} : memref<65536xf32, #tpu.memory_space<vmem>>, vector<16xf32>,
      %parallel_loop3A_1204 = vector.shape_cast %parallel_loop3A_1203 : vector<16xf32> to vector<16xf32>
      %parallel_loop3A_1205 = arith.constant 64 : i32
      %parallel_loop3A_1206 = arith.addi %parallel_loop3A_75, %parallel_loop3A_1205 : i32
      %parallel_loop3A_1207 = arith.index_cast %parallel_loop3A_1206 : i32 to index
      %parallel_loop3A_1208 = tpu.vector_load %arg8[%parallel_loop3A_1207] {strides = array<i32>} : memref<8192xf32, #tpu.memory_space<vmem>>, vector<16xf32>,
      %parallel_loop3A_1209 = vector.shape_cast %parallel_loop3A_1208 : vector<16xf32> to vector<16xf32>
      %parallel_loop3A_1210 = arith.constant 0.000000e+00 : f32
      %parallel_loop3A_1211 = vector.broadcast %parallel_loop3A_1210 : f32 to vector<16xf32>
      %parallel_loop3A_1212 = arith.cmpf oge, %parallel_loop3A_1204, %parallel_loop3A_1211 : vector<16xf32>
      %parallel_loop3A_1213 = arith.mulf %parallel_loop3A_1209, %parallel_loop3A_1204 : vector<16xf32>
      %parallel_loop3A_1214 = arith.select %parallel_loop3A_1212, %parallel_loop3A_1204, %parallel_loop3A_1213 : vector<16xi1>, vector<16xf32>
      %parallel_loop3A_1215 = arith.constant 64 : i32
      %parallel_loop3A_1216 = arith.addi %parallel_loop3A_1115, %parallel_loop3A_1215 : i32
      %parallel_loop3A_1217 = arith.index_cast %parallel_loop3A_1216 : i32 to index
      %parallel_loop3A_1218 = tpu.vector_load %arg10[%parallel_loop3A_1217] {strides = array<i32>} : memref<65536xf32, #tpu.memory_space<vmem>>, vector<16xf32>,
      %parallel_loop3A_1219 = vector.shape_cast %parallel_loop3A_1218 : vector<16xf32> to vector<16xf32>
      %parallel_loop3A_1220 = vector.shape_cast %parallel_loop3A_1214 : vector<16xf32> to vector<16xf32>
      tpu.vector_store %arg10[%parallel_loop3A_1217], %parallel_loop3A_1220 {strides = array<i32>} : memref<65536xf32, #tpu.memory_space<vmem>>, vector<16xf32>,
      %parallel_loop3A_1221 = arith.constant 80 : i32
      %parallel_loop3A_1222 = arith.addi %parallel_loop3A_1115, %parallel_loop3A_1221 : i32
      %parallel_loop3A_1223 = arith.index_cast %parallel_loop3A_1222 : i32 to index
      %parallel_loop3A_1224 = tpu.vector_load %arg10[%parallel_loop3A_1223] {strides = array<i32>} : memref<65536xf32, #tpu.memory_space<vmem>>, vector<16xf32>,
      %parallel_loop3A_1225 = vector.shape_cast %parallel_loop3A_1224 : vector<16xf32> to vector<16xf32>
      %parallel_loop3A_1226 = arith.constant 80 : i32
      %parallel_loop3A_1227 = arith.addi %parallel_loop3A_75, %parallel_loop3A_1226 : i32
      %parallel_loop3A_1228 = arith.index_cast %parallel_loop3A_1227 : i32 to index
      %parallel_loop3A_1229 = tpu.vector_load %arg8[%parallel_loop3A_1228] {strides = array<i32>} : memref<8192xf32, #tpu.memory_space<vmem>>, vector<16xf32>,
      %parallel_loop3A_1230 = vector.shape_cast %parallel_loop3A_1229 : vector<16xf32> to vector<16xf32>
      %parallel_loop3A_1231 = arith.constant 0.000000e+00 : f32
      %parallel_loop3A_1232 = vector.broadcast %parallel_loop3A_1231 : f32 to vector<16xf32>
      %parallel_loop3A_1233 = arith.cmpf oge, %parallel_loop3A_1225, %parallel_loop3A_1232 : vector<16xf32>
      %parallel_loop3A_1234 = arith.mulf %parallel_loop3A_1230, %parallel_loop3A_1225 : vector<16xf32>
      %parallel_loop3A_1235 = arith.select %parallel_loop3A_1233, %parallel_loop3A_1225, %parallel_loop3A_1234 : vector<16xi1>, vector<16xf32>
      %parallel_loop3A_1236 = arith.constant 80 : i32
      %parallel_loop3A_1237 = arith.addi %parallel_loop3A_1115, %parallel_loop3A_1236 : i32
      %parallel_loop3A_1238 = arith.index_cast %parallel_loop3A_1237 : i32 to index
      %parallel_loop3A_1239 = tpu.vector_load %arg10[%parallel_loop3A_1238] {strides = array<i32>} : memref<65536xf32, #tpu.memory_space<vmem>>, vector<16xf32>,
      %parallel_loop3A_1240 = vector.shape_cast %parallel_loop3A_1239 : vector<16xf32> to vector<16xf32>
      %parallel_loop3A_1241 = vector.shape_cast %parallel_loop3A_1235 : vector<16xf32> to vector<16xf32>
      tpu.vector_store %arg10[%parallel_loop3A_1238], %parallel_loop3A_1241 {strides = array<i32>} : memref<65536xf32, #tpu.memory_space<vmem>>, vector<16xf32>,
      %parallel_loop3A_1242 = arith.constant 96 : i32
      %parallel_loop3A_1243 = arith.addi %parallel_loop3A_1115, %parallel_loop3A_1242 : i32
      %parallel_loop3A_1244 = arith.index_cast %parallel_loop3A_1243 : i32 to index
      %parallel_loop3A_1245 = tpu.vector_load %arg10[%parallel_loop3A_1244] {strides = array<i32>} : memref<65536xf32, #tpu.memory_space<vmem>>, vector<16xf32>,
      %parallel_loop3A_1246 = vector.shape_cast %parallel_loop3A_1245 : vector<16xf32> to vector<16xf32>
      %parallel_loop3A_1247 = arith.constant 96 : i32
      %parallel_loop3A_1248 = arith.addi %parallel_loop3A_75, %parallel_loop3A_1247 : i32
      %parallel_loop3A_1249 = arith.index_cast %parallel_loop3A_1248 : i32 to index
      %parallel_loop3A_1250 = tpu.vector_load %arg8[%parallel_loop3A_1249] {strides = array<i32>} : memref<8192xf32, #tpu.memory_space<vmem>>, vector<16xf32>,
      %parallel_loop3A_1251 = vector.shape_cast %parallel_loop3A_1250 : vector<16xf32> to vector<16xf32>
      %parallel_loop3A_1252 = arith.constant 0.000000e+00 : f32
      %parallel_loop3A_1253 = vector.broadcast %parallel_loop3A_1252 : f32 to vector<16xf32>
      %parallel_loop3A_1254 = arith.cmpf oge, %parallel_loop3A_1246, %parallel_loop3A_1253 : vector<16xf32>
      %parallel_loop3A_1255 = arith.mulf %parallel_loop3A_1251, %parallel_loop3A_1246 : vector<16xf32>
      %parallel_loop3A_1256 = arith.select %parallel_loop3A_1254, %parallel_loop3A_1246, %parallel_loop3A_1255 : vector<16xi1>, vector<16xf32>
      %parallel_loop3A_1257 = arith.constant 96 : i32
      %parallel_loop3A_1258 = arith.addi %parallel_loop3A_1115, %parallel_loop3A_1257 : i32
      %parallel_loop3A_1259 = arith.index_cast %parallel_loop3A_1258 : i32 to index
      %parallel_loop3A_1260 = tpu.vector_load %arg10[%parallel_loop3A_1259] {strides = array<i32>} : memref<65536xf32, #tpu.memory_space<vmem>>, vector<16xf32>,
      %parallel_loop3A_1261 = vector.shape_cast %parallel_loop3A_1260 : vector<16xf32> to vector<16xf32>
      %parallel_loop3A_1262 = vector.shape_cast %parallel_loop3A_1256 : vector<16xf32> to vector<16xf32>
      tpu.vector_store %arg10[%parallel_loop3A_1259], %parallel_loop3A_1262 {strides = array<i32>} : memref<65536xf32, #tpu.memory_space<vmem>>, vector<16xf32>,
      %parallel_loop3A_1263 = arith.constant 112 : i32
      %parallel_loop3A_1264 = arith.addi %parallel_loop3A_1115, %parallel_loop3A_1263 : i32
      %parallel_loop3A_1265 = arith.index_cast %parallel_loop3A_1264 : i32 to index
      %parallel_loop3A_1266 = tpu.vector_load %arg10[%parallel_loop3A_1265] {strides = array<i32>} : memref<65536xf32, #tpu.memory_space<vmem>>, vector<16xf32>,
      %parallel_loop3A_1267 = vector.shape_cast %parallel_loop3A_1266 : vector<16xf32> to vector<16xf32>
      %parallel_loop3A_1268 = arith.constant 112 : i32
      %parallel_loop3A_1269 = arith.addi %parallel_loop3A_75, %parallel_loop3A_1268 : i32
      %parallel_loop3A_1270 = arith.index_cast %parallel_loop3A_1269 : i32 to index
      %parallel_loop3A_1271 = tpu.vector_load %arg8[%parallel_loop3A_1270] {strides = array<i32>} : memref<8192xf32, #tpu.memory_space<vmem>>, vector<16xf32>,
      %parallel_loop3A_1272 = vector.shape_cast %parallel_loop3A_1271 : vector<16xf32> to vector<16xf32>
      %parallel_loop3A_1273 = arith.constant 0.000000e+00 : f32
      %parallel_loop3A_1274 = vector.broadcast %parallel_loop3A_1273 : f32 to vector<16xf32>
      %parallel_loop3A_1275 = arith.cmpf oge, %parallel_loop3A_1267, %parallel_loop3A_1274 : vector<16xf32>
      %parallel_loop3A_1276 = arith.mulf %parallel_loop3A_1272, %parallel_loop3A_1267 : vector<16xf32>
      %parallel_loop3A_1277 = arith.select %parallel_loop3A_1275, %parallel_loop3A_1267, %parallel_loop3A_1276 : vector<16xi1>, vector<16xf32>
      %parallel_loop3A_1278 = arith.constant 112 : i32
      %parallel_loop3A_1279 = arith.addi %parallel_loop3A_1115, %parallel_loop3A_1278 : i32
      %parallel_loop3A_1280 = arith.index_cast %parallel_loop3A_1279 : i32 to index
      %parallel_loop3A_1281 = tpu.vector_load %arg10[%parallel_loop3A_1280] {strides = array<i32>} : memref<65536xf32, #tpu.memory_space<vmem>>, vector<16xf32>,
      %parallel_loop3A_1282 = vector.shape_cast %parallel_loop3A_1281 : vector<16xf32> to vector<16xf32>
      %parallel_loop3A_1283 = vector.shape_cast %parallel_loop3A_1277 : vector<16xf32> to vector<16xf32>
      tpu.vector_store %arg10[%parallel_loop3A_1280], %parallel_loop3A_1283 {strides = array<i32>} : memref<65536xf32, #tpu.memory_space<vmem>>, vector<16xf32>,
      %parallel_loop3A_1284 = arith.constant 896 : i32
      %parallel_loop3A_1285 = arith.addi %parallel_loop3A_61, %parallel_loop3A_1284 : i32
      %parallel_loop3A_1286 = arith.constant 0 : i32
      %parallel_loop3A_1287 = arith.addi %parallel_loop3A_1285, %parallel_loop3A_1286 : i32
      %parallel_loop3A_1288 = arith.index_cast %parallel_loop3A_1287 : i32 to index
      %parallel_loop3A_1289 = tpu.vector_load %arg10[%parallel_loop3A_1288] {strides = array<i32>} : memref<65536xf32, #tpu.memory_space<vmem>>, vector<16xf32>,
      %parallel_loop3A_1290 = vector.shape_cast %parallel_loop3A_1289 : vector<16xf32> to vector<16xf32>
      %parallel_loop3A_1291 = arith.constant 0 : i32
      %parallel_loop3A_1292 = arith.addi %parallel_loop3A_77, %parallel_loop3A_1291 : i32
      %parallel_loop3A_1293 = arith.index_cast %parallel_loop3A_1292 : i32 to index
      %parallel_loop3A_1294 = tpu.vector_load %arg8[%parallel_loop3A_1293] {strides = array<i32>} : memref<8192xf32, #tpu.memory_space<vmem>>, vector<16xf32>,
      %parallel_loop3A_1295 = vector.shape_cast %parallel_loop3A_1294 : vector<16xf32> to vector<16xf32>
      %parallel_loop3A_1296 = arith.constant 0.000000e+00 : f32
      %parallel_loop3A_1297 = vector.broadcast %parallel_loop3A_1296 : f32 to vector<16xf32>
      %parallel_loop3A_1298 = arith.cmpf oge, %parallel_loop3A_1290, %parallel_loop3A_1297 : vector<16xf32>
      %parallel_loop3A_1299 = arith.mulf %parallel_loop3A_1295, %parallel_loop3A_1290 : vector<16xf32>
      %parallel_loop3A_1300 = arith.select %parallel_loop3A_1298, %parallel_loop3A_1290, %parallel_loop3A_1299 : vector<16xi1>, vector<16xf32>
      %parallel_loop3A_1301 = arith.constant 0 : i32
      %parallel_loop3A_1302 = arith.addi %parallel_loop3A_1285, %parallel_loop3A_1301 : i32
      %parallel_loop3A_1303 = arith.index_cast %parallel_loop3A_1302 : i32 to index
      %parallel_loop3A_1304 = tpu.vector_load %arg10[%parallel_loop3A_1303] {strides = array<i32>} : memref<65536xf32, #tpu.memory_space<vmem>>, vector<16xf32>,
      %parallel_loop3A_1305 = vector.shape_cast %parallel_loop3A_1304 : vector<16xf32> to vector<16xf32>
      %parallel_loop3A_1306 = vector.shape_cast %parallel_loop3A_1300 : vector<16xf32> to vector<16xf32>
      tpu.vector_store %arg10[%parallel_loop3A_1303], %parallel_loop3A_1306 {strides = array<i32>} : memref<65536xf32, #tpu.memory_space<vmem>>, vector<16xf32>,
      %parallel_loop3A_1307 = arith.constant 16 : i32
      %parallel_loop3A_1308 = arith.addi %parallel_loop3A_1285, %parallel_loop3A_1307 : i32
      %parallel_loop3A_1309 = arith.index_cast %parallel_loop3A_1308 : i32 to index
      %parallel_loop3A_1310 = tpu.vector_load %arg10[%parallel_loop3A_1309] {strides = array<i32>} : memref<65536xf32, #tpu.memory_space<vmem>>, vector<16xf32>,
      %parallel_loop3A_1311 = vector.shape_cast %parallel_loop3A_1310 : vector<16xf32> to vector<16xf32>
      %parallel_loop3A_1312 = arith.constant 16 : i32
      %parallel_loop3A_1313 = arith.addi %parallel_loop3A_77, %parallel_loop3A_1312 : i32
      %parallel_loop3A_1314 = arith.index_cast %parallel_loop3A_1313 : i32 to index
      %parallel_loop3A_1315 = tpu.vector_load %arg8[%parallel_loop3A_1314] {strides = array<i32>} : memref<8192xf32, #tpu.memory_space<vmem>>, vector<16xf32>,
      %parallel_loop3A_1316 = vector.shape_cast %parallel_loop3A_1315 : vector<16xf32> to vector<16xf32>
      %parallel_loop3A_1317 = arith.constant 0.000000e+00 : f32
      %parallel_loop3A_1318 = vector.broadcast %parallel_loop3A_1317 : f32 to vector<16xf32>
      %parallel_loop3A_1319 = arith.cmpf oge, %parallel_loop3A_1311, %parallel_loop3A_1318 : vector<16xf32>
      %parallel_loop3A_1320 = arith.mulf %parallel_loop3A_1316, %parallel_loop3A_1311 : vector<16xf32>
      %parallel_loop3A_1321 = arith.select %parallel_loop3A_1319, %parallel_loop3A_1311, %parallel_loop3A_1320 : vector<16xi1>, vector<16xf32>
      %parallel_loop3A_1322 = arith.constant 16 : i32
      %parallel_loop3A_1323 = arith.addi %parallel_loop3A_1285, %parallel_loop3A_1322 : i32
      %parallel_loop3A_1324 = arith.index_cast %parallel_loop3A_1323 : i32 to index
      %parallel_loop3A_1325 = tpu.vector_load %arg10[%parallel_loop3A_1324] {strides = array<i32>} : memref<65536xf32, #tpu.memory_space<vmem>>, vector<16xf32>,
      %parallel_loop3A_1326 = vector.shape_cast %parallel_loop3A_1325 : vector<16xf32> to vector<16xf32>
      %parallel_loop3A_1327 = vector.shape_cast %parallel_loop3A_1321 : vector<16xf32> to vector<16xf32>
      tpu.vector_store %arg10[%parallel_loop3A_1324], %parallel_loop3A_1327 {strides = array<i32>} : memref<65536xf32, #tpu.memory_space<vmem>>, vector<16xf32>,
      %parallel_loop3A_1328 = arith.constant 32 : i32
      %parallel_loop3A_1329 = arith.addi %parallel_loop3A_1285, %parallel_loop3A_1328 : i32
      %parallel_loop3A_1330 = arith.index_cast %parallel_loop3A_1329 : i32 to index
      %parallel_loop3A_1331 = tpu.vector_load %arg10[%parallel_loop3A_1330] {strides = array<i32>} : memref<65536xf32, #tpu.memory_space<vmem>>, vector<16xf32>,
      %parallel_loop3A_1332 = vector.shape_cast %parallel_loop3A_1331 : vector<16xf32> to vector<16xf32>
      %parallel_loop3A_1333 = arith.constant 32 : i32
      %parallel_loop3A_1334 = arith.addi %parallel_loop3A_77, %parallel_loop3A_1333 : i32
      %parallel_loop3A_1335 = arith.index_cast %parallel_loop3A_1334 : i32 to index
      %parallel_loop3A_1336 = tpu.vector_load %arg8[%parallel_loop3A_1335] {strides = array<i32>} : memref<8192xf32, #tpu.memory_space<vmem>>, vector<16xf32>,
      %parallel_loop3A_1337 = vector.shape_cast %parallel_loop3A_1336 : vector<16xf32> to vector<16xf32>
      %parallel_loop3A_1338 = arith.constant 0.000000e+00 : f32
      %parallel_loop3A_1339 = vector.broadcast %parallel_loop3A_1338 : f32 to vector<16xf32>
      %parallel_loop3A_1340 = arith.cmpf oge, %parallel_loop3A_1332, %parallel_loop3A_1339 : vector<16xf32>
      %parallel_loop3A_1341 = arith.mulf %parallel_loop3A_1337, %parallel_loop3A_1332 : vector<16xf32>
      %parallel_loop3A_1342 = arith.select %parallel_loop3A_1340, %parallel_loop3A_1332, %parallel_loop3A_1341 : vector<16xi1>, vector<16xf32>
      %parallel_loop3A_1343 = arith.constant 32 : i32
      %parallel_loop3A_1344 = arith.addi %parallel_loop3A_1285, %parallel_loop3A_1343 : i32
      %parallel_loop3A_1345 = arith.index_cast %parallel_loop3A_1344 : i32 to index
      %parallel_loop3A_1346 = tpu.vector_load %arg10[%parallel_loop3A_1345] {strides = array<i32>} : memref<65536xf32, #tpu.memory_space<vmem>>, vector<16xf32>,
      %parallel_loop3A_1347 = vector.shape_cast %parallel_loop3A_1346 : vector<16xf32> to vector<16xf32>
      %parallel_loop3A_1348 = vector.shape_cast %parallel_loop3A_1342 : vector<16xf32> to vector<16xf32>
      tpu.vector_store %arg10[%parallel_loop3A_1345], %parallel_loop3A_1348 {strides = array<i32>} : memref<65536xf32, #tpu.memory_space<vmem>>, vector<16xf32>,
      %parallel_loop3A_1349 = arith.constant 48 : i32
      %parallel_loop3A_1350 = arith.addi %parallel_loop3A_1285, %parallel_loop3A_1349 : i32
      %parallel_loop3A_1351 = arith.index_cast %parallel_loop3A_1350 : i32 to index
      %parallel_loop3A_1352 = tpu.vector_load %arg10[%parallel_loop3A_1351] {strides = array<i32>} : memref<65536xf32, #tpu.memory_space<vmem>>, vector<16xf32>,
      %parallel_loop3A_1353 = vector.shape_cast %parallel_loop3A_1352 : vector<16xf32> to vector<16xf32>
      %parallel_loop3A_1354 = arith.constant 48 : i32
      %parallel_loop3A_1355 = arith.addi %parallel_loop3A_77, %parallel_loop3A_1354 : i32
      %parallel_loop3A_1356 = arith.index_cast %parallel_loop3A_1355 : i32 to index
      %parallel_loop3A_1357 = tpu.vector_load %arg8[%parallel_loop3A_1356] {strides = array<i32>} : memref<8192xf32, #tpu.memory_space<vmem>>, vector<16xf32>,
      %parallel_loop3A_1358 = vector.shape_cast %parallel_loop3A_1357 : vector<16xf32> to vector<16xf32>
      %parallel_loop3A_1359 = arith.constant 0.000000e+00 : f32
      %parallel_loop3A_1360 = vector.broadcast %parallel_loop3A_1359 : f32 to vector<16xf32>
      %parallel_loop3A_1361 = arith.cmpf oge, %parallel_loop3A_1353, %parallel_loop3A_1360 : vector<16xf32>
      %parallel_loop3A_1362 = arith.mulf %parallel_loop3A_1358, %parallel_loop3A_1353 : vector<16xf32>
      %parallel_loop3A_1363 = arith.select %parallel_loop3A_1361, %parallel_loop3A_1353, %parallel_loop3A_1362 : vector<16xi1>, vector<16xf32>
      %parallel_loop3A_1364 = arith.constant 48 : i32
      %parallel_loop3A_1365 = arith.addi %parallel_loop3A_1285, %parallel_loop3A_1364 : i32
      %parallel_loop3A_1366 = arith.index_cast %parallel_loop3A_1365 : i32 to index
      %parallel_loop3A_1367 = tpu.vector_load %arg10[%parallel_loop3A_1366] {strides = array<i32>} : memref<65536xf32, #tpu.memory_space<vmem>>, vector<16xf32>,
      %parallel_loop3A_1368 = vector.shape_cast %parallel_loop3A_1367 : vector<16xf32> to vector<16xf32>
      %parallel_loop3A_1369 = vector.shape_cast %parallel_loop3A_1363 : vector<16xf32> to vector<16xf32>
      tpu.vector_store %arg10[%parallel_loop3A_1366], %parallel_loop3A_1369 {strides = array<i32>} : memref<65536xf32, #tpu.memory_space<vmem>>, vector<16xf32>,
      %parallel_loop3A_1370 = arith.constant 64 : i32
      %parallel_loop3A_1371 = arith.addi %parallel_loop3A_1285, %parallel_loop3A_1370 : i32
      %parallel_loop3A_1372 = arith.index_cast %parallel_loop3A_1371 : i32 to index
      %parallel_loop3A_1373 = tpu.vector_load %arg10[%parallel_loop3A_1372] {strides = array<i32>} : memref<65536xf32, #tpu.memory_space<vmem>>, vector<16xf32>,
      %parallel_loop3A_1374 = vector.shape_cast %parallel_loop3A_1373 : vector<16xf32> to vector<16xf32>
      %parallel_loop3A_1375 = arith.constant 64 : i32
      %parallel_loop3A_1376 = arith.addi %parallel_loop3A_77, %parallel_loop3A_1375 : i32
      %parallel_loop3A_1377 = arith.index_cast %parallel_loop3A_1376 : i32 to index
      %parallel_loop3A_1378 = tpu.vector_load %arg8[%parallel_loop3A_1377] {strides = array<i32>} : memref<8192xf32, #tpu.memory_space<vmem>>, vector<16xf32>,
      %parallel_loop3A_1379 = vector.shape_cast %parallel_loop3A_1378 : vector<16xf32> to vector<16xf32>
      %parallel_loop3A_1380 = arith.constant 0.000000e+00 : f32
      %parallel_loop3A_1381 = vector.broadcast %parallel_loop3A_1380 : f32 to vector<16xf32>
      %parallel_loop3A_1382 = arith.cmpf oge, %parallel_loop3A_1374, %parallel_loop3A_1381 : vector<16xf32>
      %parallel_loop3A_1383 = arith.mulf %parallel_loop3A_1379, %parallel_loop3A_1374 : vector<16xf32>
      %parallel_loop3A_1384 = arith.select %parallel_loop3A_1382, %parallel_loop3A_1374, %parallel_loop3A_1383 : vector<16xi1>, vector<16xf32>
      %parallel_loop3A_1385 = arith.constant 64 : i32
      %parallel_loop3A_1386 = arith.addi %parallel_loop3A_1285, %parallel_loop3A_1385 : i32
      %parallel_loop3A_1387 = arith.index_cast %parallel_loop3A_1386 : i32 to index
      %parallel_loop3A_1388 = tpu.vector_load %arg10[%parallel_loop3A_1387] {strides = array<i32>} : memref<65536xf32, #tpu.memory_space<vmem>>, vector<16xf32>,
      %parallel_loop3A_1389 = vector.shape_cast %parallel_loop3A_1388 : vector<16xf32> to vector<16xf32>
      %parallel_loop3A_1390 = vector.shape_cast %parallel_loop3A_1384 : vector<16xf32> to vector<16xf32>
      tpu.vector_store %arg10[%parallel_loop3A_1387], %parallel_loop3A_1390 {strides = array<i32>} : memref<65536xf32, #tpu.memory_space<vmem>>, vector<16xf32>,
      %parallel_loop3A_1391 = arith.constant 80 : i32
      %parallel_loop3A_1392 = arith.addi %parallel_loop3A_1285, %parallel_loop3A_1391 : i32
      %parallel_loop3A_1393 = arith.index_cast %parallel_loop3A_1392 : i32 to index
      %parallel_loop3A_1394 = tpu.vector_load %arg10[%parallel_loop3A_1393] {strides = array<i32>} : memref<65536xf32, #tpu.memory_space<vmem>>, vector<16xf32>,
      %parallel_loop3A_1395 = vector.shape_cast %parallel_loop3A_1394 : vector<16xf32> to vector<16xf32>
      %parallel_loop3A_1396 = arith.constant 80 : i32
      %parallel_loop3A_1397 = arith.addi %parallel_loop3A_77, %parallel_loop3A_1396 : i32
      %parallel_loop3A_1398 = arith.index_cast %parallel_loop3A_1397 : i32 to index
      %parallel_loop3A_1399 = tpu.vector_load %arg8[%parallel_loop3A_1398] {strides = array<i32>} : memref<8192xf32, #tpu.memory_space<vmem>>, vector<16xf32>,
      %parallel_loop3A_1400 = vector.shape_cast %parallel_loop3A_1399 : vector<16xf32> to vector<16xf32>
      %parallel_loop3A_1401 = arith.constant 0.000000e+00 : f32
      %parallel_loop3A_1402 = vector.broadcast %parallel_loop3A_1401 : f32 to vector<16xf32>
      %parallel_loop3A_1403 = arith.cmpf oge, %parallel_loop3A_1395, %parallel_loop3A_1402 : vector<16xf32>
      %parallel_loop3A_1404 = arith.mulf %parallel_loop3A_1400, %parallel_loop3A_1395 : vector<16xf32>
      %parallel_loop3A_1405 = arith.select %parallel_loop3A_1403, %parallel_loop3A_1395, %parallel_loop3A_1404 : vector<16xi1>, vector<16xf32>
      %parallel_loop3A_1406 = arith.constant 80 : i32
      %parallel_loop3A_1407 = arith.addi %parallel_loop3A_1285, %parallel_loop3A_1406 : i32
      %parallel_loop3A_1408 = arith.index_cast %parallel_loop3A_1407 : i32 to index
      %parallel_loop3A_1409 = tpu.vector_load %arg10[%parallel_loop3A_1408] {strides = array<i32>} : memref<65536xf32, #tpu.memory_space<vmem>>, vector<16xf32>,
      %parallel_loop3A_1410 = vector.shape_cast %parallel_loop3A_1409 : vector<16xf32> to vector<16xf32>
      %parallel_loop3A_1411 = vector.shape_cast %parallel_loop3A_1405 : vector<16xf32> to vector<16xf32>
      tpu.vector_store %arg10[%parallel_loop3A_1408], %parallel_loop3A_1411 {strides = array<i32>} : memref<65536xf32, #tpu.memory_space<vmem>>, vector<16xf32>,
      %parallel_loop3A_1412 = arith.constant 96 : i32
      %parallel_loop3A_1413 = arith.addi %parallel_loop3A_1285, %parallel_loop3A_1412 : i32
      %parallel_loop3A_1414 = arith.index_cast %parallel_loop3A_1413 : i32 to index
      %parallel_loop3A_1415 = tpu.vector_load %arg10[%parallel_loop3A_1414] {strides = array<i32>} : memref<65536xf32, #tpu.memory_space<vmem>>, vector<16xf32>,
      %parallel_loop3A_1416 = vector.shape_cast %parallel_loop3A_1415 : vector<16xf32> to vector<16xf32>
      %parallel_loop3A_1417 = arith.constant 96 : i32
      %parallel_loop3A_1418 = arith.addi %parallel_loop3A_77, %parallel_loop3A_1417 : i32
      %parallel_loop3A_1419 = arith.index_cast %parallel_loop3A_1418 : i32 to index
      %parallel_loop3A_1420 = tpu.vector_load %arg8[%parallel_loop3A_1419] {strides = array<i32>} : memref<8192xf32, #tpu.memory_space<vmem>>, vector<16xf32>,
      %parallel_loop3A_1421 = vector.shape_cast %parallel_loop3A_1420 : vector<16xf32> to vector<16xf32>
      %parallel_loop3A_1422 = arith.constant 0.000000e+00 : f32
      %parallel_loop3A_1423 = vector.broadcast %parallel_loop3A_1422 : f32 to vector<16xf32>
      %parallel_loop3A_1424 = arith.cmpf oge, %parallel_loop3A_1416, %parallel_loop3A_1423 : vector<16xf32>
      %parallel_loop3A_1425 = arith.mulf %parallel_loop3A_1421, %parallel_loop3A_1416 : vector<16xf32>
      %parallel_loop3A_1426 = arith.select %parallel_loop3A_1424, %parallel_loop3A_1416, %parallel_loop3A_1425 : vector<16xi1>, vector<16xf32>
      %parallel_loop3A_1427 = arith.constant 96 : i32
      %parallel_loop3A_1428 = arith.addi %parallel_loop3A_1285, %parallel_loop3A_1427 : i32
      %parallel_loop3A_1429 = arith.index_cast %parallel_loop3A_1428 : i32 to index
      %parallel_loop3A_1430 = tpu.vector_load %arg10[%parallel_loop3A_1429] {strides = array<i32>} : memref<65536xf32, #tpu.memory_space<vmem>>, vector<16xf32>,
      %parallel_loop3A_1431 = vector.shape_cast %parallel_loop3A_1430 : vector<16xf32> to vector<16xf32>
      %parallel_loop3A_1432 = vector.shape_cast %parallel_loop3A_1426 : vector<16xf32> to vector<16xf32>
      tpu.vector_store %arg10[%parallel_loop3A_1429], %parallel_loop3A_1432 {strides = array<i32>} : memref<65536xf32, #tpu.memory_space<vmem>>, vector<16xf32>,
      %parallel_loop3A_1433 = arith.constant 112 : i32
      %parallel_loop3A_1434 = arith.addi %parallel_loop3A_1285, %parallel_loop3A_1433 : i32
      %parallel_loop3A_1435 = arith.index_cast %parallel_loop3A_1434 : i32 to index
      %parallel_loop3A_1436 = tpu.vector_load %arg10[%parallel_loop3A_1435] {strides = array<i32>} : memref<65536xf32, #tpu.memory_space<vmem>>, vector<16xf32>,
      %parallel_loop3A_1437 = vector.shape_cast %parallel_loop3A_1436 : vector<16xf32> to vector<16xf32>
      %parallel_loop3A_1438 = arith.constant 112 : i32
      %parallel_loop3A_1439 = arith.addi %parallel_loop3A_77, %parallel_loop3A_1438 : i32
      %parallel_loop3A_1440 = arith.index_cast %parallel_loop3A_1439 : i32 to index
      %parallel_loop3A_1441 = tpu.vector_load %arg8[%parallel_loop3A_1440] {strides = array<i32>} : memref<8192xf32, #tpu.memory_space<vmem>>, vector<16xf32>,
      %parallel_loop3A_1442 = vector.shape_cast %parallel_loop3A_1441 : vector<16xf32> to vector<16xf32>
      %parallel_loop3A_1443 = arith.constant 0.000000e+00 : f32
      %parallel_loop3A_1444 = vector.broadcast %parallel_loop3A_1443 : f32 to vector<16xf32>
      %parallel_loop3A_1445 = arith.cmpf oge, %parallel_loop3A_1437, %parallel_loop3A_1444 : vector<16xf32>
      %parallel_loop3A_1446 = arith.mulf %parallel_loop3A_1442, %parallel_loop3A_1437 : vector<16xf32>
      %parallel_loop3A_1447 = arith.select %parallel_loop3A_1445, %parallel_loop3A_1437, %parallel_loop3A_1446 : vector<16xi1>, vector<16xf32>
      %parallel_loop3A_1448 = arith.constant 112 : i32
      %parallel_loop3A_1449 = arith.addi %parallel_loop3A_1285, %parallel_loop3A_1448 : i32
      %parallel_loop3A_1450 = arith.index_cast %parallel_loop3A_1449 : i32 to index
      %parallel_loop3A_1451 = tpu.vector_load %arg10[%parallel_loop3A_1450] {strides = array<i32>} : memref<65536xf32, #tpu.memory_space<vmem>>, vector<16xf32>,
      %parallel_loop3A_1452 = vector.shape_cast %parallel_loop3A_1451 : vector<16xf32> to vector<16xf32>
      %parallel_loop3A_1453 = vector.shape_cast %parallel_loop3A_1447 : vector<16xf32> to vector<16xf32>
      tpu.vector_store %arg10[%parallel_loop3A_1450], %parallel_loop3A_1453 {strides = array<i32>} : memref<65536xf32, #tpu.memory_space<vmem>>, vector<16xf32>,
      %parallel_loop3A_1454 = arith.constant 1024 : i32
      %parallel_loop3A_1455 = arith.addi %parallel_loop3A_61, %parallel_loop3A_1454 : i32
      %parallel_loop3A_1456 = arith.constant 0 : i32
      %parallel_loop3A_1457 = arith.addi %parallel_loop3A_1455, %parallel_loop3A_1456 : i32
      %parallel_loop3A_1458 = arith.index_cast %parallel_loop3A_1457 : i32 to index
      %parallel_loop3A_1459 = tpu.vector_load %arg10[%parallel_loop3A_1458] {strides = array<i32>} : memref<65536xf32, #tpu.memory_space<vmem>>, vector<16xf32>,
      %parallel_loop3A_1460 = vector.shape_cast %parallel_loop3A_1459 : vector<16xf32> to vector<16xf32>
      %parallel_loop3A_1461 = arith.constant 0 : i32
      %parallel_loop3A_1462 = arith.addi %parallel_loop3A_79, %parallel_loop3A_1461 : i32
      %parallel_loop3A_1463 = arith.index_cast %parallel_loop3A_1462 : i32 to index
      %parallel_loop3A_1464 = tpu.vector_load %arg8[%parallel_loop3A_1463] {strides = array<i32>} : memref<8192xf32, #tpu.memory_space<vmem>>, vector<16xf32>,
      %parallel_loop3A_1465 = vector.shape_cast %parallel_loop3A_1464 : vector<16xf32> to vector<16xf32>
      %parallel_loop3A_1466 = arith.constant 0.000000e+00 : f32
      %parallel_loop3A_1467 = vector.broadcast %parallel_loop3A_1466 : f32 to vector<16xf32>
      %parallel_loop3A_1468 = arith.cmpf oge, %parallel_loop3A_1460, %parallel_loop3A_1467 : vector<16xf32>
      %parallel_loop3A_1469 = arith.mulf %parallel_loop3A_1465, %parallel_loop3A_1460 : vector<16xf32>
      %parallel_loop3A_1470 = arith.select %parallel_loop3A_1468, %parallel_loop3A_1460, %parallel_loop3A_1469 : vector<16xi1>, vector<16xf32>
      %parallel_loop3A_1471 = arith.constant 0 : i32
      %parallel_loop3A_1472 = arith.addi %parallel_loop3A_1455, %parallel_loop3A_1471 : i32
      %parallel_loop3A_1473 = arith.index_cast %parallel_loop3A_1472 : i32 to index
      %parallel_loop3A_1474 = tpu.vector_load %arg10[%parallel_loop3A_1473] {strides = array<i32>} : memref<65536xf32, #tpu.memory_space<vmem>>, vector<16xf32>,
      %parallel_loop3A_1475 = vector.shape_cast %parallel_loop3A_1474 : vector<16xf32> to vector<16xf32>
      %parallel_loop3A_1476 = vector.shape_cast %parallel_loop3A_1470 : vector<16xf32> to vector<16xf32>
      tpu.vector_store %arg10[%parallel_loop3A_1473], %parallel_loop3A_1476 {strides = array<i32>} : memref<65536xf32, #tpu.memory_space<vmem>>, vector<16xf32>,
      %parallel_loop3A_1477 = arith.constant 16 : i32
      %parallel_loop3A_1478 = arith.addi %parallel_loop3A_1455, %parallel_loop3A_1477 : i32
      %parallel_loop3A_1479 = arith.index_cast %parallel_loop3A_1478 : i32 to index
      %parallel_loop3A_1480 = tpu.vector_load %arg10[%parallel_loop3A_1479] {strides = array<i32>} : memref<65536xf32, #tpu.memory_space<vmem>>, vector<16xf32>,
      %parallel_loop3A_1481 = vector.shape_cast %parallel_loop3A_1480 : vector<16xf32> to vector<16xf32>
      %parallel_loop3A_1482 = arith.constant 16 : i32
      %parallel_loop3A_1483 = arith.addi %parallel_loop3A_79, %parallel_loop3A_1482 : i32
      %parallel_loop3A_1484 = arith.index_cast %parallel_loop3A_1483 : i32 to index
      %parallel_loop3A_1485 = tpu.vector_load %arg8[%parallel_loop3A_1484] {strides = array<i32>} : memref<8192xf32, #tpu.memory_space<vmem>>, vector<16xf32>,
      %parallel_loop3A_1486 = vector.shape_cast %parallel_loop3A_1485 : vector<16xf32> to vector<16xf32>
      %parallel_loop3A_1487 = arith.constant 0.000000e+00 : f32
      %parallel_loop3A_1488 = vector.broadcast %parallel_loop3A_1487 : f32 to vector<16xf32>
      %parallel_loop3A_1489 = arith.cmpf oge, %parallel_loop3A_1481, %parallel_loop3A_1488 : vector<16xf32>
      %parallel_loop3A_1490 = arith.mulf %parallel_loop3A_1486, %parallel_loop3A_1481 : vector<16xf32>
      %parallel_loop3A_1491 = arith.select %parallel_loop3A_1489, %parallel_loop3A_1481, %parallel_loop3A_1490 : vector<16xi1>, vector<16xf32>
      %parallel_loop3A_1492 = arith.constant 16 : i32
      %parallel_loop3A_1493 = arith.addi %parallel_loop3A_1455, %parallel_loop3A_1492 : i32
      %parallel_loop3A_1494 = arith.index_cast %parallel_loop3A_1493 : i32 to index
      %parallel_loop3A_1495 = tpu.vector_load %arg10[%parallel_loop3A_1494] {strides = array<i32>} : memref<65536xf32, #tpu.memory_space<vmem>>, vector<16xf32>,
      %parallel_loop3A_1496 = vector.shape_cast %parallel_loop3A_1495 : vector<16xf32> to vector<16xf32>
      %parallel_loop3A_1497 = vector.shape_cast %parallel_loop3A_1491 : vector<16xf32> to vector<16xf32>
      tpu.vector_store %arg10[%parallel_loop3A_1494], %parallel_loop3A_1497 {strides = array<i32>} : memref<65536xf32, #tpu.memory_space<vmem>>, vector<16xf32>,
      %parallel_loop3A_1498 = arith.constant 32 : i32
      %parallel_loop3A_1499 = arith.addi %parallel_loop3A_1455, %parallel_loop3A_1498 : i32
      %parallel_loop3A_1500 = arith.index_cast %parallel_loop3A_1499 : i32 to index
      %parallel_loop3A_1501 = tpu.vector_load %arg10[%parallel_loop3A_1500] {strides = array<i32>} : memref<65536xf32, #tpu.memory_space<vmem>>, vector<16xf32>,
      %parallel_loop3A_1502 = vector.shape_cast %parallel_loop3A_1501 : vector<16xf32> to vector<16xf32>
      %parallel_loop3A_1503 = arith.constant 32 : i32
      %parallel_loop3A_1504 = arith.addi %parallel_loop3A_79, %parallel_loop3A_1503 : i32
      %parallel_loop3A_1505 = arith.index_cast %parallel_loop3A_1504 : i32 to index
      %parallel_loop3A_1506 = tpu.vector_load %arg8[%parallel_loop3A_1505] {strides = array<i32>} : memref<8192xf32, #tpu.memory_space<vmem>>, vector<16xf32>,
      %parallel_loop3A_1507 = vector.shape_cast %parallel_loop3A_1506 : vector<16xf32> to vector<16xf32>
      %parallel_loop3A_1508 = arith.constant 0.000000e+00 : f32
      %parallel_loop3A_1509 = vector.broadcast %parallel_loop3A_1508 : f32 to vector<16xf32>
      %parallel_loop3A_1510 = arith.cmpf oge, %parallel_loop3A_1502, %parallel_loop3A_1509 : vector<16xf32>
      %parallel_loop3A_1511 = arith.mulf %parallel_loop3A_1507, %parallel_loop3A_1502 : vector<16xf32>
      %parallel_loop3A_1512 = arith.select %parallel_loop3A_1510, %parallel_loop3A_1502, %parallel_loop3A_1511 : vector<16xi1>, vector<16xf32>
      %parallel_loop3A_1513 = arith.constant 32 : i32
      %parallel_loop3A_1514 = arith.addi %parallel_loop3A_1455, %parallel_loop3A_1513 : i32
      %parallel_loop3A_1515 = arith.index_cast %parallel_loop3A_1514 : i32 to index
      %parallel_loop3A_1516 = tpu.vector_load %arg10[%parallel_loop3A_1515] {strides = array<i32>} : memref<65536xf32, #tpu.memory_space<vmem>>, vector<16xf32>,
      %parallel_loop3A_1517 = vector.shape_cast %parallel_loop3A_1516 : vector<16xf32> to vector<16xf32>
      %parallel_loop3A_1518 = vector.shape_cast %parallel_loop3A_1512 : vector<16xf32> to vector<16xf32>
      tpu.vector_store %arg10[%parallel_loop3A_1515], %parallel_loop3A_1518 {strides = array<i32>} : memref<65536xf32, #tpu.memory_space<vmem>>, vector<16xf32>,
      %parallel_loop3A_1519 = arith.constant 48 : i32
      %parallel_loop3A_1520 = arith.addi %parallel_loop3A_1455, %parallel_loop3A_1519 : i32
      %parallel_loop3A_1521 = arith.index_cast %parallel_loop3A_1520 : i32 to index
      %parallel_loop3A_1522 = tpu.vector_load %arg10[%parallel_loop3A_1521] {strides = array<i32>} : memref<65536xf32, #tpu.memory_space<vmem>>, vector<16xf32>,
      %parallel_loop3A_1523 = vector.shape_cast %parallel_loop3A_1522 : vector<16xf32> to vector<16xf32>
      %parallel_loop3A_1524 = arith.constant 48 : i32
      %parallel_loop3A_1525 = arith.addi %parallel_loop3A_79, %parallel_loop3A_1524 : i32
      %parallel_loop3A_1526 = arith.index_cast %parallel_loop3A_1525 : i32 to index
      %parallel_loop3A_1527 = tpu.vector_load %arg8[%parallel_loop3A_1526] {strides = array<i32>} : memref<8192xf32, #tpu.memory_space<vmem>>, vector<16xf32>,
      %parallel_loop3A_1528 = vector.shape_cast %parallel_loop3A_1527 : vector<16xf32> to vector<16xf32>
      %parallel_loop3A_1529 = arith.constant 0.000000e+00 : f32
      %parallel_loop3A_1530 = vector.broadcast %parallel_loop3A_1529 : f32 to vector<16xf32>
      %parallel_loop3A_1531 = arith.cmpf oge, %parallel_loop3A_1523, %parallel_loop3A_1530 : vector<16xf32>
      %parallel_loop3A_1532 = arith.mulf %parallel_loop3A_1528, %parallel_loop3A_1523 : vector<16xf32>
      %parallel_loop3A_1533 = arith.select %parallel_loop3A_1531, %parallel_loop3A_1523, %parallel_loop3A_1532 : vector<16xi1>, vector<16xf32>
      %parallel_loop3A_1534 = arith.constant 48 : i32
      %parallel_loop3A_1535 = arith.addi %parallel_loop3A_1455, %parallel_loop3A_1534 : i32
      %parallel_loop3A_1536 = arith.index_cast %parallel_loop3A_1535 : i32 to index
      %parallel_loop3A_1537 = tpu.vector_load %arg10[%parallel_loop3A_1536] {strides = array<i32>} : memref<65536xf32, #tpu.memory_space<vmem>>, vector<16xf32>,
      %parallel_loop3A_1538 = vector.shape_cast %parallel_loop3A_1537 : vector<16xf32> to vector<16xf32>
      %parallel_loop3A_1539 = vector.shape_cast %parallel_loop3A_1533 : vector<16xf32> to vector<16xf32>
      tpu.vector_store %arg10[%parallel_loop3A_1536], %parallel_loop3A_1539 {strides = array<i32>} : memref<65536xf32, #tpu.memory_space<vmem>>, vector<16xf32>,
      %parallel_loop3A_1540 = arith.constant 64 : i32
      %parallel_loop3A_1541 = arith.addi %parallel_loop3A_1455, %parallel_loop3A_1540 : i32
      %parallel_loop3A_1542 = arith.index_cast %parallel_loop3A_1541 : i32 to index
      %parallel_loop3A_1543 = tpu.vector_load %arg10[%parallel_loop3A_1542] {strides = array<i32>} : memref<65536xf32, #tpu.memory_space<vmem>>, vector<16xf32>,
      %parallel_loop3A_1544 = vector.shape_cast %parallel_loop3A_1543 : vector<16xf32> to vector<16xf32>
      %parallel_loop3A_1545 = arith.constant 64 : i32
      %parallel_loop3A_1546 = arith.addi %parallel_loop3A_79, %parallel_loop3A_1545 : i32
      %parallel_loop3A_1547 = arith.index_cast %parallel_loop3A_1546 : i32 to index
      %parallel_loop3A_1548 = tpu.vector_load %arg8[%parallel_loop3A_1547] {strides = array<i32>} : memref<8192xf32, #tpu.memory_space<vmem>>, vector<16xf32>,
      %parallel_loop3A_1549 = vector.shape_cast %parallel_loop3A_1548 : vector<16xf32> to vector<16xf32>
      %parallel_loop3A_1550 = arith.constant 0.000000e+00 : f32
      %parallel_loop3A_1551 = vector.broadcast %parallel_loop3A_1550 : f32 to vector<16xf32>
      %parallel_loop3A_1552 = arith.cmpf oge, %parallel_loop3A_1544, %parallel_loop3A_1551 : vector<16xf32>
      %parallel_loop3A_1553 = arith.mulf %parallel_loop3A_1549, %parallel_loop3A_1544 : vector<16xf32>
      %parallel_loop3A_1554 = arith.select %parallel_loop3A_1552, %parallel_loop3A_1544, %parallel_loop3A_1553 : vector<16xi1>, vector<16xf32>
      %parallel_loop3A_1555 = arith.constant 64 : i32
      %parallel_loop3A_1556 = arith.addi %parallel_loop3A_1455, %parallel_loop3A_1555 : i32
      %parallel_loop3A_1557 = arith.index_cast %parallel_loop3A_1556 : i32 to index
      %parallel_loop3A_1558 = tpu.vector_load %arg10[%parallel_loop3A_1557] {strides = array<i32>} : memref<65536xf32, #tpu.memory_space<vmem>>, vector<16xf32>,
      %parallel_loop3A_1559 = vector.shape_cast %parallel_loop3A_1558 : vector<16xf32> to vector<16xf32>
      %parallel_loop3A_1560 = vector.shape_cast %parallel_loop3A_1554 : vector<16xf32> to vector<16xf32>
      tpu.vector_store %arg10[%parallel_loop3A_1557], %parallel_loop3A_1560 {strides = array<i32>} : memref<65536xf32, #tpu.memory_space<vmem>>, vector<16xf32>,
      %parallel_loop3A_1561 = arith.constant 80 : i32
      %parallel_loop3A_1562 = arith.addi %parallel_loop3A_1455, %parallel_loop3A_1561 : i32
      %parallel_loop3A_1563 = arith.index_cast %parallel_loop3A_1562 : i32 to index
      %parallel_loop3A_1564 = tpu.vector_load %arg10[%parallel_loop3A_1563] {strides = array<i32>} : memref<65536xf32, #tpu.memory_space<vmem>>, vector<16xf32>,
      %parallel_loop3A_1565 = vector.shape_cast %parallel_loop3A_1564 : vector<16xf32> to vector<16xf32>
      %parallel_loop3A_1566 = arith.constant 80 : i32
      %parallel_loop3A_1567 = arith.addi %parallel_loop3A_79, %parallel_loop3A_1566 : i32
      %parallel_loop3A_1568 = arith.index_cast %parallel_loop3A_1567 : i32 to index
      %parallel_loop3A_1569 = tpu.vector_load %arg8[%parallel_loop3A_1568] {strides = array<i32>} : memref<8192xf32, #tpu.memory_space<vmem>>, vector<16xf32>,
      %parallel_loop3A_1570 = vector.shape_cast %parallel_loop3A_1569 : vector<16xf32> to vector<16xf32>
      %parallel_loop3A_1571 = arith.constant 0.000000e+00 : f32
      %parallel_loop3A_1572 = vector.broadcast %parallel_loop3A_1571 : f32 to vector<16xf32>
      %parallel_loop3A_1573 = arith.cmpf oge, %parallel_loop3A_1565, %parallel_loop3A_1572 : vector<16xf32>
      %parallel_loop3A_1574 = arith.mulf %parallel_loop3A_1570, %parallel_loop3A_1565 : vector<16xf32>
      %parallel_loop3A_1575 = arith.select %parallel_loop3A_1573, %parallel_loop3A_1565, %parallel_loop3A_1574 : vector<16xi1>, vector<16xf32>
      %parallel_loop3A_1576 = arith.constant 80 : i32
      %parallel_loop3A_1577 = arith.addi %parallel_loop3A_1455, %parallel_loop3A_1576 : i32
      %parallel_loop3A_1578 = arith.index_cast %parallel_loop3A_1577 : i32 to index
      %parallel_loop3A_1579 = tpu.vector_load %arg10[%parallel_loop3A_1578] {strides = array<i32>} : memref<65536xf32, #tpu.memory_space<vmem>>, vector<16xf32>,
      %parallel_loop3A_1580 = vector.shape_cast %parallel_loop3A_1579 : vector<16xf32> to vector<16xf32>
      %parallel_loop3A_1581 = vector.shape_cast %parallel_loop3A_1575 : vector<16xf32> to vector<16xf32>
      tpu.vector_store %arg10[%parallel_loop3A_1578], %parallel_loop3A_1581 {strides = array<i32>} : memref<65536xf32, #tpu.memory_space<vmem>>, vector<16xf32>,
      %parallel_loop3A_1582 = arith.constant 96 : i32
      %parallel_loop3A_1583 = arith.addi %parallel_loop3A_1455, %parallel_loop3A_1582 : i32
      %parallel_loop3A_1584 = arith.index_cast %parallel_loop3A_1583 : i32 to index
      %parallel_loop3A_1585 = tpu.vector_load %arg10[%parallel_loop3A_1584] {strides = array<i32>} : memref<65536xf32, #tpu.memory_space<vmem>>, vector<16xf32>,
      %parallel_loop3A_1586 = vector.shape_cast %parallel_loop3A_1585 : vector<16xf32> to vector<16xf32>
      %parallel_loop3A_1587 = arith.constant 96 : i32
      %parallel_loop3A_1588 = arith.addi %parallel_loop3A_79, %parallel_loop3A_1587 : i32
      %parallel_loop3A_1589 = arith.index_cast %parallel_loop3A_1588 : i32 to index
      %parallel_loop3A_1590 = tpu.vector_load %arg8[%parallel_loop3A_1589] {strides = array<i32>} : memref<8192xf32, #tpu.memory_space<vmem>>, vector<16xf32>,
      %parallel_loop3A_1591 = vector.shape_cast %parallel_loop3A_1590 : vector<16xf32> to vector<16xf32>
      %parallel_loop3A_1592 = arith.constant 0.000000e+00 : f32
      %parallel_loop3A_1593 = vector.broadcast %parallel_loop3A_1592 : f32 to vector<16xf32>
      %parallel_loop3A_1594 = arith.cmpf oge, %parallel_loop3A_1586, %parallel_loop3A_1593 : vector<16xf32>
      %parallel_loop3A_1595 = arith.mulf %parallel_loop3A_1591, %parallel_loop3A_1586 : vector<16xf32>
      %parallel_loop3A_1596 = arith.select %parallel_loop3A_1594, %parallel_loop3A_1586, %parallel_loop3A_1595 : vector<16xi1>, vector<16xf32>
      %parallel_loop3A_1597 = arith.constant 96 : i32
      %parallel_loop3A_1598 = arith.addi %parallel_loop3A_1455, %parallel_loop3A_1597 : i32
      %parallel_loop3A_1599 = arith.index_cast %parallel_loop3A_1598 : i32 to index
      %parallel_loop3A_1600 = tpu.vector_load %arg10[%parallel_loop3A_1599] {strides = array<i32>} : memref<65536xf32, #tpu.memory_space<vmem>>, vector<16xf32>,
      %parallel_loop3A_1601 = vector.shape_cast %parallel_loop3A_1600 : vector<16xf32> to vector<16xf32>
      %parallel_loop3A_1602 = vector.shape_cast %parallel_loop3A_1596 : vector<16xf32> to vector<16xf32>
      tpu.vector_store %arg10[%parallel_loop3A_1599], %parallel_loop3A_1602 {strides = array<i32>} : memref<65536xf32, #tpu.memory_space<vmem>>, vector<16xf32>,
      %parallel_loop3A_1603 = arith.constant 112 : i32
      %parallel_loop3A_1604 = arith.addi %parallel_loop3A_1455, %parallel_loop3A_1603 : i32
      %parallel_loop3A_1605 = arith.index_cast %parallel_loop3A_1604 : i32 to index
      %parallel_loop3A_1606 = tpu.vector_load %arg10[%parallel_loop3A_1605] {strides = array<i32>} : memref<65536xf32, #tpu.memory_space<vmem>>, vector<16xf32>,
      %parallel_loop3A_1607 = vector.shape_cast %parallel_loop3A_1606 : vector<16xf32> to vector<16xf32>
      %parallel_loop3A_1608 = arith.constant 112 : i32
      %parallel_loop3A_1609 = arith.addi %parallel_loop3A_79, %parallel_loop3A_1608 : i32
      %parallel_loop3A_1610 = arith.index_cast %parallel_loop3A_1609 : i32 to index
      %parallel_loop3A_1611 = tpu.vector_load %arg8[%parallel_loop3A_1610] {strides = array<i32>} : memref<8192xf32, #tpu.memory_space<vmem>>, vector<16xf32>,
      %parallel_loop3A_1612 = vector.shape_cast %parallel_loop3A_1611 : vector<16xf32> to vector<16xf32>
      %parallel_loop3A_1613 = arith.constant 0.000000e+00 : f32
      %parallel_loop3A_1614 = vector.broadcast %parallel_loop3A_1613 : f32 to vector<16xf32>
      %parallel_loop3A_1615 = arith.cmpf oge, %parallel_loop3A_1607, %parallel_loop3A_1614 : vector<16xf32>
      %parallel_loop3A_1616 = arith.mulf %parallel_loop3A_1612, %parallel_loop3A_1607 : vector<16xf32>
      %parallel_loop3A_1617 = arith.select %parallel_loop3A_1615, %parallel_loop3A_1607, %parallel_loop3A_1616 : vector<16xi1>, vector<16xf32>
      %parallel_loop3A_1618 = arith.constant 112 : i32
      %parallel_loop3A_1619 = arith.addi %parallel_loop3A_1455, %parallel_loop3A_1618 : i32
      %parallel_loop3A_1620 = arith.index_cast %parallel_loop3A_1619 : i32 to index
      %parallel_loop3A_1621 = tpu.vector_load %arg10[%parallel_loop3A_1620] {strides = array<i32>} : memref<65536xf32, #tpu.memory_space<vmem>>, vector<16xf32>,
      %parallel_loop3A_1622 = vector.shape_cast %parallel_loop3A_1621 : vector<16xf32> to vector<16xf32>
      %parallel_loop3A_1623 = vector.shape_cast %parallel_loop3A_1617 : vector<16xf32> to vector<16xf32>
      tpu.vector_store %arg10[%parallel_loop3A_1620], %parallel_loop3A_1623 {strides = array<i32>} : memref<65536xf32, #tpu.memory_space<vmem>>, vector<16xf32>,
      %parallel_loop3A_1624 = arith.constant 1152 : i32
      %parallel_loop3A_1625 = arith.addi %parallel_loop3A_61, %parallel_loop3A_1624 : i32
      %parallel_loop3A_1626 = arith.constant 0 : i32
      %parallel_loop3A_1627 = arith.addi %parallel_loop3A_1625, %parallel_loop3A_1626 : i32
      %parallel_loop3A_1628 = arith.index_cast %parallel_loop3A_1627 : i32 to index
      %parallel_loop3A_1629 = tpu.vector_load %arg10[%parallel_loop3A_1628] {strides = array<i32>} : memref<65536xf32, #tpu.memory_space<vmem>>, vector<16xf32>,
      %parallel_loop3A_1630 = vector.shape_cast %parallel_loop3A_1629 : vector<16xf32> to vector<16xf32>
      %parallel_loop3A_1631 = arith.constant 0 : i32
      %parallel_loop3A_1632 = arith.addi %parallel_loop3A_81, %parallel_loop3A_1631 : i32
      %parallel_loop3A_1633 = arith.index_cast %parallel_loop3A_1632 : i32 to index
      %parallel_loop3A_1634 = tpu.vector_load %arg8[%parallel_loop3A_1633] {strides = array<i32>} : memref<8192xf32, #tpu.memory_space<vmem>>, vector<16xf32>,
      %parallel_loop3A_1635 = vector.shape_cast %parallel_loop3A_1634 : vector<16xf32> to vector<16xf32>
      %parallel_loop3A_1636 = arith.constant 0.000000e+00 : f32
      %parallel_loop3A_1637 = vector.broadcast %parallel_loop3A_1636 : f32 to vector<16xf32>
      %parallel_loop3A_1638 = arith.cmpf oge, %parallel_loop3A_1630, %parallel_loop3A_1637 : vector<16xf32>
      %parallel_loop3A_1639 = arith.mulf %parallel_loop3A_1635, %parallel_loop3A_1630 : vector<16xf32>
      %parallel_loop3A_1640 = arith.select %parallel_loop3A_1638, %parallel_loop3A_1630, %parallel_loop3A_1639 : vector<16xi1>, vector<16xf32>
      %parallel_loop3A_1641 = arith.constant 0 : i32
      %parallel_loop3A_1642 = arith.addi %parallel_loop3A_1625, %parallel_loop3A_1641 : i32
      %parallel_loop3A_1643 = arith.index_cast %parallel_loop3A_1642 : i32 to index
      %parallel_loop3A_1644 = tpu.vector_load %arg10[%parallel_loop3A_1643] {strides = array<i32>} : memref<65536xf32, #tpu.memory_space<vmem>>, vector<16xf32>,
      %parallel_loop3A_1645 = vector.shape_cast %parallel_loop3A_1644 : vector<16xf32> to vector<16xf32>
      %parallel_loop3A_1646 = vector.shape_cast %parallel_loop3A_1640 : vector<16xf32> to vector<16xf32>
      tpu.vector_store %arg10[%parallel_loop3A_1643], %parallel_loop3A_1646 {strides = array<i32>} : memref<65536xf32, #tpu.memory_space<vmem>>, vector<16xf32>,
      %parallel_loop3A_1647 = arith.constant 16 : i32
      %parallel_loop3A_1648 = arith.addi %parallel_loop3A_1625, %parallel_loop3A_1647 : i32
      %parallel_loop3A_1649 = arith.index_cast %parallel_loop3A_1648 : i32 to index
      %parallel_loop3A_1650 = tpu.vector_load %arg10[%parallel_loop3A_1649] {strides = array<i32>} : memref<65536xf32, #tpu.memory_space<vmem>>, vector<16xf32>,
      %parallel_loop3A_1651 = vector.shape_cast %parallel_loop3A_1650 : vector<16xf32> to vector<16xf32>
      %parallel_loop3A_1652 = arith.constant 16 : i32
      %parallel_loop3A_1653 = arith.addi %parallel_loop3A_81, %parallel_loop3A_1652 : i32
      %parallel_loop3A_1654 = arith.index_cast %parallel_loop3A_1653 : i32 to index
      %parallel_loop3A_1655 = tpu.vector_load %arg8[%parallel_loop3A_1654] {strides = array<i32>} : memref<8192xf32, #tpu.memory_space<vmem>>, vector<16xf32>,
      %parallel_loop3A_1656 = vector.shape_cast %parallel_loop3A_1655 : vector<16xf32> to vector<16xf32>
      %parallel_loop3A_1657 = arith.constant 0.000000e+00 : f32
      %parallel_loop3A_1658 = vector.broadcast %parallel_loop3A_1657 : f32 to vector<16xf32>
      %parallel_loop3A_1659 = arith.cmpf oge, %parallel_loop3A_1651, %parallel_loop3A_1658 : vector<16xf32>
      %parallel_loop3A_1660 = arith.mulf %parallel_loop3A_1656, %parallel_loop3A_1651 : vector<16xf32>
      %parallel_loop3A_1661 = arith.select %parallel_loop3A_1659, %parallel_loop3A_1651, %parallel_loop3A_1660 : vector<16xi1>, vector<16xf32>
      %parallel_loop3A_1662 = arith.constant 16 : i32
      %parallel_loop3A_1663 = arith.addi %parallel_loop3A_1625, %parallel_loop3A_1662 : i32
      %parallel_loop3A_1664 = arith.index_cast %parallel_loop3A_1663 : i32 to index
      %parallel_loop3A_1665 = tpu.vector_load %arg10[%parallel_loop3A_1664] {strides = array<i32>} : memref<65536xf32, #tpu.memory_space<vmem>>, vector<16xf32>,
      %parallel_loop3A_1666 = vector.shape_cast %parallel_loop3A_1665 : vector<16xf32> to vector<16xf32>
      %parallel_loop3A_1667 = vector.shape_cast %parallel_loop3A_1661 : vector<16xf32> to vector<16xf32>
      tpu.vector_store %arg10[%parallel_loop3A_1664], %parallel_loop3A_1667 {strides = array<i32>} : memref<65536xf32, #tpu.memory_space<vmem>>, vector<16xf32>,
      %parallel_loop3A_1668 = arith.constant 32 : i32
      %parallel_loop3A_1669 = arith.addi %parallel_loop3A_1625, %parallel_loop3A_1668 : i32
      %parallel_loop3A_1670 = arith.index_cast %parallel_loop3A_1669 : i32 to index
      %parallel_loop3A_1671 = tpu.vector_load %arg10[%parallel_loop3A_1670] {strides = array<i32>} : memref<65536xf32, #tpu.memory_space<vmem>>, vector<16xf32>,
      %parallel_loop3A_1672 = vector.shape_cast %parallel_loop3A_1671 : vector<16xf32> to vector<16xf32>
      %parallel_loop3A_1673 = arith.constant 32 : i32
      %parallel_loop3A_1674 = arith.addi %parallel_loop3A_81, %parallel_loop3A_1673 : i32
      %parallel_loop3A_1675 = arith.index_cast %parallel_loop3A_1674 : i32 to index
      %parallel_loop3A_1676 = tpu.vector_load %arg8[%parallel_loop3A_1675] {strides = array<i32>} : memref<8192xf32, #tpu.memory_space<vmem>>, vector<16xf32>,
      %parallel_loop3A_1677 = vector.shape_cast %parallel_loop3A_1676 : vector<16xf32> to vector<16xf32>
      %parallel_loop3A_1678 = arith.constant 0.000000e+00 : f32
      %parallel_loop3A_1679 = vector.broadcast %parallel_loop3A_1678 : f32 to vector<16xf32>
      %parallel_loop3A_1680 = arith.cmpf oge, %parallel_loop3A_1672, %parallel_loop3A_1679 : vector<16xf32>
      %parallel_loop3A_1681 = arith.mulf %parallel_loop3A_1677, %parallel_loop3A_1672 : vector<16xf32>
      %parallel_loop3A_1682 = arith.select %parallel_loop3A_1680, %parallel_loop3A_1672, %parallel_loop3A_1681 : vector<16xi1>, vector<16xf32>
      %parallel_loop3A_1683 = arith.constant 32 : i32
      %parallel_loop3A_1684 = arith.addi %parallel_loop3A_1625, %parallel_loop3A_1683 : i32
      %parallel_loop3A_1685 = arith.index_cast %parallel_loop3A_1684 : i32 to index
      %parallel_loop3A_1686 = tpu.vector_load %arg10[%parallel_loop3A_1685] {strides = array<i32>} : memref<65536xf32, #tpu.memory_space<vmem>>, vector<16xf32>,
      %parallel_loop3A_1687 = vector.shape_cast %parallel_loop3A_1686 : vector<16xf32> to vector<16xf32>
      %parallel_loop3A_1688 = vector.shape_cast %parallel_loop3A_1682 : vector<16xf32> to vector<16xf32>
      tpu.vector_store %arg10[%parallel_loop3A_1685], %parallel_loop3A_1688 {strides = array<i32>} : memref<65536xf32, #tpu.memory_space<vmem>>, vector<16xf32>,
      %parallel_loop3A_1689 = arith.constant 48 : i32
      %parallel_loop3A_1690 = arith.addi %parallel_loop3A_1625, %parallel_loop3A_1689 : i32
      %parallel_loop3A_1691 = arith.index_cast %parallel_loop3A_1690 : i32 to index
      %parallel_loop3A_1692 = tpu.vector_load %arg10[%parallel_loop3A_1691] {strides = array<i32>} : memref<65536xf32, #tpu.memory_space<vmem>>, vector<16xf32>,
      %parallel_loop3A_1693 = vector.shape_cast %parallel_loop3A_1692 : vector<16xf32> to vector<16xf32>
      %parallel_loop3A_1694 = arith.constant 48 : i32
      %parallel_loop3A_1695 = arith.addi %parallel_loop3A_81, %parallel_loop3A_1694 : i32
      %parallel_loop3A_1696 = arith.index_cast %parallel_loop3A_1695 : i32 to index
      %parallel_loop3A_1697 = tpu.vector_load %arg8[%parallel_loop3A_1696] {strides = array<i32>} : memref<8192xf32, #tpu.memory_space<vmem>>, vector<16xf32>,
      %parallel_loop3A_1698 = vector.shape_cast %parallel_loop3A_1697 : vector<16xf32> to vector<16xf32>
      %parallel_loop3A_1699 = arith.constant 0.000000e+00 : f32
      %parallel_loop3A_1700 = vector.broadcast %parallel_loop3A_1699 : f32 to vector<16xf32>
      %parallel_loop3A_1701 = arith.cmpf oge, %parallel_loop3A_1693, %parallel_loop3A_1700 : vector<16xf32>
      %parallel_loop3A_1702 = arith.mulf %parallel_loop3A_1698, %parallel_loop3A_1693 : vector<16xf32>
      %parallel_loop3A_1703 = arith.select %parallel_loop3A_1701, %parallel_loop3A_1693, %parallel_loop3A_1702 : vector<16xi1>, vector<16xf32>
      %parallel_loop3A_1704 = arith.constant 48 : i32
      %parallel_loop3A_1705 = arith.addi %parallel_loop3A_1625, %parallel_loop3A_1704 : i32
      %parallel_loop3A_1706 = arith.index_cast %parallel_loop3A_1705 : i32 to index
      %parallel_loop3A_1707 = tpu.vector_load %arg10[%parallel_loop3A_1706] {strides = array<i32>} : memref<65536xf32, #tpu.memory_space<vmem>>, vector<16xf32>,
      %parallel_loop3A_1708 = vector.shape_cast %parallel_loop3A_1707 : vector<16xf32> to vector<16xf32>
      %parallel_loop3A_1709 = vector.shape_cast %parallel_loop3A_1703 : vector<16xf32> to vector<16xf32>
      tpu.vector_store %arg10[%parallel_loop3A_1706], %parallel_loop3A_1709 {strides = array<i32>} : memref<65536xf32, #tpu.memory_space<vmem>>, vector<16xf32>,
      %parallel_loop3A_1710 = arith.constant 64 : i32
      %parallel_loop3A_1711 = arith.addi %parallel_loop3A_1625, %parallel_loop3A_1710 : i32
      %parallel_loop3A_1712 = arith.index_cast %parallel_loop3A_1711 : i32 to index
      %parallel_loop3A_1713 = tpu.vector_load %arg10[%parallel_loop3A_1712] {strides = array<i32>} : memref<65536xf32, #tpu.memory_space<vmem>>, vector<16xf32>,
      %parallel_loop3A_1714 = vector.shape_cast %parallel_loop3A_1713 : vector<16xf32> to vector<16xf32>
      %parallel_loop3A_1715 = arith.constant 64 : i32
      %parallel_loop3A_1716 = arith.addi %parallel_loop3A_81, %parallel_loop3A_1715 : i32
      %parallel_loop3A_1717 = arith.index_cast %parallel_loop3A_1716 : i32 to index
      %parallel_loop3A_1718 = tpu.vector_load %arg8[%parallel_loop3A_1717] {strides = array<i32>} : memref<8192xf32, #tpu.memory_space<vmem>>, vector<16xf32>,
      %parallel_loop3A_1719 = vector.shape_cast %parallel_loop3A_1718 : vector<16xf32> to vector<16xf32>
      %parallel_loop3A_1720 = arith.constant 0.000000e+00 : f32
      %parallel_loop3A_1721 = vector.broadcast %parallel_loop3A_1720 : f32 to vector<16xf32>
      %parallel_loop3A_1722 = arith.cmpf oge, %parallel_loop3A_1714, %parallel_loop3A_1721 : vector<16xf32>
      %parallel_loop3A_1723 = arith.mulf %parallel_loop3A_1719, %parallel_loop3A_1714 : vector<16xf32>
      %parallel_loop3A_1724 = arith.select %parallel_loop3A_1722, %parallel_loop3A_1714, %parallel_loop3A_1723 : vector<16xi1>, vector<16xf32>
      %parallel_loop3A_1725 = arith.constant 64 : i32
      %parallel_loop3A_1726 = arith.addi %parallel_loop3A_1625, %parallel_loop3A_1725 : i32
      %parallel_loop3A_1727 = arith.index_cast %parallel_loop3A_1726 : i32 to index
      %parallel_loop3A_1728 = tpu.vector_load %arg10[%parallel_loop3A_1727] {strides = array<i32>} : memref<65536xf32, #tpu.memory_space<vmem>>, vector<16xf32>,
      %parallel_loop3A_1729 = vector.shape_cast %parallel_loop3A_1728 : vector<16xf32> to vector<16xf32>
      %parallel_loop3A_1730 = vector.shape_cast %parallel_loop3A_1724 : vector<16xf32> to vector<16xf32>
      tpu.vector_store %arg10[%parallel_loop3A_1727], %parallel_loop3A_1730 {strides = array<i32>} : memref<65536xf32, #tpu.memory_space<vmem>>, vector<16xf32>,
      %parallel_loop3A_1731 = arith.constant 80 : i32
      %parallel_loop3A_1732 = arith.addi %parallel_loop3A_1625, %parallel_loop3A_1731 : i32
      %parallel_loop3A_1733 = arith.index_cast %parallel_loop3A_1732 : i32 to index
      %parallel_loop3A_1734 = tpu.vector_load %arg10[%parallel_loop3A_1733] {strides = array<i32>} : memref<65536xf32, #tpu.memory_space<vmem>>, vector<16xf32>,
      %parallel_loop3A_1735 = vector.shape_cast %parallel_loop3A_1734 : vector<16xf32> to vector<16xf32>
      %parallel_loop3A_1736 = arith.constant 80 : i32
      %parallel_loop3A_1737 = arith.addi %parallel_loop3A_81, %parallel_loop3A_1736 : i32
      %parallel_loop3A_1738 = arith.index_cast %parallel_loop3A_1737 : i32 to index
      %parallel_loop3A_1739 = tpu.vector_load %arg8[%parallel_loop3A_1738] {strides = array<i32>} : memref<8192xf32, #tpu.memory_space<vmem>>, vector<16xf32>,
      %parallel_loop3A_1740 = vector.shape_cast %parallel_loop3A_1739 : vector<16xf32> to vector<16xf32>
      %parallel_loop3A_1741 = arith.constant 0.000000e+00 : f32
      %parallel_loop3A_1742 = vector.broadcast %parallel_loop3A_1741 : f32 to vector<16xf32>
      %parallel_loop3A_1743 = arith.cmpf oge, %parallel_loop3A_1735, %parallel_loop3A_1742 : vector<16xf32>
      %parallel_loop3A_1744 = arith.mulf %parallel_loop3A_1740, %parallel_loop3A_1735 : vector<16xf32>
      %parallel_loop3A_1745 = arith.select %parallel_loop3A_1743, %parallel_loop3A_1735, %parallel_loop3A_1744 : vector<16xi1>, vector<16xf32>
      %parallel_loop3A_1746 = arith.constant 80 : i32
      %parallel_loop3A_1747 = arith.addi %parallel_loop3A_1625, %parallel_loop3A_1746 : i32
      %parallel_loop3A_1748 = arith.index_cast %parallel_loop3A_1747 : i32 to index
      %parallel_loop3A_1749 = tpu.vector_load %arg10[%parallel_loop3A_1748] {strides = array<i32>} : memref<65536xf32, #tpu.memory_space<vmem>>, vector<16xf32>,
      %parallel_loop3A_1750 = vector.shape_cast %parallel_loop3A_1749 : vector<16xf32> to vector<16xf32>
      %parallel_loop3A_1751 = vector.shape_cast %parallel_loop3A_1745 : vector<16xf32> to vector<16xf32>
      tpu.vector_store %arg10[%parallel_loop3A_1748], %parallel_loop3A_1751 {strides = array<i32>} : memref<65536xf32, #tpu.memory_space<vmem>>, vector<16xf32>,
      %parallel_loop3A_1752 = arith.constant 96 : i32
      %parallel_loop3A_1753 = arith.addi %parallel_loop3A_1625, %parallel_loop3A_1752 : i32
      %parallel_loop3A_1754 = arith.index_cast %parallel_loop3A_1753 : i32 to index
      %parallel_loop3A_1755 = tpu.vector_load %arg10[%parallel_loop3A_1754] {strides = array<i32>} : memref<65536xf32, #tpu.memory_space<vmem>>, vector<16xf32>,
      %parallel_loop3A_1756 = vector.shape_cast %parallel_loop3A_1755 : vector<16xf32> to vector<16xf32>
      %parallel_loop3A_1757 = arith.constant 96 : i32
      %parallel_loop3A_1758 = arith.addi %parallel_loop3A_81, %parallel_loop3A_1757 : i32
      %parallel_loop3A_1759 = arith.index_cast %parallel_loop3A_1758 : i32 to index
      %parallel_loop3A_1760 = tpu.vector_load %arg8[%parallel_loop3A_1759] {strides = array<i32>} : memref<8192xf32, #tpu.memory_space<vmem>>, vector<16xf32>,
      %parallel_loop3A_1761 = vector.shape_cast %parallel_loop3A_1760 : vector<16xf32> to vector<16xf32>
      %parallel_loop3A_1762 = arith.constant 0.000000e+00 : f32
      %parallel_loop3A_1763 = vector.broadcast %parallel_loop3A_1762 : f32 to vector<16xf32>
      %parallel_loop3A_1764 = arith.cmpf oge, %parallel_loop3A_1756, %parallel_loop3A_1763 : vector<16xf32>
      %parallel_loop3A_1765 = arith.mulf %parallel_loop3A_1761, %parallel_loop3A_1756 : vector<16xf32>
      %parallel_loop3A_1766 = arith.select %parallel_loop3A_1764, %parallel_loop3A_1756, %parallel_loop3A_1765 : vector<16xi1>, vector<16xf32>
      %parallel_loop3A_1767 = arith.constant 96 : i32
      %parallel_loop3A_1768 = arith.addi %parallel_loop3A_1625, %parallel_loop3A_1767 : i32
      %parallel_loop3A_1769 = arith.index_cast %parallel_loop3A_1768 : i32 to index
      %parallel_loop3A_1770 = tpu.vector_load %arg10[%parallel_loop3A_1769] {strides = array<i32>} : memref<65536xf32, #tpu.memory_space<vmem>>, vector<16xf32>,
      %parallel_loop3A_1771 = vector.shape_cast %parallel_loop3A_1770 : vector<16xf32> to vector<16xf32>
      %parallel_loop3A_1772 = vector.shape_cast %parallel_loop3A_1766 : vector<16xf32> to vector<16xf32>
      tpu.vector_store %arg10[%parallel_loop3A_1769], %parallel_loop3A_1772 {strides = array<i32>} : memref<65536xf32, #tpu.memory_space<vmem>>, vector<16xf32>,
      %parallel_loop3A_1773 = arith.constant 112 : i32
      %parallel_loop3A_1774 = arith.addi %parallel_loop3A_1625, %parallel_loop3A_1773 : i32
      %parallel_loop3A_1775 = arith.index_cast %parallel_loop3A_1774 : i32 to index
      %parallel_loop3A_1776 = tpu.vector_load %arg10[%parallel_loop3A_1775] {strides = array<i32>} : memref<65536xf32, #tpu.memory_space<vmem>>, vector<16xf32>,
      %parallel_loop3A_1777 = vector.shape_cast %parallel_loop3A_1776 : vector<16xf32> to vector<16xf32>
      %parallel_loop3A_1778 = arith.constant 112 : i32
      %parallel_loop3A_1779 = arith.addi %parallel_loop3A_81, %parallel_loop3A_1778 : i32
      %parallel_loop3A_1780 = arith.index_cast %parallel_loop3A_1779 : i32 to index
      %parallel_loop3A_1781 = tpu.vector_load %arg8[%parallel_loop3A_1780] {strides = array<i32>} : memref<8192xf32, #tpu.memory_space<vmem>>, vector<16xf32>,
      %parallel_loop3A_1782 = vector.shape_cast %parallel_loop3A_1781 : vector<16xf32> to vector<16xf32>
      %parallel_loop3A_1783 = arith.constant 0.000000e+00 : f32
      %parallel_loop3A_1784 = vector.broadcast %parallel_loop3A_1783 : f32 to vector<16xf32>
      %parallel_loop3A_1785 = arith.cmpf oge, %parallel_loop3A_1777, %parallel_loop3A_1784 : vector<16xf32>
      %parallel_loop3A_1786 = arith.mulf %parallel_loop3A_1782, %parallel_loop3A_1777 : vector<16xf32>
      %parallel_loop3A_1787 = arith.select %parallel_loop3A_1785, %parallel_loop3A_1777, %parallel_loop3A_1786 : vector<16xi1>, vector<16xf32>
      %parallel_loop3A_1788 = arith.constant 112 : i32
      %parallel_loop3A_1789 = arith.addi %parallel_loop3A_1625, %parallel_loop3A_1788 : i32
      %parallel_loop3A_1790 = arith.index_cast %parallel_loop3A_1789 : i32 to index
      %parallel_loop3A_1791 = tpu.vector_load %arg10[%parallel_loop3A_1790] {strides = array<i32>} : memref<65536xf32, #tpu.memory_space<vmem>>, vector<16xf32>,
      %parallel_loop3A_1792 = vector.shape_cast %parallel_loop3A_1791 : vector<16xf32> to vector<16xf32>
      %parallel_loop3A_1793 = vector.shape_cast %parallel_loop3A_1787 : vector<16xf32> to vector<16xf32>
      tpu.vector_store %arg10[%parallel_loop3A_1790], %parallel_loop3A_1793 {strides = array<i32>} : memref<65536xf32, #tpu.memory_space<vmem>>, vector<16xf32>,
      %parallel_loop3A_1794 = arith.constant 1280 : i32
      %parallel_loop3A_1795 = arith.addi %parallel_loop3A_61, %parallel_loop3A_1794 : i32
      %parallel_loop3A_1796 = arith.constant 0 : i32
      %parallel_loop3A_1797 = arith.addi %parallel_loop3A_1795, %parallel_loop3A_1796 : i32
      %parallel_loop3A_1798 = arith.index_cast %parallel_loop3A_1797 : i32 to index
      %parallel_loop3A_1799 = tpu.vector_load %arg10[%parallel_loop3A_1798] {strides = array<i32>} : memref<65536xf32, #tpu.memory_space<vmem>>, vector<16xf32>,
      %parallel_loop3A_1800 = vector.shape_cast %parallel_loop3A_1799 : vector<16xf32> to vector<16xf32>
      %parallel_loop3A_1801 = arith.constant 0 : i32
      %parallel_loop3A_1802 = arith.addi %parallel_loop3A_83, %parallel_loop3A_1801 : i32
      %parallel_loop3A_1803 = arith.index_cast %parallel_loop3A_1802 : i32 to index
      %parallel_loop3A_1804 = tpu.vector_load %arg8[%parallel_loop3A_1803] {strides = array<i32>} : memref<8192xf32, #tpu.memory_space<vmem>>, vector<16xf32>,
      %parallel_loop3A_1805 = vector.shape_cast %parallel_loop3A_1804 : vector<16xf32> to vector<16xf32>
      %parallel_loop3A_1806 = arith.constant 0.000000e+00 : f32
      %parallel_loop3A_1807 = vector.broadcast %parallel_loop3A_1806 : f32 to vector<16xf32>
      %parallel_loop3A_1808 = arith.cmpf oge, %parallel_loop3A_1800, %parallel_loop3A_1807 : vector<16xf32>
      %parallel_loop3A_1809 = arith.mulf %parallel_loop3A_1805, %parallel_loop3A_1800 : vector<16xf32>
      %parallel_loop3A_1810 = arith.select %parallel_loop3A_1808, %parallel_loop3A_1800, %parallel_loop3A_1809 : vector<16xi1>, vector<16xf32>
      %parallel_loop3A_1811 = arith.constant 0 : i32
      %parallel_loop3A_1812 = arith.addi %parallel_loop3A_1795, %parallel_loop3A_1811 : i32
      %parallel_loop3A_1813 = arith.index_cast %parallel_loop3A_1812 : i32 to index
      %parallel_loop3A_1814 = tpu.vector_load %arg10[%parallel_loop3A_1813] {strides = array<i32>} : memref<65536xf32, #tpu.memory_space<vmem>>, vector<16xf32>,
      %parallel_loop3A_1815 = vector.shape_cast %parallel_loop3A_1814 : vector<16xf32> to vector<16xf32>
      %parallel_loop3A_1816 = vector.shape_cast %parallel_loop3A_1810 : vector<16xf32> to vector<16xf32>
      tpu.vector_store %arg10[%parallel_loop3A_1813], %parallel_loop3A_1816 {strides = array<i32>} : memref<65536xf32, #tpu.memory_space<vmem>>, vector<16xf32>,
      %parallel_loop3A_1817 = arith.constant 16 : i32
      %parallel_loop3A_1818 = arith.addi %parallel_loop3A_1795, %parallel_loop3A_1817 : i32
      %parallel_loop3A_1819 = arith.index_cast %parallel_loop3A_1818 : i32 to index
      %parallel_loop3A_1820 = tpu.vector_load %arg10[%parallel_loop3A_1819] {strides = array<i32>} : memref<65536xf32, #tpu.memory_space<vmem>>, vector<16xf32>,
      %parallel_loop3A_1821 = vector.shape_cast %parallel_loop3A_1820 : vector<16xf32> to vector<16xf32>
      %parallel_loop3A_1822 = arith.constant 16 : i32
      %parallel_loop3A_1823 = arith.addi %parallel_loop3A_83, %parallel_loop3A_1822 : i32
      %parallel_loop3A_1824 = arith.index_cast %parallel_loop3A_1823 : i32 to index
      %parallel_loop3A_1825 = tpu.vector_load %arg8[%parallel_loop3A_1824] {strides = array<i32>} : memref<8192xf32, #tpu.memory_space<vmem>>, vector<16xf32>,
      %parallel_loop3A_1826 = vector.shape_cast %parallel_loop3A_1825 : vector<16xf32> to vector<16xf32>
      %parallel_loop3A_1827 = arith.constant 0.000000e+00 : f32
      %parallel_loop3A_1828 = vector.broadcast %parallel_loop3A_1827 : f32 to vector<16xf32>
      %parallel_loop3A_1829 = arith.cmpf oge, %parallel_loop3A_1821, %parallel_loop3A_1828 : vector<16xf32>
      %parallel_loop3A_1830 = arith.mulf %parallel_loop3A_1826, %parallel_loop3A_1821 : vector<16xf32>
      %parallel_loop3A_1831 = arith.select %parallel_loop3A_1829, %parallel_loop3A_1821, %parallel_loop3A_1830 : vector<16xi1>, vector<16xf32>
      %parallel_loop3A_1832 = arith.constant 16 : i32
      %parallel_loop3A_1833 = arith.addi %parallel_loop3A_1795, %parallel_loop3A_1832 : i32
      %parallel_loop3A_1834 = arith.index_cast %parallel_loop3A_1833 : i32 to index
      %parallel_loop3A_1835 = tpu.vector_load %arg10[%parallel_loop3A_1834] {strides = array<i32>} : memref<65536xf32, #tpu.memory_space<vmem>>, vector<16xf32>,
      %parallel_loop3A_1836 = vector.shape_cast %parallel_loop3A_1835 : vector<16xf32> to vector<16xf32>
      %parallel_loop3A_1837 = vector.shape_cast %parallel_loop3A_1831 : vector<16xf32> to vector<16xf32>
      tpu.vector_store %arg10[%parallel_loop3A_1834], %parallel_loop3A_1837 {strides = array<i32>} : memref<65536xf32, #tpu.memory_space<vmem>>, vector<16xf32>,
      %parallel_loop3A_1838 = arith.constant 32 : i32
      %parallel_loop3A_1839 = arith.addi %parallel_loop3A_1795, %parallel_loop3A_1838 : i32
      %parallel_loop3A_1840 = arith.index_cast %parallel_loop3A_1839 : i32 to index
      %parallel_loop3A_1841 = tpu.vector_load %arg10[%parallel_loop3A_1840] {strides = array<i32>} : memref<65536xf32, #tpu.memory_space<vmem>>, vector<16xf32>,
      %parallel_loop3A_1842 = vector.shape_cast %parallel_loop3A_1841 : vector<16xf32> to vector<16xf32>
      %parallel_loop3A_1843 = arith.constant 32 : i32
      %parallel_loop3A_1844 = arith.addi %parallel_loop3A_83, %parallel_loop3A_1843 : i32
      %parallel_loop3A_1845 = arith.index_cast %parallel_loop3A_1844 : i32 to index
      %parallel_loop3A_1846 = tpu.vector_load %arg8[%parallel_loop3A_1845] {strides = array<i32>} : memref<8192xf32, #tpu.memory_space<vmem>>, vector<16xf32>,
      %parallel_loop3A_1847 = vector.shape_cast %parallel_loop3A_1846 : vector<16xf32> to vector<16xf32>
      %parallel_loop3A_1848 = arith.constant 0.000000e+00 : f32
      %parallel_loop3A_1849 = vector.broadcast %parallel_loop3A_1848 : f32 to vector<16xf32>
      %parallel_loop3A_1850 = arith.cmpf oge, %parallel_loop3A_1842, %parallel_loop3A_1849 : vector<16xf32>
      %parallel_loop3A_1851 = arith.mulf %parallel_loop3A_1847, %parallel_loop3A_1842 : vector<16xf32>
      %parallel_loop3A_1852 = arith.select %parallel_loop3A_1850, %parallel_loop3A_1842, %parallel_loop3A_1851 : vector<16xi1>, vector<16xf32>
      %parallel_loop3A_1853 = arith.constant 32 : i32
      %parallel_loop3A_1854 = arith.addi %parallel_loop3A_1795, %parallel_loop3A_1853 : i32
      %parallel_loop3A_1855 = arith.index_cast %parallel_loop3A_1854 : i32 to index
      %parallel_loop3A_1856 = tpu.vector_load %arg10[%parallel_loop3A_1855] {strides = array<i32>} : memref<65536xf32, #tpu.memory_space<vmem>>, vector<16xf32>,
      %parallel_loop3A_1857 = vector.shape_cast %parallel_loop3A_1856 : vector<16xf32> to vector<16xf32>
      %parallel_loop3A_1858 = vector.shape_cast %parallel_loop3A_1852 : vector<16xf32> to vector<16xf32>
      tpu.vector_store %arg10[%parallel_loop3A_1855], %parallel_loop3A_1858 {strides = array<i32>} : memref<65536xf32, #tpu.memory_space<vmem>>, vector<16xf32>,
      %parallel_loop3A_1859 = arith.constant 48 : i32
      %parallel_loop3A_1860 = arith.addi %parallel_loop3A_1795, %parallel_loop3A_1859 : i32
      %parallel_loop3A_1861 = arith.index_cast %parallel_loop3A_1860 : i32 to index
      %parallel_loop3A_1862 = tpu.vector_load %arg10[%parallel_loop3A_1861] {strides = array<i32>} : memref<65536xf32, #tpu.memory_space<vmem>>, vector<16xf32>,
      %parallel_loop3A_1863 = vector.shape_cast %parallel_loop3A_1862 : vector<16xf32> to vector<16xf32>
      %parallel_loop3A_1864 = arith.constant 48 : i32
      %parallel_loop3A_1865 = arith.addi %parallel_loop3A_83, %parallel_loop3A_1864 : i32
      %parallel_loop3A_1866 = arith.index_cast %parallel_loop3A_1865 : i32 to index
      %parallel_loop3A_1867 = tpu.vector_load %arg8[%parallel_loop3A_1866] {strides = array<i32>} : memref<8192xf32, #tpu.memory_space<vmem>>, vector<16xf32>,
      %parallel_loop3A_1868 = vector.shape_cast %parallel_loop3A_1867 : vector<16xf32> to vector<16xf32>
      %parallel_loop3A_1869 = arith.constant 0.000000e+00 : f32
      %parallel_loop3A_1870 = vector.broadcast %parallel_loop3A_1869 : f32 to vector<16xf32>
      %parallel_loop3A_1871 = arith.cmpf oge, %parallel_loop3A_1863, %parallel_loop3A_1870 : vector<16xf32>
      %parallel_loop3A_1872 = arith.mulf %parallel_loop3A_1868, %parallel_loop3A_1863 : vector<16xf32>
      %parallel_loop3A_1873 = arith.select %parallel_loop3A_1871, %parallel_loop3A_1863, %parallel_loop3A_1872 : vector<16xi1>, vector<16xf32>
      %parallel_loop3A_1874 = arith.constant 48 : i32
      %parallel_loop3A_1875 = arith.addi %parallel_loop3A_1795, %parallel_loop3A_1874 : i32
      %parallel_loop3A_1876 = arith.index_cast %parallel_loop3A_1875 : i32 to index
      %parallel_loop3A_1877 = tpu.vector_load %arg10[%parallel_loop3A_1876] {strides = array<i32>} : memref<65536xf32, #tpu.memory_space<vmem>>, vector<16xf32>,
      %parallel_loop3A_1878 = vector.shape_cast %parallel_loop3A_1877 : vector<16xf32> to vector<16xf32>
      %parallel_loop3A_1879 = vector.shape_cast %parallel_loop3A_1873 : vector<16xf32> to vector<16xf32>
      tpu.vector_store %arg10[%parallel_loop3A_1876], %parallel_loop3A_1879 {strides = array<i32>} : memref<65536xf32, #tpu.memory_space<vmem>>, vector<16xf32>,
      %parallel_loop3A_1880 = arith.constant 64 : i32
      %parallel_loop3A_1881 = arith.addi %parallel_loop3A_1795, %parallel_loop3A_1880 : i32
      %parallel_loop3A_1882 = arith.index_cast %parallel_loop3A_1881 : i32 to index
      %parallel_loop3A_1883 = tpu.vector_load %arg10[%parallel_loop3A_1882] {strides = array<i32>} : memref<65536xf32, #tpu.memory_space<vmem>>, vector<16xf32>,
      %parallel_loop3A_1884 = vector.shape_cast %parallel_loop3A_1883 : vector<16xf32> to vector<16xf32>
      %parallel_loop3A_1885 = arith.constant 64 : i32
      %parallel_loop3A_1886 = arith.addi %parallel_loop3A_83, %parallel_loop3A_1885 : i32
      %parallel_loop3A_1887 = arith.index_cast %parallel_loop3A_1886 : i32 to index
      %parallel_loop3A_1888 = tpu.vector_load %arg8[%parallel_loop3A_1887] {strides = array<i32>} : memref<8192xf32, #tpu.memory_space<vmem>>, vector<16xf32>,
      %parallel_loop3A_1889 = vector.shape_cast %parallel_loop3A_1888 : vector<16xf32> to vector<16xf32>
      %parallel_loop3A_1890 = arith.constant 0.000000e+00 : f32
      %parallel_loop3A_1891 = vector.broadcast %parallel_loop3A_1890 : f32 to vector<16xf32>
      %parallel_loop3A_1892 = arith.cmpf oge, %parallel_loop3A_1884, %parallel_loop3A_1891 : vector<16xf32>
      %parallel_loop3A_1893 = arith.mulf %parallel_loop3A_1889, %parallel_loop3A_1884 : vector<16xf32>
      %parallel_loop3A_1894 = arith.select %parallel_loop3A_1892, %parallel_loop3A_1884, %parallel_loop3A_1893 : vector<16xi1>, vector<16xf32>
      %parallel_loop3A_1895 = arith.constant 64 : i32
      %parallel_loop3A_1896 = arith.addi %parallel_loop3A_1795, %parallel_loop3A_1895 : i32
      %parallel_loop3A_1897 = arith.index_cast %parallel_loop3A_1896 : i32 to index
      %parallel_loop3A_1898 = tpu.vector_load %arg10[%parallel_loop3A_1897] {strides = array<i32>} : memref<65536xf32, #tpu.memory_space<vmem>>, vector<16xf32>,
      %parallel_loop3A_1899 = vector.shape_cast %parallel_loop3A_1898 : vector<16xf32> to vector<16xf32>
      %parallel_loop3A_1900 = vector.shape_cast %parallel_loop3A_1894 : vector<16xf32> to vector<16xf32>
      tpu.vector_store %arg10[%parallel_loop3A_1897], %parallel_loop3A_1900 {strides = array<i32>} : memref<65536xf32, #tpu.memory_space<vmem>>, vector<16xf32>,
      %parallel_loop3A_1901 = arith.constant 80 : i32
      %parallel_loop3A_1902 = arith.addi %parallel_loop3A_1795, %parallel_loop3A_1901 : i32
      %parallel_loop3A_1903 = arith.index_cast %parallel_loop3A_1902 : i32 to index
      %parallel_loop3A_1904 = tpu.vector_load %arg10[%parallel_loop3A_1903] {strides = array<i32>} : memref<65536xf32, #tpu.memory_space<vmem>>, vector<16xf32>,
      %parallel_loop3A_1905 = vector.shape_cast %parallel_loop3A_1904 : vector<16xf32> to vector<16xf32>
      %parallel_loop3A_1906 = arith.constant 80 : i32
      %parallel_loop3A_1907 = arith.addi %parallel_loop3A_83, %parallel_loop3A_1906 : i32
      %parallel_loop3A_1908 = arith.index_cast %parallel_loop3A_1907 : i32 to index
      %parallel_loop3A_1909 = tpu.vector_load %arg8[%parallel_loop3A_1908] {strides = array<i32>} : memref<8192xf32, #tpu.memory_space<vmem>>, vector<16xf32>,
      %parallel_loop3A_1910 = vector.shape_cast %parallel_loop3A_1909 : vector<16xf32> to vector<16xf32>
      %parallel_loop3A_1911 = arith.constant 0.000000e+00 : f32
      %parallel_loop3A_1912 = vector.broadcast %parallel_loop3A_1911 : f32 to vector<16xf32>
      %parallel_loop3A_1913 = arith.cmpf oge, %parallel_loop3A_1905, %parallel_loop3A_1912 : vector<16xf32>
      %parallel_loop3A_1914 = arith.mulf %parallel_loop3A_1910, %parallel_loop3A_1905 : vector<16xf32>
      %parallel_loop3A_1915 = arith.select %parallel_loop3A_1913, %parallel_loop3A_1905, %parallel_loop3A_1914 : vector<16xi1>, vector<16xf32>
      %parallel_loop3A_1916 = arith.constant 80 : i32
      %parallel_loop3A_1917 = arith.addi %parallel_loop3A_1795, %parallel_loop3A_1916 : i32
      %parallel_loop3A_1918 = arith.index_cast %parallel_loop3A_1917 : i32 to index
      %parallel_loop3A_1919 = tpu.vector_load %arg10[%parallel_loop3A_1918] {strides = array<i32>} : memref<65536xf32, #tpu.memory_space<vmem>>, vector<16xf32>,
      %parallel_loop3A_1920 = vector.shape_cast %parallel_loop3A_1919 : vector<16xf32> to vector<16xf32>
      %parallel_loop3A_1921 = vector.shape_cast %parallel_loop3A_1915 : vector<16xf32> to vector<16xf32>
      tpu.vector_store %arg10[%parallel_loop3A_1918], %parallel_loop3A_1921 {strides = array<i32>} : memref<65536xf32, #tpu.memory_space<vmem>>, vector<16xf32>,
      %parallel_loop3A_1922 = arith.constant 96 : i32
      %parallel_loop3A_1923 = arith.addi %parallel_loop3A_1795, %parallel_loop3A_1922 : i32
      %parallel_loop3A_1924 = arith.index_cast %parallel_loop3A_1923 : i32 to index
      %parallel_loop3A_1925 = tpu.vector_load %arg10[%parallel_loop3A_1924] {strides = array<i32>} : memref<65536xf32, #tpu.memory_space<vmem>>, vector<16xf32>,
      %parallel_loop3A_1926 = vector.shape_cast %parallel_loop3A_1925 : vector<16xf32> to vector<16xf32>
      %parallel_loop3A_1927 = arith.constant 96 : i32
      %parallel_loop3A_1928 = arith.addi %parallel_loop3A_83, %parallel_loop3A_1927 : i32
      %parallel_loop3A_1929 = arith.index_cast %parallel_loop3A_1928 : i32 to index
      %parallel_loop3A_1930 = tpu.vector_load %arg8[%parallel_loop3A_1929] {strides = array<i32>} : memref<8192xf32, #tpu.memory_space<vmem>>, vector<16xf32>,
      %parallel_loop3A_1931 = vector.shape_cast %parallel_loop3A_1930 : vector<16xf32> to vector<16xf32>
      %parallel_loop3A_1932 = arith.constant 0.000000e+00 : f32
      %parallel_loop3A_1933 = vector.broadcast %parallel_loop3A_1932 : f32 to vector<16xf32>
      %parallel_loop3A_1934 = arith.cmpf oge, %parallel_loop3A_1926, %parallel_loop3A_1933 : vector<16xf32>
      %parallel_loop3A_1935 = arith.mulf %parallel_loop3A_1931, %parallel_loop3A_1926 : vector<16xf32>
      %parallel_loop3A_1936 = arith.select %parallel_loop3A_1934, %parallel_loop3A_1926, %parallel_loop3A_1935 : vector<16xi1>, vector<16xf32>
      %parallel_loop3A_1937 = arith.constant 96 : i32
      %parallel_loop3A_1938 = arith.addi %parallel_loop3A_1795, %parallel_loop3A_1937 : i32
      %parallel_loop3A_1939 = arith.index_cast %parallel_loop3A_1938 : i32 to index
      %parallel_loop3A_1940 = tpu.vector_load %arg10[%parallel_loop3A_1939] {strides = array<i32>} : memref<65536xf32, #tpu.memory_space<vmem>>, vector<16xf32>,
      %parallel_loop3A_1941 = vector.shape_cast %parallel_loop3A_1940 : vector<16xf32> to vector<16xf32>
      %parallel_loop3A_1942 = vector.shape_cast %parallel_loop3A_1936 : vector<16xf32> to vector<16xf32>
      tpu.vector_store %arg10[%parallel_loop3A_1939], %parallel_loop3A_1942 {strides = array<i32>} : memref<65536xf32, #tpu.memory_space<vmem>>, vector<16xf32>,
      %parallel_loop3A_1943 = arith.constant 112 : i32
      %parallel_loop3A_1944 = arith.addi %parallel_loop3A_1795, %parallel_loop3A_1943 : i32
      %parallel_loop3A_1945 = arith.index_cast %parallel_loop3A_1944 : i32 to index
      %parallel_loop3A_1946 = tpu.vector_load %arg10[%parallel_loop3A_1945] {strides = array<i32>} : memref<65536xf32, #tpu.memory_space<vmem>>, vector<16xf32>,
      %parallel_loop3A_1947 = vector.shape_cast %parallel_loop3A_1946 : vector<16xf32> to vector<16xf32>
      %parallel_loop3A_1948 = arith.constant 112 : i32
      %parallel_loop3A_1949 = arith.addi %parallel_loop3A_83, %parallel_loop3A_1948 : i32
      %parallel_loop3A_1950 = arith.index_cast %parallel_loop3A_1949 : i32 to index
      %parallel_loop3A_1951 = tpu.vector_load %arg8[%parallel_loop3A_1950] {strides = array<i32>} : memref<8192xf32, #tpu.memory_space<vmem>>, vector<16xf32>,
      %parallel_loop3A_1952 = vector.shape_cast %parallel_loop3A_1951 : vector<16xf32> to vector<16xf32>
      %parallel_loop3A_1953 = arith.constant 0.000000e+00 : f32
      %parallel_loop3A_1954 = vector.broadcast %parallel_loop3A_1953 : f32 to vector<16xf32>
      %parallel_loop3A_1955 = arith.cmpf oge, %parallel_loop3A_1947, %parallel_loop3A_1954 : vector<16xf32>
      %parallel_loop3A_1956 = arith.mulf %parallel_loop3A_1952, %parallel_loop3A_1947 : vector<16xf32>
      %parallel_loop3A_1957 = arith.select %parallel_loop3A_1955, %parallel_loop3A_1947, %parallel_loop3A_1956 : vector<16xi1>, vector<16xf32>
      %parallel_loop3A_1958 = arith.constant 112 : i32
      %parallel_loop3A_1959 = arith.addi %parallel_loop3A_1795, %parallel_loop3A_1958 : i32
      %parallel_loop3A_1960 = arith.index_cast %parallel_loop3A_1959 : i32 to index
      %parallel_loop3A_1961 = tpu.vector_load %arg10[%parallel_loop3A_1960] {strides = array<i32>} : memref<65536xf32, #tpu.memory_space<vmem>>, vector<16xf32>,
      %parallel_loop3A_1962 = vector.shape_cast %parallel_loop3A_1961 : vector<16xf32> to vector<16xf32>
      %parallel_loop3A_1963 = vector.shape_cast %parallel_loop3A_1957 : vector<16xf32> to vector<16xf32>
      tpu.vector_store %arg10[%parallel_loop3A_1960], %parallel_loop3A_1963 {strides = array<i32>} : memref<65536xf32, #tpu.memory_space<vmem>>, vector<16xf32>,
      %parallel_loop3A_1964 = arith.constant 1408 : i32
      %parallel_loop3A_1965 = arith.addi %parallel_loop3A_61, %parallel_loop3A_1964 : i32
      %parallel_loop3A_1966 = arith.constant 0 : i32
      %parallel_loop3A_1967 = arith.addi %parallel_loop3A_1965, %parallel_loop3A_1966 : i32
      %parallel_loop3A_1968 = arith.index_cast %parallel_loop3A_1967 : i32 to index
      %parallel_loop3A_1969 = tpu.vector_load %arg10[%parallel_loop3A_1968] {strides = array<i32>} : memref<65536xf32, #tpu.memory_space<vmem>>, vector<16xf32>,
      %parallel_loop3A_1970 = vector.shape_cast %parallel_loop3A_1969 : vector<16xf32> to vector<16xf32>
      %parallel_loop3A_1971 = arith.constant 0 : i32
      %parallel_loop3A_1972 = arith.addi %parallel_loop3A_85, %parallel_loop3A_1971 : i32
      %parallel_loop3A_1973 = arith.index_cast %parallel_loop3A_1972 : i32 to index
      %parallel_loop3A_1974 = tpu.vector_load %arg8[%parallel_loop3A_1973] {strides = array<i32>} : memref<8192xf32, #tpu.memory_space<vmem>>, vector<16xf32>,
      %parallel_loop3A_1975 = vector.shape_cast %parallel_loop3A_1974 : vector<16xf32> to vector<16xf32>
      %parallel_loop3A_1976 = arith.constant 0.000000e+00 : f32
      %parallel_loop3A_1977 = vector.broadcast %parallel_loop3A_1976 : f32 to vector<16xf32>
      %parallel_loop3A_1978 = arith.cmpf oge, %parallel_loop3A_1970, %parallel_loop3A_1977 : vector<16xf32>
      %parallel_loop3A_1979 = arith.mulf %parallel_loop3A_1975, %parallel_loop3A_1970 : vector<16xf32>
      %parallel_loop3A_1980 = arith.select %parallel_loop3A_1978, %parallel_loop3A_1970, %parallel_loop3A_1979 : vector<16xi1>, vector<16xf32>
      %parallel_loop3A_1981 = arith.constant 0 : i32
      %parallel_loop3A_1982 = arith.addi %parallel_loop3A_1965, %parallel_loop3A_1981 : i32
      %parallel_loop3A_1983 = arith.index_cast %parallel_loop3A_1982 : i32 to index
      %parallel_loop3A_1984 = tpu.vector_load %arg10[%parallel_loop3A_1983] {strides = array<i32>} : memref<65536xf32, #tpu.memory_space<vmem>>, vector<16xf32>,
      %parallel_loop3A_1985 = vector.shape_cast %parallel_loop3A_1984 : vector<16xf32> to vector<16xf32>
      %parallel_loop3A_1986 = vector.shape_cast %parallel_loop3A_1980 : vector<16xf32> to vector<16xf32>
      tpu.vector_store %arg10[%parallel_loop3A_1983], %parallel_loop3A_1986 {strides = array<i32>} : memref<65536xf32, #tpu.memory_space<vmem>>, vector<16xf32>,
      %parallel_loop3A_1987 = arith.constant 16 : i32
      %parallel_loop3A_1988 = arith.addi %parallel_loop3A_1965, %parallel_loop3A_1987 : i32
      %parallel_loop3A_1989 = arith.index_cast %parallel_loop3A_1988 : i32 to index
      %parallel_loop3A_1990 = tpu.vector_load %arg10[%parallel_loop3A_1989] {strides = array<i32>} : memref<65536xf32, #tpu.memory_space<vmem>>, vector<16xf32>,
      %parallel_loop3A_1991 = vector.shape_cast %parallel_loop3A_1990 : vector<16xf32> to vector<16xf32>
      %parallel_loop3A_1992 = arith.constant 16 : i32
      %parallel_loop3A_1993 = arith.addi %parallel_loop3A_85, %parallel_loop3A_1992 : i32
      %parallel_loop3A_1994 = arith.index_cast %parallel_loop3A_1993 : i32 to index
      %parallel_loop3A_1995 = tpu.vector_load %arg8[%parallel_loop3A_1994] {strides = array<i32>} : memref<8192xf32, #tpu.memory_space<vmem>>, vector<16xf32>,
      %parallel_loop3A_1996 = vector.shape_cast %parallel_loop3A_1995 : vector<16xf32> to vector<16xf32>
      %parallel_loop3A_1997 = arith.constant 0.000000e+00 : f32
      %parallel_loop3A_1998 = vector.broadcast %parallel_loop3A_1997 : f32 to vector<16xf32>
      %parallel_loop3A_1999 = arith.cmpf oge, %parallel_loop3A_1991, %parallel_loop3A_1998 : vector<16xf32>
      %parallel_loop3A_2000 = arith.mulf %parallel_loop3A_1996, %parallel_loop3A_1991 : vector<16xf32>
      %parallel_loop3A_2001 = arith.select %parallel_loop3A_1999, %parallel_loop3A_1991, %parallel_loop3A_2000 : vector<16xi1>, vector<16xf32>
      %parallel_loop3A_2002 = arith.constant 16 : i32
      %parallel_loop3A_2003 = arith.addi %parallel_loop3A_1965, %parallel_loop3A_2002 : i32
      %parallel_loop3A_2004 = arith.index_cast %parallel_loop3A_2003 : i32 to index
      %parallel_loop3A_2005 = tpu.vector_load %arg10[%parallel_loop3A_2004] {strides = array<i32>} : memref<65536xf32, #tpu.memory_space<vmem>>, vector<16xf32>,
      %parallel_loop3A_2006 = vector.shape_cast %parallel_loop3A_2005 : vector<16xf32> to vector<16xf32>
      %parallel_loop3A_2007 = vector.shape_cast %parallel_loop3A_2001 : vector<16xf32> to vector<16xf32>
      tpu.vector_store %arg10[%parallel_loop3A_2004], %parallel_loop3A_2007 {strides = array<i32>} : memref<65536xf32, #tpu.memory_space<vmem>>, vector<16xf32>,
      %parallel_loop3A_2008 = arith.constant 32 : i32
      %parallel_loop3A_2009 = arith.addi %parallel_loop3A_1965, %parallel_loop3A_2008 : i32
      %parallel_loop3A_2010 = arith.index_cast %parallel_loop3A_2009 : i32 to index
      %parallel_loop3A_2011 = tpu.vector_load %arg10[%parallel_loop3A_2010] {strides = array<i32>} : memref<65536xf32, #tpu.memory_space<vmem>>, vector<16xf32>,
      %parallel_loop3A_2012 = vector.shape_cast %parallel_loop3A_2011 : vector<16xf32> to vector<16xf32>
      %parallel_loop3A_2013 = arith.constant 32 : i32
      %parallel_loop3A_2014 = arith.addi %parallel_loop3A_85, %parallel_loop3A_2013 : i32
      %parallel_loop3A_2015 = arith.index_cast %parallel_loop3A_2014 : i32 to index
      %parallel_loop3A_2016 = tpu.vector_load %arg8[%parallel_loop3A_2015] {strides = array<i32>} : memref<8192xf32, #tpu.memory_space<vmem>>, vector<16xf32>,
      %parallel_loop3A_2017 = vector.shape_cast %parallel_loop3A_2016 : vector<16xf32> to vector<16xf32>
      %parallel_loop3A_2018 = arith.constant 0.000000e+00 : f32
      %parallel_loop3A_2019 = vector.broadcast %parallel_loop3A_2018 : f32 to vector<16xf32>
      %parallel_loop3A_2020 = arith.cmpf oge, %parallel_loop3A_2012, %parallel_loop3A_2019 : vector<16xf32>
      %parallel_loop3A_2021 = arith.mulf %parallel_loop3A_2017, %parallel_loop3A_2012 : vector<16xf32>
      %parallel_loop3A_2022 = arith.select %parallel_loop3A_2020, %parallel_loop3A_2012, %parallel_loop3A_2021 : vector<16xi1>, vector<16xf32>
      %parallel_loop3A_2023 = arith.constant 32 : i32
      %parallel_loop3A_2024 = arith.addi %parallel_loop3A_1965, %parallel_loop3A_2023 : i32
      %parallel_loop3A_2025 = arith.index_cast %parallel_loop3A_2024 : i32 to index
      %parallel_loop3A_2026 = tpu.vector_load %arg10[%parallel_loop3A_2025] {strides = array<i32>} : memref<65536xf32, #tpu.memory_space<vmem>>, vector<16xf32>,
      %parallel_loop3A_2027 = vector.shape_cast %parallel_loop3A_2026 : vector<16xf32> to vector<16xf32>
      %parallel_loop3A_2028 = vector.shape_cast %parallel_loop3A_2022 : vector<16xf32> to vector<16xf32>
      tpu.vector_store %arg10[%parallel_loop3A_2025], %parallel_loop3A_2028 {strides = array<i32>} : memref<65536xf32, #tpu.memory_space<vmem>>, vector<16xf32>,
      %parallel_loop3A_2029 = arith.constant 48 : i32
      %parallel_loop3A_2030 = arith.addi %parallel_loop3A_1965, %parallel_loop3A_2029 : i32
      %parallel_loop3A_2031 = arith.index_cast %parallel_loop3A_2030 : i32 to index
      %parallel_loop3A_2032 = tpu.vector_load %arg10[%parallel_loop3A_2031] {strides = array<i32>} : memref<65536xf32, #tpu.memory_space<vmem>>, vector<16xf32>,
      %parallel_loop3A_2033 = vector.shape_cast %parallel_loop3A_2032 : vector<16xf32> to vector<16xf32>
      %parallel_loop3A_2034 = arith.constant 48 : i32
      %parallel_loop3A_2035 = arith.addi %parallel_loop3A_85, %parallel_loop3A_2034 : i32
      %parallel_loop3A_2036 = arith.index_cast %parallel_loop3A_2035 : i32 to index
      %parallel_loop3A_2037 = tpu.vector_load %arg8[%parallel_loop3A_2036] {strides = array<i32>} : memref<8192xf32, #tpu.memory_space<vmem>>, vector<16xf32>,
      %parallel_loop3A_2038 = vector.shape_cast %parallel_loop3A_2037 : vector<16xf32> to vector<16xf32>
      %parallel_loop3A_2039 = arith.constant 0.000000e+00 : f32
      %parallel_loop3A_2040 = vector.broadcast %parallel_loop3A_2039 : f32 to vector<16xf32>
      %parallel_loop3A_2041 = arith.cmpf oge, %parallel_loop3A_2033, %parallel_loop3A_2040 : vector<16xf32>
      %parallel_loop3A_2042 = arith.mulf %parallel_loop3A_2038, %parallel_loop3A_2033 : vector<16xf32>
      %parallel_loop3A_2043 = arith.select %parallel_loop3A_2041, %parallel_loop3A_2033, %parallel_loop3A_2042 : vector<16xi1>, vector<16xf32>
      %parallel_loop3A_2044 = arith.constant 48 : i32
      %parallel_loop3A_2045 = arith.addi %parallel_loop3A_1965, %parallel_loop3A_2044 : i32
      %parallel_loop3A_2046 = arith.index_cast %parallel_loop3A_2045 : i32 to index
      %parallel_loop3A_2047 = tpu.vector_load %arg10[%parallel_loop3A_2046] {strides = array<i32>} : memref<65536xf32, #tpu.memory_space<vmem>>, vector<16xf32>,
      %parallel_loop3A_2048 = vector.shape_cast %parallel_loop3A_2047 : vector<16xf32> to vector<16xf32>
      %parallel_loop3A_2049 = vector.shape_cast %parallel_loop3A_2043 : vector<16xf32> to vector<16xf32>
      tpu.vector_store %arg10[%parallel_loop3A_2046], %parallel_loop3A_2049 {strides = array<i32>} : memref<65536xf32, #tpu.memory_space<vmem>>, vector<16xf32>,
      %parallel_loop3A_2050 = arith.constant 64 : i32
      %parallel_loop3A_2051 = arith.addi %parallel_loop3A_1965, %parallel_loop3A_2050 : i32
      %parallel_loop3A_2052 = arith.index_cast %parallel_loop3A_2051 : i32 to index
      %parallel_loop3A_2053 = tpu.vector_load %arg10[%parallel_loop3A_2052] {strides = array<i32>} : memref<65536xf32, #tpu.memory_space<vmem>>, vector<16xf32>,
      %parallel_loop3A_2054 = vector.shape_cast %parallel_loop3A_2053 : vector<16xf32> to vector<16xf32>
      %parallel_loop3A_2055 = arith.constant 64 : i32
      %parallel_loop3A_2056 = arith.addi %parallel_loop3A_85, %parallel_loop3A_2055 : i32
      %parallel_loop3A_2057 = arith.index_cast %parallel_loop3A_2056 : i32 to index
      %parallel_loop3A_2058 = tpu.vector_load %arg8[%parallel_loop3A_2057] {strides = array<i32>} : memref<8192xf32, #tpu.memory_space<vmem>>, vector<16xf32>,
      %parallel_loop3A_2059 = vector.shape_cast %parallel_loop3A_2058 : vector<16xf32> to vector<16xf32>
      %parallel_loop3A_2060 = arith.constant 0.000000e+00 : f32
      %parallel_loop3A_2061 = vector.broadcast %parallel_loop3A_2060 : f32 to vector<16xf32>
      %parallel_loop3A_2062 = arith.cmpf oge, %parallel_loop3A_2054, %parallel_loop3A_2061 : vector<16xf32>
      %parallel_loop3A_2063 = arith.mulf %parallel_loop3A_2059, %parallel_loop3A_2054 : vector<16xf32>
      %parallel_loop3A_2064 = arith.select %parallel_loop3A_2062, %parallel_loop3A_2054, %parallel_loop3A_2063 : vector<16xi1>, vector<16xf32>
      %parallel_loop3A_2065 = arith.constant 64 : i32
      %parallel_loop3A_2066 = arith.addi %parallel_loop3A_1965, %parallel_loop3A_2065 : i32
      %parallel_loop3A_2067 = arith.index_cast %parallel_loop3A_2066 : i32 to index
      %parallel_loop3A_2068 = tpu.vector_load %arg10[%parallel_loop3A_2067] {strides = array<i32>} : memref<65536xf32, #tpu.memory_space<vmem>>, vector<16xf32>,
      %parallel_loop3A_2069 = vector.shape_cast %parallel_loop3A_2068 : vector<16xf32> to vector<16xf32>
      %parallel_loop3A_2070 = vector.shape_cast %parallel_loop3A_2064 : vector<16xf32> to vector<16xf32>
      tpu.vector_store %arg10[%parallel_loop3A_2067], %parallel_loop3A_2070 {strides = array<i32>} : memref<65536xf32, #tpu.memory_space<vmem>>, vector<16xf32>,
      %parallel_loop3A_2071 = arith.constant 80 : i32
      %parallel_loop3A_2072 = arith.addi %parallel_loop3A_1965, %parallel_loop3A_2071 : i32
      %parallel_loop3A_2073 = arith.index_cast %parallel_loop3A_2072 : i32 to index
      %parallel_loop3A_2074 = tpu.vector_load %arg10[%parallel_loop3A_2073] {strides = array<i32>} : memref<65536xf32, #tpu.memory_space<vmem>>, vector<16xf32>,
      %parallel_loop3A_2075 = vector.shape_cast %parallel_loop3A_2074 : vector<16xf32> to vector<16xf32>
      %parallel_loop3A_2076 = arith.constant 80 : i32
      %parallel_loop3A_2077 = arith.addi %parallel_loop3A_85, %parallel_loop3A_2076 : i32
      %parallel_loop3A_2078 = arith.index_cast %parallel_loop3A_2077 : i32 to index
      %parallel_loop3A_2079 = tpu.vector_load %arg8[%parallel_loop3A_2078] {strides = array<i32>} : memref<8192xf32, #tpu.memory_space<vmem>>, vector<16xf32>,
      %parallel_loop3A_2080 = vector.shape_cast %parallel_loop3A_2079 : vector<16xf32> to vector<16xf32>
      %parallel_loop3A_2081 = arith.constant 0.000000e+00 : f32
      %parallel_loop3A_2082 = vector.broadcast %parallel_loop3A_2081 : f32 to vector<16xf32>
      %parallel_loop3A_2083 = arith.cmpf oge, %parallel_loop3A_2075, %parallel_loop3A_2082 : vector<16xf32>
      %parallel_loop3A_2084 = arith.mulf %parallel_loop3A_2080, %parallel_loop3A_2075 : vector<16xf32>
      %parallel_loop3A_2085 = arith.select %parallel_loop3A_2083, %parallel_loop3A_2075, %parallel_loop3A_2084 : vector<16xi1>, vector<16xf32>
      %parallel_loop3A_2086 = arith.constant 80 : i32
      %parallel_loop3A_2087 = arith.addi %parallel_loop3A_1965, %parallel_loop3A_2086 : i32
      %parallel_loop3A_2088 = arith.index_cast %parallel_loop3A_2087 : i32 to index
      %parallel_loop3A_2089 = tpu.vector_load %arg10[%parallel_loop3A_2088] {strides = array<i32>} : memref<65536xf32, #tpu.memory_space<vmem>>, vector<16xf32>,
      %parallel_loop3A_2090 = vector.shape_cast %parallel_loop3A_2089 : vector<16xf32> to vector<16xf32>
      %parallel_loop3A_2091 = vector.shape_cast %parallel_loop3A_2085 : vector<16xf32> to vector<16xf32>
      tpu.vector_store %arg10[%parallel_loop3A_2088], %parallel_loop3A_2091 {strides = array<i32>} : memref<65536xf32, #tpu.memory_space<vmem>>, vector<16xf32>,
      %parallel_loop3A_2092 = arith.constant 96 : i32
      %parallel_loop3A_2093 = arith.addi %parallel_loop3A_1965, %parallel_loop3A_2092 : i32
      %parallel_loop3A_2094 = arith.index_cast %parallel_loop3A_2093 : i32 to index
      %parallel_loop3A_2095 = tpu.vector_load %arg10[%parallel_loop3A_2094] {strides = array<i32>} : memref<65536xf32, #tpu.memory_space<vmem>>, vector<16xf32>,
      %parallel_loop3A_2096 = vector.shape_cast %parallel_loop3A_2095 : vector<16xf32> to vector<16xf32>
      %parallel_loop3A_2097 = arith.constant 96 : i32
      %parallel_loop3A_2098 = arith.addi %parallel_loop3A_85, %parallel_loop3A_2097 : i32
      %parallel_loop3A_2099 = arith.index_cast %parallel_loop3A_2098 : i32 to index
      %parallel_loop3A_2100 = tpu.vector_load %arg8[%parallel_loop3A_2099] {strides = array<i32>} : memref<8192xf32, #tpu.memory_space<vmem>>, vector<16xf32>,
      %parallel_loop3A_2101 = vector.shape_cast %parallel_loop3A_2100 : vector<16xf32> to vector<16xf32>
      %parallel_loop3A_2102 = arith.constant 0.000000e+00 : f32
      %parallel_loop3A_2103 = vector.broadcast %parallel_loop3A_2102 : f32 to vector<16xf32>
      %parallel_loop3A_2104 = arith.cmpf oge, %parallel_loop3A_2096, %parallel_loop3A_2103 : vector<16xf32>
      %parallel_loop3A_2105 = arith.mulf %parallel_loop3A_2101, %parallel_loop3A_2096 : vector<16xf32>
      %parallel_loop3A_2106 = arith.select %parallel_loop3A_2104, %parallel_loop3A_2096, %parallel_loop3A_2105 : vector<16xi1>, vector<16xf32>
      %parallel_loop3A_2107 = arith.constant 96 : i32
      %parallel_loop3A_2108 = arith.addi %parallel_loop3A_1965, %parallel_loop3A_2107 : i32
      %parallel_loop3A_2109 = arith.index_cast %parallel_loop3A_2108 : i32 to index
      %parallel_loop3A_2110 = tpu.vector_load %arg10[%parallel_loop3A_2109] {strides = array<i32>} : memref<65536xf32, #tpu.memory_space<vmem>>, vector<16xf32>,
      %parallel_loop3A_2111 = vector.shape_cast %parallel_loop3A_2110 : vector<16xf32> to vector<16xf32>
      %parallel_loop3A_2112 = vector.shape_cast %parallel_loop3A_2106 : vector<16xf32> to vector<16xf32>
      tpu.vector_store %arg10[%parallel_loop3A_2109], %parallel_loop3A_2112 {strides = array<i32>} : memref<65536xf32, #tpu.memory_space<vmem>>, vector<16xf32>,
      %parallel_loop3A_2113 = arith.constant 112 : i32
      %parallel_loop3A_2114 = arith.addi %parallel_loop3A_1965, %parallel_loop3A_2113 : i32
      %parallel_loop3A_2115 = arith.index_cast %parallel_loop3A_2114 : i32 to index
      %parallel_loop3A_2116 = tpu.vector_load %arg10[%parallel_loop3A_2115] {strides = array<i32>} : memref<65536xf32, #tpu.memory_space<vmem>>, vector<16xf32>,
      %parallel_loop3A_2117 = vector.shape_cast %parallel_loop3A_2116 : vector<16xf32> to vector<16xf32>
      %parallel_loop3A_2118 = arith.constant 112 : i32
      %parallel_loop3A_2119 = arith.addi %parallel_loop3A_85, %parallel_loop3A_2118 : i32
      %parallel_loop3A_2120 = arith.index_cast %parallel_loop3A_2119 : i32 to index
      %parallel_loop3A_2121 = tpu.vector_load %arg8[%parallel_loop3A_2120] {strides = array<i32>} : memref<8192xf32, #tpu.memory_space<vmem>>, vector<16xf32>,
      %parallel_loop3A_2122 = vector.shape_cast %parallel_loop3A_2121 : vector<16xf32> to vector<16xf32>
      %parallel_loop3A_2123 = arith.constant 0.000000e+00 : f32
      %parallel_loop3A_2124 = vector.broadcast %parallel_loop3A_2123 : f32 to vector<16xf32>
      %parallel_loop3A_2125 = arith.cmpf oge, %parallel_loop3A_2117, %parallel_loop3A_2124 : vector<16xf32>
      %parallel_loop3A_2126 = arith.mulf %parallel_loop3A_2122, %parallel_loop3A_2117 : vector<16xf32>
      %parallel_loop3A_2127 = arith.select %parallel_loop3A_2125, %parallel_loop3A_2117, %parallel_loop3A_2126 : vector<16xi1>, vector<16xf32>
      %parallel_loop3A_2128 = arith.constant 112 : i32
      %parallel_loop3A_2129 = arith.addi %parallel_loop3A_1965, %parallel_loop3A_2128 : i32
      %parallel_loop3A_2130 = arith.index_cast %parallel_loop3A_2129 : i32 to index
      %parallel_loop3A_2131 = tpu.vector_load %arg10[%parallel_loop3A_2130] {strides = array<i32>} : memref<65536xf32, #tpu.memory_space<vmem>>, vector<16xf32>,
      %parallel_loop3A_2132 = vector.shape_cast %parallel_loop3A_2131 : vector<16xf32> to vector<16xf32>
      %parallel_loop3A_2133 = vector.shape_cast %parallel_loop3A_2127 : vector<16xf32> to vector<16xf32>
      tpu.vector_store %arg10[%parallel_loop3A_2130], %parallel_loop3A_2133 {strides = array<i32>} : memref<65536xf32, #tpu.memory_space<vmem>>, vector<16xf32>,
      %parallel_loop3A_2134 = arith.constant 1536 : i32
      %parallel_loop3A_2135 = arith.addi %parallel_loop3A_61, %parallel_loop3A_2134 : i32
      %parallel_loop3A_2136 = arith.constant 0 : i32
      %parallel_loop3A_2137 = arith.addi %parallel_loop3A_2135, %parallel_loop3A_2136 : i32
      %parallel_loop3A_2138 = arith.index_cast %parallel_loop3A_2137 : i32 to index
      %parallel_loop3A_2139 = tpu.vector_load %arg10[%parallel_loop3A_2138] {strides = array<i32>} : memref<65536xf32, #tpu.memory_space<vmem>>, vector<16xf32>,
      %parallel_loop3A_2140 = vector.shape_cast %parallel_loop3A_2139 : vector<16xf32> to vector<16xf32>
      %parallel_loop3A_2141 = arith.constant 0 : i32
      %parallel_loop3A_2142 = arith.addi %parallel_loop3A_87, %parallel_loop3A_2141 : i32
      %parallel_loop3A_2143 = arith.index_cast %parallel_loop3A_2142 : i32 to index
      %parallel_loop3A_2144 = tpu.vector_load %arg8[%parallel_loop3A_2143] {strides = array<i32>} : memref<8192xf32, #tpu.memory_space<vmem>>, vector<16xf32>,
      %parallel_loop3A_2145 = vector.shape_cast %parallel_loop3A_2144 : vector<16xf32> to vector<16xf32>
      %parallel_loop3A_2146 = arith.constant 0.000000e+00 : f32
      %parallel_loop3A_2147 = vector.broadcast %parallel_loop3A_2146 : f32 to vector<16xf32>
      %parallel_loop3A_2148 = arith.cmpf oge, %parallel_loop3A_2140, %parallel_loop3A_2147 : vector<16xf32>
      %parallel_loop3A_2149 = arith.mulf %parallel_loop3A_2145, %parallel_loop3A_2140 : vector<16xf32>
      %parallel_loop3A_2150 = arith.select %parallel_loop3A_2148, %parallel_loop3A_2140, %parallel_loop3A_2149 : vector<16xi1>, vector<16xf32>
      %parallel_loop3A_2151 = arith.constant 0 : i32
      %parallel_loop3A_2152 = arith.addi %parallel_loop3A_2135, %parallel_loop3A_2151 : i32
      %parallel_loop3A_2153 = arith.index_cast %parallel_loop3A_2152 : i32 to index
      %parallel_loop3A_2154 = tpu.vector_load %arg10[%parallel_loop3A_2153] {strides = array<i32>} : memref<65536xf32, #tpu.memory_space<vmem>>, vector<16xf32>,
      %parallel_loop3A_2155 = vector.shape_cast %parallel_loop3A_2154 : vector<16xf32> to vector<16xf32>
      %parallel_loop3A_2156 = vector.shape_cast %parallel_loop3A_2150 : vector<16xf32> to vector<16xf32>
      tpu.vector_store %arg10[%parallel_loop3A_2153], %parallel_loop3A_2156 {strides = array<i32>} : memref<65536xf32, #tpu.memory_space<vmem>>, vector<16xf32>,
      %parallel_loop3A_2157 = arith.constant 16 : i32
      %parallel_loop3A_2158 = arith.addi %parallel_loop3A_2135, %parallel_loop3A_2157 : i32
      %parallel_loop3A_2159 = arith.index_cast %parallel_loop3A_2158 : i32 to index
      %parallel_loop3A_2160 = tpu.vector_load %arg10[%parallel_loop3A_2159] {strides = array<i32>} : memref<65536xf32, #tpu.memory_space<vmem>>, vector<16xf32>,
      %parallel_loop3A_2161 = vector.shape_cast %parallel_loop3A_2160 : vector<16xf32> to vector<16xf32>
      %parallel_loop3A_2162 = arith.constant 16 : i32
      %parallel_loop3A_2163 = arith.addi %parallel_loop3A_87, %parallel_loop3A_2162 : i32
      %parallel_loop3A_2164 = arith.index_cast %parallel_loop3A_2163 : i32 to index
      %parallel_loop3A_2165 = tpu.vector_load %arg8[%parallel_loop3A_2164] {strides = array<i32>} : memref<8192xf32, #tpu.memory_space<vmem>>, vector<16xf32>,
      %parallel_loop3A_2166 = vector.shape_cast %parallel_loop3A_2165 : vector<16xf32> to vector<16xf32>
      %parallel_loop3A_2167 = arith.constant 0.000000e+00 : f32
      %parallel_loop3A_2168 = vector.broadcast %parallel_loop3A_2167 : f32 to vector<16xf32>
      %parallel_loop3A_2169 = arith.cmpf oge, %parallel_loop3A_2161, %parallel_loop3A_2168 : vector<16xf32>
      %parallel_loop3A_2170 = arith.mulf %parallel_loop3A_2166, %parallel_loop3A_2161 : vector<16xf32>
      %parallel_loop3A_2171 = arith.select %parallel_loop3A_2169, %parallel_loop3A_2161, %parallel_loop3A_2170 : vector<16xi1>, vector<16xf32>
      %parallel_loop3A_2172 = arith.constant 16 : i32
      %parallel_loop3A_2173 = arith.addi %parallel_loop3A_2135, %parallel_loop3A_2172 : i32
      %parallel_loop3A_2174 = arith.index_cast %parallel_loop3A_2173 : i32 to index
      %parallel_loop3A_2175 = tpu.vector_load %arg10[%parallel_loop3A_2174] {strides = array<i32>} : memref<65536xf32, #tpu.memory_space<vmem>>, vector<16xf32>,
      %parallel_loop3A_2176 = vector.shape_cast %parallel_loop3A_2175 : vector<16xf32> to vector<16xf32>
      %parallel_loop3A_2177 = vector.shape_cast %parallel_loop3A_2171 : vector<16xf32> to vector<16xf32>
      tpu.vector_store %arg10[%parallel_loop3A_2174], %parallel_loop3A_2177 {strides = array<i32>} : memref<65536xf32, #tpu.memory_space<vmem>>, vector<16xf32>,
      %parallel_loop3A_2178 = arith.constant 32 : i32
      %parallel_loop3A_2179 = arith.addi %parallel_loop3A_2135, %parallel_loop3A_2178 : i32
      %parallel_loop3A_2180 = arith.index_cast %parallel_loop3A_2179 : i32 to index
      %parallel_loop3A_2181 = tpu.vector_load %arg10[%parallel_loop3A_2180] {strides = array<i32>} : memref<65536xf32, #tpu.memory_space<vmem>>, vector<16xf32>,
      %parallel_loop3A_2182 = vector.shape_cast %parallel_loop3A_2181 : vector<16xf32> to vector<16xf32>
      %parallel_loop3A_2183 = arith.constant 32 : i32
      %parallel_loop3A_2184 = arith.addi %parallel_loop3A_87, %parallel_loop3A_2183 : i32
      %parallel_loop3A_2185 = arith.index_cast %parallel_loop3A_2184 : i32 to index
      %parallel_loop3A_2186 = tpu.vector_load %arg8[%parallel_loop3A_2185] {strides = array<i32>} : memref<8192xf32, #tpu.memory_space<vmem>>, vector<16xf32>,
      %parallel_loop3A_2187 = vector.shape_cast %parallel_loop3A_2186 : vector<16xf32> to vector<16xf32>
      %parallel_loop3A_2188 = arith.constant 0.000000e+00 : f32
      %parallel_loop3A_2189 = vector.broadcast %parallel_loop3A_2188 : f32 to vector<16xf32>
      %parallel_loop3A_2190 = arith.cmpf oge, %parallel_loop3A_2182, %parallel_loop3A_2189 : vector<16xf32>
      %parallel_loop3A_2191 = arith.mulf %parallel_loop3A_2187, %parallel_loop3A_2182 : vector<16xf32>
      %parallel_loop3A_2192 = arith.select %parallel_loop3A_2190, %parallel_loop3A_2182, %parallel_loop3A_2191 : vector<16xi1>, vector<16xf32>
      %parallel_loop3A_2193 = arith.constant 32 : i32
      %parallel_loop3A_2194 = arith.addi %parallel_loop3A_2135, %parallel_loop3A_2193 : i32
      %parallel_loop3A_2195 = arith.index_cast %parallel_loop3A_2194 : i32 to index
      %parallel_loop3A_2196 = tpu.vector_load %arg10[%parallel_loop3A_2195] {strides = array<i32>} : memref<65536xf32, #tpu.memory_space<vmem>>, vector<16xf32>,
      %parallel_loop3A_2197 = vector.shape_cast %parallel_loop3A_2196 : vector<16xf32> to vector<16xf32>
      %parallel_loop3A_2198 = vector.shape_cast %parallel_loop3A_2192 : vector<16xf32> to vector<16xf32>
      tpu.vector_store %arg10[%parallel_loop3A_2195], %parallel_loop3A_2198 {strides = array<i32>} : memref<65536xf32, #tpu.memory_space<vmem>>, vector<16xf32>,
      %parallel_loop3A_2199 = arith.constant 48 : i32
      %parallel_loop3A_2200 = arith.addi %parallel_loop3A_2135, %parallel_loop3A_2199 : i32
      %parallel_loop3A_2201 = arith.index_cast %parallel_loop3A_2200 : i32 to index
      %parallel_loop3A_2202 = tpu.vector_load %arg10[%parallel_loop3A_2201] {strides = array<i32>} : memref<65536xf32, #tpu.memory_space<vmem>>, vector<16xf32>,
      %parallel_loop3A_2203 = vector.shape_cast %parallel_loop3A_2202 : vector<16xf32> to vector<16xf32>
      %parallel_loop3A_2204 = arith.constant 48 : i32
      %parallel_loop3A_2205 = arith.addi %parallel_loop3A_87, %parallel_loop3A_2204 : i32
      %parallel_loop3A_2206 = arith.index_cast %parallel_loop3A_2205 : i32 to index
      %parallel_loop3A_2207 = tpu.vector_load %arg8[%parallel_loop3A_2206] {strides = array<i32>} : memref<8192xf32, #tpu.memory_space<vmem>>, vector<16xf32>,
      %parallel_loop3A_2208 = vector.shape_cast %parallel_loop3A_2207 : vector<16xf32> to vector<16xf32>
      %parallel_loop3A_2209 = arith.constant 0.000000e+00 : f32
      %parallel_loop3A_2210 = vector.broadcast %parallel_loop3A_2209 : f32 to vector<16xf32>
      %parallel_loop3A_2211 = arith.cmpf oge, %parallel_loop3A_2203, %parallel_loop3A_2210 : vector<16xf32>
      %parallel_loop3A_2212 = arith.mulf %parallel_loop3A_2208, %parallel_loop3A_2203 : vector<16xf32>
      %parallel_loop3A_2213 = arith.select %parallel_loop3A_2211, %parallel_loop3A_2203, %parallel_loop3A_2212 : vector<16xi1>, vector<16xf32>
      %parallel_loop3A_2214 = arith.constant 48 : i32
      %parallel_loop3A_2215 = arith.addi %parallel_loop3A_2135, %parallel_loop3A_2214 : i32
      %parallel_loop3A_2216 = arith.index_cast %parallel_loop3A_2215 : i32 to index
      %parallel_loop3A_2217 = tpu.vector_load %arg10[%parallel_loop3A_2216] {strides = array<i32>} : memref<65536xf32, #tpu.memory_space<vmem>>, vector<16xf32>,
      %parallel_loop3A_2218 = vector.shape_cast %parallel_loop3A_2217 : vector<16xf32> to vector<16xf32>
      %parallel_loop3A_2219 = vector.shape_cast %parallel_loop3A_2213 : vector<16xf32> to vector<16xf32>
      tpu.vector_store %arg10[%parallel_loop3A_2216], %parallel_loop3A_2219 {strides = array<i32>} : memref<65536xf32, #tpu.memory_space<vmem>>, vector<16xf32>,
      %parallel_loop3A_2220 = arith.constant 64 : i32
      %parallel_loop3A_2221 = arith.addi %parallel_loop3A_2135, %parallel_loop3A_2220 : i32
      %parallel_loop3A_2222 = arith.index_cast %parallel_loop3A_2221 : i32 to index
      %parallel_loop3A_2223 = tpu.vector_load %arg10[%parallel_loop3A_2222] {strides = array<i32>} : memref<65536xf32, #tpu.memory_space<vmem>>, vector<16xf32>,
      %parallel_loop3A_2224 = vector.shape_cast %parallel_loop3A_2223 : vector<16xf32> to vector<16xf32>
      %parallel_loop3A_2225 = arith.constant 64 : i32
      %parallel_loop3A_2226 = arith.addi %parallel_loop3A_87, %parallel_loop3A_2225 : i32
      %parallel_loop3A_2227 = arith.index_cast %parallel_loop3A_2226 : i32 to index
      %parallel_loop3A_2228 = tpu.vector_load %arg8[%parallel_loop3A_2227] {strides = array<i32>} : memref<8192xf32, #tpu.memory_space<vmem>>, vector<16xf32>,
      %parallel_loop3A_2229 = vector.shape_cast %parallel_loop3A_2228 : vector<16xf32> to vector<16xf32>
      %parallel_loop3A_2230 = arith.constant 0.000000e+00 : f32
      %parallel_loop3A_2231 = vector.broadcast %parallel_loop3A_2230 : f32 to vector<16xf32>
      %parallel_loop3A_2232 = arith.cmpf oge, %parallel_loop3A_2224, %parallel_loop3A_2231 : vector<16xf32>
      %parallel_loop3A_2233 = arith.mulf %parallel_loop3A_2229, %parallel_loop3A_2224 : vector<16xf32>
      %parallel_loop3A_2234 = arith.select %parallel_loop3A_2232, %parallel_loop3A_2224, %parallel_loop3A_2233 : vector<16xi1>, vector<16xf32>
      %parallel_loop3A_2235 = arith.constant 64 : i32
      %parallel_loop3A_2236 = arith.addi %parallel_loop3A_2135, %parallel_loop3A_2235 : i32
      %parallel_loop3A_2237 = arith.index_cast %parallel_loop3A_2236 : i32 to index
      %parallel_loop3A_2238 = tpu.vector_load %arg10[%parallel_loop3A_2237] {strides = array<i32>} : memref<65536xf32, #tpu.memory_space<vmem>>, vector<16xf32>,
      %parallel_loop3A_2239 = vector.shape_cast %parallel_loop3A_2238 : vector<16xf32> to vector<16xf32>
      %parallel_loop3A_2240 = vector.shape_cast %parallel_loop3A_2234 : vector<16xf32> to vector<16xf32>
      tpu.vector_store %arg10[%parallel_loop3A_2237], %parallel_loop3A_2240 {strides = array<i32>} : memref<65536xf32, #tpu.memory_space<vmem>>, vector<16xf32>,
      %parallel_loop3A_2241 = arith.constant 80 : i32
      %parallel_loop3A_2242 = arith.addi %parallel_loop3A_2135, %parallel_loop3A_2241 : i32
      %parallel_loop3A_2243 = arith.index_cast %parallel_loop3A_2242 : i32 to index
      %parallel_loop3A_2244 = tpu.vector_load %arg10[%parallel_loop3A_2243] {strides = array<i32>} : memref<65536xf32, #tpu.memory_space<vmem>>, vector<16xf32>,
      %parallel_loop3A_2245 = vector.shape_cast %parallel_loop3A_2244 : vector<16xf32> to vector<16xf32>
      %parallel_loop3A_2246 = arith.constant 80 : i32
      %parallel_loop3A_2247 = arith.addi %parallel_loop3A_87, %parallel_loop3A_2246 : i32
      %parallel_loop3A_2248 = arith.index_cast %parallel_loop3A_2247 : i32 to index
      %parallel_loop3A_2249 = tpu.vector_load %arg8[%parallel_loop3A_2248] {strides = array<i32>} : memref<8192xf32, #tpu.memory_space<vmem>>, vector<16xf32>,
      %parallel_loop3A_2250 = vector.shape_cast %parallel_loop3A_2249 : vector<16xf32> to vector<16xf32>
      %parallel_loop3A_2251 = arith.constant 0.000000e+00 : f32
      %parallel_loop3A_2252 = vector.broadcast %parallel_loop3A_2251 : f32 to vector<16xf32>
      %parallel_loop3A_2253 = arith.cmpf oge, %parallel_loop3A_2245, %parallel_loop3A_2252 : vector<16xf32>
      %parallel_loop3A_2254 = arith.mulf %parallel_loop3A_2250, %parallel_loop3A_2245 : vector<16xf32>
      %parallel_loop3A_2255 = arith.select %parallel_loop3A_2253, %parallel_loop3A_2245, %parallel_loop3A_2254 : vector<16xi1>, vector<16xf32>
      %parallel_loop3A_2256 = arith.constant 80 : i32
      %parallel_loop3A_2257 = arith.addi %parallel_loop3A_2135, %parallel_loop3A_2256 : i32
      %parallel_loop3A_2258 = arith.index_cast %parallel_loop3A_2257 : i32 to index
      %parallel_loop3A_2259 = tpu.vector_load %arg10[%parallel_loop3A_2258] {strides = array<i32>} : memref<65536xf32, #tpu.memory_space<vmem>>, vector<16xf32>,
      %parallel_loop3A_2260 = vector.shape_cast %parallel_loop3A_2259 : vector<16xf32> to vector<16xf32>
      %parallel_loop3A_2261 = vector.shape_cast %parallel_loop3A_2255 : vector<16xf32> to vector<16xf32>
      tpu.vector_store %arg10[%parallel_loop3A_2258], %parallel_loop3A_2261 {strides = array<i32>} : memref<65536xf32, #tpu.memory_space<vmem>>, vector<16xf32>,
      %parallel_loop3A_2262 = arith.constant 96 : i32
      %parallel_loop3A_2263 = arith.addi %parallel_loop3A_2135, %parallel_loop3A_2262 : i32
      %parallel_loop3A_2264 = arith.index_cast %parallel_loop3A_2263 : i32 to index
      %parallel_loop3A_2265 = tpu.vector_load %arg10[%parallel_loop3A_2264] {strides = array<i32>} : memref<65536xf32, #tpu.memory_space<vmem>>, vector<16xf32>,
      %parallel_loop3A_2266 = vector.shape_cast %parallel_loop3A_2265 : vector<16xf32> to vector<16xf32>
      %parallel_loop3A_2267 = arith.constant 96 : i32
      %parallel_loop3A_2268 = arith.addi %parallel_loop3A_87, %parallel_loop3A_2267 : i32
      %parallel_loop3A_2269 = arith.index_cast %parallel_loop3A_2268 : i32 to index
      %parallel_loop3A_2270 = tpu.vector_load %arg8[%parallel_loop3A_2269] {strides = array<i32>} : memref<8192xf32, #tpu.memory_space<vmem>>, vector<16xf32>,
      %parallel_loop3A_2271 = vector.shape_cast %parallel_loop3A_2270 : vector<16xf32> to vector<16xf32>
      %parallel_loop3A_2272 = arith.constant 0.000000e+00 : f32
      %parallel_loop3A_2273 = vector.broadcast %parallel_loop3A_2272 : f32 to vector<16xf32>
      %parallel_loop3A_2274 = arith.cmpf oge, %parallel_loop3A_2266, %parallel_loop3A_2273 : vector<16xf32>
      %parallel_loop3A_2275 = arith.mulf %parallel_loop3A_2271, %parallel_loop3A_2266 : vector<16xf32>
      %parallel_loop3A_2276 = arith.select %parallel_loop3A_2274, %parallel_loop3A_2266, %parallel_loop3A_2275 : vector<16xi1>, vector<16xf32>
      %parallel_loop3A_2277 = arith.constant 96 : i32
      %parallel_loop3A_2278 = arith.addi %parallel_loop3A_2135, %parallel_loop3A_2277 : i32
      %parallel_loop3A_2279 = arith.index_cast %parallel_loop3A_2278 : i32 to index
      %parallel_loop3A_2280 = tpu.vector_load %arg10[%parallel_loop3A_2279] {strides = array<i32>} : memref<65536xf32, #tpu.memory_space<vmem>>, vector<16xf32>,
      %parallel_loop3A_2281 = vector.shape_cast %parallel_loop3A_2280 : vector<16xf32> to vector<16xf32>
      %parallel_loop3A_2282 = vector.shape_cast %parallel_loop3A_2276 : vector<16xf32> to vector<16xf32>
      tpu.vector_store %arg10[%parallel_loop3A_2279], %parallel_loop3A_2282 {strides = array<i32>} : memref<65536xf32, #tpu.memory_space<vmem>>, vector<16xf32>,
      %parallel_loop3A_2283 = arith.constant 112 : i32
      %parallel_loop3A_2284 = arith.addi %parallel_loop3A_2135, %parallel_loop3A_2283 : i32
      %parallel_loop3A_2285 = arith.index_cast %parallel_loop3A_2284 : i32 to index
      %parallel_loop3A_2286 = tpu.vector_load %arg10[%parallel_loop3A_2285] {strides = array<i32>} : memref<65536xf32, #tpu.memory_space<vmem>>, vector<16xf32>,
      %parallel_loop3A_2287 = vector.shape_cast %parallel_loop3A_2286 : vector<16xf32> to vector<16xf32>
      %parallel_loop3A_2288 = arith.constant 112 : i32
      %parallel_loop3A_2289 = arith.addi %parallel_loop3A_87, %parallel_loop3A_2288 : i32
      %parallel_loop3A_2290 = arith.index_cast %parallel_loop3A_2289 : i32 to index
      %parallel_loop3A_2291 = tpu.vector_load %arg8[%parallel_loop3A_2290] {strides = array<i32>} : memref<8192xf32, #tpu.memory_space<vmem>>, vector<16xf32>,
      %parallel_loop3A_2292 = vector.shape_cast %parallel_loop3A_2291 : vector<16xf32> to vector<16xf32>
      %parallel_loop3A_2293 = arith.constant 0.000000e+00 : f32
      %parallel_loop3A_2294 = vector.broadcast %parallel_loop3A_2293 : f32 to vector<16xf32>
      %parallel_loop3A_2295 = arith.cmpf oge, %parallel_loop3A_2287, %parallel_loop3A_2294 : vector<16xf32>
      %parallel_loop3A_2296 = arith.mulf %parallel_loop3A_2292, %parallel_loop3A_2287 : vector<16xf32>
      %parallel_loop3A_2297 = arith.select %parallel_loop3A_2295, %parallel_loop3A_2287, %parallel_loop3A_2296 : vector<16xi1>, vector<16xf32>
      %parallel_loop3A_2298 = arith.constant 112 : i32
      %parallel_loop3A_2299 = arith.addi %parallel_loop3A_2135, %parallel_loop3A_2298 : i32
      %parallel_loop3A_2300 = arith.index_cast %parallel_loop3A_2299 : i32 to index
      %parallel_loop3A_2301 = tpu.vector_load %arg10[%parallel_loop3A_2300] {strides = array<i32>} : memref<65536xf32, #tpu.memory_space<vmem>>, vector<16xf32>,
      %parallel_loop3A_2302 = vector.shape_cast %parallel_loop3A_2301 : vector<16xf32> to vector<16xf32>
      %parallel_loop3A_2303 = vector.shape_cast %parallel_loop3A_2297 : vector<16xf32> to vector<16xf32>
      tpu.vector_store %arg10[%parallel_loop3A_2300], %parallel_loop3A_2303 {strides = array<i32>} : memref<65536xf32, #tpu.memory_space<vmem>>, vector<16xf32>,
      %parallel_loop3A_2304 = arith.constant 1664 : i32
      %parallel_loop3A_2305 = arith.addi %parallel_loop3A_61, %parallel_loop3A_2304 : i32
      %parallel_loop3A_2306 = arith.constant 0 : i32
      %parallel_loop3A_2307 = arith.addi %parallel_loop3A_2305, %parallel_loop3A_2306 : i32
      %parallel_loop3A_2308 = arith.index_cast %parallel_loop3A_2307 : i32 to index
      %parallel_loop3A_2309 = tpu.vector_load %arg10[%parallel_loop3A_2308] {strides = array<i32>} : memref<65536xf32, #tpu.memory_space<vmem>>, vector<16xf32>,
      %parallel_loop3A_2310 = vector.shape_cast %parallel_loop3A_2309 : vector<16xf32> to vector<16xf32>
      %parallel_loop3A_2311 = arith.constant 0 : i32
      %parallel_loop3A_2312 = arith.addi %parallel_loop3A_89, %parallel_loop3A_2311 : i32
      %parallel_loop3A_2313 = arith.index_cast %parallel_loop3A_2312 : i32 to index
      %parallel_loop3A_2314 = tpu.vector_load %arg8[%parallel_loop3A_2313] {strides = array<i32>} : memref<8192xf32, #tpu.memory_space<vmem>>, vector<16xf32>,
      %parallel_loop3A_2315 = vector.shape_cast %parallel_loop3A_2314 : vector<16xf32> to vector<16xf32>
      %parallel_loop3A_2316 = arith.constant 0.000000e+00 : f32
      %parallel_loop3A_2317 = vector.broadcast %parallel_loop3A_2316 : f32 to vector<16xf32>
      %parallel_loop3A_2318 = arith.cmpf oge, %parallel_loop3A_2310, %parallel_loop3A_2317 : vector<16xf32>
      %parallel_loop3A_2319 = arith.mulf %parallel_loop3A_2315, %parallel_loop3A_2310 : vector<16xf32>
      %parallel_loop3A_2320 = arith.select %parallel_loop3A_2318, %parallel_loop3A_2310, %parallel_loop3A_2319 : vector<16xi1>, vector<16xf32>
      %parallel_loop3A_2321 = arith.constant 0 : i32
      %parallel_loop3A_2322 = arith.addi %parallel_loop3A_2305, %parallel_loop3A_2321 : i32
      %parallel_loop3A_2323 = arith.index_cast %parallel_loop3A_2322 : i32 to index
      %parallel_loop3A_2324 = tpu.vector_load %arg10[%parallel_loop3A_2323] {strides = array<i32>} : memref<65536xf32, #tpu.memory_space<vmem>>, vector<16xf32>,
      %parallel_loop3A_2325 = vector.shape_cast %parallel_loop3A_2324 : vector<16xf32> to vector<16xf32>
      %parallel_loop3A_2326 = vector.shape_cast %parallel_loop3A_2320 : vector<16xf32> to vector<16xf32>
      tpu.vector_store %arg10[%parallel_loop3A_2323], %parallel_loop3A_2326 {strides = array<i32>} : memref<65536xf32, #tpu.memory_space<vmem>>, vector<16xf32>,
      %parallel_loop3A_2327 = arith.constant 16 : i32
      %parallel_loop3A_2328 = arith.addi %parallel_loop3A_2305, %parallel_loop3A_2327 : i32
      %parallel_loop3A_2329 = arith.index_cast %parallel_loop3A_2328 : i32 to index
      %parallel_loop3A_2330 = tpu.vector_load %arg10[%parallel_loop3A_2329] {strides = array<i32>} : memref<65536xf32, #tpu.memory_space<vmem>>, vector<16xf32>,
      %parallel_loop3A_2331 = vector.shape_cast %parallel_loop3A_2330 : vector<16xf32> to vector<16xf32>
      %parallel_loop3A_2332 = arith.constant 16 : i32
      %parallel_loop3A_2333 = arith.addi %parallel_loop3A_89, %parallel_loop3A_2332 : i32
      %parallel_loop3A_2334 = arith.index_cast %parallel_loop3A_2333 : i32 to index
      %parallel_loop3A_2335 = tpu.vector_load %arg8[%parallel_loop3A_2334] {strides = array<i32>} : memref<8192xf32, #tpu.memory_space<vmem>>, vector<16xf32>,
      %parallel_loop3A_2336 = vector.shape_cast %parallel_loop3A_2335 : vector<16xf32> to vector<16xf32>
      %parallel_loop3A_2337 = arith.constant 0.000000e+00 : f32
      %parallel_loop3A_2338 = vector.broadcast %parallel_loop3A_2337 : f32 to vector<16xf32>
      %parallel_loop3A_2339 = arith.cmpf oge, %parallel_loop3A_2331, %parallel_loop3A_2338 : vector<16xf32>
      %parallel_loop3A_2340 = arith.mulf %parallel_loop3A_2336, %parallel_loop3A_2331 : vector<16xf32>
      %parallel_loop3A_2341 = arith.select %parallel_loop3A_2339, %parallel_loop3A_2331, %parallel_loop3A_2340 : vector<16xi1>, vector<16xf32>
      %parallel_loop3A_2342 = arith.constant 16 : i32
      %parallel_loop3A_2343 = arith.addi %parallel_loop3A_2305, %parallel_loop3A_2342 : i32
      %parallel_loop3A_2344 = arith.index_cast %parallel_loop3A_2343 : i32 to index
      %parallel_loop3A_2345 = tpu.vector_load %arg10[%parallel_loop3A_2344] {strides = array<i32>} : memref<65536xf32, #tpu.memory_space<vmem>>, vector<16xf32>,
      %parallel_loop3A_2346 = vector.shape_cast %parallel_loop3A_2345 : vector<16xf32> to vector<16xf32>
      %parallel_loop3A_2347 = vector.shape_cast %parallel_loop3A_2341 : vector<16xf32> to vector<16xf32>
      tpu.vector_store %arg10[%parallel_loop3A_2344], %parallel_loop3A_2347 {strides = array<i32>} : memref<65536xf32, #tpu.memory_space<vmem>>, vector<16xf32>,
      %parallel_loop3A_2348 = arith.constant 32 : i32
      %parallel_loop3A_2349 = arith.addi %parallel_loop3A_2305, %parallel_loop3A_2348 : i32
      %parallel_loop3A_2350 = arith.index_cast %parallel_loop3A_2349 : i32 to index
      %parallel_loop3A_2351 = tpu.vector_load %arg10[%parallel_loop3A_2350] {strides = array<i32>} : memref<65536xf32, #tpu.memory_space<vmem>>, vector<16xf32>,
      %parallel_loop3A_2352 = vector.shape_cast %parallel_loop3A_2351 : vector<16xf32> to vector<16xf32>
      %parallel_loop3A_2353 = arith.constant 32 : i32
      %parallel_loop3A_2354 = arith.addi %parallel_loop3A_89, %parallel_loop3A_2353 : i32
      %parallel_loop3A_2355 = arith.index_cast %parallel_loop3A_2354 : i32 to index
      %parallel_loop3A_2356 = tpu.vector_load %arg8[%parallel_loop3A_2355] {strides = array<i32>} : memref<8192xf32, #tpu.memory_space<vmem>>, vector<16xf32>,
      %parallel_loop3A_2357 = vector.shape_cast %parallel_loop3A_2356 : vector<16xf32> to vector<16xf32>
      %parallel_loop3A_2358 = arith.constant 0.000000e+00 : f32
      %parallel_loop3A_2359 = vector.broadcast %parallel_loop3A_2358 : f32 to vector<16xf32>
      %parallel_loop3A_2360 = arith.cmpf oge, %parallel_loop3A_2352, %parallel_loop3A_2359 : vector<16xf32>
      %parallel_loop3A_2361 = arith.mulf %parallel_loop3A_2357, %parallel_loop3A_2352 : vector<16xf32>
      %parallel_loop3A_2362 = arith.select %parallel_loop3A_2360, %parallel_loop3A_2352, %parallel_loop3A_2361 : vector<16xi1>, vector<16xf32>
      %parallel_loop3A_2363 = arith.constant 32 : i32
      %parallel_loop3A_2364 = arith.addi %parallel_loop3A_2305, %parallel_loop3A_2363 : i32
      %parallel_loop3A_2365 = arith.index_cast %parallel_loop3A_2364 : i32 to index
      %parallel_loop3A_2366 = tpu.vector_load %arg10[%parallel_loop3A_2365] {strides = array<i32>} : memref<65536xf32, #tpu.memory_space<vmem>>, vector<16xf32>,
      %parallel_loop3A_2367 = vector.shape_cast %parallel_loop3A_2366 : vector<16xf32> to vector<16xf32>
      %parallel_loop3A_2368 = vector.shape_cast %parallel_loop3A_2362 : vector<16xf32> to vector<16xf32>
      tpu.vector_store %arg10[%parallel_loop3A_2365], %parallel_loop3A_2368 {strides = array<i32>} : memref<65536xf32, #tpu.memory_space<vmem>>, vector<16xf32>,
      %parallel_loop3A_2369 = arith.constant 48 : i32
      %parallel_loop3A_2370 = arith.addi %parallel_loop3A_2305, %parallel_loop3A_2369 : i32
      %parallel_loop3A_2371 = arith.index_cast %parallel_loop3A_2370 : i32 to index
      %parallel_loop3A_2372 = tpu.vector_load %arg10[%parallel_loop3A_2371] {strides = array<i32>} : memref<65536xf32, #tpu.memory_space<vmem>>, vector<16xf32>,
      %parallel_loop3A_2373 = vector.shape_cast %parallel_loop3A_2372 : vector<16xf32> to vector<16xf32>
      %parallel_loop3A_2374 = arith.constant 48 : i32
      %parallel_loop3A_2375 = arith.addi %parallel_loop3A_89, %parallel_loop3A_2374 : i32
      %parallel_loop3A_2376 = arith.index_cast %parallel_loop3A_2375 : i32 to index
      %parallel_loop3A_2377 = tpu.vector_load %arg8[%parallel_loop3A_2376] {strides = array<i32>} : memref<8192xf32, #tpu.memory_space<vmem>>, vector<16xf32>,
      %parallel_loop3A_2378 = vector.shape_cast %parallel_loop3A_2377 : vector<16xf32> to vector<16xf32>
      %parallel_loop3A_2379 = arith.constant 0.000000e+00 : f32
      %parallel_loop3A_2380 = vector.broadcast %parallel_loop3A_2379 : f32 to vector<16xf32>
      %parallel_loop3A_2381 = arith.cmpf oge, %parallel_loop3A_2373, %parallel_loop3A_2380 : vector<16xf32>
      %parallel_loop3A_2382 = arith.mulf %parallel_loop3A_2378, %parallel_loop3A_2373 : vector<16xf32>
      %parallel_loop3A_2383 = arith.select %parallel_loop3A_2381, %parallel_loop3A_2373, %parallel_loop3A_2382 : vector<16xi1>, vector<16xf32>
      %parallel_loop3A_2384 = arith.constant 48 : i32
      %parallel_loop3A_2385 = arith.addi %parallel_loop3A_2305, %parallel_loop3A_2384 : i32
      %parallel_loop3A_2386 = arith.index_cast %parallel_loop3A_2385 : i32 to index
      %parallel_loop3A_2387 = tpu.vector_load %arg10[%parallel_loop3A_2386] {strides = array<i32>} : memref<65536xf32, #tpu.memory_space<vmem>>, vector<16xf32>,
      %parallel_loop3A_2388 = vector.shape_cast %parallel_loop3A_2387 : vector<16xf32> to vector<16xf32>
      %parallel_loop3A_2389 = vector.shape_cast %parallel_loop3A_2383 : vector<16xf32> to vector<16xf32>
      tpu.vector_store %arg10[%parallel_loop3A_2386], %parallel_loop3A_2389 {strides = array<i32>} : memref<65536xf32, #tpu.memory_space<vmem>>, vector<16xf32>,
      %parallel_loop3A_2390 = arith.constant 64 : i32
      %parallel_loop3A_2391 = arith.addi %parallel_loop3A_2305, %parallel_loop3A_2390 : i32
      %parallel_loop3A_2392 = arith.index_cast %parallel_loop3A_2391 : i32 to index
      %parallel_loop3A_2393 = tpu.vector_load %arg10[%parallel_loop3A_2392] {strides = array<i32>} : memref<65536xf32, #tpu.memory_space<vmem>>, vector<16xf32>,
      %parallel_loop3A_2394 = vector.shape_cast %parallel_loop3A_2393 : vector<16xf32> to vector<16xf32>
      %parallel_loop3A_2395 = arith.constant 64 : i32
      %parallel_loop3A_2396 = arith.addi %parallel_loop3A_89, %parallel_loop3A_2395 : i32
      %parallel_loop3A_2397 = arith.index_cast %parallel_loop3A_2396 : i32 to index
      %parallel_loop3A_2398 = tpu.vector_load %arg8[%parallel_loop3A_2397] {strides = array<i32>} : memref<8192xf32, #tpu.memory_space<vmem>>, vector<16xf32>,
      %parallel_loop3A_2399 = vector.shape_cast %parallel_loop3A_2398 : vector<16xf32> to vector<16xf32>
      %parallel_loop3A_2400 = arith.constant 0.000000e+00 : f32
      %parallel_loop3A_2401 = vector.broadcast %parallel_loop3A_2400 : f32 to vector<16xf32>
      %parallel_loop3A_2402 = arith.cmpf oge, %parallel_loop3A_2394, %parallel_loop3A_2401 : vector<16xf32>
      %parallel_loop3A_2403 = arith.mulf %parallel_loop3A_2399, %parallel_loop3A_2394 : vector<16xf32>
      %parallel_loop3A_2404 = arith.select %parallel_loop3A_2402, %parallel_loop3A_2394, %parallel_loop3A_2403 : vector<16xi1>, vector<16xf32>
      %parallel_loop3A_2405 = arith.constant 64 : i32
      %parallel_loop3A_2406 = arith.addi %parallel_loop3A_2305, %parallel_loop3A_2405 : i32
      %parallel_loop3A_2407 = arith.index_cast %parallel_loop3A_2406 : i32 to index
      %parallel_loop3A_2408 = tpu.vector_load %arg10[%parallel_loop3A_2407] {strides = array<i32>} : memref<65536xf32, #tpu.memory_space<vmem>>, vector<16xf32>,
      %parallel_loop3A_2409 = vector.shape_cast %parallel_loop3A_2408 : vector<16xf32> to vector<16xf32>
      %parallel_loop3A_2410 = vector.shape_cast %parallel_loop3A_2404 : vector<16xf32> to vector<16xf32>
      tpu.vector_store %arg10[%parallel_loop3A_2407], %parallel_loop3A_2410 {strides = array<i32>} : memref<65536xf32, #tpu.memory_space<vmem>>, vector<16xf32>,
      %parallel_loop3A_2411 = arith.constant 80 : i32
      %parallel_loop3A_2412 = arith.addi %parallel_loop3A_2305, %parallel_loop3A_2411 : i32
      %parallel_loop3A_2413 = arith.index_cast %parallel_loop3A_2412 : i32 to index
      %parallel_loop3A_2414 = tpu.vector_load %arg10[%parallel_loop3A_2413] {strides = array<i32>} : memref<65536xf32, #tpu.memory_space<vmem>>, vector<16xf32>,
      %parallel_loop3A_2415 = vector.shape_cast %parallel_loop3A_2414 : vector<16xf32> to vector<16xf32>
      %parallel_loop3A_2416 = arith.constant 80 : i32
      %parallel_loop3A_2417 = arith.addi %parallel_loop3A_89, %parallel_loop3A_2416 : i32
      %parallel_loop3A_2418 = arith.index_cast %parallel_loop3A_2417 : i32 to index
      %parallel_loop3A_2419 = tpu.vector_load %arg8[%parallel_loop3A_2418] {strides = array<i32>} : memref<8192xf32, #tpu.memory_space<vmem>>, vector<16xf32>,
      %parallel_loop3A_2420 = vector.shape_cast %parallel_loop3A_2419 : vector<16xf32> to vector<16xf32>
      %parallel_loop3A_2421 = arith.constant 0.000000e+00 : f32
      %parallel_loop3A_2422 = vector.broadcast %parallel_loop3A_2421 : f32 to vector<16xf32>
      %parallel_loop3A_2423 = arith.cmpf oge, %parallel_loop3A_2415, %parallel_loop3A_2422 : vector<16xf32>
      %parallel_loop3A_2424 = arith.mulf %parallel_loop3A_2420, %parallel_loop3A_2415 : vector<16xf32>
      %parallel_loop3A_2425 = arith.select %parallel_loop3A_2423, %parallel_loop3A_2415, %parallel_loop3A_2424 : vector<16xi1>, vector<16xf32>
      %parallel_loop3A_2426 = arith.constant 80 : i32
      %parallel_loop3A_2427 = arith.addi %parallel_loop3A_2305, %parallel_loop3A_2426 : i32
      %parallel_loop3A_2428 = arith.index_cast %parallel_loop3A_2427 : i32 to index
      %parallel_loop3A_2429 = tpu.vector_load %arg10[%parallel_loop3A_2428] {strides = array<i32>} : memref<65536xf32, #tpu.memory_space<vmem>>, vector<16xf32>,
      %parallel_loop3A_2430 = vector.shape_cast %parallel_loop3A_2429 : vector<16xf32> to vector<16xf32>
      %parallel_loop3A_2431 = vector.shape_cast %parallel_loop3A_2425 : vector<16xf32> to vector<16xf32>
      tpu.vector_store %arg10[%parallel_loop3A_2428], %parallel_loop3A_2431 {strides = array<i32>} : memref<65536xf32, #tpu.memory_space<vmem>>, vector<16xf32>,
      %parallel_loop3A_2432 = arith.constant 96 : i32
      %parallel_loop3A_2433 = arith.addi %parallel_loop3A_2305, %parallel_loop3A_2432 : i32
      %parallel_loop3A_2434 = arith.index_cast %parallel_loop3A_2433 : i32 to index
      %parallel_loop3A_2435 = tpu.vector_load %arg10[%parallel_loop3A_2434] {strides = array<i32>} : memref<65536xf32, #tpu.memory_space<vmem>>, vector<16xf32>,
      %parallel_loop3A_2436 = vector.shape_cast %parallel_loop3A_2435 : vector<16xf32> to vector<16xf32>
      %parallel_loop3A_2437 = arith.constant 96 : i32
      %parallel_loop3A_2438 = arith.addi %parallel_loop3A_89, %parallel_loop3A_2437 : i32
      %parallel_loop3A_2439 = arith.index_cast %parallel_loop3A_2438 : i32 to index
      %parallel_loop3A_2440 = tpu.vector_load %arg8[%parallel_loop3A_2439] {strides = array<i32>} : memref<8192xf32, #tpu.memory_space<vmem>>, vector<16xf32>,
      %parallel_loop3A_2441 = vector.shape_cast %parallel_loop3A_2440 : vector<16xf32> to vector<16xf32>
      %parallel_loop3A_2442 = arith.constant 0.000000e+00 : f32
      %parallel_loop3A_2443 = vector.broadcast %parallel_loop3A_2442 : f32 to vector<16xf32>
      %parallel_loop3A_2444 = arith.cmpf oge, %parallel_loop3A_2436, %parallel_loop3A_2443 : vector<16xf32>
      %parallel_loop3A_2445 = arith.mulf %parallel_loop3A_2441, %parallel_loop3A_2436 : vector<16xf32>
      %parallel_loop3A_2446 = arith.select %parallel_loop3A_2444, %parallel_loop3A_2436, %parallel_loop3A_2445 : vector<16xi1>, vector<16xf32>
      %parallel_loop3A_2447 = arith.constant 96 : i32
      %parallel_loop3A_2448 = arith.addi %parallel_loop3A_2305, %parallel_loop3A_2447 : i32
      %parallel_loop3A_2449 = arith.index_cast %parallel_loop3A_2448 : i32 to index
      %parallel_loop3A_2450 = tpu.vector_load %arg10[%parallel_loop3A_2449] {strides = array<i32>} : memref<65536xf32, #tpu.memory_space<vmem>>, vector<16xf32>,
      %parallel_loop3A_2451 = vector.shape_cast %parallel_loop3A_2450 : vector<16xf32> to vector<16xf32>
      %parallel_loop3A_2452 = vector.shape_cast %parallel_loop3A_2446 : vector<16xf32> to vector<16xf32>
      tpu.vector_store %arg10[%parallel_loop3A_2449], %parallel_loop3A_2452 {strides = array<i32>} : memref<65536xf32, #tpu.memory_space<vmem>>, vector<16xf32>,
      %parallel_loop3A_2453 = arith.constant 112 : i32
      %parallel_loop3A_2454 = arith.addi %parallel_loop3A_2305, %parallel_loop3A_2453 : i32
      %parallel_loop3A_2455 = arith.index_cast %parallel_loop3A_2454 : i32 to index
      %parallel_loop3A_2456 = tpu.vector_load %arg10[%parallel_loop3A_2455] {strides = array<i32>} : memref<65536xf32, #tpu.memory_space<vmem>>, vector<16xf32>,
      %parallel_loop3A_2457 = vector.shape_cast %parallel_loop3A_2456 : vector<16xf32> to vector<16xf32>
      %parallel_loop3A_2458 = arith.constant 112 : i32
      %parallel_loop3A_2459 = arith.addi %parallel_loop3A_89, %parallel_loop3A_2458 : i32
      %parallel_loop3A_2460 = arith.index_cast %parallel_loop3A_2459 : i32 to index
      %parallel_loop3A_2461 = tpu.vector_load %arg8[%parallel_loop3A_2460] {strides = array<i32>} : memref<8192xf32, #tpu.memory_space<vmem>>, vector<16xf32>,
      %parallel_loop3A_2462 = vector.shape_cast %parallel_loop3A_2461 : vector<16xf32> to vector<16xf32>
      %parallel_loop3A_2463 = arith.constant 0.000000e+00 : f32
      %parallel_loop3A_2464 = vector.broadcast %parallel_loop3A_2463 : f32 to vector<16xf32>
      %parallel_loop3A_2465 = arith.cmpf oge, %parallel_loop3A_2457, %parallel_loop3A_2464 : vector<16xf32>
      %parallel_loop3A_2466 = arith.mulf %parallel_loop3A_2462, %parallel_loop3A_2457 : vector<16xf32>
      %parallel_loop3A_2467 = arith.select %parallel_loop3A_2465, %parallel_loop3A_2457, %parallel_loop3A_2466 : vector<16xi1>, vector<16xf32>
      %parallel_loop3A_2468 = arith.constant 112 : i32
      %parallel_loop3A_2469 = arith.addi %parallel_loop3A_2305, %parallel_loop3A_2468 : i32
      %parallel_loop3A_2470 = arith.index_cast %parallel_loop3A_2469 : i32 to index
      %parallel_loop3A_2471 = tpu.vector_load %arg10[%parallel_loop3A_2470] {strides = array<i32>} : memref<65536xf32, #tpu.memory_space<vmem>>, vector<16xf32>,
      %parallel_loop3A_2472 = vector.shape_cast %parallel_loop3A_2471 : vector<16xf32> to vector<16xf32>
      %parallel_loop3A_2473 = vector.shape_cast %parallel_loop3A_2467 : vector<16xf32> to vector<16xf32>
      tpu.vector_store %arg10[%parallel_loop3A_2470], %parallel_loop3A_2473 {strides = array<i32>} : memref<65536xf32, #tpu.memory_space<vmem>>, vector<16xf32>,
      %parallel_loop3A_2474 = arith.constant 1792 : i32
      %parallel_loop3A_2475 = arith.addi %parallel_loop3A_61, %parallel_loop3A_2474 : i32
      %parallel_loop3A_2476 = arith.constant 0 : i32
      %parallel_loop3A_2477 = arith.addi %parallel_loop3A_2475, %parallel_loop3A_2476 : i32
      %parallel_loop3A_2478 = arith.index_cast %parallel_loop3A_2477 : i32 to index
      %parallel_loop3A_2479 = tpu.vector_load %arg10[%parallel_loop3A_2478] {strides = array<i32>} : memref<65536xf32, #tpu.memory_space<vmem>>, vector<16xf32>,
      %parallel_loop3A_2480 = vector.shape_cast %parallel_loop3A_2479 : vector<16xf32> to vector<16xf32>
      %parallel_loop3A_2481 = arith.constant 0 : i32
      %parallel_loop3A_2482 = arith.addi %parallel_loop3A_91, %parallel_loop3A_2481 : i32
      %parallel_loop3A_2483 = arith.index_cast %parallel_loop3A_2482 : i32 to index
      %parallel_loop3A_2484 = tpu.vector_load %arg8[%parallel_loop3A_2483] {strides = array<i32>} : memref<8192xf32, #tpu.memory_space<vmem>>, vector<16xf32>,
      %parallel_loop3A_2485 = vector.shape_cast %parallel_loop3A_2484 : vector<16xf32> to vector<16xf32>
      %parallel_loop3A_2486 = arith.constant 0.000000e+00 : f32
      %parallel_loop3A_2487 = vector.broadcast %parallel_loop3A_2486 : f32 to vector<16xf32>
      %parallel_loop3A_2488 = arith.cmpf oge, %parallel_loop3A_2480, %parallel_loop3A_2487 : vector<16xf32>
      %parallel_loop3A_2489 = arith.mulf %parallel_loop3A_2485, %parallel_loop3A_2480 : vector<16xf32>
      %parallel_loop3A_2490 = arith.select %parallel_loop3A_2488, %parallel_loop3A_2480, %parallel_loop3A_2489 : vector<16xi1>, vector<16xf32>
      %parallel_loop3A_2491 = arith.constant 0 : i32
      %parallel_loop3A_2492 = arith.addi %parallel_loop3A_2475, %parallel_loop3A_2491 : i32
      %parallel_loop3A_2493 = arith.index_cast %parallel_loop3A_2492 : i32 to index
      %parallel_loop3A_2494 = tpu.vector_load %arg10[%parallel_loop3A_2493] {strides = array<i32>} : memref<65536xf32, #tpu.memory_space<vmem>>, vector<16xf32>,
      %parallel_loop3A_2495 = vector.shape_cast %parallel_loop3A_2494 : vector<16xf32> to vector<16xf32>
      %parallel_loop3A_2496 = vector.shape_cast %parallel_loop3A_2490 : vector<16xf32> to vector<16xf32>
      tpu.vector_store %arg10[%parallel_loop3A_2493], %parallel_loop3A_2496 {strides = array<i32>} : memref<65536xf32, #tpu.memory_space<vmem>>, vector<16xf32>,
      %parallel_loop3A_2497 = arith.constant 16 : i32
      %parallel_loop3A_2498 = arith.addi %parallel_loop3A_2475, %parallel_loop3A_2497 : i32
      %parallel_loop3A_2499 = arith.index_cast %parallel_loop3A_2498 : i32 to index
      %parallel_loop3A_2500 = tpu.vector_load %arg10[%parallel_loop3A_2499] {strides = array<i32>} : memref<65536xf32, #tpu.memory_space<vmem>>, vector<16xf32>,
      %parallel_loop3A_2501 = vector.shape_cast %parallel_loop3A_2500 : vector<16xf32> to vector<16xf32>
      %parallel_loop3A_2502 = arith.constant 16 : i32
      %parallel_loop3A_2503 = arith.addi %parallel_loop3A_91, %parallel_loop3A_2502 : i32
      %parallel_loop3A_2504 = arith.index_cast %parallel_loop3A_2503 : i32 to index
      %parallel_loop3A_2505 = tpu.vector_load %arg8[%parallel_loop3A_2504] {strides = array<i32>} : memref<8192xf32, #tpu.memory_space<vmem>>, vector<16xf32>,
      %parallel_loop3A_2506 = vector.shape_cast %parallel_loop3A_2505 : vector<16xf32> to vector<16xf32>
      %parallel_loop3A_2507 = arith.constant 0.000000e+00 : f32
      %parallel_loop3A_2508 = vector.broadcast %parallel_loop3A_2507 : f32 to vector<16xf32>
      %parallel_loop3A_2509 = arith.cmpf oge, %parallel_loop3A_2501, %parallel_loop3A_2508 : vector<16xf32>
      %parallel_loop3A_2510 = arith.mulf %parallel_loop3A_2506, %parallel_loop3A_2501 : vector<16xf32>
      %parallel_loop3A_2511 = arith.select %parallel_loop3A_2509, %parallel_loop3A_2501, %parallel_loop3A_2510 : vector<16xi1>, vector<16xf32>
      %parallel_loop3A_2512 = arith.constant 16 : i32
      %parallel_loop3A_2513 = arith.addi %parallel_loop3A_2475, %parallel_loop3A_2512 : i32
      %parallel_loop3A_2514 = arith.index_cast %parallel_loop3A_2513 : i32 to index
      %parallel_loop3A_2515 = tpu.vector_load %arg10[%parallel_loop3A_2514] {strides = array<i32>} : memref<65536xf32, #tpu.memory_space<vmem>>, vector<16xf32>,
      %parallel_loop3A_2516 = vector.shape_cast %parallel_loop3A_2515 : vector<16xf32> to vector<16xf32>
      %parallel_loop3A_2517 = vector.shape_cast %parallel_loop3A_2511 : vector<16xf32> to vector<16xf32>
      tpu.vector_store %arg10[%parallel_loop3A_2514], %parallel_loop3A_2517 {strides = array<i32>} : memref<65536xf32, #tpu.memory_space<vmem>>, vector<16xf32>,
      %parallel_loop3A_2518 = arith.constant 32 : i32
      %parallel_loop3A_2519 = arith.addi %parallel_loop3A_2475, %parallel_loop3A_2518 : i32
      %parallel_loop3A_2520 = arith.index_cast %parallel_loop3A_2519 : i32 to index
      %parallel_loop3A_2521 = tpu.vector_load %arg10[%parallel_loop3A_2520] {strides = array<i32>} : memref<65536xf32, #tpu.memory_space<vmem>>, vector<16xf32>,
      %parallel_loop3A_2522 = vector.shape_cast %parallel_loop3A_2521 : vector<16xf32> to vector<16xf32>
      %parallel_loop3A_2523 = arith.constant 32 : i32
      %parallel_loop3A_2524 = arith.addi %parallel_loop3A_91, %parallel_loop3A_2523 : i32
      %parallel_loop3A_2525 = arith.index_cast %parallel_loop3A_2524 : i32 to index
      %parallel_loop3A_2526 = tpu.vector_load %arg8[%parallel_loop3A_2525] {strides = array<i32>} : memref<8192xf32, #tpu.memory_space<vmem>>, vector<16xf32>,
      %parallel_loop3A_2527 = vector.shape_cast %parallel_loop3A_2526 : vector<16xf32> to vector<16xf32>
      %parallel_loop3A_2528 = arith.constant 0.000000e+00 : f32
      %parallel_loop3A_2529 = vector.broadcast %parallel_loop3A_2528 : f32 to vector<16xf32>
      %parallel_loop3A_2530 = arith.cmpf oge, %parallel_loop3A_2522, %parallel_loop3A_2529 : vector<16xf32>
      %parallel_loop3A_2531 = arith.mulf %parallel_loop3A_2527, %parallel_loop3A_2522 : vector<16xf32>
      %parallel_loop3A_2532 = arith.select %parallel_loop3A_2530, %parallel_loop3A_2522, %parallel_loop3A_2531 : vector<16xi1>, vector<16xf32>
      %parallel_loop3A_2533 = arith.constant 32 : i32
      %parallel_loop3A_2534 = arith.addi %parallel_loop3A_2475, %parallel_loop3A_2533 : i32
      %parallel_loop3A_2535 = arith.index_cast %parallel_loop3A_2534 : i32 to index
      %parallel_loop3A_2536 = tpu.vector_load %arg10[%parallel_loop3A_2535] {strides = array<i32>} : memref<65536xf32, #tpu.memory_space<vmem>>, vector<16xf32>,
      %parallel_loop3A_2537 = vector.shape_cast %parallel_loop3A_2536 : vector<16xf32> to vector<16xf32>
      %parallel_loop3A_2538 = vector.shape_cast %parallel_loop3A_2532 : vector<16xf32> to vector<16xf32>
      tpu.vector_store %arg10[%parallel_loop3A_2535], %parallel_loop3A_2538 {strides = array<i32>} : memref<65536xf32, #tpu.memory_space<vmem>>, vector<16xf32>,
      %parallel_loop3A_2539 = arith.constant 48 : i32
      %parallel_loop3A_2540 = arith.addi %parallel_loop3A_2475, %parallel_loop3A_2539 : i32
      %parallel_loop3A_2541 = arith.index_cast %parallel_loop3A_2540 : i32 to index
      %parallel_loop3A_2542 = tpu.vector_load %arg10[%parallel_loop3A_2541] {strides = array<i32>} : memref<65536xf32, #tpu.memory_space<vmem>>, vector<16xf32>,
      %parallel_loop3A_2543 = vector.shape_cast %parallel_loop3A_2542 : vector<16xf32> to vector<16xf32>
      %parallel_loop3A_2544 = arith.constant 48 : i32
      %parallel_loop3A_2545 = arith.addi %parallel_loop3A_91, %parallel_loop3A_2544 : i32
      %parallel_loop3A_2546 = arith.index_cast %parallel_loop3A_2545 : i32 to index
      %parallel_loop3A_2547 = tpu.vector_load %arg8[%parallel_loop3A_2546] {strides = array<i32>} : memref<8192xf32, #tpu.memory_space<vmem>>, vector<16xf32>,
      %parallel_loop3A_2548 = vector.shape_cast %parallel_loop3A_2547 : vector<16xf32> to vector<16xf32>
      %parallel_loop3A_2549 = arith.constant 0.000000e+00 : f32
      %parallel_loop3A_2550 = vector.broadcast %parallel_loop3A_2549 : f32 to vector<16xf32>
      %parallel_loop3A_2551 = arith.cmpf oge, %parallel_loop3A_2543, %parallel_loop3A_2550 : vector<16xf32>
      %parallel_loop3A_2552 = arith.mulf %parallel_loop3A_2548, %parallel_loop3A_2543 : vector<16xf32>
      %parallel_loop3A_2553 = arith.select %parallel_loop3A_2551, %parallel_loop3A_2543, %parallel_loop3A_2552 : vector<16xi1>, vector<16xf32>
      %parallel_loop3A_2554 = arith.constant 48 : i32
      %parallel_loop3A_2555 = arith.addi %parallel_loop3A_2475, %parallel_loop3A_2554 : i32
      %parallel_loop3A_2556 = arith.index_cast %parallel_loop3A_2555 : i32 to index
      %parallel_loop3A_2557 = tpu.vector_load %arg10[%parallel_loop3A_2556] {strides = array<i32>} : memref<65536xf32, #tpu.memory_space<vmem>>, vector<16xf32>,
      %parallel_loop3A_2558 = vector.shape_cast %parallel_loop3A_2557 : vector<16xf32> to vector<16xf32>
      %parallel_loop3A_2559 = vector.shape_cast %parallel_loop3A_2553 : vector<16xf32> to vector<16xf32>
      tpu.vector_store %arg10[%parallel_loop3A_2556], %parallel_loop3A_2559 {strides = array<i32>} : memref<65536xf32, #tpu.memory_space<vmem>>, vector<16xf32>,
      %parallel_loop3A_2560 = arith.constant 64 : i32
      %parallel_loop3A_2561 = arith.addi %parallel_loop3A_2475, %parallel_loop3A_2560 : i32
      %parallel_loop3A_2562 = arith.index_cast %parallel_loop3A_2561 : i32 to index
      %parallel_loop3A_2563 = tpu.vector_load %arg10[%parallel_loop3A_2562] {strides = array<i32>} : memref<65536xf32, #tpu.memory_space<vmem>>, vector<16xf32>,
      %parallel_loop3A_2564 = vector.shape_cast %parallel_loop3A_2563 : vector<16xf32> to vector<16xf32>
      %parallel_loop3A_2565 = arith.constant 64 : i32
      %parallel_loop3A_2566 = arith.addi %parallel_loop3A_91, %parallel_loop3A_2565 : i32
      %parallel_loop3A_2567 = arith.index_cast %parallel_loop3A_2566 : i32 to index
      %parallel_loop3A_2568 = tpu.vector_load %arg8[%parallel_loop3A_2567] {strides = array<i32>} : memref<8192xf32, #tpu.memory_space<vmem>>, vector<16xf32>,
      %parallel_loop3A_2569 = vector.shape_cast %parallel_loop3A_2568 : vector<16xf32> to vector<16xf32>
      %parallel_loop3A_2570 = arith.constant 0.000000e+00 : f32
      %parallel_loop3A_2571 = vector.broadcast %parallel_loop3A_2570 : f32 to vector<16xf32>
      %parallel_loop3A_2572 = arith.cmpf oge, %parallel_loop3A_2564, %parallel_loop3A_2571 : vector<16xf32>
      %parallel_loop3A_2573 = arith.mulf %parallel_loop3A_2569, %parallel_loop3A_2564 : vector<16xf32>
      %parallel_loop3A_2574 = arith.select %parallel_loop3A_2572, %parallel_loop3A_2564, %parallel_loop3A_2573 : vector<16xi1>, vector<16xf32>
      %parallel_loop3A_2575 = arith.constant 64 : i32
      %parallel_loop3A_2576 = arith.addi %parallel_loop3A_2475, %parallel_loop3A_2575 : i32
      %parallel_loop3A_2577 = arith.index_cast %parallel_loop3A_2576 : i32 to index
      %parallel_loop3A_2578 = tpu.vector_load %arg10[%parallel_loop3A_2577] {strides = array<i32>} : memref<65536xf32, #tpu.memory_space<vmem>>, vector<16xf32>,
      %parallel_loop3A_2579 = vector.shape_cast %parallel_loop3A_2578 : vector<16xf32> to vector<16xf32>
      %parallel_loop3A_2580 = vector.shape_cast %parallel_loop3A_2574 : vector<16xf32> to vector<16xf32>
      tpu.vector_store %arg10[%parallel_loop3A_2577], %parallel_loop3A_2580 {strides = array<i32>} : memref<65536xf32, #tpu.memory_space<vmem>>, vector<16xf32>,
      %parallel_loop3A_2581 = arith.constant 80 : i32
      %parallel_loop3A_2582 = arith.addi %parallel_loop3A_2475, %parallel_loop3A_2581 : i32
      %parallel_loop3A_2583 = arith.index_cast %parallel_loop3A_2582 : i32 to index
      %parallel_loop3A_2584 = tpu.vector_load %arg10[%parallel_loop3A_2583] {strides = array<i32>} : memref<65536xf32, #tpu.memory_space<vmem>>, vector<16xf32>,
      %parallel_loop3A_2585 = vector.shape_cast %parallel_loop3A_2584 : vector<16xf32> to vector<16xf32>
      %parallel_loop3A_2586 = arith.constant 80 : i32
      %parallel_loop3A_2587 = arith.addi %parallel_loop3A_91, %parallel_loop3A_2586 : i32
      %parallel_loop3A_2588 = arith.index_cast %parallel_loop3A_2587 : i32 to index
      %parallel_loop3A_2589 = tpu.vector_load %arg8[%parallel_loop3A_2588] {strides = array<i32>} : memref<8192xf32, #tpu.memory_space<vmem>>, vector<16xf32>,
      %parallel_loop3A_2590 = vector.shape_cast %parallel_loop3A_2589 : vector<16xf32> to vector<16xf32>
      %parallel_loop3A_2591 = arith.constant 0.000000e+00 : f32
      %parallel_loop3A_2592 = vector.broadcast %parallel_loop3A_2591 : f32 to vector<16xf32>
      %parallel_loop3A_2593 = arith.cmpf oge, %parallel_loop3A_2585, %parallel_loop3A_2592 : vector<16xf32>
      %parallel_loop3A_2594 = arith.mulf %parallel_loop3A_2590, %parallel_loop3A_2585 : vector<16xf32>
      %parallel_loop3A_2595 = arith.select %parallel_loop3A_2593, %parallel_loop3A_2585, %parallel_loop3A_2594 : vector<16xi1>, vector<16xf32>
      %parallel_loop3A_2596 = arith.constant 80 : i32
      %parallel_loop3A_2597 = arith.addi %parallel_loop3A_2475, %parallel_loop3A_2596 : i32
      %parallel_loop3A_2598 = arith.index_cast %parallel_loop3A_2597 : i32 to index
      %parallel_loop3A_2599 = tpu.vector_load %arg10[%parallel_loop3A_2598] {strides = array<i32>} : memref<65536xf32, #tpu.memory_space<vmem>>, vector<16xf32>,
      %parallel_loop3A_2600 = vector.shape_cast %parallel_loop3A_2599 : vector<16xf32> to vector<16xf32>
      %parallel_loop3A_2601 = vector.shape_cast %parallel_loop3A_2595 : vector<16xf32> to vector<16xf32>
      tpu.vector_store %arg10[%parallel_loop3A_2598], %parallel_loop3A_2601 {strides = array<i32>} : memref<65536xf32, #tpu.memory_space<vmem>>, vector<16xf32>,
      %parallel_loop3A_2602 = arith.constant 96 : i32
      %parallel_loop3A_2603 = arith.addi %parallel_loop3A_2475, %parallel_loop3A_2602 : i32
      %parallel_loop3A_2604 = arith.index_cast %parallel_loop3A_2603 : i32 to index
      %parallel_loop3A_2605 = tpu.vector_load %arg10[%parallel_loop3A_2604] {strides = array<i32>} : memref<65536xf32, #tpu.memory_space<vmem>>, vector<16xf32>,
      %parallel_loop3A_2606 = vector.shape_cast %parallel_loop3A_2605 : vector<16xf32> to vector<16xf32>
      %parallel_loop3A_2607 = arith.constant 96 : i32
      %parallel_loop3A_2608 = arith.addi %parallel_loop3A_91, %parallel_loop3A_2607 : i32
      %parallel_loop3A_2609 = arith.index_cast %parallel_loop3A_2608 : i32 to index
      %parallel_loop3A_2610 = tpu.vector_load %arg8[%parallel_loop3A_2609] {strides = array<i32>} : memref<8192xf32, #tpu.memory_space<vmem>>, vector<16xf32>,
      %parallel_loop3A_2611 = vector.shape_cast %parallel_loop3A_2610 : vector<16xf32> to vector<16xf32>
      %parallel_loop3A_2612 = arith.constant 0.000000e+00 : f32
      %parallel_loop3A_2613 = vector.broadcast %parallel_loop3A_2612 : f32 to vector<16xf32>
      %parallel_loop3A_2614 = arith.cmpf oge, %parallel_loop3A_2606, %parallel_loop3A_2613 : vector<16xf32>
      %parallel_loop3A_2615 = arith.mulf %parallel_loop3A_2611, %parallel_loop3A_2606 : vector<16xf32>
      %parallel_loop3A_2616 = arith.select %parallel_loop3A_2614, %parallel_loop3A_2606, %parallel_loop3A_2615 : vector<16xi1>, vector<16xf32>
      %parallel_loop3A_2617 = arith.constant 96 : i32
      %parallel_loop3A_2618 = arith.addi %parallel_loop3A_2475, %parallel_loop3A_2617 : i32
      %parallel_loop3A_2619 = arith.index_cast %parallel_loop3A_2618 : i32 to index
      %parallel_loop3A_2620 = tpu.vector_load %arg10[%parallel_loop3A_2619] {strides = array<i32>} : memref<65536xf32, #tpu.memory_space<vmem>>, vector<16xf32>,
      %parallel_loop3A_2621 = vector.shape_cast %parallel_loop3A_2620 : vector<16xf32> to vector<16xf32>
      %parallel_loop3A_2622 = vector.shape_cast %parallel_loop3A_2616 : vector<16xf32> to vector<16xf32>
      tpu.vector_store %arg10[%parallel_loop3A_2619], %parallel_loop3A_2622 {strides = array<i32>} : memref<65536xf32, #tpu.memory_space<vmem>>, vector<16xf32>,
      %parallel_loop3A_2623 = arith.constant 112 : i32
      %parallel_loop3A_2624 = arith.addi %parallel_loop3A_2475, %parallel_loop3A_2623 : i32
      %parallel_loop3A_2625 = arith.index_cast %parallel_loop3A_2624 : i32 to index
      %parallel_loop3A_2626 = tpu.vector_load %arg10[%parallel_loop3A_2625] {strides = array<i32>} : memref<65536xf32, #tpu.memory_space<vmem>>, vector<16xf32>,
      %parallel_loop3A_2627 = vector.shape_cast %parallel_loop3A_2626 : vector<16xf32> to vector<16xf32>
      %parallel_loop3A_2628 = arith.constant 112 : i32
      %parallel_loop3A_2629 = arith.addi %parallel_loop3A_91, %parallel_loop3A_2628 : i32
      %parallel_loop3A_2630 = arith.index_cast %parallel_loop3A_2629 : i32 to index
      %parallel_loop3A_2631 = tpu.vector_load %arg8[%parallel_loop3A_2630] {strides = array<i32>} : memref<8192xf32, #tpu.memory_space<vmem>>, vector<16xf32>,
      %parallel_loop3A_2632 = vector.shape_cast %parallel_loop3A_2631 : vector<16xf32> to vector<16xf32>
      %parallel_loop3A_2633 = arith.constant 0.000000e+00 : f32
      %parallel_loop3A_2634 = vector.broadcast %parallel_loop3A_2633 : f32 to vector<16xf32>
      %parallel_loop3A_2635 = arith.cmpf oge, %parallel_loop3A_2627, %parallel_loop3A_2634 : vector<16xf32>
      %parallel_loop3A_2636 = arith.mulf %parallel_loop3A_2632, %parallel_loop3A_2627 : vector<16xf32>
      %parallel_loop3A_2637 = arith.select %parallel_loop3A_2635, %parallel_loop3A_2627, %parallel_loop3A_2636 : vector<16xi1>, vector<16xf32>
      %parallel_loop3A_2638 = arith.constant 112 : i32
      %parallel_loop3A_2639 = arith.addi %parallel_loop3A_2475, %parallel_loop3A_2638 : i32
      %parallel_loop3A_2640 = arith.index_cast %parallel_loop3A_2639 : i32 to index
      %parallel_loop3A_2641 = tpu.vector_load %arg10[%parallel_loop3A_2640] {strides = array<i32>} : memref<65536xf32, #tpu.memory_space<vmem>>, vector<16xf32>,
      %parallel_loop3A_2642 = vector.shape_cast %parallel_loop3A_2641 : vector<16xf32> to vector<16xf32>
      %parallel_loop3A_2643 = vector.shape_cast %parallel_loop3A_2637 : vector<16xf32> to vector<16xf32>
      tpu.vector_store %arg10[%parallel_loop3A_2640], %parallel_loop3A_2643 {strides = array<i32>} : memref<65536xf32, #tpu.memory_space<vmem>>, vector<16xf32>,
      %parallel_loop3A_2644 = arith.constant 1920 : i32
      %parallel_loop3A_2645 = arith.addi %parallel_loop3A_61, %parallel_loop3A_2644 : i32
      %parallel_loop3A_2646 = arith.constant 0 : i32
      %parallel_loop3A_2647 = arith.addi %parallel_loop3A_2645, %parallel_loop3A_2646 : i32
      %parallel_loop3A_2648 = arith.index_cast %parallel_loop3A_2647 : i32 to index
      %parallel_loop3A_2649 = tpu.vector_load %arg10[%parallel_loop3A_2648] {strides = array<i32>} : memref<65536xf32, #tpu.memory_space<vmem>>, vector<16xf32>,
      %parallel_loop3A_2650 = vector.shape_cast %parallel_loop3A_2649 : vector<16xf32> to vector<16xf32>
      %parallel_loop3A_2651 = arith.constant 0 : i32
      %parallel_loop3A_2652 = arith.addi %parallel_loop3A_93, %parallel_loop3A_2651 : i32
      %parallel_loop3A_2653 = arith.index_cast %parallel_loop3A_2652 : i32 to index
      %parallel_loop3A_2654 = tpu.vector_load %arg8[%parallel_loop3A_2653] {strides = array<i32>} : memref<8192xf32, #tpu.memory_space<vmem>>, vector<16xf32>,
      %parallel_loop3A_2655 = vector.shape_cast %parallel_loop3A_2654 : vector<16xf32> to vector<16xf32>
      %parallel_loop3A_2656 = arith.constant 0.000000e+00 : f32
      %parallel_loop3A_2657 = vector.broadcast %parallel_loop3A_2656 : f32 to vector<16xf32>
      %parallel_loop3A_2658 = arith.cmpf oge, %parallel_loop3A_2650, %parallel_loop3A_2657 : vector<16xf32>
      %parallel_loop3A_2659 = arith.mulf %parallel_loop3A_2655, %parallel_loop3A_2650 : vector<16xf32>
      %parallel_loop3A_2660 = arith.select %parallel_loop3A_2658, %parallel_loop3A_2650, %parallel_loop3A_2659 : vector<16xi1>, vector<16xf32>
      %parallel_loop3A_2661 = arith.constant 0 : i32
      %parallel_loop3A_2662 = arith.addi %parallel_loop3A_2645, %parallel_loop3A_2661 : i32
      %parallel_loop3A_2663 = arith.index_cast %parallel_loop3A_2662 : i32 to index
      %parallel_loop3A_2664 = tpu.vector_load %arg10[%parallel_loop3A_2663] {strides = array<i32>} : memref<65536xf32, #tpu.memory_space<vmem>>, vector<16xf32>,
      %parallel_loop3A_2665 = vector.shape_cast %parallel_loop3A_2664 : vector<16xf32> to vector<16xf32>
      %parallel_loop3A_2666 = vector.shape_cast %parallel_loop3A_2660 : vector<16xf32> to vector<16xf32>
      tpu.vector_store %arg10[%parallel_loop3A_2663], %parallel_loop3A_2666 {strides = array<i32>} : memref<65536xf32, #tpu.memory_space<vmem>>, vector<16xf32>,
      %parallel_loop3A_2667 = arith.constant 16 : i32
      %parallel_loop3A_2668 = arith.addi %parallel_loop3A_2645, %parallel_loop3A_2667 : i32
      %parallel_loop3A_2669 = arith.index_cast %parallel_loop3A_2668 : i32 to index
      %parallel_loop3A_2670 = tpu.vector_load %arg10[%parallel_loop3A_2669] {strides = array<i32>} : memref<65536xf32, #tpu.memory_space<vmem>>, vector<16xf32>,
      %parallel_loop3A_2671 = vector.shape_cast %parallel_loop3A_2670 : vector<16xf32> to vector<16xf32>
      %parallel_loop3A_2672 = arith.constant 16 : i32
      %parallel_loop3A_2673 = arith.addi %parallel_loop3A_93, %parallel_loop3A_2672 : i32
      %parallel_loop3A_2674 = arith.index_cast %parallel_loop3A_2673 : i32 to index
      %parallel_loop3A_2675 = tpu.vector_load %arg8[%parallel_loop3A_2674] {strides = array<i32>} : memref<8192xf32, #tpu.memory_space<vmem>>, vector<16xf32>,
      %parallel_loop3A_2676 = vector.shape_cast %parallel_loop3A_2675 : vector<16xf32> to vector<16xf32>
      %parallel_loop3A_2677 = arith.constant 0.000000e+00 : f32
      %parallel_loop3A_2678 = vector.broadcast %parallel_loop3A_2677 : f32 to vector<16xf32>
      %parallel_loop3A_2679 = arith.cmpf oge, %parallel_loop3A_2671, %parallel_loop3A_2678 : vector<16xf32>
      %parallel_loop3A_2680 = arith.mulf %parallel_loop3A_2676, %parallel_loop3A_2671 : vector<16xf32>
      %parallel_loop3A_2681 = arith.select %parallel_loop3A_2679, %parallel_loop3A_2671, %parallel_loop3A_2680 : vector<16xi1>, vector<16xf32>
      %parallel_loop3A_2682 = arith.constant 16 : i32
      %parallel_loop3A_2683 = arith.addi %parallel_loop3A_2645, %parallel_loop3A_2682 : i32
      %parallel_loop3A_2684 = arith.index_cast %parallel_loop3A_2683 : i32 to index
      %parallel_loop3A_2685 = tpu.vector_load %arg10[%parallel_loop3A_2684] {strides = array<i32>} : memref<65536xf32, #tpu.memory_space<vmem>>, vector<16xf32>,
      %parallel_loop3A_2686 = vector.shape_cast %parallel_loop3A_2685 : vector<16xf32> to vector<16xf32>
      %parallel_loop3A_2687 = vector.shape_cast %parallel_loop3A_2681 : vector<16xf32> to vector<16xf32>
      tpu.vector_store %arg10[%parallel_loop3A_2684], %parallel_loop3A_2687 {strides = array<i32>} : memref<65536xf32, #tpu.memory_space<vmem>>, vector<16xf32>,
      %parallel_loop3A_2688 = arith.constant 32 : i32
      %parallel_loop3A_2689 = arith.addi %parallel_loop3A_2645, %parallel_loop3A_2688 : i32
      %parallel_loop3A_2690 = arith.index_cast %parallel_loop3A_2689 : i32 to index
      %parallel_loop3A_2691 = tpu.vector_load %arg10[%parallel_loop3A_2690] {strides = array<i32>} : memref<65536xf32, #tpu.memory_space<vmem>>, vector<16xf32>,
      %parallel_loop3A_2692 = vector.shape_cast %parallel_loop3A_2691 : vector<16xf32> to vector<16xf32>
      %parallel_loop3A_2693 = arith.constant 32 : i32
      %parallel_loop3A_2694 = arith.addi %parallel_loop3A_93, %parallel_loop3A_2693 : i32
      %parallel_loop3A_2695 = arith.index_cast %parallel_loop3A_2694 : i32 to index
      %parallel_loop3A_2696 = tpu.vector_load %arg8[%parallel_loop3A_2695] {strides = array<i32>} : memref<8192xf32, #tpu.memory_space<vmem>>, vector<16xf32>,
      %parallel_loop3A_2697 = vector.shape_cast %parallel_loop3A_2696 : vector<16xf32> to vector<16xf32>
      %parallel_loop3A_2698 = arith.constant 0.000000e+00 : f32
      %parallel_loop3A_2699 = vector.broadcast %parallel_loop3A_2698 : f32 to vector<16xf32>
      %parallel_loop3A_2700 = arith.cmpf oge, %parallel_loop3A_2692, %parallel_loop3A_2699 : vector<16xf32>
      %parallel_loop3A_2701 = arith.mulf %parallel_loop3A_2697, %parallel_loop3A_2692 : vector<16xf32>
      %parallel_loop3A_2702 = arith.select %parallel_loop3A_2700, %parallel_loop3A_2692, %parallel_loop3A_2701 : vector<16xi1>, vector<16xf32>
      %parallel_loop3A_2703 = arith.constant 32 : i32
      %parallel_loop3A_2704 = arith.addi %parallel_loop3A_2645, %parallel_loop3A_2703 : i32
      %parallel_loop3A_2705 = arith.index_cast %parallel_loop3A_2704 : i32 to index
      %parallel_loop3A_2706 = tpu.vector_load %arg10[%parallel_loop3A_2705] {strides = array<i32>} : memref<65536xf32, #tpu.memory_space<vmem>>, vector<16xf32>,
      %parallel_loop3A_2707 = vector.shape_cast %parallel_loop3A_2706 : vector<16xf32> to vector<16xf32>
      %parallel_loop3A_2708 = vector.shape_cast %parallel_loop3A_2702 : vector<16xf32> to vector<16xf32>
      tpu.vector_store %arg10[%parallel_loop3A_2705], %parallel_loop3A_2708 {strides = array<i32>} : memref<65536xf32, #tpu.memory_space<vmem>>, vector<16xf32>,
      %parallel_loop3A_2709 = arith.constant 48 : i32
      %parallel_loop3A_2710 = arith.addi %parallel_loop3A_2645, %parallel_loop3A_2709 : i32
      %parallel_loop3A_2711 = arith.index_cast %parallel_loop3A_2710 : i32 to index
      %parallel_loop3A_2712 = tpu.vector_load %arg10[%parallel_loop3A_2711] {strides = array<i32>} : memref<65536xf32, #tpu.memory_space<vmem>>, vector<16xf32>,
      %parallel_loop3A_2713 = vector.shape_cast %parallel_loop3A_2712 : vector<16xf32> to vector<16xf32>
      %parallel_loop3A_2714 = arith.constant 48 : i32
      %parallel_loop3A_2715 = arith.addi %parallel_loop3A_93, %parallel_loop3A_2714 : i32
      %parallel_loop3A_2716 = arith.index_cast %parallel_loop3A_2715 : i32 to index
      %parallel_loop3A_2717 = tpu.vector_load %arg8[%parallel_loop3A_2716] {strides = array<i32>} : memref<8192xf32, #tpu.memory_space<vmem>>, vector<16xf32>,
      %parallel_loop3A_2718 = vector.shape_cast %parallel_loop3A_2717 : vector<16xf32> to vector<16xf32>
      %parallel_loop3A_2719 = arith.constant 0.000000e+00 : f32
      %parallel_loop3A_2720 = vector.broadcast %parallel_loop3A_2719 : f32 to vector<16xf32>
      %parallel_loop3A_2721 = arith.cmpf oge, %parallel_loop3A_2713, %parallel_loop3A_2720 : vector<16xf32>
      %parallel_loop3A_2722 = arith.mulf %parallel_loop3A_2718, %parallel_loop3A_2713 : vector<16xf32>
      %parallel_loop3A_2723 = arith.select %parallel_loop3A_2721, %parallel_loop3A_2713, %parallel_loop3A_2722 : vector<16xi1>, vector<16xf32>
      %parallel_loop3A_2724 = arith.constant 48 : i32
      %parallel_loop3A_2725 = arith.addi %parallel_loop3A_2645, %parallel_loop3A_2724 : i32
      %parallel_loop3A_2726 = arith.index_cast %parallel_loop3A_2725 : i32 to index
      %parallel_loop3A_2727 = tpu.vector_load %arg10[%parallel_loop3A_2726] {strides = array<i32>} : memref<65536xf32, #tpu.memory_space<vmem>>, vector<16xf32>,
      %parallel_loop3A_2728 = vector.shape_cast %parallel_loop3A_2727 : vector<16xf32> to vector<16xf32>
      %parallel_loop3A_2729 = vector.shape_cast %parallel_loop3A_2723 : vector<16xf32> to vector<16xf32>
      tpu.vector_store %arg10[%parallel_loop3A_2726], %parallel_loop3A_2729 {strides = array<i32>} : memref<65536xf32, #tpu.memory_space<vmem>>, vector<16xf32>,
      %parallel_loop3A_2730 = arith.constant 64 : i32
      %parallel_loop3A_2731 = arith.addi %parallel_loop3A_2645, %parallel_loop3A_2730 : i32
      %parallel_loop3A_2732 = arith.index_cast %parallel_loop3A_2731 : i32 to index
      %parallel_loop3A_2733 = tpu.vector_load %arg10[%parallel_loop3A_2732] {strides = array<i32>} : memref<65536xf32, #tpu.memory_space<vmem>>, vector<16xf32>,
      %parallel_loop3A_2734 = vector.shape_cast %parallel_loop3A_2733 : vector<16xf32> to vector<16xf32>
      %parallel_loop3A_2735 = arith.constant 64 : i32
      %parallel_loop3A_2736 = arith.addi %parallel_loop3A_93, %parallel_loop3A_2735 : i32
      %parallel_loop3A_2737 = arith.index_cast %parallel_loop3A_2736 : i32 to index
      %parallel_loop3A_2738 = tpu.vector_load %arg8[%parallel_loop3A_2737] {strides = array<i32>} : memref<8192xf32, #tpu.memory_space<vmem>>, vector<16xf32>,
      %parallel_loop3A_2739 = vector.shape_cast %parallel_loop3A_2738 : vector<16xf32> to vector<16xf32>
      %parallel_loop3A_2740 = arith.constant 0.000000e+00 : f32
      %parallel_loop3A_2741 = vector.broadcast %parallel_loop3A_2740 : f32 to vector<16xf32>
      %parallel_loop3A_2742 = arith.cmpf oge, %parallel_loop3A_2734, %parallel_loop3A_2741 : vector<16xf32>
      %parallel_loop3A_2743 = arith.mulf %parallel_loop3A_2739, %parallel_loop3A_2734 : vector<16xf32>
      %parallel_loop3A_2744 = arith.select %parallel_loop3A_2742, %parallel_loop3A_2734, %parallel_loop3A_2743 : vector<16xi1>, vector<16xf32>
      %parallel_loop3A_2745 = arith.constant 64 : i32
      %parallel_loop3A_2746 = arith.addi %parallel_loop3A_2645, %parallel_loop3A_2745 : i32
      %parallel_loop3A_2747 = arith.index_cast %parallel_loop3A_2746 : i32 to index
      %parallel_loop3A_2748 = tpu.vector_load %arg10[%parallel_loop3A_2747] {strides = array<i32>} : memref<65536xf32, #tpu.memory_space<vmem>>, vector<16xf32>,
      %parallel_loop3A_2749 = vector.shape_cast %parallel_loop3A_2748 : vector<16xf32> to vector<16xf32>
      %parallel_loop3A_2750 = vector.shape_cast %parallel_loop3A_2744 : vector<16xf32> to vector<16xf32>
      tpu.vector_store %arg10[%parallel_loop3A_2747], %parallel_loop3A_2750 {strides = array<i32>} : memref<65536xf32, #tpu.memory_space<vmem>>, vector<16xf32>,
      %parallel_loop3A_2751 = arith.constant 80 : i32
      %parallel_loop3A_2752 = arith.addi %parallel_loop3A_2645, %parallel_loop3A_2751 : i32
      %parallel_loop3A_2753 = arith.index_cast %parallel_loop3A_2752 : i32 to index
      %parallel_loop3A_2754 = tpu.vector_load %arg10[%parallel_loop3A_2753] {strides = array<i32>} : memref<65536xf32, #tpu.memory_space<vmem>>, vector<16xf32>,
      %parallel_loop3A_2755 = vector.shape_cast %parallel_loop3A_2754 : vector<16xf32> to vector<16xf32>
      %parallel_loop3A_2756 = arith.constant 80 : i32
      %parallel_loop3A_2757 = arith.addi %parallel_loop3A_93, %parallel_loop3A_2756 : i32
      %parallel_loop3A_2758 = arith.index_cast %parallel_loop3A_2757 : i32 to index
      %parallel_loop3A_2759 = tpu.vector_load %arg8[%parallel_loop3A_2758] {strides = array<i32>} : memref<8192xf32, #tpu.memory_space<vmem>>, vector<16xf32>,
      %parallel_loop3A_2760 = vector.shape_cast %parallel_loop3A_2759 : vector<16xf32> to vector<16xf32>
      %parallel_loop3A_2761 = arith.constant 0.000000e+00 : f32
      %parallel_loop3A_2762 = vector.broadcast %parallel_loop3A_2761 : f32 to vector<16xf32>
      %parallel_loop3A_2763 = arith.cmpf oge, %parallel_loop3A_2755, %parallel_loop3A_2762 : vector<16xf32>
      %parallel_loop3A_2764 = arith.mulf %parallel_loop3A_2760, %parallel_loop3A_2755 : vector<16xf32>
      %parallel_loop3A_2765 = arith.select %parallel_loop3A_2763, %parallel_loop3A_2755, %parallel_loop3A_2764 : vector<16xi1>, vector<16xf32>
      %parallel_loop3A_2766 = arith.constant 80 : i32
      %parallel_loop3A_2767 = arith.addi %parallel_loop3A_2645, %parallel_loop3A_2766 : i32
      %parallel_loop3A_2768 = arith.index_cast %parallel_loop3A_2767 : i32 to index
      %parallel_loop3A_2769 = tpu.vector_load %arg10[%parallel_loop3A_2768] {strides = array<i32>} : memref<65536xf32, #tpu.memory_space<vmem>>, vector<16xf32>,
      %parallel_loop3A_2770 = vector.shape_cast %parallel_loop3A_2769 : vector<16xf32> to vector<16xf32>
      %parallel_loop3A_2771 = vector.shape_cast %parallel_loop3A_2765 : vector<16xf32> to vector<16xf32>
      tpu.vector_store %arg10[%parallel_loop3A_2768], %parallel_loop3A_2771 {strides = array<i32>} : memref<65536xf32, #tpu.memory_space<vmem>>, vector<16xf32>,
      %parallel_loop3A_2772 = arith.constant 96 : i32
      %parallel_loop3A_2773 = arith.addi %parallel_loop3A_2645, %parallel_loop3A_2772 : i32
      %parallel_loop3A_2774 = arith.index_cast %parallel_loop3A_2773 : i32 to index
      %parallel_loop3A_2775 = tpu.vector_load %arg10[%parallel_loop3A_2774] {strides = array<i32>} : memref<65536xf32, #tpu.memory_space<vmem>>, vector<16xf32>,
      %parallel_loop3A_2776 = vector.shape_cast %parallel_loop3A_2775 : vector<16xf32> to vector<16xf32>
      %parallel_loop3A_2777 = arith.constant 96 : i32
      %parallel_loop3A_2778 = arith.addi %parallel_loop3A_93, %parallel_loop3A_2777 : i32
      %parallel_loop3A_2779 = arith.index_cast %parallel_loop3A_2778 : i32 to index
      %parallel_loop3A_2780 = tpu.vector_load %arg8[%parallel_loop3A_2779] {strides = array<i32>} : memref<8192xf32, #tpu.memory_space<vmem>>, vector<16xf32>,
      %parallel_loop3A_2781 = vector.shape_cast %parallel_loop3A_2780 : vector<16xf32> to vector<16xf32>
      %parallel_loop3A_2782 = arith.constant 0.000000e+00 : f32
      %parallel_loop3A_2783 = vector.broadcast %parallel_loop3A_2782 : f32 to vector<16xf32>
      %parallel_loop3A_2784 = arith.cmpf oge, %parallel_loop3A_2776, %parallel_loop3A_2783 : vector<16xf32>
      %parallel_loop3A_2785 = arith.mulf %parallel_loop3A_2781, %parallel_loop3A_2776 : vector<16xf32>
      %parallel_loop3A_2786 = arith.select %parallel_loop3A_2784, %parallel_loop3A_2776, %parallel_loop3A_2785 : vector<16xi1>, vector<16xf32>
      %parallel_loop3A_2787 = arith.constant 96 : i32
      %parallel_loop3A_2788 = arith.addi %parallel_loop3A_2645, %parallel_loop3A_2787 : i32
      %parallel_loop3A_2789 = arith.index_cast %parallel_loop3A_2788 : i32 to index
      %parallel_loop3A_2790 = tpu.vector_load %arg10[%parallel_loop3A_2789] {strides = array<i32>} : memref<65536xf32, #tpu.memory_space<vmem>>, vector<16xf32>,
      %parallel_loop3A_2791 = vector.shape_cast %parallel_loop3A_2790 : vector<16xf32> to vector<16xf32>
      %parallel_loop3A_2792 = vector.shape_cast %parallel_loop3A_2786 : vector<16xf32> to vector<16xf32>
      tpu.vector_store %arg10[%parallel_loop3A_2789], %parallel_loop3A_2792 {strides = array<i32>} : memref<65536xf32, #tpu.memory_space<vmem>>, vector<16xf32>,
      %parallel_loop3A_2793 = arith.constant 112 : i32
      %parallel_loop3A_2794 = arith.addi %parallel_loop3A_2645, %parallel_loop3A_2793 : i32
      %parallel_loop3A_2795 = arith.index_cast %parallel_loop3A_2794 : i32 to index
      %parallel_loop3A_2796 = tpu.vector_load %arg10[%parallel_loop3A_2795] {strides = array<i32>} : memref<65536xf32, #tpu.memory_space<vmem>>, vector<16xf32>,
      %parallel_loop3A_2797 = vector.shape_cast %parallel_loop3A_2796 : vector<16xf32> to vector<16xf32>
      %parallel_loop3A_2798 = arith.constant 112 : i32
      %parallel_loop3A_2799 = arith.addi %parallel_loop3A_93, %parallel_loop3A_2798 : i32
      %parallel_loop3A_2800 = arith.index_cast %parallel_loop3A_2799 : i32 to index
      %parallel_loop3A_2801 = tpu.vector_load %arg8[%parallel_loop3A_2800] {strides = array<i32>} : memref<8192xf32, #tpu.memory_space<vmem>>, vector<16xf32>,
      %parallel_loop3A_2802 = vector.shape_cast %parallel_loop3A_2801 : vector<16xf32> to vector<16xf32>
      %parallel_loop3A_2803 = arith.constant 0.000000e+00 : f32
      %parallel_loop3A_2804 = vector.broadcast %parallel_loop3A_2803 : f32 to vector<16xf32>
      %parallel_loop3A_2805 = arith.cmpf oge, %parallel_loop3A_2797, %parallel_loop3A_2804 : vector<16xf32>
      %parallel_loop3A_2806 = arith.mulf %parallel_loop3A_2802, %parallel_loop3A_2797 : vector<16xf32>
      %parallel_loop3A_2807 = arith.select %parallel_loop3A_2805, %parallel_loop3A_2797, %parallel_loop3A_2806 : vector<16xi1>, vector<16xf32>
      %parallel_loop3A_2808 = arith.constant 112 : i32
      %parallel_loop3A_2809 = arith.addi %parallel_loop3A_2645, %parallel_loop3A_2808 : i32
      %parallel_loop3A_2810 = arith.index_cast %parallel_loop3A_2809 : i32 to index
      %parallel_loop3A_2811 = tpu.vector_load %arg10[%parallel_loop3A_2810] {strides = array<i32>} : memref<65536xf32, #tpu.memory_space<vmem>>, vector<16xf32>,
      %parallel_loop3A_2812 = vector.shape_cast %parallel_loop3A_2811 : vector<16xf32> to vector<16xf32>
      %parallel_loop3A_2813 = vector.shape_cast %parallel_loop3A_2807 : vector<16xf32> to vector<16xf32>
      tpu.vector_store %arg10[%parallel_loop3A_2810], %parallel_loop3A_2813 {strides = array<i32>} : memref<65536xf32, #tpu.memory_space<vmem>>, vector<16xf32>,
    } {sc.loop_unroll_factor = 1 : i64, sc.parallel_access}
    %mul3A_43 = arith.constant 128 : i32
    %mul3A_44 = arith.muli %mul3A_2, %mul3A_43 : i32
    %dma_start3A_45 = tpu.memref_slice %arg6[%mul3A_44] : memref<2097152xf32, #tpu.memory_space<hbm>> -> memref<65536xf32, #tpu.memory_space<hbm>>
    %dma_start3A_46 = tpu.memref_slice %arg6[%mul3A_44] : memref<2097152xf32, #tpu.memory_space<hbm>> -> memref<65536xf32, #tpu.memory_space<hbm>>
    tpu.enqueue_dma source(%arg10 : memref<65536xf32, #tpu.memory_space<vmem>>) target(%dma_start3A_46 : memref<65536xf32, #tpu.memory_space<hbm>>) target_semaphore(%arg13 : memref<!tpu.dma_semaphore, #tpu.memory_space<semaphore_mem>>)
    %dma_wait3A_47 = tpu.memref_slice %arg6[%mul3A_44] : memref<2097152xf32, #tpu.memory_space<hbm>> -> memref<65536xf32, #tpu.memory_space<hbm>>
    %dma_wait3A_48 = tpu.memref_slice %arg6[%mul3A_44] : memref<2097152xf32, #tpu.memory_space<hbm>> -> memref<65536xf32, #tpu.memory_space<hbm>>
    tpu.wait_dma2 semaphore(%arg13 : memref<!tpu.dma_semaphore, #tpu.memory_space<semaphore_mem>>) src(%arg10 : memref<65536xf32, #tpu.memory_space<vmem>>) dst(%dma_wait3A_48 : memref<65536xf32, #tpu.memory_space<hbm>>)
    return
  }
}

</mosaic_0001>

<sc_bundles>
// kernel: _run.3.cloned.1.call-start
scs
__scs_entry_jumppad:
0x0: {  	(pc) =	sbr.rel $0x88, $3  }
0x1: {  	(tag) =	ssettag $0x0;
	lr =	simm.s32 $0x1  }
0x2: {  	[smem:$0x3F9D] =	sst lr;
	_ =	strace $0xD0000000  }
0x3: {  	_ = 	snop  }
0x4: {  	_ = 	snop  }
0x5: {  	_ = 	snop  }
0x6: {  	_ = 	snop  }
0x7: {  	_ = 	snop  }
__scs_overlays_trampoline_lowered:
0x8: {  	[smem:$0x3FAC] =	sst s0  }
0x9: {  	[smem:$0x3FAD] =	sst s1  }
0xa: {  	[smem:$0x3FAE] =	sst s2  }
0xb: {  	[smem:$0x3FAF] =	sst s3  }
0xc: {  	[smem:$0x3FB0] =	sst s4  }
0xd: {  	[smem:$0x3FB1] =	sst s5  }
0xe: {  	[smem:$0x3FB2] =	sst s6  }
0xf: {  	[smem:$0x3FB3] =	sst s7  }
0x10: {  	[smem:$0x3FB4] =	sst s8  }
0x11: {  	[smem:$0x3FB5] =	sst s9;
	s0 =	simm.s32 @!p0 $0x0  }
0x12: {  	s1 =	sld [smem:$0x3F9B];
	s0 =	simm.s32 @p0 $0x1  }
0x13: {  	[smem:$0x3FB6] =	sst s0;
	s0 =	simm.s32 @!p1 $0x0  }
0x14: {  	s2 =	sld [smem:$0x3F9A];
	s0 =	simm.s32 @p1 $0x1  }
0x15: {  	[smem:$0x3FB7] =	sst s0;
	s0 =	simm.s32 @!p2 $0x0  }
0x16: {  	s3 =	sld [smem:$0x3FDB];
	s0 =	simm.s32 @p2 $0x1  }
0x17: {  	s4 =	simm.s32 $0x1BF5;
	[smem:$0x3FB9] =	sst s0  }
0x18: {  	s0 =	sld [smem:$0x3F9C];
	_ =	swait.ge [sflag:s4], $0x0  }
0x19: {  	s7 =	sld [smem:$0x3F9D]  }
0x1a: {  	s8 =	sadd.s32 $0xFFFFE003, lr  }
0x1b: {  	s9 =	sadd.s32 $0xFFFFFEF7, lr;
	s5 =	simm.s32 $0xFFFFFFFF;
	p2 =	slt.u32 s8, $0xFFFFF086  }
0x1c: {  	p1 =	slt.u32 s9, $0xF7A;
	s5 =	simm.s32 @!p2 $0x0  }
0x1d: {  	s5 =	simm.s32 @p1 $0x1;
	p0 =	seq.s32 s7, s2  }
0x1e: {  	s7 =	smul.u32 @!p0 $0xF7A, s2;
	p2 =	seq.s32 @!p0 s5, $0x0  }
0x1f: {  	s9 =	smul.u32 $0xF7A, s1;
	s8 =	simm.s32 @!p0 $0x1BF5;
	p2 =	por !p2, p0  }
0x20: {  	[sflag:s8] =	ssyncset.s32 @!p0 $0xFFFFF086;
	s6 =	sadd.s32 @!p0 s3, s7;
	s7 =	simm.s32 @!p0 $0x108  }
0x21: {  	s3 =	sadd.s32 s3, s9;
	s6 =	sadd.s32 @!p0 $0x88, s6;
	s7 =	simm.s32 @p2 $0x1082  }
0x22: {  	[simem:s7], [sflag:s8] =	dma.local @!p0 [hbm:s6], $0xF7A  }
0x23: {  	s9 =	sor.u32 $0xD0000000, s2;
	s6 =	simm.s32 $0x108;
	_ =	swait.ge @!p0 [sflag:s8], $0x0  }
0x24: {  	s3 =	sadd.s32 $0x88, s3;
	s6 =	simm.s32 @!p1 $0x1082;
	[sflag:s4] =	ssyncset.s32 $0xFFFFF086  }
0x25: {  	[simem:s6], [sflag:s4] =	dma.local [hbm:s3], $0xF7A  }
0x26: {  	[smem:$0x3F9D] =	sst s1;
	(tag) =	ssettag s2;
	_ =	strace s9  }
0x27: {  	s1 =	sld [smem:$0x3FAD]  }
0x28: {  	s2 =	sld [smem:$0x3FAE]  }
0x29: {  	s4 =	sld [smem:$0x3FB0]  }
0x2a: {  	p0 =	seq.s32 s5, $0x0;
	s5 =	sld [smem:$0x3FB1]  }
0x2b: {  	s6 =	sld [smem:$0x3FB2]  }
0x2c: {  	s7 =	sld [smem:$0x3FB3]  }
0x2d: {  	s3 =	simm.s32 $0x108;
	s8 =	sld [smem:$0x3FB4]  }
0x2e: {  	s3 =	simm.s32 @!p0 $0x1082;
	s9 =	sld [smem:$0x3FB5]  }
0x2f: {  	lr =	sadd.s32 s0, s3;
	s0 =	sld [smem:$0x3FAC]  }
0x30: {  	s3 =	sld [smem:$0x3FAF]  }
0x31: {  	[smem:$0x3FB8] =	sst s10  }
0x32: {  	s10 =	sld [smem:$0x3FB6];
	_ =	sdelay $0x3  }
0x33: {  	p0 =	seq.s32 s10, $0x1;
	s10 =	sld [smem:$0x3FB8];
	_ =	sdelay $0x3  }
0x34: {  	[smem:$0x3FB8] =	sst s10  }
0x35: {  	s10 =	sld [smem:$0x3FB7];
	_ =	sdelay $0x3  }
0x36: {  	p1 =	seq.s32 s10, $0x1;
	s10 =	sld [smem:$0x3FB8];
	_ =	sdelay $0x3  }
0x37: {  	[smem:$0x3FB8] =	sst s10  }
0x38: {  	s10 =	sld [smem:$0x3FB9]  }
0x39: {  	_ = 	snop;
	(pc) =	sbr.ind lr, $3  }
0x3a: {  	_ = 	snop  }
0x3b: {  	_ = 	snop  }
0x3c: {  	p2 =	seq.s32 s10, $0x1;
	s10 =	sld [smem:$0x3FB8]  }
0x3d: {  	_ =	shalt  }
0x3e: {  	_ =	shalt  }
0x3f: {  	_ =	shalt  }
0x40: {  	_ =	shalt  }
0x41: {  	_ =	shalt  }
0x42: {  	_ =	shalt  }
0x43: {  	_ =	shalt  }
0x44: {  	_ =	shalt  }
0x45: {  	_ =	shalt  }
0x46: {  	_ =	shalt  }
0x47: {  	_ =	shalt  }
0x48: {  	_ =	shalt  }
0x49: {  	_ =	shalt  }
0x4a: {  	_ =	shalt  }
0x4b: {  	_ =	shalt  }
0x4c: {  	_ =	shalt  }
0x4d: {  	_ =	shalt  }
0x4e: {  	_ =	shalt  }
0x4f: {  	_ =	shalt  }
0x50: {  	_ =	shalt  }
0x51: {  	_ =	shalt  }
0x52: {  	_ =	shalt  }
0x53: {  	_ =	shalt  }
0x54: {  	_ =	shalt  }
0x55: {  	_ =	shalt  }
0x56: {  	_ =	shalt  }
0x57: {  	_ =	shalt  }
0x58: {  	_ =	shalt  }
0x59: {  	_ =	shalt  }
0x5a: {  	_ =	shalt  }
0x5b: {  	_ =	shalt  }
0x5c: {  	_ =	shalt  }
0x5d: {  	_ =	shalt  }
0x5e: {  	_ =	shalt  }
0x5f: {  	_ =	shalt  }
0x60: {  	_ =	shalt  }
0x61: {  	_ =	shalt  }
0x62: {  	_ =	shalt  }
0x63: {  	_ =	shalt  }
0x64: {  	_ =	shalt  }
0x65: {  	_ =	shalt  }
0x66: {  	_ =	shalt  }
0x67: {  	_ =	shalt  }
0x68: {  	_ =	shalt  }
0x69: {  	_ =	shalt  }
0x6a: {  	_ =	shalt  }
0x6b: {  	_ =	shalt  }
0x6c: {  	_ =	shalt  }
0x6d: {  	_ =	shalt  }
0x6e: {  	_ =	shalt  }
0x6f: {  	_ =	shalt  }
0x70: {  	_ =	shalt  }
0x71: {  	_ =	shalt  }
0x72: {  	_ =	shalt  }
0x73: {  	_ =	shalt  }
0x74: {  	_ =	shalt  }
0x75: {  	_ =	shalt  }
0x76: {  	_ =	shalt  }
0x77: {  	_ =	shalt  }
0x78: {  	_ =	shalt  }
0x79: {  	_ =	shalt  }
0x7a: {  	_ =	shalt  }
0x7b: {  	_ =	shalt  }
0x7c: {  	_ =	shalt  }
0x7d: {  	_ =	shalt  }
0x7e: {  	_ =	shalt  }
0x7f: {  	_ =	shalt  }
0x80: {  	_ =	shalt  }
0x81: {  	_ =	shalt  }
0x82: {  	_ =	shalt  }
0x83: {  	_ =	shalt  }
0x84: {  	_ =	shalt  }
0x85: {  	_ =	shalt  }
0x86: {  	_ =	shalt  }
0x87: {  	_ =	shalt  }
.Lfunc_end0:
.L_simem_size_0:
called_computation_lowered:
.L_overlay_start_0:
0x88: {  	s2 =	sld [smem:$0x3FD9]  }
0x89: {  	s3 =	sld [smem:$0x3FFE];
	_ =	sdelay $0x1  }
0x8a: {  	s1 =	srdreg.scid  }
0x8b: {  	s0 =	sand.u32 $0x1, s1  }
0x8c: {  	s17 =	sshll.u32 s0, $0xA;
	s2 =	sadd.s32 s3, s2  }
0x8d: {  	s2 =	sadd.s32 s2, s17  }
0x8e: {  	[smem:$0x3FC4] =	sst s2  }
0x8f: {  	_ = 	snop  }
0x90: {  	s2 =	sld [smem:$0x3FC9]  }
0x91: {  	s18 =	sld [smem:$0x3FC7]  }
0x92: {  	s4 =	sld [smem:$0x3FC6]  }
0x93: {  	s5 =	sld [smem:$0x3FD0];
	(tm) =	ssettm $0x1  }
0x94: {  	s6 =	sld [smem:$0x3FFB];
	_ =	sdelay $0x3  }
0x95: {  	_ =	strace s6  }
0x96: {  	s6 =	sld [smem:$0x3FFC];
	_ =	sdelay $0x3  }
0x97: {  	_ =	strace s6  }
0x98: {  	s6 =	sld [smem:$0x3FFD];
	_ =	sdelay $0x3  }
0x99: {  	_ =	strace s6  }
0x9a: {  	_ =	strace $0x8FFFFFFF  }
0x9b: {  	s19 =	sld [smem:$0x3FDB];
	_ =	sdelay $0x1  }
0x9c: {  	s7 =	simm.s32 $_scs_section_size  }
0x9d: {  	s8 =	simm.s32 $_size__tile_overlayer_lowered;
	s9 =	simm.s32 $_tile_overlayer_lowered  }
0x9e: {  	s22 =	simm.s32 $0x1BFF;
	s21 =	sshll.u32 s9, $0x1;
	s6 =	sadd.s32 s7, s19  }
0x9f: {  	s10 =	simm.s32 $0x0;
	s20 =	sshll.u32 s8, $0x1;
	s8 =	sadd.s32 s21, s6  }
0xa0: {  	[timem:s10], [sflag:s22] =	dma.local [hbm:s8], s20  }
0xa1: {  	_ =	swait.ge [sflag:s22], s20  }
0xa2: {  	s7 =	ssub.s32 $0x0, s20;
	[sflag:s22] =	ssyncset.done $0x0  }
0xa3: {  	[sflag:s22] =	ssyncadd.s32 s7;
	_ =	sdelay $0x1  }
0xa4: {  	s23 =	simm.s32 $0x1B8B  }
0xa5: {  	_ =	swait.ge [sflag:s23], $0x1  }
0xa6: {  	[sflag:s23] =	ssyncset.done $0x0  }
0xa7: {  	s25 =	simm.s32 $0x1B8E;
	s24 =	sld [smem:$0x3FFE];
	[sflag:s23] =	ssyncadd.s32 $0xFFFFFFFF  }
0xa8: {  	s26 =	simm.s32 $execute0_lowered;
	[smem:$0x3FD2] =	sst s25  }
0xa9: {  	s8 =	sshll.u32 s26, $0x1;
	_ =	strace $0x80000046;
	[dreg:$0x1] =	wrdreg $0xFFFFFFFF  }
0xaa: {  	s28 =	simm.s32 $_size_execute0_lowered;
	s6 =	sadd.s32 s6, s8;
	[dreg:$0x0] =	wrdreg $0x0  }
0xab: {  	s8 =	sshll.u32 s28, $0x1;
	[dreg:$0x2] =	wrdreg s6  }
0xac: {  	[dreg:$0x3] =	wrdreg s8  }
0xad: {  	[dreg:$0x4] =	wrdreg $0xC0  }
0xae: {  	_ =	task [dreg:s10], $0x5FFFF  }
0xaf: {  	[dreg:$0x1] =	wrdreg $0xFFFFFFFF  }
0xb0: {  	[dreg:$0x0] =	wrdreg $0x60  }
0xb1: {  	[dreg:$0x2] =	wrdreg s2  }
0xb2: {  	[dreg:$0x3] =	wrdreg s24  }
0xb3: {  	[dreg:$0x4] =	wrdreg s18  }
0xb4: {  	[dreg:$0x5] =	wrdreg s4  }
0xb5: {  	[dreg:$0x6] =	wrdreg s5  }
0xb6: {  	[dreg:$0x7] =	wrdreg $0x9  }
0xb7: {  	_ =	task.clear_ibuf [dreg:s10], $0x8FFFF;
	_ =	strace $0x90000046  }
0xb8: {  	s29 =	simm.s32 $0x9;
	_ =	strace $0x80000048  }
0xb9: {  	_ =	swait.ge [sflag:s29], $0x1  }
0xba: {  	[sflag:s29] =	ssyncadd.s32 $0xFFFFFFFF  }
0xbb: {  	_ =	strace $0x90000048  }
0xbc: {  	_ =	sfence  }
0xbd: {  	s30 =	sld [smem:$0x0];
	_ =	sdelay $0x2  }
0xbe: {  	s31 =	sshll.u32 s1, $0xD;
	s1 =	sshrl.u32 s1, $0x2  }
0xbf: {  	s3 =	sand.u32 $0x4000, s31;
	s1 =	sadd.s32 s1, s30  }
0xc0: {  	s0 =	sor.u32 s3, s0;
	s1 =	sshll.u32 s1, $0x11  }
0xc1: {  	s0 =	sor.u32 s1, s0  }
0xc2: {  	s0 =	sadd.s32 $0x8F2B, s0  }
0xc3: {  	[sflag:s0] =	ssyncadd.remote.s32 $0x1  }
0xc4: {  	_ =	sfence.sel $0xFFFF  }
0xc5: {  	[dreg:$0x0] =	wrdreg $0xFFFFFFFF;
	(pc) =	sbr.abs _section_cstart, $3  }
0xc6: {  	[dreg:$0x1] =	wrdreg $0xFFFFFFFF  }
0xc7: {  	_ =	task.clear_ibuf [dreg:s10], $0x2FFFF;
	_ =	strace $0x9FFFFFFF  }
0xc8: {  	(tm) =	ssettm $0x7FFFFFFF  }
0xc9: {  	_ =	shalt  }
tec
execute0_lowered:
.L_overlay_start_1:
0x0: {  	(tag) =	ssettag $0x1  }
0x1: {  	s5 =	rddreg [dreg:$0x0]  }
0x2: {  	s6 =	rddreg [dreg:$0x1]  }
0x3: {  	s1 =	rddreg [dreg:$0x2]  }
0x4: {  	s2 =	rddreg [dreg:$0x3]  }
0x5: {  	s7 =	rddreg [dreg:$0x4]  }
0x6: {  	s0 =	rddreg [dreg:$0x5];
	s4 =	simm.s32 $0x0  }
0x7: {  	s3 =	stileid.u32;
	s8 =	srdreg.scid;
	s12 =	simm.s32 $0x200  }
0x8: {  	s13 =	simm.s32 $0x2200;
	s14 =	simm.s32 $0x1;
	s15 =	simm.s32 $0x2  }
0x9: {  	s16 =	simm.s32 $0x3;
	s17 =	simm.s32 $0x0;
	[smem:$0x7FF] =	sst s4  }
0xa: {  	s9 =	sshll.u32 s3, $0x7;
	s8 =	sand.u32 $0x1, s8;
	s10 =	sshll.u32 s3, $0x1  }
0xb: {  	_ =	strace $0x80000047;
	s9 =	sand.u32 $0x600, s9;
	s10 =	sor.u32 s8, s10  }
0xc: {  	s8 =	ssub.s32 $0x2, s8;
	s6 =	sadd.s32 s9, s6;
	s31 =	sshll.u32 s10, $0x4  }
0xd: {  	s11 =	sshrl.u32 s8, $0x1;
	s10 =	sshll.u32 s10, $0xD;
	s9 =	sand.u32 $0x70, s31  }
0xe: {  	s8 =	ssub.s32 s8, s11;
	s5 =	sadd.s32 s5, s10;
	s7 =	sadd.s32 s7, s10  }
0xf: {  	s10 =	simm.s32 $0x80;
	s11 =	simm.s32 $0x400;
	s6 =	sadd.s32 s9, s6  }
0x10: {  	s8 =	smax.u32 s8, $0x1;
	s9 =	simm.s32 $0x2280;
	s6 =	sadd.s32 $0x400, s6  }
.LBB2_1:
0x11: {  	[tilespmem:s9], [sflag:$0x2] =	stream.linear.gather [hbm4b:s5+s4], $0x10000, $0x38;
	[tilespmem:$0x12280] =	vst v63  }
0x12: {  	_ = 	snop  }
0x13: {  	[tilespmem:s4], [sflag:$0x1] =	stream.strided.gather [hbm4b:s6+s10], $0x200, s11, s10, $0x38;
	[tilespmem:$0x12280] =	vst v63  }
0x14: {  	_ = 	snop  }
0x15: {  	[tilespmem:s12], [sflag:$0x1] =	stream.linear.gather [hbm4b:s1+s4], $0x2000, $0x38;
	[tilespmem:$0x12280] =	vst v63  }
0x16: {  	_ = 	snop  }
0x17: {  	[tilespmem:s13], [sflag:$0x1] =	stream.linear.gather [hbm4b:s2+s4], $0x80, $0x38;
	[tilespmem:$0x12280] =	vst v63  }
0x18: {  	_ =	swait.ge [sflag:s14], $0x2000  }
0x19: {  	[sflag:s14] =	ssyncset.done $0x0  }
0x1a: {  	[sflag:s14] =	ssyncadd.s32 $0xFFFFE000  }
0x1b: {  	_ =	swait.ge [sflag:s14], $0x80  }
0x1c: {  	[sflag:s14] =	ssyncset.done $0x0  }
0x1d: {  	[sflag:s14] =	ssyncadd.s32 $0xFFFFFF80  }
0x1e: {  	v0 =	vld [tilespmem:$0x2200]  }
0x1f: {  	v5 =	vld [tilespmem:$0x2210]  }
0x20: {  	v6 =	vld [tilespmem:$0x2220]  }
0x21: {  	v4 =	vld [tilespmem:$0x2230]  }
0x22: {  	v3 =	vld [tilespmem:$0x2240]  }
0x23: {  	v2 =	vld [tilespmem:$0x2250]  }
0x24: {  	v1 =	vld [tilespmem:$0x2260]  }
0x25: {  	s18 =	simm.s32 $0x300;
	v7 =	vld [tilespmem:$0x2270]  }
0x26: {  	v8 =	vld [tilespmem:s18+$0xF0]  }
0x27: {  	v9 =	vld [tilespmem:s18+$0xFFFFFF10]  }
0x28: {  	v10 =	vld [tilespmem:s18+$0xFFFFFF20]  }
0x29: {  	v11 =	vld [tilespmem:s18+$0xFFFFFF30]  }
0x2a: {  	v14 =	vld [tilespmem:s18+$0xFFFFFF60]  }
0x2b: {  	v12 =	vld [tilespmem:s18+$0xFFFFFF40]  }
0x2c: {  	v13 =	vld [tilespmem:s18+$0xFFFFFF50];
	v8 =	vadd.f32 v8, v7  }
0x2d: {  	v16 =	vld [tilespmem:s18+$0xFFFFFF80];
	v9 =	vadd.f32 v9, v5  }
0x2e: {  	v15 =	vld [tilespmem:s18+$0xFFFFFF70];
	v10 =	vadd.f32 v10, v6;
	[tilespmem:s18+$0xF0] =	vst v8  }
0x2f: {  	v62 =	vld [tilespmem:s18+$0xFFFFFFD0];
	v14 =	vadd.f32 v14, v1;
	[tilespmem:s18+$0xFFFFFF10] =	vst v9  }
0x30: {  	v8 =	vld [tilespmem:s18+$0xFFFFFF90];
	[tilespmem:s18+$0xFFFFFF20] =	vst v10;
	v10 =	vadd.f32 v12, v3  }
0x31: {  	v9 =	vadd.f32 v11, v4;
	[tilespmem:s18+$0xFFFFFF60] =	vst v14;
	v14 =	vld [tilespmem:s18+$0xFFFFFFF0]  }
0x32: {  	v11 =	vld [tilespmem:s18+$0xFFFFFFA0];
	[tilespmem:s18+$0xFFFFFF40] =	vst v10;
	v10 =	vadd.f32 v16, v0  }
0x33: {  	v12 =	vld [tilespmem:s18+$0xFFFFFFB0];
	[tilespmem:s18+$0xFFFFFF30] =	vst v9;
	v9 =	vadd.f32 v13, v2  }
0x34: {  	v13 =	vld [tilespmem:s18+$0xFFFFFFC0];
	[tilespmem:s18+$0xFFFFFF80] =	vst v10;
	v10 =	vadd.f32 v15, v7  }
0x35: {  	[tilespmem:s18+$0xFFFFFF50] =	vst v9;
	v9 =	vld [tilespmem:s18+$0xFFFFFFE0];
	v8 =	vadd.f32 v8, v5  }
0x36: {  	v15 =	vld [tilespmem:s18+$0x30];
	v14 =	vadd.f32 v14, v7;
	[tilespmem:s18+$0xFFFFFF70] =	vst v10  }
0x37: {  	v10 =	vadd.f32 v11, v6;
	v11 =	vld [tilespmem:s18+$0x0];
	[tilespmem:s18+$0xFFFFFF90] =	vst v8  }
0x38: {  	v8 =	vadd.f32 v12, v4;
	v12 =	vld [tilespmem:s18+$0x10];
	[tilespmem:s18+$0xFFFFFFF0] =	vst v14  }
0x39: {  	[tilespmem:s18+$0xFFFFFFA0] =	vst v10;
	v10 =	vadd.f32 v13, v3;
	v13 =	vld [tilespmem:s18+$0x20]  }
0x3a: {  	v14 =	vld [tilespmem:s18+$0x80];
	[tilespmem:s18+$0xFFFFFFB0] =	vst v8;
	v8 =	vadd.f32 v62, v2  }
0x3b: {  	v9 =	vadd.f32 v9, v1;
	[tilespmem:s18+$0xFFFFFFC0] =	vst v10;
	v10 =	vld [tilespmem:s18+$0x40]  }
0x3c: {  	[tilespmem:s18+$0xFFFFFFD0] =	vst v8;
	v8 =	vadd.f32 v11, v0  }
0x3d: {  	v11 =	vld [tilespmem:s18+$0x50];
	[tilespmem:s18+$0xFFFFFFE0] =	vst v9;
	v12 =	vadd.f32 v12, v5  }
0x3e: {  	v9 =	vld [tilespmem:s18+$0x60];
	[tilespmem:s18+$0x0] =	vst v8;
	v8 =	vadd.f32 v13, v6  }
0x3f: {  	v14 =	vadd.f32 v14, v0;
	v13 =	vld [tilespmem:s18+$0x70];
	[tilespmem:s18+$0x10] =	vst v12  }
0x40: {  	v12 =	vadd.f32 v15, v4;
	v15 =	vld [tilespmem:s18+$0x90];
	[tilespmem:s18+$0x20] =	vst v8;
	v8 =	vadd.f32 v10, v3  }
0x41: {  	v63 =	vld [tilespmem:s18+$0xA0];
	[tilespmem:s18+$0x80] =	vst v14  }
0x42: {  	v10 =	vadd.f32 v11, v2;
	[tilespmem:s18+$0x40] =	vst v8;
	v8 =	vld [tilespmem:s18+$0xB0]  }
0x43: {  	[tilespmem:s18+$0x30] =	vst v12;
	v11 =	vadd.f32 v9, v1;
	v9 =	vld [tilespmem:s18+$0xC0]  }
0x44: {  	[tilespmem:s18+$0x50] =	vst v10;
	v12 =	vadd.f32 v13, v7;
	v10 =	vld [tilespmem:s18+$0xD0]  }
0x45: {  	[tilespmem:s18+$0x60] =	vst v11;
	v11 =	vld [tilespmem:s18+$0xE0];
	v13 =	vadd.f32 v15, v5  }
0x46: {  	s19 =	simm.s32 $0x0;
	s20 =	simm.s32 $0x500;
	v14 =	vadd.f32 v63, v6;
	[tilespmem:s18+$0x70] =	vst v12;
	v12 =	vld [tilespmem:s18+$0xFFFFFF00]  }
.LBB2_2:
0x47: {  	v15 =	vld [tilespmem:s20+$0xF0];
	s19 =	sadd.s32 $0x4, s19;
	[tilespmem:s18+$0x90] =	vst v13;
	v8 =	vadd.f32 v8, v4  }
0x48: {  	v13 =	vld [tilespmem:s20+$0xFFFFFF10];
	p0 =	slt.u32 s19, $0x3C;
	[tilespmem:s18+$0xA0] =	vst v14;
	v9 =	vadd.f32 v9, v3  }
0x49: {  	v14 =	vld [tilespmem:s20+$0xFFFFFF20];
	[tilespmem:s18+$0xB0] =	vst v8;
	v8 =	vadd.f32 v10, v2  }
0x4a: {  	v10 =	vld [tilespmem:s20+$0xFFFFFF30];
	[tilespmem:s18+$0xC0] =	vst v9;
	v9 =	vadd.f32 v11, v1  }
0x4b: {  	v11 =	vld [tilespmem:s20+$0xFFFFFF40];
	v12 =	vadd.f32 v12, v0;
	[tilespmem:s18+$0xD0] =	vst v8  }
0x4c: {  	v8 =	vld [tilespmem:s20+$0xFFFFFF50];
	v15 =	vadd.f32 v15, v7;
	[tilespmem:s18+$0xE0] =	vst v9  }
0x4d: {  	v9 =	vadd.f32 v13, v5;
	v13 =	vld [tilespmem:s20+$0xFFFFFF60];
	[tilespmem:s18+$0xFFFFFF00] =	vst v12;
	s18 =	smov.u32 s20  }
0x4e: {  	v12 =	vadd.f32 v14, v6;
	v14 =	vld [tilespmem:s20+$0xFFFFFF70];
	[tilespmem:s20+$0xF0] =	vst v15  }
0x4f: {  	[tilespmem:s20+$0xFFFFFF10] =	vst v9;
	v9 =	vadd.f32 v10, v4;
	v10 =	vld [tilespmem:s20+$0xFFFFFF80]  }
0x50: {  	[tilespmem:s20+$0xFFFFFF20] =	vst v12;
	v11 =	vadd.f32 v11, v3;
	v12 =	vld [tilespmem:s20+$0xFFFFFF90]  }
0x51: {  	[tilespmem:s20+$0xFFFFFF30] =	vst v9;
	v8 =	vadd.f32 v8, v2;
	v9 =	vld [tilespmem:s20+$0xFFFFFFA0]  }
0x52: {  	[tilespmem:s20+$0xFFFFFF40] =	vst v11;
	v11 =	vadd.f32 v13, v1;
	v13 =	vld [tilespmem:s20+$0xFFFFFFB0]  }
0x53: {  	[tilespmem:s20+$0xFFFFFF50] =	vst v8;
	v8 =	vadd.f32 v14, v7;
	v14 =	vld [tilespmem:s20+$0xFFFFFFC0]  }
0x54: {  	[tilespmem:s20+$0xFFFFFF60] =	vst v11;
	v10 =	vadd.f32 v10, v0;
	v11 =	vld [tilespmem:s20+$0xFFFFFFD0]  }
0x55: {  	[tilespmem:s20+$0xFFFFFF70] =	vst v8;
	v8 =	vadd.f32 v12, v5;
	v12 =	vld [tilespmem:s20+$0xFFFFFFE0]  }
0x56: {  	[tilespmem:s20+$0xFFFFFF80] =	vst v10;
	v9 =	vadd.f32 v9, v6;
	v10 =	vld [tilespmem:s20+$0xFFFFFFF0]  }
0x57: {  	[tilespmem:s20+$0xFFFFFF90] =	vst v8;
	v8 =	vadd.f32 v13, v4;
	v13 =	vld [tilespmem:s20+$0x0]  }
0x58: {  	[tilespmem:s20+$0xFFFFFFA0] =	vst v9;
	v9 =	vadd.f32 v14, v3;
	v14 =	vld [tilespmem:s20+$0x10]  }
0x59: {  	[tilespmem:s20+$0xFFFFFFB0] =	vst v8;
	v8 =	vadd.f32 v11, v2;
	v11 =	vld [tilespmem:s20+$0x20]  }
0x5a: {  	[tilespmem:s20+$0xFFFFFFC0] =	vst v9;
	v9 =	vadd.f32 v12, v1;
	v12 =	vld [tilespmem:s20+$0x30]  }
0x5b: {  	[tilespmem:s20+$0xFFFFFFD0] =	vst v8;
	v8 =	vadd.f32 v10, v7;
	v10 =	vld [tilespmem:s20+$0x40]  }
0x5c: {  	[tilespmem:s20+$0xFFFFFFE0] =	vst v9;
	v9 =	vadd.f32 v13, v0;
	v13 =	vld [tilespmem:s20+$0x50]  }
0x5d: {  	[tilespmem:s20+$0xFFFFFFF0] =	vst v8;
	v8 =	vadd.f32 v14, v5;
	v14 =	vld [tilespmem:s20+$0x60]  }
0x5e: {  	[tilespmem:s20+$0x0] =	vst v9;
	v9 =	vadd.f32 v11, v6;
	v11 =	vld [tilespmem:s20+$0x70]  }
0x5f: {  	[tilespmem:s20+$0x10] =	vst v8;
	v8 =	vadd.f32 v12, v4;
	v12 =	vld [tilespmem:s20+$0x80]  }
0x60: {  	[tilespmem:s20+$0x20] =	vst v9;
	v9 =	vadd.f32 v10, v3;
	v15 =	vld [tilespmem:s20+$0x90]  }
0x61: {  	[tilespmem:s20+$0x30] =	vst v8;
	v10 =	vadd.f32 v13, v2;
	v16 =	vld [tilespmem:s20+$0xA0]  }
.Ltmp0:
0x62: {  	[tilespmem:s20+$0x40] =	vst v9;
	v13 =	vadd.f32 v14, v1;
	v8 =	vld [tilespmem:s20+$0xB0];
	(pc) =	sbr.rel @p0 .LBB2_2-.Ltmp0, $4  }
0x63: {  	[tilespmem:s20+$0x50] =	vst v10;
	v11 =	vadd.f32 v11, v7;
	v9 =	vld [tilespmem:s20+$0xC0]  }
0x64: {  	[tilespmem:s20+$0x60] =	vst v13;
	v14 =	vadd.f32 v12, v0;
	v10 =	vld [tilespmem:s20+$0xD0]  }
0x65: {  	[tilespmem:s20+$0x70] =	vst v11;
	v13 =	vadd.f32 v15, v5;
	v11 =	vld [tilespmem:s20+$0xE0]  }
0x66: {  	s20 =	sadd.s32 $0x200, s20;
	v12 =	vld [tilespmem:s18+$0xFFFFFF00];
	[tilespmem:s18+$0x80] =	vst v14;
	v14 =	vadd.f32 v16, v6  }
0x67: {  	[tilespmem:s18+$0x90] =	vst v13;
	v4 =	vadd.f32 v8, v4  }
0x68: {  	[tilespmem:s18+$0xA0] =	vst v14;
	v3 =	vadd.f32 v9, v3  }
0x69: {  	[tilespmem:s18+$0xB0] =	vst v4;
	v2 =	vadd.f32 v10, v2  }
0x6a: {  	[tilespmem:s18+$0xC0] =	vst v3;
	v1 =	vadd.f32 v11, v1  }
0x6b: {  	v0 =	vadd.f32 v12, v0;
	[tilespmem:s18+$0xD0] =	vst v2  }
0x6c: {  	[tilespmem:s18+$0xE0] =	vst v1  }
0x6d: {  	[tilespmem:s18+$0xFFFFFF00] =	vst v0  }
0x6e: {  	_ =	swait.ge [sflag:s14], $0x200  }
0x6f: {  	[sflag:s14] =	ssyncset.done $0x0  }
0x70: {  	[sflag:s14] =	ssyncadd.s32 $0xFFFFFE00  }
0x71: {  	_ =	swait.ge [sflag:s15], $0x10000  }
0x72: {  	s22 =	simm.s32 $0x0;
	[sflag:s15] =	ssyncset.done $0x0  }
0x73: {  	s18 =	sand.u32 $0x3FFFFFF0, s22;
	[sflag:s15] =	ssyncadd.s32 $0xFFFF0000  }
0x74: {  	v0 =	vld [tilespmem:s18+$0x0];
	_ =	sdelay $0x4  }
0x75: {  	v3 =	vshll.u32 v0, $0x7  }
0x76: {  	(v2sf) =	vpush v3, $0x0;
	_ =	sdelay $0xc  }
0x77: {  	s23 =	simm.s32 $0x0  }
0x78: {  	s19 =	sand.u32 $0x3FFFF800, s23  }
0x79: {  	v0 =	vld [tilespmem:s19+$0x2280];
	s24 =	spop (v2sf)  }
0x7a: {  	v1 =	vld [tilespmem:s24+$0x200];
	_ =	sdelay $0x4  }
0x7b: {  	v1 =	vmul.f32 v1, v0  }
0x7c: {  	vm0 =	vge.f32 v0, $0.0e+00  }
0x7d: {  	v0 =	vsel vm0, v0, v1  }
0x7e: {  	v2 =	vld [tilespmem:s19+$0x2290];
	[tilespmem:s19+$0x2280] =	vst v0  }
0x7f: {  	v0 =	vld [tilespmem:s24+$0x210];
	_ =	sdelay $0x4  }
0x80: {  	v0 =	vmul.f32 v0, v2  }
0x81: {  	vm8 =	vge.f32 v2, $0.0e+00  }
0x82: {  	v0 =	vsel vm8, v2, v0  }
0x83: {  	v1 =	vld [tilespmem:s19+$0x22A0];
	[tilespmem:s19+$0x2290] =	vst v0  }
0x84: {  	v0 =	vld [tilespmem:s24+$0x220];
	_ =	sdelay $0x4  }
0x85: {  	v0 =	vmul.f32 v0, v1  }
0x86: {  	vm9 =	vge.f32 v1, $0.0e+00  }
0x87: {  	v0 =	vsel vm9, v1, v0  }
0x88: {  	v2 =	vld [tilespmem:s19+$0x22B0];
	[tilespmem:s19+$0x22A0] =	vst v0  }
0x89: {  	v0 =	vld [tilespmem:s24+$0x230];
	_ =	sdelay $0x4  }
0x8a: {  	v0 =	vmul.f32 v0, v2  }
0x8b: {  	vm10 =	vge.f32 v2, $0.0e+00  }
0x8c: {  	v0 =	vsel vm10, v2, v0  }
0x8d: {  	v1 =	vld [tilespmem:s19+$0x22C0];
	[tilespmem:s19+$0x22B0] =	vst v0  }
0x8e: {  	v0 =	vld [tilespmem:s24+$0x240];
	_ =	sdelay $0x4  }
0x8f: {  	v0 =	vmul.f32 v0, v1  }
0x90: {  	vm11 =	vge.f32 v1, $0.0e+00  }
0x91: {  	v0 =	vsel vm11, v1, v0  }
0x92: {  	v2 =	vld [tilespmem:s19+$0x22D0];
	[tilespmem:s19+$0x22C0] =	vst v0  }
0x93: {  	v0 =	vld [tilespmem:s24+$0x250];
	_ =	sdelay $0x4  }
0x94: {  	v0 =	vmul.f32 v0, v2  }
0x95: {  	vm12 =	vge.f32 v2, $0.0e+00  }
0x96: {  	v0 =	vsel vm12, v2, v0  }
0x97: {  	v1 =	vld [tilespmem:s19+$0x22E0];
	[tilespmem:s19+$0x22D0] =	vst v0  }
0x98: {  	v0 =	vld [tilespmem:s24+$0x260];
	_ =	sdelay $0x1  }
0x99: {  	(v2sf) =	vpush v3, $0x1;
	_ =	sdelay $0x2  }
0x9a: {  	v0 =	vmul.f32 v0, v1  }
0x9b: {  	vm13 =	vge.f32 v1, $0.0e+00  }
0x9c: {  	v0 =	vsel vm13, v1, v0  }
0x9d: {  	v2 =	vld [tilespmem:s19+$0x22F0];
	[tilespmem:s19+$0x22E0] =	vst v0  }
0x9e: {  	v0 =	vld [tilespmem:s24+$0x270];
	_ =	sdelay $0x4  }
0x9f: {  	v0 =	vmul.f32 v0, v2  }
0xa0: {  	vm14 =	vge.f32 v2, $0.0e+00  }
0xa1: {  	v0 =	vsel vm14, v2, v0  }
0xa2: {  	s25 =	spop (v2sf);
	v1 =	vld [tilespmem:s19+$0x2300];
	[tilespmem:s19+$0x22F0] =	vst v0  }
0xa3: {  	v0 =	vld [tilespmem:s25+$0x200];
	_ =	sdelay $0x4  }
0xa4: {  	v0 =	vmul.f32 v0, v1  }
0xa5: {  	vm15 =	vge.f32 v1, $0.0e+00  }
0xa6: {  	v0 =	vsel vm15, v1, v0  }
0xa7: {  	v2 =	vld [tilespmem:s19+$0x2310];
	[tilespmem:s19+$0x2300] =	vst v0  }
0xa8: {  	v0 =	vld [tilespmem:s25+$0x210];
	_ =	sdelay $0x4  }
0xa9: {  	v0 =	vmul.f32 v0, v2  }
0xaa: {  	vm4 =	vge.f32 v2, $0.0e+00  }
0xab: {  	v0 =	vsel vm4, v2, v0  }
0xac: {  	v1 =	vld [tilespmem:s19+$0x2320];
	[tilespmem:s19+$0x2310] =	vst v0  }
0xad: {  	v0 =	vld [tilespmem:s25+$0x220];
	_ =	sdelay $0x4  }
0xae: {  	v0 =	vmul.f32 v0, v1  }
0xaf: {  	vm5 =	vge.f32 v1, $0.0e+00  }
0xb0: {  	v0 =	vsel vm5, v1, v0  }
0xb1: {  	v2 =	vld [tilespmem:s19+$0x2330];
	[tilespmem:s19+$0x2320] =	vst v0  }
0xb2: {  	v0 =	vld [tilespmem:s25+$0x230];
	_ =	sdelay $0x4  }
0xb3: {  	v0 =	vmul.f32 v0, v2  }
0xb4: {  	vm6 =	vge.f32 v2, $0.0e+00  }
0xb5: {  	v0 =	vsel vm6, v2, v0  }
0xb6: {  	v1 =	vld [tilespmem:s19+$0x2340];
	[tilespmem:s19+$0x2330] =	vst v0  }
0xb7: {  	v0 =	vld [tilespmem:s25+$0x240];
	_ =	sdelay $0x4  }
0xb8: {  	v0 =	vmul.f32 v0, v1  }
0xb9: {  	vm7 =	vge.f32 v1, $0.0e+00  }
0xba: {  	v0 =	vsel vm7, v1, v0  }
0xbb: {  	v2 =	vld [tilespmem:s19+$0x2350];
	[tilespmem:s19+$0x2340] =	vst v0  }
0xbc: {  	v0 =	vld [tilespmem:s25+$0x250];
	_ =	sdelay $0x4  }
0xbd: {  	v0 =	vmul.f32 v0, v2  }
0xbe: {  	vm8 =	vge.f32 v2, $0.0e+00  }
0xbf: {  	v0 =	vsel vm8, v2, v0  }
0xc0: {  	v1 =	vld [tilespmem:s19+$0x2360];
	[tilespmem:s19+$0x2350] =	vst v0  }
0xc1: {  	v0 =	vld [tilespmem:s25+$0x260];
	_ =	sdelay $0x1  }
0xc2: {  	(v2sf) =	vpush v3, $0x2;
	_ =	sdelay $0x2  }
0xc3: {  	v0 =	vmul.f32 v0, v1  }
0xc4: {  	vm9 =	vge.f32 v1, $0.0e+00  }
0xc5: {  	v0 =	vsel vm9, v1, v0  }
0xc6: {  	v1 =	vld [tilespmem:s19+$0x2370];
	[tilespmem:s19+$0x2360] =	vst v0  }
0xc7: {  	v0 =	vld [tilespmem:s25+$0x270];
	_ =	sdelay $0x4  }
0xc8: {  	v0 =	vmul.f32 v0, v1  }
0xc9: {  	vm10 =	vge.f32 v1, $0.0e+00  }
0xca: {  	v0 =	vsel vm10, v1, v0  }
0xcb: {  	s26 =	spop (v2sf);
	v1 =	vld [tilespmem:s19+$0x2380];
	[tilespmem:s19+$0x2370] =	vst v0  }
0xcc: {  	v0 =	vld [tilespmem:s26+$0x200];
	_ =	sdelay $0x4  }
0xcd: {  	v0 =	vmul.f32 v0, v1  }
0xce: {  	vm11 =	vge.f32 v1, $0.0e+00  }
0xcf: {  	v0 =	vsel vm11, v1, v0  }
0xd0: {  	v1 =	vld [tilespmem:s19+$0x2390];
	[tilespmem:s19+$0x2380] =	vst v0  }
0xd1: {  	v0 =	vld [tilespmem:s26+$0x210];
	_ =	sdelay $0x4  }
0xd2: {  	v0 =	vmul.f32 v0, v1  }
0xd3: {  	vm12 =	vge.f32 v1, $0.0e+00  }
0xd4: {  	v0 =	vsel vm12, v1, v0  }
0xd5: {  	v1 =	vld [tilespmem:s19+$0x23A0];
	[tilespmem:s19+$0x2390] =	vst v0  }
0xd6: {  	v0 =	vld [tilespmem:s26+$0x220];
	_ =	sdelay $0x4  }
0xd7: {  	v0 =	vmul.f32 v0, v1  }
0xd8: {  	vm13 =	vge.f32 v1, $0.0e+00  }
0xd9: {  	v0 =	vsel vm13, v1, v0  }
0xda: {  	v1 =	vld [tilespmem:s19+$0x23B0];
	[tilespmem:s19+$0x23A0] =	vst v0  }
0xdb: {  	v0 =	vld [tilespmem:s26+$0x230];
	_ =	sdelay $0x4  }
0xdc: {  	v0 =	vmul.f32 v0, v1  }
0xdd: {  	vm14 =	vge.f32 v1, $0.0e+00  }
0xde: {  	v0 =	vsel vm14, v1, v0  }
0xdf: {  	v1 =	vld [tilespmem:s19+$0x23C0];
	[tilespmem:s19+$0x23B0] =	vst v0  }
0xe0: {  	v0 =	vld [tilespmem:s26+$0x240];
	_ =	sdelay $0x4  }
0xe1: {  	v0 =	vmul.f32 v0, v1  }
0xe2: {  	vm15 =	vge.f32 v1, $0.0e+00  }
0xe3: {  	v0 =	vsel vm15, v1, v0  }
0xe4: {  	v1 =	vld [tilespmem:s19+$0x23D0];
	[tilespmem:s19+$0x23C0] =	vst v0  }
0xe5: {  	v0 =	vld [tilespmem:s26+$0x250];
	_ =	sdelay $0x4  }
0xe6: {  	v0 =	vmul.f32 v0, v1  }
0xe7: {  	vm4 =	vge.f32 v1, $0.0e+00  }
0xe8: {  	v0 =	vsel vm4, v1, v0  }
0xe9: {  	v1 =	vld [tilespmem:s19+$0x23E0];
	[tilespmem:s19+$0x23D0] =	vst v0  }
0xea: {  	v0 =	vld [tilespmem:s26+$0x260];
	_ =	sdelay $0x1  }
0xeb: {  	(v2sf) =	vpush v3, $0x3;
	_ =	sdelay $0x2  }
0xec: {  	v0 =	vmul.f32 v0, v1  }
0xed: {  	vm5 =	vge.f32 v1, $0.0e+00  }
0xee: {  	v0 =	vsel vm5, v1, v0  }
0xef: {  	v1 =	vld [tilespmem:s19+$0x23F0];
	[tilespmem:s19+$0x23E0] =	vst v0  }
0xf0: {  	v0 =	vld [tilespmem:s26+$0x270];
	_ =	sdelay $0x4  }
0xf1: {  	v0 =	vmul.f32 v0, v1  }
0xf2: {  	vm6 =	vge.f32 v1, $0.0e+00  }
0xf3: {  	v0 =	vsel vm6, v1, v0  }
0xf4: {  	s20 =	spop (v2sf);
	v1 =	vld [tilespmem:s19+$0x2400];
	[tilespmem:s19+$0x23F0] =	vst v0  }
0xf5: {  	v0 =	vld [tilespmem:s20+$0x200];
	_ =	sdelay $0x4  }
0xf6: {  	v0 =	vmul.f32 v0, v1  }
0xf7: {  	vm7 =	vge.f32 v1, $0.0e+00  }
0xf8: {  	v0 =	vsel vm7, v1, v0  }
0xf9: {  	v1 =	vld [tilespmem:s19+$0x2410];
	[tilespmem:s19+$0x2400] =	vst v0  }
0xfa: {  	v0 =	vld [tilespmem:s20+$0x210];
	_ =	sdelay $0x4  }
0xfb: {  	v0 =	vmul.f32 v0, v1  }
0xfc: {  	s29 =	simm.s32 $0x10;
	vm8 =	vge.f32 v1, $0.0e+00  }
0xfd: {  	s18 =	sand.u32 $0x3FFFFFF0, s29;
	v2 =	vld [tilespmem:s19+$0x2420];
	v0 =	vsel vm8, v1, v0  }
0xfe: {  	v1 =	vld [tilespmem:s18+$0x0];
	[tilespmem:s19+$0x2410] =	vst v0  }
0xff: {  	v0 =	vld [tilespmem:s20+$0x220];
	_ =	sdelay $0x4  }
0x100: {  	v1 =	vshll.u32 v1, $0x7;
	v0 =	vmul.f32 v0, v2  }
0x101: {  	vm9 =	vge.f32 v2, $0.0e+00;
	(v2sf) =	vpush v1, $0x0  }
0x102: {  	v0 =	vsel vm9, v2, v0  }
0x103: {  	v2 =	vld [tilespmem:s19+$0x2430];
	[tilespmem:s19+$0x2420] =	vst v0  }
0x104: {  	v0 =	vld [tilespmem:s20+$0x230];
	_ =	sdelay $0x4  }
0x105: {  	v0 =	vmul.f32 v0, v2  }
0x106: {  	vm10 =	vge.f32 v2, $0.0e+00  }
0x107: {  	v0 =	vsel vm10, v2, v0  }
0x108: {  	v2 =	vld [tilespmem:s19+$0x2440];
	[tilespmem:s19+$0x2430] =	vst v0  }
0x109: {  	v0 =	vld [tilespmem:s20+$0x240]  }
0x10a: {  	s30 =	simm.s32 $0x800  }
0x10b: {  	s21 =	sand.u32 $0x3FFFF800, s30  }
0x10c: {  	v4 =	vld [tilespmem:s21+$0x2280];
	s31 =	spop (v2sf)  }
0x10d: {  	v5 =	vld [tilespmem:s31+$0x200]  }
0x10e: {  	v0 =	vmul.f32 v0, v2  }
0x10f: {  	vm11 =	vge.f32 v2, $0.0e+00  }
0x110: {  	v0 =	vsel vm11, v2, v0  }
0x111: {  	v2 =	vld [tilespmem:s19+$0x2450];
	[tilespmem:s19+$0x2440] =	vst v0  }
0x112: {  	v5 =	vmul.f32 v5, v4;
	v0 =	vld [tilespmem:s20+$0x250]  }
0x113: {  	vm12 =	vge.f32 v4, $0.0e+00  }
0x114: {  	v4 =	vsel vm12, v4, v5  }
0x115: {  	v6 =	vld [tilespmem:s21+$0x2290];
	[tilespmem:s21+$0x2280] =	vst v4  }
0x116: {  	v4 =	vld [tilespmem:s31+$0x210]  }
0x117: {  	v0 =	vmul.f32 v0, v2  }
0x118: {  	vm13 =	vge.f32 v2, $0.0e+00  }
0x119: {  	v0 =	vsel vm13, v2, v0  }
0x11a: {  	v2 =	vld [tilespmem:s19+$0x2460];
	[tilespmem:s19+$0x2450] =	vst v0  }
0x11b: {  	v4 =	vmul.f32 v4, v6;
	v0 =	vld [tilespmem:s20+$0x260]  }
0x11c: {  	vm14 =	vge.f32 v6, $0.0e+00  }
0x11d: {  	(v2sf) =	vpush v3, $0x4;
	v4 =	vsel vm14, v6, v4  }
0x11e: {  	v5 =	vld [tilespmem:s21+$0x22A0];
	[tilespmem:s21+$0x2290] =	vst v4  }
0x11f: {  	v4 =	vld [tilespmem:s31+$0x220]  }
0x120: {  	v0 =	vmul.f32 v0, v2  }
0x121: {  	vm15 =	vge.f32 v2, $0.0e+00  }
0x122: {  	v0 =	vsel vm15, v2, v0  }
0x123: {  	v2 =	vld [tilespmem:s19+$0x2470];
	[tilespmem:s19+$0x2460] =	vst v0  }
0x124: {  	v4 =	vmul.f32 v4, v5;
	v0 =	vld [tilespmem:s20+$0x270]  }
0x125: {  	vm4 =	vge.f32 v5, $0.0e+00  }
0x126: {  	v4 =	vsel vm4, v5, v4  }
0x127: {  	v6 =	vld [tilespmem:s21+$0x22B0];
	[tilespmem:s21+$0x22A0] =	vst v4  }
0x128: {  	v4 =	vld [tilespmem:s31+$0x230]  }
0x129: {  	v0 =	vmul.f32 v0, v2  }
0x12a: {  	vm5 =	vge.f32 v2, $0.0e+00  }
0x12b: {  	v0 =	vsel vm5, v2, v0  }
0x12c: {  	s22 =	spop (v2sf);
	v2 =	vld [tilespmem:s19+$0x2480];
	[tilespmem:s19+$0x2470] =	vst v0  }
0x12d: {  	v4 =	vmul.f32 v4, v6;
	v0 =	vld [tilespmem:s22+$0x200]  }
0x12e: {  	vm6 =	vge.f32 v6, $0.0e+00  }
0x12f: {  	v4 =	vsel vm6, v6, v4  }
0x130: {  	v5 =	vld [tilespmem:s21+$0x22C0];
	[tilespmem:s21+$0x22B0] =	vst v4  }
0x131: {  	v4 =	vld [tilespmem:s31+$0x240]  }
0x132: {  	v0 =	vmul.f32 v0, v2  }
0x133: {  	vm7 =	vge.f32 v2, $0.0e+00  }
0x134: {  	v0 =	vsel vm7, v2, v0  }
0x135: {  	v2 =	vld [tilespmem:s19+$0x2490];
	[tilespmem:s19+$0x2480] =	vst v0  }
0x136: {  	v4 =	vmul.f32 v4, v5;
	v0 =	vld [tilespmem:s22+$0x210]  }
0x137: {  	vm8 =	vge.f32 v5, $0.0e+00  }
0x138: {  	v4 =	vsel vm8, v5, v4  }
0x139: {  	v6 =	vld [tilespmem:s21+$0x22D0];
	[tilespmem:s21+$0x22C0] =	vst v4  }
0x13a: {  	v4 =	vld [tilespmem:s31+$0x250]  }
0x13b: {  	v0 =	vmul.f32 v0, v2  }
0x13c: {  	vm9 =	vge.f32 v2, $0.0e+00  }
0x13d: {  	v0 =	vsel vm9, v2, v0  }
0x13e: {  	v2 =	vld [tilespmem:s19+$0x24A0];
	[tilespmem:s19+$0x2490] =	vst v0  }
0x13f: {  	v4 =	vmul.f32 v4, v6;
	v0 =	vld [tilespmem:s22+$0x220]  }
0x140: {  	vm10 =	vge.f32 v6, $0.0e+00  }
0x141: {  	v4 =	vsel vm10, v6, v4  }
0x142: {  	v5 =	vld [tilespmem:s21+$0x22E0];
	[tilespmem:s21+$0x22D0] =	vst v4  }
0x143: {  	v4 =	vld [tilespmem:s31+$0x260]  }
0x144: {  	v0 =	vmul.f32 v0, v2  }
0x145: {  	(v2sf) =	vpush v1, $0x1;
	vm11 =	vge.f32 v2, $0.0e+00  }
0x146: {  	v0 =	vsel vm11, v2, v0  }
0x147: {  	v2 =	vld [tilespmem:s19+$0x24B0];
	[tilespmem:s19+$0x24A0] =	vst v0  }
0x148: {  	v4 =	vmul.f32 v4, v5;
	v0 =	vld [tilespmem:s22+$0x230]  }
0x149: {  	vm12 =	vge.f32 v5, $0.0e+00  }
0x14a: {  	v4 =	vsel vm12, v5, v4  }
0x14b: {  	v6 =	vld [tilespmem:s21+$0x22F0];
	[tilespmem:s21+$0x22E0] =	vst v4  }
0x14c: {  	v4 =	vld [tilespmem:s31+$0x270]  }
0x14d: {  	v0 =	vmul.f32 v0, v2  }
0x14e: {  	vm13 =	vge.f32 v2, $0.0e+00  }
0x14f: {  	v0 =	vsel vm13, v2, v0  }
0x150: {  	v2 =	vld [tilespmem:s19+$0x24C0];
	[tilespmem:s19+$0x24B0] =	vst v0  }
0x151: {  	v4 =	vmul.f32 v4, v6;
	v0 =	vld [tilespmem:s22+$0x240]  }
0x152: {  	vm14 =	vge.f32 v6, $0.0e+00  }
0x153: {  	v4 =	vsel vm14, v6, v4  }
0x154: {  	s23 =	spop (v2sf);
	v5 =	vld [tilespmem:s21+$0x2300];
	[tilespmem:s21+$0x22F0] =	vst v4  }
0x155: {  	v4 =	vld [tilespmem:s23+$0x200]  }
0x156: {  	v0 =	vmul.f32 v0, v2  }
0x157: {  	vm15 =	vge.f32 v2, $0.0e+00  }
0x158: {  	v0 =	vsel vm15, v2, v0  }
0x159: {  	v2 =	vld [tilespmem:s19+$0x24D0];
	[tilespmem:s19+$0x24C0] =	vst v0  }
0x15a: {  	v4 =	vmul.f32 v4, v5;
	v0 =	vld [tilespmem:s22+$0x250]  }
0x15b: {  	vm4 =	vge.f32 v5, $0.0e+00  }
0x15c: {  	v4 =	vsel vm4, v5, v4  }
0x15d: {  	v6 =	vld [tilespmem:s21+$0x2310];
	[tilespmem:s21+$0x2300] =	vst v4  }
0x15e: {  	v4 =	vld [tilespmem:s23+$0x210]  }
0x15f: {  	v0 =	vmul.f32 v0, v2  }
0x160: {  	vm5 =	vge.f32 v2, $0.0e+00  }
0x161: {  	v0 =	vsel vm5, v2, v0  }
0x162: {  	v2 =	vld [tilespmem:s19+$0x24E0];
	[tilespmem:s19+$0x24D0] =	vst v0  }
0x163: {  	v4 =	vmul.f32 v4, v6;
	v0 =	vld [tilespmem:s22+$0x260]  }
0x164: {  	vm6 =	vge.f32 v6, $0.0e+00  }
0x165: {  	(v2sf) =	vpush v3, $0x5;
	v4 =	vsel vm6, v6, v4  }
0x166: {  	v5 =	vld [tilespmem:s21+$0x2320];
	[tilespmem:s21+$0x2310] =	vst v4  }
0x167: {  	v4 =	vld [tilespmem:s23+$0x220]  }
0x168: {  	v0 =	vmul.f32 v0, v2  }
0x169: {  	vm7 =	vge.f32 v2, $0.0e+00  }
0x16a: {  	v0 =	vsel vm7, v2, v0  }
0x16b: {  	v2 =	vld [tilespmem:s19+$0x24F0];
	[tilespmem:s19+$0x24E0] =	vst v0  }
0x16c: {  	v4 =	vmul.f32 v4, v5;
	v0 =	vld [tilespmem:s22+$0x270]  }
0x16d: {  	vm8 =	vge.f32 v5, $0.0e+00  }
0x16e: {  	v4 =	vsel vm8, v5, v4  }
0x16f: {  	v6 =	vld [tilespmem:s21+$0x2330];
	[tilespmem:s21+$0x2320] =	vst v4  }
0x170: {  	v4 =	vld [tilespmem:s23+$0x230]  }
0x171: {  	v0 =	vmul.f32 v0, v2  }
0x172: {  	vm9 =	vge.f32 v2, $0.0e+00  }
0x173: {  	v0 =	vsel vm9, v2, v0  }
0x174: {  	s24 =	spop (v2sf);
	v2 =	vld [tilespmem:s19+$0x2500];
	[tilespmem:s19+$0x24F0] =	vst v0  }
0x175: {  	v4 =	vmul.f32 v4, v6;
	v0 =	vld [tilespmem:s24+$0x200]  }
0x176: {  	vm10 =	vge.f32 v6, $0.0e+00  }
0x177: {  	v4 =	vsel vm10, v6, v4  }
0x178: {  	v5 =	vld [tilespmem:s21+$0x2340];
	[tilespmem:s21+$0x2330] =	vst v4  }
0x179: {  	v4 =	vld [tilespmem:s23+$0x240]  }
0x17a: {  	v0 =	vmul.f32 v0, v2  }
0x17b: {  	vm11 =	vge.f32 v2, $0.0e+00  }
0x17c: {  	v0 =	vsel vm11, v2, v0  }
0x17d: {  	v2 =	vld [tilespmem:s19+$0x2510];
	[tilespmem:s19+$0x2500] =	vst v0  }
0x17e: {  	v4 =	vmul.f32 v4, v5;
	v0 =	vld [tilespmem:s24+$0x210]  }
0x17f: {  	vm12 =	vge.f32 v5, $0.0e+00  }
0x180: {  	v4 =	vsel vm12, v5, v4  }
0x181: {  	v6 =	vld [tilespmem:s21+$0x2350];
	[tilespmem:s21+$0x2340] =	vst v4  }
0x182: {  	v4 =	vld [tilespmem:s23+$0x250]  }
0x183: {  	v0 =	vmul.f32 v0, v2  }
0x184: {  	vm13 =	vge.f32 v2, $0.0e+00  }
0x185: {  	v0 =	vsel vm13, v2, v0  }
0x186: {  	v2 =	vld [tilespmem:s19+$0x2520];
	[tilespmem:s19+$0x2510] =	vst v0  }
0x187: {  	v4 =	vmul.f32 v4, v6;
	v0 =	vld [tilespmem:s24+$0x220]  }
0x188: {  	vm14 =	vge.f32 v6, $0.0e+00  }
0x189: {  	v4 =	vsel vm14, v6, v4  }
0x18a: {  	v5 =	vld [tilespmem:s21+$0x2360];
	[tilespmem:s21+$0x2350] =	vst v4  }
0x18b: {  	v4 =	vld [tilespmem:s23+$0x260]  }
0x18c: {  	v0 =	vmul.f32 v0, v2  }
0x18d: {  	(v2sf) =	vpush v1, $0x2;
	vm15 =	vge.f32 v2, $0.0e+00  }
0x18e: {  	v0 =	vsel vm15, v2, v0  }
0x18f: {  	v2 =	vld [tilespmem:s19+$0x2530];
	[tilespmem:s19+$0x2520] =	vst v0  }
0x190: {  	v4 =	vmul.f32 v4, v5;
	v0 =	vld [tilespmem:s24+$0x230]  }
0x191: {  	vm4 =	vge.f32 v5, $0.0e+00  }
0x192: {  	v4 =	vsel vm4, v5, v4  }
0x193: {  	v5 =	vld [tilespmem:s21+$0x2370];
	[tilespmem:s21+$0x2360] =	vst v4  }
0x194: {  	v4 =	vld [tilespmem:s23+$0x270]  }
0x195: {  	v0 =	vmul.f32 v0, v2  }
0x196: {  	vm5 =	vge.f32 v2, $0.0e+00  }
0x197: {  	v0 =	vsel vm5, v2, v0  }
0x198: {  	v2 =	vld [tilespmem:s19+$0x2540];
	[tilespmem:s19+$0x2530] =	vst v0  }
0x199: {  	v4 =	vmul.f32 v4, v5;
	v0 =	vld [tilespmem:s24+$0x240]  }
0x19a: {  	vm6 =	vge.f32 v5, $0.0e+00  }
0x19b: {  	v4 =	vsel vm6, v5, v4  }
0x19c: {  	s22 =	spop (v2sf);
	v5 =	vld [tilespmem:s21+$0x2380];
	[tilespmem:s21+$0x2370] =	vst v4  }
0x19d: {  	v4 =	vld [tilespmem:s22+$0x200]  }
0x19e: {  	v0 =	vmul.f32 v0, v2  }
0x19f: {  	vm7 =	vge.f32 v2, $0.0e+00  }
0x1a0: {  	v0 =	vsel vm7, v2, v0  }
0x1a1: {  	v2 =	vld [tilespmem:s19+$0x2550];
	[tilespmem:s19+$0x2540] =	vst v0  }
0x1a2: {  	v4 =	vmul.f32 v4, v5;
	v0 =	vld [tilespmem:s24+$0x250]  }
0x1a3: {  	vm8 =	vge.f32 v5, $0.0e+00  }
0x1a4: {  	v4 =	vsel vm8, v5, v4  }
0x1a5: {  	v5 =	vld [tilespmem:s21+$0x2390];
	[tilespmem:s21+$0x2380] =	vst v4  }
0x1a6: {  	v4 =	vld [tilespmem:s22+$0x210]  }
0x1a7: {  	v0 =	vmul.f32 v0, v2  }
0x1a8: {  	vm9 =	vge.f32 v2, $0.0e+00  }
0x1a9: {  	v0 =	vsel vm9, v2, v0  }
0x1aa: {  	v2 =	vld [tilespmem:s19+$0x2560];
	[tilespmem:s19+$0x2550] =	vst v0  }
0x1ab: {  	v4 =	vmul.f32 v4, v5;
	v0 =	vld [tilespmem:s24+$0x260]  }
0x1ac: {  	vm10 =	vge.f32 v5, $0.0e+00  }
0x1ad: {  	(v2sf) =	vpush v3, $0x6;
	v4 =	vsel vm10, v5, v4  }
0x1ae: {  	v5 =	vld [tilespmem:s21+$0x23A0];
	[tilespmem:s21+$0x2390] =	vst v4  }
0x1af: {  	v4 =	vld [tilespmem:s22+$0x220]  }
0x1b0: {  	v0 =	vmul.f32 v0, v2  }
0x1b1: {  	vm11 =	vge.f32 v2, $0.0e+00  }
0x1b2: {  	v0 =	vsel vm11, v2, v0  }
0x1b3: {  	v2 =	vld [tilespmem:s19+$0x2570];
	[tilespmem:s19+$0x2560] =	vst v0  }
0x1b4: {  	v4 =	vmul.f32 v4, v5;
	v0 =	vld [tilespmem:s24+$0x270]  }
0x1b5: {  	vm12 =	vge.f32 v5, $0.0e+00  }
0x1b6: {  	v4 =	vsel vm12, v5, v4  }
0x1b7: {  	v5 =	vld [tilespmem:s21+$0x23B0];
	[tilespmem:s21+$0x23A0] =	vst v4  }
0x1b8: {  	v4 =	vld [tilespmem:s22+$0x230]  }
0x1b9: {  	v0 =	vmul.f32 v0, v2  }
0x1ba: {  	vm13 =	vge.f32 v2, $0.0e+00  }
0x1bb: {  	v0 =	vsel vm13, v2, v0  }
0x1bc: {  	s25 =	spop (v2sf);
	v2 =	vld [tilespmem:s19+$0x2580];
	[tilespmem:s19+$0x2570] =	vst v0  }
0x1bd: {  	v4 =	vmul.f32 v4, v5;
	v0 =	vld [tilespmem:s25+$0x200]  }
0x1be: {  	vm14 =	vge.f32 v5, $0.0e+00  }
0x1bf: {  	v4 =	vsel vm14, v5, v4  }
0x1c0: {  	v5 =	vld [tilespmem:s21+$0x23C0];
	[tilespmem:s21+$0x23B0] =	vst v4  }
0x1c1: {  	v4 =	vld [tilespmem:s22+$0x240]  }
0x1c2: {  	v0 =	vmul.f32 v0, v2  }
0x1c3: {  	vm15 =	vge.f32 v2, $0.0e+00  }
0x1c4: {  	v0 =	vsel vm15, v2, v0  }
0x1c5: {  	v2 =	vld [tilespmem:s19+$0x2590];
	[tilespmem:s19+$0x2580] =	vst v0  }
0x1c6: {  	v4 =	vmul.f32 v4, v5;
	v0 =	vld [tilespmem:s25+$0x210]  }
0x1c7: {  	vm4 =	vge.f32 v5, $0.0e+00  }
0x1c8: {  	v4 =	vsel vm4, v5, v4  }
0x1c9: {  	v5 =	vld [tilespmem:s21+$0x23D0];
	[tilespmem:s21+$0x23C0] =	vst v4  }
0x1ca: {  	v4 =	vld [tilespmem:s22+$0x250]  }
0x1cb: {  	v0 =	vmul.f32 v0, v2  }
0x1cc: {  	vm5 =	vge.f32 v2, $0.0e+00  }
0x1cd: {  	v0 =	vsel vm5, v2, v0  }
0x1ce: {  	v2 =	vld [tilespmem:s19+$0x25A0];
	[tilespmem:s19+$0x2590] =	vst v0  }
0x1cf: {  	v4 =	vmul.f32 v4, v5;
	v0 =	vld [tilespmem:s25+$0x220]  }
0x1d0: {  	vm6 =	vge.f32 v5, $0.0e+00  }
0x1d1: {  	v4 =	vsel vm6, v5, v4  }
0x1d2: {  	v5 =	vld [tilespmem:s21+$0x23E0];
	[tilespmem:s21+$0x23D0] =	vst v4  }
0x1d3: {  	v4 =	vld [tilespmem:s22+$0x260]  }
0x1d4: {  	v0 =	vmul.f32 v0, v2  }
0x1d5: {  	(v2sf) =	vpush v1, $0x3;
	vm7 =	vge.f32 v2, $0.0e+00  }
0x1d6: {  	v0 =	vsel vm7, v2, v0  }
0x1d7: {  	v2 =	vld [tilespmem:s19+$0x25B0];
	[tilespmem:s19+$0x25A0] =	vst v0  }
0x1d8: {  	v4 =	vmul.f32 v4, v5;
	v0 =	vld [tilespmem:s25+$0x230]  }
0x1d9: {  	vm8 =	vge.f32 v5, $0.0e+00  }
0x1da: {  	v4 =	vsel vm8, v5, v4  }
0x1db: {  	v5 =	vld [tilespmem:s21+$0x23F0];
	[tilespmem:s21+$0x23E0] =	vst v4  }
0x1dc: {  	v4 =	vld [tilespmem:s22+$0x270]  }
0x1dd: {  	v0 =	vmul.f32 v0, v2  }
0x1de: {  	vm9 =	vge.f32 v2, $0.0e+00  }
0x1df: {  	v0 =	vsel vm9, v2, v0  }
0x1e0: {  	v2 =	vld [tilespmem:s19+$0x25C0];
	[tilespmem:s19+$0x25B0] =	vst v0  }
0x1e1: {  	v4 =	vmul.f32 v4, v5;
	v0 =	vld [tilespmem:s25+$0x240]  }
0x1e2: {  	vm10 =	vge.f32 v5, $0.0e+00  }
0x1e3: {  	v4 =	vsel vm10, v5, v4  }
0x1e4: {  	s26 =	spop (v2sf);
	v5 =	vld [tilespmem:s21+$0x2400];
	[tilespmem:s21+$0x23F0] =	vst v4  }
0x1e5: {  	v4 =	vld [tilespmem:s26+$0x200]  }
0x1e6: {  	v0 =	vmul.f32 v0, v2  }
0x1e7: {  	vm11 =	vge.f32 v2, $0.0e+00  }
0x1e8: {  	v0 =	vsel vm11, v2, v0  }
0x1e9: {  	v2 =	vld [tilespmem:s19+$0x25D0];
	[tilespmem:s19+$0x25C0] =	vst v0  }
0x1ea: {  	v4 =	vmul.f32 v4, v5;
	v0 =	vld [tilespmem:s25+$0x250]  }
0x1eb: {  	vm12 =	vge.f32 v5, $0.0e+00  }
0x1ec: {  	v4 =	vsel vm12, v5, v4  }
0x1ed: {  	v5 =	vld [tilespmem:s21+$0x2410];
	[tilespmem:s21+$0x2400] =	vst v4  }
0x1ee: {  	v4 =	vld [tilespmem:s26+$0x210]  }
0x1ef: {  	v0 =	vmul.f32 v0, v2  }
0x1f0: {  	vm13 =	vge.f32 v2, $0.0e+00  }
0x1f1: {  	v0 =	vsel vm13, v2, v0  }
0x1f2: {  	v2 =	vld [tilespmem:s19+$0x25E0];
	[tilespmem:s19+$0x25D0] =	vst v0  }
0x1f3: {  	s29 =	simm.s32 $0x20;
	v4 =	vmul.f32 v4, v5;
	v0 =	vld [tilespmem:s25+$0x260]  }
0x1f4: {  	s20 =	sand.u32 $0x3FFFFFF0, s29;
	vm14 =	vge.f32 v5, $0.0e+00  }
0x1f5: {  	(v2sf) =	vpush v3, $0x7;
	v6 =	vld [tilespmem:s20+$0x0];
	v4 =	vsel vm14, v5, v4  }
0x1f6: {  	v5 =	vld [tilespmem:s21+$0x2420];
	[tilespmem:s21+$0x2410] =	vst v4  }
0x1f7: {  	v4 =	vld [tilespmem:s26+$0x220]  }
0x1f8: {  	v0 =	vmul.f32 v0, v2  }
0x1f9: {  	vm15 =	vge.f32 v2, $0.0e+00  }
0x1fa: {  	v0 =	vsel vm15, v2, v0  }
0x1fb: {  	v2 =	vld [tilespmem:s19+$0x25F0];
	[tilespmem:s19+$0x25E0] =	vst v0  }
0x1fc: {  	v4 =	vmul.f32 v4, v5;
	v0 =	vshll.u32 v6, $0x7;
	v7 =	vld [tilespmem:s25+$0x270]  }
0x1fd: {  	vm4 =	vge.f32 v5, $0.0e+00;
	(v2sf) =	vpush v0, $0x0  }
0x1fe: {  	v4 =	vsel vm4, v5, v4  }
0x1ff: {  	v5 =	vld [tilespmem:s21+$0x2430];
	[tilespmem:s21+$0x2420] =	vst v4  }
0x200: {  	v4 =	vld [tilespmem:s26+$0x230]  }
0x201: {  	v6 =	vmul.f32 v7, v2  }
0x202: {  	vm5 =	vge.f32 v2, $0.0e+00  }
0x203: {  	v2 =	vsel vm5, v2, v6  }
0x204: {  	s23 =	spop (v2sf);
	v6 =	vld [tilespmem:s19+$0x2600];
	[tilespmem:s19+$0x25F0] =	vst v2  }
0x205: {  	v4 =	vmul.f32 v4, v5;
	v2 =	vld [tilespmem:s23+$0x200]  }
0x206: {  	vm6 =	vge.f32 v5, $0.0e+00  }
0x207: {  	v4 =	vsel vm6, v5, v4  }
0x208: {  	v5 =	vld [tilespmem:s21+$0x2440];
	[tilespmem:s21+$0x2430] =	vst v4  }
0x209: {  	v4 =	vld [tilespmem:s26+$0x240]  }
0x20a: {  	s30 =	simm.s32 $0x1000;
	v2 =	vmul.f32 v2, v6  }
0x20b: {  	s18 =	sand.u32 $0x3FFFF800, s30;
	v7 =	vld [tilespmem:s19+$0x2610];
	vm7 =	vge.f32 v6, $0.0e+00  }
0x20c: {  	s31 =	spop (v2sf);
	v2 =	vsel vm7, v6, v2;
	v6 =	vld [tilespmem:s18+$0x2280]  }
0x20d: {  	v8 =	vld [tilespmem:s31+$0x200];
	[tilespmem:s19+$0x2600] =	vst v2  }
0x20e: {  	v4 =	vmul.f32 v4, v5;
	v2 =	vld [tilespmem:s23+$0x210]  }
0x20f: {  	vm8 =	vge.f32 v5, $0.0e+00  }
0x210: {  	v4 =	vsel vm8, v5, v4  }
0x211: {  	v5 =	vld [tilespmem:s21+$0x2450];
	[tilespmem:s21+$0x2440] =	vst v4  }
0x212: {  	v4 =	vld [tilespmem:s26+$0x250];
	v8 =	vmul.f32 v8, v6  }
0x213: {  	vm1 =	vge.f32 v6, $0.0e+00;
	v2 =	vmul.f32 v2, v7  }
0x214: {  	v9 =	vld [tilespmem:s19+$0x2620];
	vm9 =	vge.f32 v7, $0.0e+00;
	v6 =	vsel vm1, v6, v8  }
0x215: {  	[tilespmem:s18+$0x2280] =	vst v6;
	v2 =	vsel vm9, v7, v2;
	v7 =	vld [tilespmem:s18+$0x2290]  }
0x216: {  	v6 =	vld [tilespmem:s31+$0x210];
	[tilespmem:s19+$0x2610] =	vst v2  }
0x217: {  	v4 =	vmul.f32 v4, v5;
	v2 =	vld [tilespmem:s23+$0x220]  }
0x218: {  	vm10 =	vge.f32 v5, $0.0e+00  }
0x219: {  	v4 =	vsel vm10, v5, v4  }
0x21a: {  	v5 =	vld [tilespmem:s21+$0x2460];
	[tilespmem:s21+$0x2450] =	vst v4  }
0x21b: {  	v4 =	vld [tilespmem:s26+$0x260];
	v6 =	vmul.f32 v6, v7  }
0x21c: {  	vm12 =	vge.f32 v7, $0.0e+00;
	v2 =	vmul.f32 v2, v9  }
0x21d: {  	vm11 =	vge.f32 v9, $0.0e+00;
	(v2sf) =	vpush v1, $0x4;
	v8 =	vld [tilespmem:s19+$0x2630];
	v6 =	vsel vm12, v7, v6  }
0x21e: {  	[tilespmem:s18+$0x2290] =	vst v6;
	v2 =	vsel vm11, v9, v2;
	v9 =	vld [tilespmem:s18+$0x22A0]  }
0x21f: {  	v6 =	vld [tilespmem:s31+$0x220];
	[tilespmem:s19+$0x2620] =	vst v2  }
0x220: {  	v4 =	vmul.f32 v4, v5;
	v2 =	vld [tilespmem:s23+$0x230]  }
0x221: {  	vm13 =	vge.f32 v5, $0.0e+00  }
0x222: {  	v4 =	vsel vm13, v5, v4  }
0x223: {  	v5 =	vld [tilespmem:s21+$0x2470];
	[tilespmem:s21+$0x2460] =	vst v4  }
0x224: {  	v4 =	vld [tilespmem:s26+$0x270];
	v6 =	vmul.f32 v6, v9  }
0x225: {  	vm15 =	vge.f32 v9, $0.0e+00;
	v2 =	vmul.f32 v2, v8  }
0x226: {  	vm14 =	vge.f32 v8, $0.0e+00;
	v7 =	vld [tilespmem:s19+$0x2640];
	v6 =	vsel vm15, v9, v6  }
0x227: {  	[tilespmem:s18+$0x22A0] =	vst v6;
	v2 =	vsel vm14, v8, v2;
	v8 =	vld [tilespmem:s18+$0x22B0]  }
0x228: {  	v6 =	vld [tilespmem:s31+$0x230];
	[tilespmem:s19+$0x2630] =	vst v2  }
0x229: {  	v4 =	vmul.f32 v4, v5;
	v2 =	vld [tilespmem:s23+$0x240]  }
0x22a: {  	vm4 =	vge.f32 v5, $0.0e+00  }
0x22b: {  	v4 =	vsel vm4, v5, v4  }
0x22c: {  	s24 =	spop (v2sf);
	v5 =	vld [tilespmem:s21+$0x2480];
	[tilespmem:s21+$0x2470] =	vst v4  }
0x22d: {  	v4 =	vld [tilespmem:s24+$0x200];
	v6 =	vmul.f32 v6, v8  }
0x22e: {  	vm6 =	vge.f32 v8, $0.0e+00;
	v2 =	vmul.f32 v2, v7  }
0x22f: {  	vm5 =	vge.f32 v7, $0.0e+00;
	v9 =	vld [tilespmem:s19+$0x2650];
	v6 =	vsel vm6, v8, v6  }
0x230: {  	[tilespmem:s18+$0x22B0] =	vst v6;
	v2 =	vsel vm5, v7, v2;
	v7 =	vld [tilespmem:s18+$0x22C0]  }
0x231: {  	v6 =	vld [tilespmem:s31+$0x240];
	[tilespmem:s19+$0x2640] =	vst v2  }
0x232: {  	v4 =	vmul.f32 v4, v5;
	v2 =	vld [tilespmem:s23+$0x250]  }
0x233: {  	vm7 =	vge.f32 v5, $0.0e+00  }
0x234: {  	v4 =	vsel vm7, v5, v4  }
0x235: {  	v5 =	vld [tilespmem:s21+$0x2490];
	[tilespmem:s21+$0x2480] =	vst v4  }
0x236: {  	v4 =	vld [tilespmem:s24+$0x210];
	v6 =	vmul.f32 v6, v7  }
0x237: {  	vm9 =	vge.f32 v7, $0.0e+00;
	v2 =	vmul.f32 v2, v9  }
0x238: {  	vm8 =	vge.f32 v9, $0.0e+00;
	v8 =	vld [tilespmem:s19+$0x2660];
	v6 =	vsel vm9, v7, v6  }
0x239: {  	[tilespmem:s18+$0x22C0] =	vst v6;
	v2 =	vsel vm8, v9, v2;
	v9 =	vld [tilespmem:s18+$0x22D0]  }
0x23a: {  	v6 =	vld [tilespmem:s31+$0x250];
	[tilespmem:s19+$0x2650] =	vst v2  }
0x23b: {  	v4 =	vmul.f32 v4, v5;
	v2 =	vld [tilespmem:s23+$0x260]  }
0x23c: {  	vm10 =	vge.f32 v5, $0.0e+00  }
0x23d: {  	(v2sf) =	vpush v3, $0x8;
	v4 =	vsel vm10, v5, v4  }
0x23e: {  	v5 =	vld [tilespmem:s21+$0x24A0];
	[tilespmem:s21+$0x2490] =	vst v4  }
0x23f: {  	v4 =	vld [tilespmem:s24+$0x220];
	v6 =	vmul.f32 v6, v9  }
0x240: {  	vm12 =	vge.f32 v9, $0.0e+00;
	v2 =	vmul.f32 v2, v8  }
0x241: {  	vm11 =	vge.f32 v8, $0.0e+00;
	v7 =	vld [tilespmem:s19+$0x2670];
	v6 =	vsel vm12, v9, v6  }
0x242: {  	[tilespmem:s18+$0x22D0] =	vst v6;
	v2 =	vsel vm11, v8, v2;
	v8 =	vld [tilespmem:s18+$0x22E0]  }
0x243: {  	v6 =	vld [tilespmem:s31+$0x260];
	[tilespmem:s19+$0x2660] =	vst v2  }
0x244: {  	v4 =	vmul.f32 v4, v5;
	v2 =	vld [tilespmem:s23+$0x270]  }
0x245: {  	(v2sf) =	vpush v0, $0x1;
	vm13 =	vge.f32 v5, $0.0e+00  }
0x246: {  	v4 =	vsel vm13, v5, v4  }
0x247: {  	v5 =	vld [tilespmem:s21+$0x24B0];
	[tilespmem:s21+$0x24A0] =	vst v4  }
0x248: {  	v4 =	vld [tilespmem:s24+$0x230];
	v6 =	vmul.f32 v6, v8  }
0x249: {  	vm15 =	vge.f32 v8, $0.0e+00;
	v2 =	vmul.f32 v2, v7  }
0x24a: {  	vm14 =	vge.f32 v7, $0.0e+00;
	v9 =	vld [tilespmem:s19+$0x2680];
	v6 =	vsel vm15, v8, v6  }
0x24b: {  	[tilespmem:s18+$0x22E0] =	vst v6;
	v2 =	vsel vm14, v7, v2;
	v7 =	vld [tilespmem:s18+$0x22F0]  }
0x24c: {  	s25 =	spop (v2sf);
	v6 =	vld [tilespmem:s31+$0x270];
	[tilespmem:s19+$0x2670] =	vst v2  }
0x24d: {  	v4 =	vmul.f32 v4, v5;
	v2 =	vld [tilespmem:s25+$0x200]  }
0x24e: {  	vm4 =	vge.f32 v5, $0.0e+00  }
0x24f: {  	v4 =	vsel vm4, v5, v4  }
0x250: {  	v5 =	vld [tilespmem:s21+$0x24C0];
	[tilespmem:s21+$0x24B0] =	vst v4  }
0x251: {  	v4 =	vld [tilespmem:s24+$0x240];
	v6 =	vmul.f32 v6, v7  }
0x252: {  	vm6 =	vge.f32 v7, $0.0e+00;
	v2 =	vmul.f32 v2, v9  }
0x253: {  	vm5 =	vge.f32 v9, $0.0e+00;
	v8 =	vld [tilespmem:s19+$0x2690];
	v6 =	vsel vm6, v7, v6  }
0x254: {  	s26 =	spop (v2sf);
	[tilespmem:s18+$0x22F0] =	vst v6;
	v2 =	vsel vm5, v9, v2;
	v9 =	vld [tilespmem:s18+$0x2300]  }
0x255: {  	v6 =	vld [tilespmem:s26+$0x200];
	[tilespmem:s19+$0x2680] =	vst v2  }
0x256: {  	v4 =	vmul.f32 v4, v5;
	v2 =	vld [tilespmem:s25+$0x210]  }
0x257: {  	vm7 =	vge.f32 v5, $0.0e+00  }
0x258: {  	v4 =	vsel vm7, v5, v4  }
0x259: {  	v5 =	vld [tilespmem:s21+$0x24D0];
	[tilespmem:s21+$0x24C0] =	vst v4  }
0x25a: {  	v4 =	vld [tilespmem:s24+$0x250];
	v6 =	vmul.f32 v6, v9  }
0x25b: {  	vm9 =	vge.f32 v9, $0.0e+00;
	v2 =	vmul.f32 v2, v8  }
0x25c: {  	vm8 =	vge.f32 v8, $0.0e+00;
	v7 =	vld [tilespmem:s19+$0x26A0];
	v6 =	vsel vm9, v9, v6  }
0x25d: {  	[tilespmem:s18+$0x2300] =	vst v6;
	v2 =	vsel vm8, v8, v2;
	v8 =	vld [tilespmem:s18+$0x2310]  }
0x25e: {  	v6 =	vld [tilespmem:s26+$0x210];
	[tilespmem:s19+$0x2690] =	vst v2  }
0x25f: {  	v4 =	vmul.f32 v4, v5;
	v2 =	vld [tilespmem:s25+$0x220]  }
0x260: {  	vm10 =	vge.f32 v5, $0.0e+00  }
0x261: {  	v4 =	vsel vm10, v5, v4  }
0x262: {  	v5 =	vld [tilespmem:s21+$0x24E0];
	[tilespmem:s21+$0x24D0] =	vst v4  }
0x263: {  	v4 =	vld [tilespmem:s24+$0x260];
	v6 =	vmul.f32 v6, v8  }
0x264: {  	vm12 =	vge.f32 v8, $0.0e+00;
	v2 =	vmul.f32 v2, v7  }
0x265: {  	(v2sf) =	vpush v1, $0x5;
	vm11 =	vge.f32 v7, $0.0e+00;
	v9 =	vld [tilespmem:s19+$0x26B0];
	v6 =	vsel vm12, v8, v6  }
0x266: {  	[tilespmem:s18+$0x2310] =	vst v6;
	v2 =	vsel vm11, v7, v2;
	v7 =	vld [tilespmem:s18+$0x2320]  }
0x267: {  	v6 =	vld [tilespmem:s26+$0x220];
	[tilespmem:s19+$0x26A0] =	vst v2  }
0x268: {  	v4 =	vmul.f32 v4, v5;
	v2 =	vld [tilespmem:s25+$0x230]  }
0x269: {  	vm13 =	vge.f32 v5, $0.0e+00  }
0x26a: {  	v4 =	vsel vm13, v5, v4  }
0x26b: {  	v5 =	vld [tilespmem:s21+$0x24F0];
	[tilespmem:s21+$0x24E0] =	vst v4  }
0x26c: {  	v4 =	vld [tilespmem:s24+$0x270];
	v6 =	vmul.f32 v6, v7  }
0x26d: {  	vm15 =	vge.f32 v7, $0.0e+00;
	v2 =	vmul.f32 v2, v9  }
0x26e: {  	vm14 =	vge.f32 v9, $0.0e+00;
	v8 =	vld [tilespmem:s19+$0x26C0];
	v6 =	vsel vm15, v7, v6  }
0x26f: {  	[tilespmem:s18+$0x2320] =	vst v6;
	v2 =	vsel vm14, v9, v2;
	v9 =	vld [tilespmem:s18+$0x2330]  }
0x270: {  	v6 =	vld [tilespmem:s26+$0x230];
	[tilespmem:s19+$0x26B0] =	vst v2  }
0x271: {  	v4 =	vmul.f32 v4, v5;
	v2 =	vld [tilespmem:s25+$0x240]  }
0x272: {  	vm4 =	vge.f32 v5, $0.0e+00  }
0x273: {  	v4 =	vsel vm4, v5, v4  }
0x274: {  	s24 =	spop (v2sf);
	v5 =	vld [tilespmem:s21+$0x2500];
	[tilespmem:s21+$0x24F0] =	vst v4  }
0x275: {  	v4 =	vld [tilespmem:s24+$0x200];
	v6 =	vmul.f32 v6, v9  }
0x276: {  	vm6 =	vge.f32 v9, $0.0e+00;
	v2 =	vmul.f32 v2, v8  }
0x277: {  	vm5 =	vge.f32 v8, $0.0e+00;
	v7 =	vld [tilespmem:s19+$0x26D0];
	v6 =	vsel vm6, v9, v6  }
0x278: {  	[tilespmem:s18+$0x2330] =	vst v6;
	v2 =	vsel vm5, v8, v2;
	v8 =	vld [tilespmem:s18+$0x2340]  }
0x279: {  	v6 =	vld [tilespmem:s26+$0x240];
	[tilespmem:s19+$0x26C0] =	vst v2  }
0x27a: {  	v4 =	vmul.f32 v4, v5;
	v2 =	vld [tilespmem:s25+$0x250]  }
0x27b: {  	vm7 =	vge.f32 v5, $0.0e+00  }
0x27c: {  	v4 =	vsel vm7, v5, v4  }
0x27d: {  	v5 =	vld [tilespmem:s21+$0x2510];
	[tilespmem:s21+$0x2500] =	vst v4  }
0x27e: {  	v4 =	vld [tilespmem:s24+$0x210];
	v6 =	vmul.f32 v6, v8  }
0x27f: {  	vm9 =	vge.f32 v8, $0.0e+00;
	v2 =	vmul.f32 v2, v7  }
0x280: {  	vm8 =	vge.f32 v7, $0.0e+00;
	v9 =	vld [tilespmem:s19+$0x26E0];
	v6 =	vsel vm9, v8, v6  }
0x281: {  	[tilespmem:s18+$0x2340] =	vst v6;
	v2 =	vsel vm8, v7, v2;
	v7 =	vld [tilespmem:s18+$0x2350]  }
0x282: {  	v6 =	vld [tilespmem:s26+$0x250];
	[tilespmem:s19+$0x26D0] =	vst v2  }
0x283: {  	v4 =	vmul.f32 v4, v5;
	v2 =	vld [tilespmem:s25+$0x260]  }
0x284: {  	vm10 =	vge.f32 v5, $0.0e+00  }
0x285: {  	(v2sf) =	vpush v3, $0x9;
	v4 =	vsel vm10, v5, v4  }
0x286: {  	v5 =	vld [tilespmem:s21+$0x2520];
	[tilespmem:s21+$0x2510] =	vst v4  }
0x287: {  	v4 =	vld [tilespmem:s24+$0x220];
	v6 =	vmul.f32 v6, v7  }
0x288: {  	vm12 =	vge.f32 v7, $0.0e+00;
	v2 =	vmul.f32 v2, v9  }
0x289: {  	vm11 =	vge.f32 v9, $0.0e+00;
	v8 =	vld [tilespmem:s19+$0x26F0];
	v6 =	vsel vm12, v7, v6  }
0x28a: {  	v2 =	vsel vm11, v9, v2;
	v9 =	vld [tilespmem:s18+$0x2360];
	[tilespmem:s18+$0x2350] =	vst v6  }
0x28b: {  	[tilespmem:s19+$0x26E0] =	vst v2;
	v6 =	vld [tilespmem:s26+$0x260]  }
0x28c: {  	v4 =	vmul.f32 v4, v5;
	v2 =	vld [tilespmem:s25+$0x270]  }
0x28d: {  	vm13 =	vge.f32 v5, $0.0e+00;
	(v2sf) =	vpush v0, $0x2  }
0x28e: {  	v4 =	vsel vm13, v5, v4  }
0x28f: {  	v5 =	vld [tilespmem:s21+$0x2530];
	[tilespmem:s21+$0x2520] =	vst v4  }
0x290: {  	v4 =	vld [tilespmem:s24+$0x230];
	v6 =	vmul.f32 v6, v9  }
0x291: {  	vm15 =	vge.f32 v9, $0.0e+00;
	v2 =	vmul.f32 v2, v8  }
0x292: {  	vm14 =	vge.f32 v8, $0.0e+00;
	v7 =	vld [tilespmem:s19+$0x2700];
	v6 =	vsel vm15, v9, v6  }
0x293: {  	v2 =	vsel vm14, v8, v2;
	v8 =	vld [tilespmem:s18+$0x2370];
	[tilespmem:s18+$0x2360] =	vst v6  }
0x294: {  	s29 =	spop (v2sf);
	[tilespmem:s19+$0x26F0] =	vst v2;
	v6 =	vld [tilespmem:s26+$0x270]  }
0x295: {  	v4 =	vmul.f32 v4, v5;
	v2 =	vld [tilespmem:s29+$0x200]  }
0x296: {  	vm4 =	vge.f32 v5, $0.0e+00  }
0x297: {  	v4 =	vsel vm4, v5, v4  }
0x298: {  	v5 =	vld [tilespmem:s21+$0x2540];
	[tilespmem:s21+$0x2530] =	vst v4  }
0x299: {  	v4 =	vld [tilespmem:s24+$0x240];
	v6 =	vmul.f32 v6, v8  }
0x29a: {  	vm6 =	vge.f32 v8, $0.0e+00;
	v2 =	vmul.f32 v2, v7  }
0x29b: {  	vm5 =	vge.f32 v7, $0.0e+00;
	v6 =	vsel vm6, v8, v6;
	v8 =	vld [tilespmem:s18+$0x2380]  }
0x29c: {  	s30 =	spop (v2sf);
	v2 =	vsel vm5, v7, v2;
	v7 =	vld [tilespmem:s19+$0x2710];
	[tilespmem:s18+$0x2370] =	vst v6  }
0x29d: {  	[tilespmem:s19+$0x2700] =	vst v2;
	v6 =	vld [tilespmem:s30+$0x200]  }
0x29e: {  	v4 =	vmul.f32 v4, v5;
	v2 =	vld [tilespmem:s29+$0x210]  }
0x29f: {  	vm7 =	vge.f32 v5, $0.0e+00  }
0x2a0: {  	v4 =	vsel vm7, v5, v4  }
0x2a1: {  	v5 =	vld [tilespmem:s21+$0x2550];
	[tilespmem:s21+$0x2540] =	vst v4  }
0x2a2: {  	v4 =	vld [tilespmem:s24+$0x250];
	v6 =	vmul.f32 v6, v8  }
0x2a3: {  	vm9 =	vge.f32 v8, $0.0e+00;
	v2 =	vmul.f32 v2, v7  }
0x2a4: {  	vm8 =	vge.f32 v7, $0.0e+00;
	v6 =	vsel vm9, v8, v6;
	v8 =	vld [tilespmem:s18+$0x2390]  }
0x2a5: {  	v2 =	vsel vm8, v7, v2;
	v7 =	vld [tilespmem:s19+$0x2720];
	[tilespmem:s18+$0x2380] =	vst v6  }
0x2a6: {  	[tilespmem:s19+$0x2710] =	vst v2;
	v6 =	vld [tilespmem:s30+$0x210]  }
0x2a7: {  	v4 =	vmul.f32 v4, v5;
	v2 =	vld [tilespmem:s29+$0x220]  }
0x2a8: {  	vm10 =	vge.f32 v5, $0.0e+00  }
0x2a9: {  	v4 =	vsel vm10, v5, v4  }
0x2aa: {  	v5 =	vld [tilespmem:s21+$0x2560];
	[tilespmem:s21+$0x2550] =	vst v4  }
0x2ab: {  	v4 =	vld [tilespmem:s24+$0x260];
	v6 =	vmul.f32 v6, v8  }
0x2ac: {  	vm12 =	vge.f32 v8, $0.0e+00;
	v2 =	vmul.f32 v2, v7  }
0x2ad: {  	(v2sf) =	vpush v1, $0x6;
	vm11 =	vge.f32 v7, $0.0e+00;
	v6 =	vsel vm12, v8, v6;
	v8 =	vld [tilespmem:s18+$0x23A0]  }
0x2ae: {  	v2 =	vsel vm11, v7, v2;
	v7 =	vld [tilespmem:s19+$0x2730];
	[tilespmem:s18+$0x2390] =	vst v6  }
0x2af: {  	[tilespmem:s19+$0x2720] =	vst v2;
	v6 =	vld [tilespmem:s30+$0x220]  }
0x2b0: {  	v4 =	vmul.f32 v4, v5;
	v2 =	vld [tilespmem:s29+$0x230]  }
0x2b1: {  	vm13 =	vge.f32 v5, $0.0e+00  }
0x2b2: {  	v4 =	vsel vm13, v5, v4  }
0x2b3: {  	v5 =	vld [tilespmem:s21+$0x2570];
	[tilespmem:s21+$0x2560] =	vst v4  }
0x2b4: {  	v4 =	vld [tilespmem:s24+$0x270];
	v6 =	vmul.f32 v6, v8  }
0x2b5: {  	vm15 =	vge.f32 v8, $0.0e+00;
	v2 =	vmul.f32 v2, v7  }
0x2b6: {  	vm14 =	vge.f32 v7, $0.0e+00;
	v6 =	vsel vm15, v8, v6;
	v8 =	vld [tilespmem:s18+$0x23B0]  }
0x2b7: {  	v2 =	vsel vm14, v7, v2;
	v7 =	vld [tilespmem:s19+$0x2740];
	[tilespmem:s18+$0x23A0] =	vst v6  }
0x2b8: {  	[tilespmem:s19+$0x2730] =	vst v2;
	v6 =	vld [tilespmem:s30+$0x230]  }
0x2b9: {  	v4 =	vmul.f32 v4, v5;
	v2 =	vld [tilespmem:s29+$0x240]  }
0x2ba: {  	vm4 =	vge.f32 v5, $0.0e+00  }
0x2bb: {  	v4 =	vsel vm4, v5, v4  }
0x2bc: {  	s31 =	spop (v2sf);
	v5 =	vld [tilespmem:s21+$0x2580];
	[tilespmem:s21+$0x2570] =	vst v4  }
0x2bd: {  	v4 =	vld [tilespmem:s31+$0x200];
	v6 =	vmul.f32 v6, v8  }
0x2be: {  	vm6 =	vge.f32 v8, $0.0e+00;
	v2 =	vmul.f32 v2, v7  }
0x2bf: {  	vm5 =	vge.f32 v7, $0.0e+00;
	v6 =	vsel vm6, v8, v6;
	v8 =	vld [tilespmem:s18+$0x23C0]  }
0x2c0: {  	v2 =	vsel vm5, v7, v2;
	v7 =	vld [tilespmem:s19+$0x2750];
	[tilespmem:s18+$0x23B0] =	vst v6  }
0x2c1: {  	[tilespmem:s19+$0x2740] =	vst v2;
	v6 =	vld [tilespmem:s30+$0x240]  }
0x2c2: {  	v4 =	vmul.f32 v4, v5;
	v2 =	vld [tilespmem:s29+$0x250]  }
0x2c3: {  	vm7 =	vge.f32 v5, $0.0e+00  }
0x2c4: {  	v4 =	vsel vm7, v5, v4  }
0x2c5: {  	v5 =	vld [tilespmem:s21+$0x2590];
	[tilespmem:s21+$0x2580] =	vst v4  }
0x2c6: {  	v4 =	vld [tilespmem:s31+$0x210];
	v6 =	vmul.f32 v6, v8  }
0x2c7: {  	vm9 =	vge.f32 v8, $0.0e+00;
	v2 =	vmul.f32 v2, v7  }
0x2c8: {  	vm8 =	vge.f32 v7, $0.0e+00;
	v6 =	vsel vm9, v8, v6;
	v8 =	vld [tilespmem:s18+$0x23D0]  }
0x2c9: {  	v2 =	vsel vm8, v7, v2;
	v7 =	vld [tilespmem:s19+$0x2760];
	[tilespmem:s18+$0x23C0] =	vst v6  }
0x2ca: {  	[tilespmem:s19+$0x2750] =	vst v2;
	v6 =	vld [tilespmem:s30+$0x250]  }
0x2cb: {  	v4 =	vmul.f32 v4, v5;
	v2 =	vld [tilespmem:s29+$0x260]  }
0x2cc: {  	vm10 =	vge.f32 v5, $0.0e+00  }
0x2cd: {  	(v2sf) =	vpush v3, $0xA;
	v4 =	vsel vm10, v5, v4  }
0x2ce: {  	v5 =	vld [tilespmem:s21+$0x25A0];
	[tilespmem:s21+$0x2590] =	vst v4  }
0x2cf: {  	v4 =	vld [tilespmem:s31+$0x220];
	v6 =	vmul.f32 v6, v8  }
0x2d0: {  	vm12 =	vge.f32 v8, $0.0e+00;
	v2 =	vmul.f32 v2, v7  }
0x2d1: {  	vm11 =	vge.f32 v7, $0.0e+00;
	v6 =	vsel vm12, v8, v6;
	v8 =	vld [tilespmem:s18+$0x23E0]  }
0x2d2: {  	v2 =	vsel vm11, v7, v2;
	v7 =	vld [tilespmem:s19+$0x2770];
	[tilespmem:s18+$0x23D0] =	vst v6  }
0x2d3: {  	[tilespmem:s19+$0x2760] =	vst v2;
	v6 =	vld [tilespmem:s30+$0x260]  }
0x2d4: {  	v4 =	vmul.f32 v4, v5;
	v2 =	vld [tilespmem:s29+$0x270]  }
0x2d5: {  	(v2sf) =	vpush v0, $0x3;
	vm13 =	vge.f32 v5, $0.0e+00  }
0x2d6: {  	v4 =	vsel vm13, v5, v4  }
0x2d7: {  	v5 =	vld [tilespmem:s21+$0x25B0];
	[tilespmem:s21+$0x25A0] =	vst v4  }
0x2d8: {  	v4 =	vld [tilespmem:s31+$0x230];
	v6 =	vmul.f32 v6, v8  }
0x2d9: {  	vm15 =	vge.f32 v8, $0.0e+00;
	v2 =	vmul.f32 v2, v7  }
0x2da: {  	vm14 =	vge.f32 v7, $0.0e+00;
	v6 =	vsel vm15, v8, v6;
	v8 =	vld [tilespmem:s18+$0x23F0]  }
0x2db: {  	v2 =	vsel vm14, v7, v2;
	v7 =	vld [tilespmem:s19+$0x2780];
	[tilespmem:s18+$0x23E0] =	vst v6  }
0x2dc: {  	s23 =	spop (v2sf);
	[tilespmem:s19+$0x2770] =	vst v2;
	v6 =	vld [tilespmem:s30+$0x270]  }
0x2dd: {  	v4 =	vmul.f32 v4, v5;
	v2 =	vld [tilespmem:s23+$0x200]  }
0x2de: {  	vm4 =	vge.f32 v5, $0.0e+00  }
0x2df: {  	v4 =	vsel vm4, v5, v4  }
0x2e0: {  	v5 =	vld [tilespmem:s21+$0x25C0];
	[tilespmem:s21+$0x25B0] =	vst v4  }
0x2e1: {  	v4 =	vld [tilespmem:s31+$0x240];
	v6 =	vmul.f32 v6, v8  }
0x2e2: {  	vm6 =	vge.f32 v8, $0.0e+00;
	v2 =	vmul.f32 v2, v7  }
0x2e3: {  	vm5 =	vge.f32 v7, $0.0e+00;
	v6 =	vsel vm6, v8, v6;
	v8 =	vld [tilespmem:s18+$0x2400]  }
0x2e4: {  	s26 =	spop (v2sf);
	v2 =	vsel vm5, v7, v2;
	v7 =	vld [tilespmem:s19+$0x2790];
	[tilespmem:s18+$0x23F0] =	vst v6  }
0x2e5: {  	[tilespmem:s19+$0x2780] =	vst v2;
	v6 =	vld [tilespmem:s26+$0x200]  }
0x2e6: {  	v4 =	vmul.f32 v4, v5;
	v2 =	vld [tilespmem:s23+$0x210]  }
0x2e7: {  	vm7 =	vge.f32 v5, $0.0e+00  }
0x2e8: {  	v4 =	vsel vm7, v5, v4  }
0x2e9: {  	v5 =	vld [tilespmem:s21+$0x25D0];
	[tilespmem:s21+$0x25C0] =	vst v4  }
0x2ea: {  	v4 =	vld [tilespmem:s31+$0x250];
	v6 =	vmul.f32 v6, v8  }
0x2eb: {  	vm9 =	vge.f32 v8, $0.0e+00;
	v2 =	vmul.f32 v2, v7  }
0x2ec: {  	vm8 =	vge.f32 v7, $0.0e+00;
	v6 =	vsel vm9, v8, v6;
	v8 =	vld [tilespmem:s18+$0x2410]  }
0x2ed: {  	v2 =	vsel vm8, v7, v2;
	v7 =	vld [tilespmem:s19+$0x27A0];
	[tilespmem:s18+$0x2400] =	vst v6  }
0x2ee: {  	[tilespmem:s19+$0x2790] =	vst v2;
	v6 =	vld [tilespmem:s26+$0x210]  }
0x2ef: {  	v4 =	vmul.f32 v4, v5;
	v2 =	vld [tilespmem:s23+$0x220]  }
0x2f0: {  	vm10 =	vge.f32 v5, $0.0e+00  }
0x2f1: {  	v4 =	vsel vm10, v5, v4  }
0x2f2: {  	v5 =	vld [tilespmem:s21+$0x25E0];
	[tilespmem:s21+$0x25D0] =	vst v4  }
0x2f3: {  	v4 =	vld [tilespmem:s31+$0x260];
	v6 =	vmul.f32 v6, v8  }
0x2f4: {  	vm12 =	vge.f32 v8, $0.0e+00;
	v2 =	vmul.f32 v2, v7  }
0x2f5: {  	(v2sf) =	vpush v1, $0x7;
	vm11 =	vge.f32 v7, $0.0e+00;
	v6 =	vsel vm12, v8, v6;
	v8 =	vld [tilespmem:s18+$0x2420]  }
0x2f6: {  	v2 =	vsel vm11, v7, v2;
	v7 =	vld [tilespmem:s19+$0x27B0];
	[tilespmem:s18+$0x2410] =	vst v6  }
0x2f7: {  	s29 =	simm.s32 $0x30;
	[tilespmem:s19+$0x27A0] =	vst v2;
	v6 =	vld [tilespmem:s26+$0x220]  }
0x2f8: {  	s22 =	sand.u32 $0x3FFFFFF0, s29;
	v4 =	vmul.f32 v4, v5;
	v2 =	vld [tilespmem:s23+$0x230]  }
0x2f9: {  	v9 =	vld [tilespmem:s22+$0x0];
	vm13 =	vge.f32 v5, $0.0e+00  }
0x2fa: {  	v4 =	vsel vm13, v5, v4  }
0x2fb: {  	v5 =	vld [tilespmem:s21+$0x25F0];
	[tilespmem:s21+$0x25E0] =	vst v4  }
0x2fc: {  	v4 =	vld [tilespmem:s31+$0x270];
	v6 =	vmul.f32 v6, v8  }
0x2fd: {  	vm15 =	vge.f32 v8, $0.0e+00;
	v10 =	vmul.f32 v2, v7  }
0x2fe: {  	vm14 =	vge.f32 v7, $0.0e+00;
	v2 =	vshll.u32 v9, $0x7;
	v9 =	vld [tilespmem:s19+$0x27C0];
	v6 =	vsel vm15, v8, v6  }
0x2ff: {  	(v2sf) =	vpush v2, $0x0;
	v8 =	vld [tilespmem:s18+$0x2430];
	v7 =	vsel vm14, v7, v10;
	[tilespmem:s18+$0x2420] =	vst v6  }
0x300: {  	[tilespmem:s19+$0x27B0] =	vst v7;
	v7 =	vld [tilespmem:s26+$0x230]  }
0x301: {  	v4 =	vmul.f32 v4, v5;
	v6 =	vld [tilespmem:s23+$0x240]  }
0x302: {  	vm4 =	vge.f32 v5, $0.0e+00  }
0x303: {  	v4 =	vsel vm4, v5, v4  }
0x304: {  	s25 =	spop (v2sf);
	v5 =	vld [tilespmem:s21+$0x2600];
	[tilespmem:s21+$0x25F0] =	vst v4  }
0x305: {  	v4 =	vld [tilespmem:s25+$0x200];
	v7 =	vmul.f32 v7, v8  }
0x306: {  	vm6 =	vge.f32 v8, $0.0e+00;
	v6 =	vmul.f32 v6, v9  }
0x307: {  	vm5 =	vge.f32 v9, $0.0e+00;
	v7 =	vsel vm6, v8, v7;
	v8 =	vld [tilespmem:s18+$0x2440]  }
0x308: {  	v6 =	vsel vm5, v9, v6;
	v9 =	vld [tilespmem:s19+$0x27D0];
	[tilespmem:s18+$0x2430] =	vst v7  }
0x309: {  	[tilespmem:s19+$0x27C0] =	vst v6;
	v7 =	vld [tilespmem:s26+$0x240]  }
0x30a: {  	v4 =	vmul.f32 v4, v5;
	v6 =	vld [tilespmem:s23+$0x250]  }
0x30b: {  	s30 =	simm.s32 $0x1800;
	vm7 =	vge.f32 v5, $0.0e+00  }
0x30c: {  	s20 =	sand.u32 $0x3FFFF800, s30;
	v10 =	vld [tilespmem:s21+$0x2610];
	v4 =	vsel vm7, v5, v4  }
0x30d: {  	v5 =	vld [tilespmem:s20+$0x2280];
	[tilespmem:s21+$0x2600] =	vst v4  }
0x30e: {  	v4 =	vld [tilespmem:s25+$0x210];
	s31 =	spop (v2sf);
	v7 =	vmul.f32 v7, v8  }
0x30f: {  	vm9 =	vge.f32 v8, $0.0e+00;
	v11 =	vld [tilespmem:s31+$0x200];
	v6 =	vmul.f32 v6, v9  }
0x310: {  	vm8 =	vge.f32 v9, $0.0e+00;
	v7 =	vsel vm9, v8, v7;
	v8 =	vld [tilespmem:s18+$0x2450]  }
0x311: {  	v6 =	vsel vm8, v9, v6;
	v9 =	vld [tilespmem:s19+$0x27E0];
	[tilespmem:s18+$0x2440] =	vst v7  }
0x312: {  	[tilespmem:s19+$0x27D0] =	vst v6;
	v7 =	vld [tilespmem:s26+$0x250]  }
0x313: {  	v4 =	vmul.f32 v4, v10;
	v6 =	vld [tilespmem:s23+$0x260]  }
0x314: {  	vm10 =	vge.f32 v10, $0.0e+00;
	v11 =	vmul.f32 v11, v5  }
0x315: {  	v12 =	vld [tilespmem:s21+$0x2620];
	(v2sf) =	vpush v3, $0xB;
	vm11 =	vge.f32 v5, $0.0e+00;
	v4 =	vsel vm10, v10, v4  }
0x316: {  	v10 =	vld [tilespmem:s20+$0x2290];
	[tilespmem:s21+$0x2610] =	vst v4;
	v5 =	vsel vm11, v5, v11  }
0x317: {  	v4 =	vld [tilespmem:s25+$0x220];
	[tilespmem:s20+$0x2280] =	vst v5;
	v7 =	vmul.f32 v7, v8  }
0x318: {  	vm13 =	vge.f32 v8, $0.0e+00;
	v5 =	vmul.f32 v6, v9;
	v6 =	vld [tilespmem:s31+$0x210]  }
0x319: {  	vm12 =	vge.f32 v9, $0.0e+00;
	v7 =	vsel vm13, v8, v7;
	v8 =	vld [tilespmem:s18+$0x2460]  }
0x31a: {  	v5 =	vsel vm12, v9, v5;
	v9 =	vld [tilespmem:s19+$0x27F0];
	[tilespmem:s18+$0x2450] =	vst v7  }
0x31b: {  	[tilespmem:s19+$0x27E0] =	vst v5;
	v7 =	vld [tilespmem:s26+$0x260]  }
0x31c: {  	v4 =	vmul.f32 v4, v12;
	v5 =	vld [tilespmem:s23+$0x270]  }
0x31d: {  	vm14 =	vge.f32 v12, $0.0e+00;
	(v2sf) =	vpush v0, $0x4;
	v6 =	vmul.f32 v6, v10  }
0x31e: {  	v11 =	vld [tilespmem:s21+$0x2630];
	vm15 =	vge.f32 v10, $0.0e+00;
	v4 =	vsel vm14, v12, v4  }
0x31f: {  	v12 =	vld [tilespmem:s20+$0x22A0];
	[tilespmem:s21+$0x2620] =	vst v4;
	v6 =	vsel vm15, v10, v6  }
0x320: {  	v4 =	vld [tilespmem:s25+$0x230];
	[tilespmem:s20+$0x2290] =	vst v6;
	v7 =	vmul.f32 v7, v8  }
0x321: {  	vm5 =	vge.f32 v8, $0.0e+00;
	v5 =	vmul.f32 v5, v9;
	v6 =	vld [tilespmem:s31+$0x220]  }
0x322: {  	vm4 =	vge.f32 v9, $0.0e+00;
	v7 =	vsel vm5, v8, v7;
	v8 =	vld [tilespmem:s18+$0x2470]  }
0x323: {  	v5 =	vsel vm4, v9, v5;
	v9 =	vld [tilespmem:s19+$0x2800];
	[tilespmem:s18+$0x2460] =	vst v7  }
0x324: {  	s29 =	spop (v2sf);
	[tilespmem:s19+$0x27F0] =	vst v5;
	v7 =	vld [tilespmem:s26+$0x270]  }
0x325: {  	v4 =	vmul.f32 v4, v11;
	v5 =	vld [tilespmem:s29+$0x200]  }
0x326: {  	vm6 =	vge.f32 v11, $0.0e+00;
	v6 =	vmul.f32 v6, v12  }
0x327: {  	v10 =	vld [tilespmem:s21+$0x2640];
	vm7 =	vge.f32 v12, $0.0e+00;
	v4 =	vsel vm6, v11, v4  }
0x328: {  	v11 =	vld [tilespmem:s20+$0x22B0];
	[tilespmem:s21+$0x2630] =	vst v4;
	v6 =	vsel vm7, v12, v6  }
0x329: {  	v4 =	vld [tilespmem:s25+$0x240];
	[tilespmem:s20+$0x22A0] =	vst v6;
	v7 =	vmul.f32 v7, v8  }
0x32a: {  	vm9 =	vge.f32 v8, $0.0e+00;
	v5 =	vmul.f32 v5, v9;
	v6 =	vld [tilespmem:s31+$0x230]  }
0x32b: {  	vm8 =	vge.f32 v9, $0.0e+00;
	v7 =	vsel vm9, v8, v7;
	v8 =	vld [tilespmem:s18+$0x2480]  }
0x32c: {  	s30 =	spop (v2sf);
	v5 =	vsel vm8, v9, v5;
	v9 =	vld [tilespmem:s19+$0x2810];
	[tilespmem:s18+$0x2470] =	vst v7  }
0x32d: {  	[tilespmem:s19+$0x2800] =	vst v5;
	v7 =	vld [tilespmem:s30+$0x200]  }
0x32e: {  	v4 =	vmul.f32 v4, v10;
	v5 =	vld [tilespmem:s29+$0x210]  }
0x32f: {  	vm10 =	vge.f32 v10, $0.0e+00;
	v6 =	vmul.f32 v6, v11  }
0x330: {  	v12 =	vld [tilespmem:s21+$0x2650];
	vm11 =	vge.f32 v11, $0.0e+00;
	v4 =	vsel vm10, v10, v4  }
0x331: {  	v10 =	vld [tilespmem:s20+$0x22C0];
	[tilespmem:s21+$0x2640] =	vst v4;
	v6 =	vsel vm11, v11, v6  }
0x332: {  	v4 =	vld [tilespmem:s25+$0x250];
	[tilespmem:s20+$0x22B0] =	vst v6;
	v7 =	vmul.f32 v7, v8  }
0x333: {  	vm13 =	vge.f32 v8, $0.0e+00;
	v5 =	vmul.f32 v5, v9;
	v6 =	vld [tilespmem:s31+$0x240]  }
0x334: {  	vm12 =	vge.f32 v9, $0.0e+00;
	v7 =	vsel vm13, v8, v7;
	v8 =	vld [tilespmem:s18+$0x2490]  }
0x335: {  	v5 =	vsel vm12, v9, v5;
	v9 =	vld [tilespmem:s19+$0x2820];
	[tilespmem:s18+$0x2480] =	vst v7  }
0x336: {  	[tilespmem:s19+$0x2810] =	vst v5;
	v7 =	vld [tilespmem:s30+$0x210]  }
0x337: {  	v4 =	vmul.f32 v4, v12;
	v5 =	vld [tilespmem:s29+$0x220]  }
0x338: {  	vm14 =	vge.f32 v12, $0.0e+00;
	v6 =	vmul.f32 v6, v10  }
0x339: {  	v11 =	vld [tilespmem:s21+$0x2660];
	vm15 =	vge.f32 v10, $0.0e+00;
	v4 =	vsel vm14, v12, v4  }
0x33a: {  	v12 =	vld [tilespmem:s20+$0x22D0];
	[tilespmem:s21+$0x2650] =	vst v4;
	v6 =	vsel vm15, v10, v6  }
0x33b: {  	v4 =	vld [tilespmem:s25+$0x260];
	[tilespmem:s20+$0x22C0] =	vst v6;
	v7 =	vmul.f32 v7, v8  }
0x33c: {  	vm5 =	vge.f32 v8, $0.0e+00;
	v5 =	vmul.f32 v5, v9;
	v6 =	vld [tilespmem:s31+$0x250]  }
0x33d: {  	(v2sf) =	vpush v1, $0x8;
	vm4 =	vge.f32 v9, $0.0e+00;
	v7 =	vsel vm5, v8, v7;
	v8 =	vld [tilespmem:s18+$0x24A0]  }
0x33e: {  	v5 =	vsel vm4, v9, v5;
	v9 =	vld [tilespmem:s19+$0x2830];
	[tilespmem:s18+$0x2490] =	vst v7  }
0x33f: {  	[tilespmem:s19+$0x2820] =	vst v5;
	v7 =	vld [tilespmem:s30+$0x220]  }
0x340: {  	v4 =	vmul.f32 v4, v11;
	v5 =	vld [tilespmem:s29+$0x230]  }
0x341: {  	vm6 =	vge.f32 v11, $0.0e+00;
	v6 =	vmul.f32 v6, v12  }
0x342: {  	v10 =	vld [tilespmem:s21+$0x2670];
	vm7 =	vge.f32 v12, $0.0e+00;
	v4 =	vsel vm6, v11, v4  }
0x343: {  	v11 =	vld [tilespmem:s20+$0x22E0];
	[tilespmem:s21+$0x2660] =	vst v4;
	v6 =	vsel vm7, v12, v6  }
0x344: {  	v4 =	vld [tilespmem:s25+$0x270];
	[tilespmem:s20+$0x22D0] =	vst v6;
	v7 =	vmul.f32 v7, v8  }
0x345: {  	vm9 =	vge.f32 v8, $0.0e+00;
	v5 =	vmul.f32 v5, v9;
	v6 =	vld [tilespmem:s31+$0x260]  }
0x346: {  	vm8 =	vge.f32 v9, $0.0e+00;
	v7 =	vsel vm9, v8, v7;
	v8 =	vld [tilespmem:s18+$0x24B0]  }
0x347: {  	(v2sf) =	vpush v2, $0x1;
	v5 =	vsel vm8, v9, v5;
	v9 =	vld [tilespmem:s19+$0x2840];
	[tilespmem:s18+$0x24A0] =	vst v7  }
0x348: {  	[tilespmem:s19+$0x2830] =	vst v5;
	v7 =	vld [tilespmem:s30+$0x230]  }
0x349: {  	v4 =	vmul.f32 v4, v10;
	v5 =	vld [tilespmem:s29+$0x240]  }
0x34a: {  	vm10 =	vge.f32 v10, $0.0e+00;
	v6 =	vmul.f32 v6, v11  }
0x34b: {  	v12 =	vld [tilespmem:s21+$0x2680];
	vm11 =	vge.f32 v11, $0.0e+00;
	v4 =	vsel vm10, v10, v4  }
0x34c: {  	s26 =	spop (v2sf);
	v10 =	vld [tilespmem:s20+$0x22F0];
	[tilespmem:s21+$0x2670] =	vst v4;
	v6 =	vsel vm11, v11, v6  }
0x34d: {  	v4 =	vld [tilespmem:s26+$0x200];
	[tilespmem:s20+$0x22E0] =	vst v6;
	v7 =	vmul.f32 v7, v8  }
0x34e: {  	vm13 =	vge.f32 v8, $0.0e+00;
	v5 =	vmul.f32 v5, v9;
	v6 =	vld [tilespmem:s31+$0x270]  }
0x34f: {  	vm12 =	vge.f32 v9, $0.0e+00;
	v7 =	vsel vm13, v8, v7;
	v8 =	vld [tilespmem:s18+$0x24C0]  }
0x350: {  	v5 =	vsel vm12, v9, v5;
	v9 =	vld [tilespmem:s19+$0x2850];
	[tilespmem:s18+$0x24B0] =	vst v7  }
0x351: {  	[tilespmem:s19+$0x2840] =	vst v5;
	v7 =	vld [tilespmem:s30+$0x240]  }
0x352: {  	v4 =	vmul.f32 v4, v12;
	v5 =	vld [tilespmem:s29+$0x250]  }
0x353: {  	vm14 =	vge.f32 v12, $0.0e+00;
	v6 =	vmul.f32 v6, v10  }
0x354: {  	v11 =	vld [tilespmem:s21+$0x2690];
	vm15 =	vge.f32 v10, $0.0e+00;
	v4 =	vsel vm14, v12, v4  }
0x355: {  	v12 =	vld [tilespmem:s20+$0x2300];
	[tilespmem:s21+$0x2680] =	vst v4;
	v6 =	vsel vm15, v10, v6  }
0x356: {  	s31 =	spop (v2sf);
	v4 =	vld [tilespmem:s26+$0x210];
	[tilespmem:s20+$0x22F0] =	vst v6;
	v7 =	vmul.f32 v7, v8  }
0x357: {  	vm5 =	vge.f32 v8, $0.0e+00;
	v5 =	vmul.f32 v5, v9;
	v6 =	vld [tilespmem:s31+$0x200]  }
0x358: {  	vm4 =	vge.f32 v9, $0.0e+00;
	v7 =	vsel vm5, v8, v7;
	v8 =	vld [tilespmem:s18+$0x24D0]  }
0x359: {  	v5 =	vsel vm4, v9, v5;
	v9 =	vld [tilespmem:s19+$0x2860];
	[tilespmem:s18+$0x24C0] =	vst v7  }
0x35a: {  	[tilespmem:s19+$0x2850] =	vst v5;
	v7 =	vld [tilespmem:s30+$0x250]  }
0x35b: {  	v4 =	vmul.f32 v4, v11;
	v5 =	vld [tilespmem:s29+$0x260]  }
0x35c: {  	vm6 =	vge.f32 v11, $0.0e+00;
	v6 =	vmul.f32 v6, v12  }
0x35d: {  	(v2sf) =	vpush v3, $0xC;
	v10 =	vld [tilespmem:s21+$0x26A0];
	vm7 =	vge.f32 v12, $0.0e+00;
	v4 =	vsel vm6, v11, v4  }
0x35e: {  	v11 =	vld [tilespmem:s20+$0x2310];
	[tilespmem:s21+$0x2690] =	vst v4;
	v6 =	vsel vm7, v12, v6  }
0x35f: {  	v4 =	vld [tilespmem:s26+$0x220];
	[tilespmem:s20+$0x2300] =	vst v6;
	v7 =	vmul.f32 v7, v8  }
0x360: {  	vm9 =	vge.f32 v8, $0.0e+00;
	v5 =	vmul.f32 v5, v9;
	v6 =	vld [tilespmem:s31+$0x210]  }
0x361: {  	vm8 =	vge.f32 v9, $0.0e+00;
	v7 =	vsel vm9, v8, v7;
	v8 =	vld [tilespmem:s18+$0x24E0]  }
0x362: {  	v5 =	vsel vm8, v9, v5;
	v9 =	vld [tilespmem:s19+$0x2870];
	[tilespmem:s18+$0x24D0] =	vst v7  }
0x363: {  	[tilespmem:s19+$0x2860] =	vst v5;
	v7 =	vld [tilespmem:s30+$0x260]  }
0x364: {  	v4 =	vmul.f32 v4, v10;
	v5 =	vld [tilespmem:s29+$0x270]  }
0x365: {  	(v2sf) =	vpush v0, $0x5;
	vm10 =	vge.f32 v10, $0.0e+00;
	v6 =	vmul.f32 v6, v11  }
0x366: {  	v12 =	vld [tilespmem:s21+$0x26B0];
	vm11 =	vge.f32 v11, $0.0e+00;
	v4 =	vsel vm10, v10, v4  }
0x367: {  	v10 =	vld [tilespmem:s20+$0x2320];
	[tilespmem:s21+$0x26A0] =	vst v4;
	v6 =	vsel vm11, v11, v6  }
0x368: {  	v4 =	vld [tilespmem:s26+$0x230];
	[tilespmem:s20+$0x2310] =	vst v6;
	v7 =	vmul.f32 v7, v8  }
0x369: {  	vm13 =	vge.f32 v8, $0.0e+00;
	v5 =	vmul.f32 v5, v9;
	v6 =	vld [tilespmem:s31+$0x220]  }
0x36a: {  	vm12 =	vge.f32 v9, $0.0e+00;
	v7 =	vsel vm13, v8, v7;
	v8 =	vld [tilespmem:s18+$0x24F0]  }
0x36b: {  	v5 =	vsel vm12, v9, v5;
	v9 =	vld [tilespmem:s19+$0x2880];
	[tilespmem:s18+$0x24E0] =	vst v7  }
0x36c: {  	s24 =	spop (v2sf);
	[tilespmem:s19+$0x2870] =	vst v5;
	v7 =	vld [tilespmem:s30+$0x270]  }
0x36d: {  	v4 =	vmul.f32 v4, v12;
	v5 =	vld [tilespmem:s24+$0x200]  }
0x36e: {  	vm14 =	vge.f32 v12, $0.0e+00;
	v6 =	vmul.f32 v6, v10  }
0x36f: {  	v11 =	vld [tilespmem:s21+$0x26C0];
	vm15 =	vge.f32 v10, $0.0e+00;
	v4 =	vsel vm14, v12, v4  }
0x370: {  	v12 =	vld [tilespmem:s20+$0x2330];
	[tilespmem:s21+$0x26B0] =	vst v4;
	v6 =	vsel vm15, v10, v6  }
0x371: {  	v4 =	vld [tilespmem:s26+$0x240];
	[tilespmem:s20+$0x2320] =	vst v6;
	v7 =	vmul.f32 v7, v8  }
0x372: {  	vm5 =	vge.f32 v8, $0.0e+00;
	v5 =	vmul.f32 v5, v9;
	v6 =	vld [tilespmem:s31+$0x230]  }
0x373: {  	vm4 =	vge.f32 v9, $0.0e+00;
	v7 =	vsel vm5, v8, v7;
	v8 =	vld [tilespmem:s18+$0x2500]  }
0x374: {  	s29 =	spop (v2sf);
	v5 =	vsel vm4, v9, v5;
	v9 =	vld [tilespmem:s19+$0x2890];
	[tilespmem:s18+$0x24F0] =	vst v7  }
0x375: {  	[tilespmem:s19+$0x2880] =	vst v5;
	v7 =	vld [tilespmem:s29+$0x200]  }
0x376: {  	v4 =	vmul.f32 v4, v11;
	v5 =	vld [tilespmem:s24+$0x210]  }
0x377: {  	vm6 =	vge.f32 v11, $0.0e+00;
	v6 =	vmul.f32 v6, v12  }
0x378: {  	v10 =	vld [tilespmem:s21+$0x26D0];
	vm7 =	vge.f32 v12, $0.0e+00;
	v4 =	vsel vm6, v11, v4  }
0x379: {  	v11 =	vld [tilespmem:s20+$0x2340];
	[tilespmem:s21+$0x26C0] =	vst v4;
	v6 =	vsel vm7, v12, v6  }
0x37a: {  	v4 =	vld [tilespmem:s26+$0x250];
	[tilespmem:s20+$0x2330] =	vst v6;
	v7 =	vmul.f32 v7, v8  }
0x37b: {  	vm9 =	vge.f32 v8, $0.0e+00;
	v5 =	vmul.f32 v5, v9;
	v6 =	vld [tilespmem:s31+$0x240]  }
0x37c: {  	vm8 =	vge.f32 v9, $0.0e+00;
	v7 =	vsel vm9, v8, v7;
	v8 =	vld [tilespmem:s18+$0x2510]  }
0x37d: {  	v5 =	vsel vm8, v9, v5;
	v9 =	vld [tilespmem:s19+$0x28A0];
	[tilespmem:s18+$0x2500] =	vst v7  }
0x37e: {  	[tilespmem:s19+$0x2890] =	vst v5;
	v7 =	vld [tilespmem:s29+$0x210]  }
0x37f: {  	v4 =	vmul.f32 v4, v10;
	v5 =	vld [tilespmem:s24+$0x220]  }
0x380: {  	vm10 =	vge.f32 v10, $0.0e+00;
	v6 =	vmul.f32 v6, v11  }
0x381: {  	v12 =	vld [tilespmem:s21+$0x26E0];
	vm11 =	vge.f32 v11, $0.0e+00;
	v4 =	vsel vm10, v10, v4  }
0x382: {  	v10 =	vld [tilespmem:s20+$0x2350];
	[tilespmem:s21+$0x26D0] =	vst v4;
	v6 =	vsel vm11, v11, v6  }
0x383: {  	v4 =	vld [tilespmem:s26+$0x260];
	[tilespmem:s20+$0x2340] =	vst v6;
	v7 =	vmul.f32 v7, v8  }
0x384: {  	vm13 =	vge.f32 v8, $0.0e+00;
	v5 =	vmul.f32 v5, v9;
	v6 =	vld [tilespmem:s31+$0x250]  }
0x385: {  	(v2sf) =	vpush v1, $0x9;
	vm12 =	vge.f32 v9, $0.0e+00;
	v7 =	vsel vm13, v8, v7;
	v8 =	vld [tilespmem:s18+$0x2520]  }
0x386: {  	v5 =	vsel vm12, v9, v5;
	v9 =	vld [tilespmem:s19+$0x28B0];
	[tilespmem:s18+$0x2510] =	vst v7  }
0x387: {  	[tilespmem:s19+$0x28A0] =	vst v5;
	v7 =	vld [tilespmem:s29+$0x220]  }
0x388: {  	v11 =	vmul.f32 v4, v12;
	v5 =	vld [tilespmem:s24+$0x230]  }
0x389: {  	vm14 =	vge.f32 v12, $0.0e+00;
	v6 =	vmul.f32 v6, v10  }
0x38a: {  	vm15 =	vge.f32 v10, $0.0e+00;
	v11 =	vsel vm14, v12, v11;
	v12 =	vld [tilespmem:s21+$0x26F0]  }
0x38b: {  	[tilespmem:s21+$0x26E0] =	vst v11;
	v6 =	vsel vm15, v10, v6;
	v10 =	vld [tilespmem:s20+$0x2360]  }
0x38c: {  	[tilespmem:s20+$0x2350] =	vst v6;
	v6 =	vld [tilespmem:s26+$0x270];
	v7 =	vmul.f32 v7, v8  }
0x38d: {  	vm5 =	vge.f32 v8, $0.0e+00;
	v5 =	vmul.f32 v5, v9;
	v11 =	vld [tilespmem:s31+$0x260]  }
0x38e: {  	vm4 =	vge.f32 v9, $0.0e+00;
	v7 =	vsel vm5, v8, v7;
	v8 =	vld [tilespmem:s18+$0x2530]  }
0x38f: {  	(v2sf) =	vpush v2, $0x2;
	v5 =	vsel vm4, v9, v5;
	v9 =	vld [tilespmem:s19+$0x28C0];
	[tilespmem:s18+$0x2520] =	vst v7  }
0x390: {  	[tilespmem:s19+$0x28B0] =	vst v5;
	v13 =	vld [tilespmem:s29+$0x230]  }
0x391: {  	v7 =	vld [tilespmem:s24+$0x240];
	v6 =	vmul.f32 v6, v12  }
0x392: {  	v18 =	vld [tilespmem:s19+$0x2910];
	vm6 =	vge.f32 v12, $0.0e+00;
	v11 =	vmul.f32 v11, v10  }
0x393: {  	vm7 =	vge.f32 v10, $0.0e+00;
	v6 =	vsel vm6, v12, v6;
	v12 =	vld [tilespmem:s21+$0x2700]  }
0x394: {  	s30 =	spop (v2sf);
	v10 =	vsel vm7, v10, v11;
	v11 =	vld [tilespmem:s20+$0x2370];
	[tilespmem:s21+$0x26F0] =	vst v6  }
0x395: {  	[tilespmem:s20+$0x2360] =	vst v10;
	v6 =	vld [tilespmem:s30+$0x200];
	v13 =	vmul.f32 v13, v8  }
0x396: {  	vm9 =	vge.f32 v8, $0.0e+00;
	v7 =	vmul.f32 v7, v9;
	v10 =	vld [tilespmem:s31+$0x270]  }
0x397: {  	vm8 =	vge.f32 v9, $0.0e+00;
	v8 =	vsel vm9, v8, v13;
	v13 =	vld [tilespmem:s18+$0x2540]  }
0x398: {  	v7 =	vsel vm8, v9, v7;
	v9 =	vld [tilespmem:s19+$0x28D0];
	[tilespmem:s18+$0x2530] =	vst v8  }
0x399: {  	[tilespmem:s19+$0x28C0] =	vst v7;
	v8 =	vld [tilespmem:s29+$0x240]  }
0x39a: {  	v7 =	vld [tilespmem:s24+$0x250];
	v14 =	vmul.f32 v6, v12  }
0x39b: {  	v4 =	vld [tilespmem:s19+$0x2A70];
	vm10 =	vge.f32 v12, $0.0e+00;
	v10 =	vmul.f32 v10, v11  }
0x39c: {  	vm11 =	vge.f32 v11, $0.0e+00;
	v12 =	vsel vm10, v12, v14;
	v14 =	vld [tilespmem:s21+$0x2710]  }
0x39d: {  	v10 =	vsel vm11, v11, v10;
	v11 =	vld [tilespmem:s20+$0x2380];
	[tilespmem:s21+$0x2700] =	vst v12  }
0x39e: {  	s31 =	spop (v2sf);
	[tilespmem:s20+$0x2370] =	vst v10;
	v10 =	vld [tilespmem:s30+$0x210];
	v8 =	vmul.f32 v8, v13  }
0x39f: {  	vm13 =	vge.f32 v13, $0.0e+00;
	v7 =	vmul.f32 v7, v9;
	v12 =	vld [tilespmem:s31+$0x200]  }
0x3a0: {  	vm12 =	vge.f32 v9, $0.0e+00;
	v8 =	vsel vm13, v13, v8;
	v13 =	vld [tilespmem:s18+$0x2550]  }
0x3a1: {  	v7 =	vsel vm12, v9, v7;
	v9 =	vld [tilespmem:s19+$0x28E0];
	[tilespmem:s18+$0x2540] =	vst v8  }
0x3a2: {  	[tilespmem:s19+$0x28D0] =	vst v7;
	v15 =	vld [tilespmem:s29+$0x250]  }
0x3a3: {  	v8 =	vld [tilespmem:s24+$0x260];
	v10 =	vmul.f32 v10, v14  }
0x3a4: {  	v5 =	vld [tilespmem:s19+$0x2A60];
	vm14 =	vge.f32 v14, $0.0e+00;
	v12 =	vmul.f32 v12, v11  }
0x3a5: {  	(v2sf) =	vpush v3, $0xD;
	vm15 =	vge.f32 v11, $0.0e+00;
	v10 =	vsel vm14, v14, v10;
	v14 =	vld [tilespmem:s21+$0x2720]  }
0x3a6: {  	v11 =	vsel vm15, v11, v12;
	v12 =	vld [tilespmem:s20+$0x2390];
	[tilespmem:s21+$0x2710] =	vst v10  }
0x3a7: {  	[tilespmem:s20+$0x2380] =	vst v11;
	v10 =	vld [tilespmem:s30+$0x220];
	v15 =	vmul.f32 v15, v13  }
0x3a8: {  	vm5 =	vge.f32 v13, $0.0e+00;
	v8 =	vmul.f32 v8, v9;
	v11 =	vld [tilespmem:s31+$0x210]  }
0x3a9: {  	vm4 =	vge.f32 v9, $0.0e+00;
	v13 =	vsel vm5, v13, v15;
	v15 =	vld [tilespmem:s18+$0x2560]  }
0x3aa: {  	v8 =	vsel vm4, v9, v8;
	v9 =	vld [tilespmem:s19+$0x28F0];
	[tilespmem:s18+$0x2550] =	vst v13  }
0x3ab: {  	[tilespmem:s19+$0x28E0] =	vst v8;
	v16 =	vld [tilespmem:s29+$0x260]  }
0x3ac: {  	v13 =	vld [tilespmem:s24+$0x270]  }
0x3ad: {  	v24 =	vld [tilespmem:s21+$0x27A0];
	v10 =	vmul.f32 v10, v14  }
0x3ae: {  	v25 =	vld [tilespmem:s20+$0x2410];
	vm6 =	vge.f32 v14, $0.0e+00;
	v11 =	vmul.f32 v11, v12  }
0x3af: {  	(v2sf) =	vpush v0, $0x6;
	vm7 =	vge.f32 v12, $0.0e+00;
	v10 =	vsel vm6, v14, v10;
	v14 =	vld [tilespmem:s21+$0x2730]  }
0x3b0: {  	v11 =	vsel vm7, v12, v11;
	v12 =	vld [tilespmem:s20+$0x23A0];
	[tilespmem:s21+$0x2720] =	vst v10  }
0x3b1: {  	[tilespmem:s20+$0x2390] =	vst v11;
	v10 =	vld [tilespmem:s30+$0x230];
	v16 =	vmul.f32 v16, v15;
	v11 =	vmul.f32 v13, v9  }
0x3b2: {  	vm9 =	vge.f32 v15, $0.0e+00;
	vm8 =	vge.f32 v9, $0.0e+00;
	v13 =	vld [tilespmem:s31+$0x220]  }
0x3b3: {  	v15 =	vsel vm9, v15, v16;
	v16 =	vld [tilespmem:s18+$0x2570];
	v9 =	vsel vm8, v9, v11  }
0x3b4: {  	s28 =	spop (v2sf);
	v11 =	vld [tilespmem:s19+$0x2900];
	[tilespmem:s19+$0x28F0] =	vst v9  }
0x3b5: {  	[tilespmem:s18+$0x2560] =	vst v15;
	v9 =	vld [tilespmem:s28+$0x200]  }
0x3b6: {  	v15 =	vld [tilespmem:s29+$0x270];
	v17 =	vmul.f32 v10, v14  }
0x3b7: {  	v6 =	vld [tilespmem:s19+$0x2A50];
	vm10 =	vge.f32 v14, $0.0e+00;
	v13 =	vmul.f32 v13, v12  }
0x3b8: {  	vm11 =	vge.f32 v12, $0.0e+00;
	v14 =	vsel vm10, v14, v17;
	v17 =	vld [tilespmem:s21+$0x2740]  }
0x3b9: {  	v12 =	vsel vm11, v12, v13;
	v13 =	vld [tilespmem:s20+$0x23B0];
	[tilespmem:s21+$0x2730] =	vst v14  }
0x3ba: {  	[tilespmem:s20+$0x23A0] =	vst v12;
	v12 =	vld [tilespmem:s30+$0x240];
	v9 =	vmul.f32 v9, v11  }
0x3bb: {  	vm12 =	vge.f32 v11, $0.0e+00;
	v15 =	vmul.f32 v15, v16;
	v14 =	vld [tilespmem:s31+$0x230]  }
0x3bc: {  	v7 =	vld [tilespmem:s19+$0x2A40];
	vm13 =	vge.f32 v16, $0.0e+00;
	v9 =	vsel vm12, v11, v9  }
0x3bd: {  	v11 =	vsel vm13, v16, v15;
	v15 =	vld [tilespmem:s18+$0x2580];
	[tilespmem:s19+$0x2900] =	vst v9  }
0x3be: {  	s24 =	spop (v2sf);
	[tilespmem:s18+$0x2570] =	vst v11;
	v9 =	vld [tilespmem:s28+$0x210]  }
0x3bf: {  	v16 =	vld [tilespmem:s24+$0x200];
	v12 =	vmul.f32 v12, v17  }
0x3c0: {  	v8 =	vld [tilespmem:s19+$0x2A30];
	vm14 =	vge.f32 v17, $0.0e+00;
	v14 =	vmul.f32 v14, v13  }
0x3c1: {  	vm15 =	vge.f32 v13, $0.0e+00;
	v12 =	vsel vm14, v17, v12;
	v17 =	vld [tilespmem:s21+$0x2750]  }
0x3c2: {  	v13 =	vsel vm15, v13, v14;
	v14 =	vld [tilespmem:s20+$0x23C0];
	[tilespmem:s21+$0x2740] =	vst v12  }
0x3c3: {  	[tilespmem:s20+$0x23B0] =	vst v13;
	v12 =	vld [tilespmem:s30+$0x250];
	v9 =	vmul.f32 v9, v18  }
0x3c4: {  	vm4 =	vge.f32 v18, $0.0e+00;
	v13 =	vld [tilespmem:s31+$0x240];
	v16 =	vmul.f32 v16, v15  }
0x3c5: {  	vm5 =	vge.f32 v15, $0.0e+00;
	v9 =	vsel vm4, v18, v9;
	v18 =	vld [tilespmem:s19+$0x2920]  }
0x3c6: {  	v15 =	vsel vm5, v15, v16;
	v16 =	vld [tilespmem:s18+$0x2590];
	[tilespmem:s19+$0x2910] =	vst v9  }
0x3c7: {  	[tilespmem:s18+$0x2580] =	vst v15;
	v9 =	vld [tilespmem:s28+$0x220]  }
0x3c8: {  	v15 =	vld [tilespmem:s24+$0x210];
	v19 =	vmul.f32 v12, v17  }
0x3c9: {  	v10 =	vld [tilespmem:s19+$0x2A20];
	vm6 =	vge.f32 v17, $0.0e+00;
	v13 =	vmul.f32 v13, v14  }
0x3ca: {  	vm7 =	vge.f32 v14, $0.0e+00;
	v17 =	vsel vm6, v17, v19;
	v19 =	vld [tilespmem:s21+$0x2760]  }
0x3cb: {  	v13 =	vsel vm7, v14, v13;
	v14 =	vld [tilespmem:s20+$0x23D0];
	[tilespmem:s21+$0x2750] =	vst v17  }
0x3cc: {  	[tilespmem:s20+$0x23C0] =	vst v13;
	v13 =	vld [tilespmem:s30+$0x260];
	v9 =	vmul.f32 v9, v18  }
0x3cd: {  	vm8 =	vge.f32 v18, $0.0e+00;
	v17 =	vld [tilespmem:s31+$0x250];
	v15 =	vmul.f32 v15, v16  }
0x3ce: {  	(v2sf) =	vpush v1, $0xA;
	vm9 =	vge.f32 v16, $0.0e+00;
	v9 =	vsel vm8, v18, v9;
	v18 =	vld [tilespmem:s19+$0x2930]  }
0x3cf: {  	v15 =	vsel vm9, v16, v15;
	v16 =	vld [tilespmem:s18+$0x25A0];
	[tilespmem:s19+$0x2920] =	vst v9  }
0x3d0: {  	[tilespmem:s18+$0x2590] =	vst v15;
	v9 =	vld [tilespmem:s28+$0x230]  }
0x3d1: {  	v15 =	vld [tilespmem:s24+$0x220];
	v20 =	vmul.f32 v13, v19  }
0x3d2: {  	v11 =	vld [tilespmem:s19+$0x2A10];
	vm10 =	vge.f32 v19, $0.0e+00;
	v17 =	vmul.f32 v17, v14  }
0x3d3: {  	vm11 =	vge.f32 v14, $0.0e+00;
	v19 =	vsel vm10, v19, v20;
	v20 =	vld [tilespmem:s21+$0x2770]  }
0x3d4: {  	v14 =	vsel vm11, v14, v17;
	v17 =	vld [tilespmem:s20+$0x23E0];
	[tilespmem:s21+$0x2760] =	vst v19  }
0x3d5: {  	[tilespmem:s20+$0x23D0] =	vst v14;
	v14 =	vld [tilespmem:s30+$0x270];
	v9 =	vmul.f32 v9, v18  }
0x3d6: {  	vm12 =	vge.f32 v18, $0.0e+00;
	v19 =	vld [tilespmem:s31+$0x260];
	v15 =	vmul.f32 v15, v16  }
0x3d7: {  	vm13 =	vge.f32 v16, $0.0e+00;
	v9 =	vsel vm12, v18, v9;
	v18 =	vld [tilespmem:s19+$0x2940]  }
0x3d8: {  	(v2sf) =	vpush v2, $0x3;
	v15 =	vsel vm13, v16, v15;
	v16 =	vld [tilespmem:s18+$0x25B0];
	[tilespmem:s19+$0x2930] =	vst v9  }
0x3d9: {  	[tilespmem:s18+$0x25A0] =	vst v15;
	v9 =	vld [tilespmem:s28+$0x240]  }
0x3da: {  	v15 =	vld [tilespmem:s24+$0x230];
	v21 =	vmul.f32 v14, v20  }
0x3db: {  	v12 =	vld [tilespmem:s19+$0x2A00];
	vm14 =	vge.f32 v20, $0.0e+00;
	v19 =	vmul.f32 v19, v17  }
0x3dc: {  	vm15 =	vge.f32 v17, $0.0e+00;
	v20 =	vsel vm14, v20, v21;
	v21 =	vld [tilespmem:s21+$0x2780]  }
0x3dd: {  	s26 =	spop (v2sf);
	v17 =	vsel vm15, v17, v19;
	v19 =	vld [tilespmem:s20+$0x23F0];
	[tilespmem:s21+$0x2770] =	vst v20  }
0x3de: {  	[tilespmem:s20+$0x23E0] =	vst v17;
	v17 =	vld [tilespmem:s26+$0x200];
	v9 =	vmul.f32 v9, v18  }
0x3df: {  	vm4 =	vge.f32 v18, $0.0e+00;
	v20 =	vld [tilespmem:s31+$0x270];
	v15 =	vmul.f32 v15, v16  }
0x3e0: {  	vm5 =	vge.f32 v16, $0.0e+00;
	v9 =	vsel vm4, v18, v9;
	v18 =	vld [tilespmem:s19+$0x2950]  }
0x3e1: {  	v15 =	vsel vm5, v16, v15;
	v16 =	vld [tilespmem:s18+$0x25C0];
	[tilespmem:s19+$0x2940] =	vst v9  }
0x3e2: {  	[tilespmem:s18+$0x25B0] =	vst v15;
	v9 =	vld [tilespmem:s28+$0x250]  }
0x3e3: {  	v22 =	vld [tilespmem:s24+$0x240];
	v17 =	vmul.f32 v17, v21  }
0x3e4: {  	v13 =	vld [tilespmem:s19+$0x29F0];
	vm6 =	vge.f32 v21, $0.0e+00;
	v20 =	vmul.f32 v20, v19  }
0x3e5: {  	vm7 =	vge.f32 v19, $0.0e+00;
	v17 =	vsel vm6, v21, v17;
	v21 =	vld [tilespmem:s21+$0x2790]  }
0x3e6: {  	v19 =	vsel vm7, v19, v20;
	v20 =	vld [tilespmem:s20+$0x2400];
	[tilespmem:s21+$0x2780] =	vst v17  }
0x3e7: {  	s25 =	spop (v2sf);
	[tilespmem:s20+$0x23F0] =	vst v19;
	v17 =	vld [tilespmem:s26+$0x210];
	v9 =	vmul.f32 v9, v18  }
0x3e8: {  	vm8 =	vge.f32 v18, $0.0e+00;
	v19 =	vld [tilespmem:s25+$0x200];
	v22 =	vmul.f32 v22, v16  }
0x3e9: {  	vm9 =	vge.f32 v16, $0.0e+00;
	v9 =	vsel vm8, v18, v9;
	v18 =	vld [tilespmem:s19+$0x2960]  }
0x3ea: {  	v16 =	vsel vm9, v16, v22;
	v22 =	vld [tilespmem:s18+$0x25D0];
	[tilespmem:s19+$0x2950] =	vst v9  }
0x3eb: {  	[tilespmem:s18+$0x25C0] =	vst v16;
	v9 =	vld [tilespmem:s28+$0x260]  }
0x3ec: {  	v23 =	vld [tilespmem:s24+$0x250];
	v17 =	vmul.f32 v17, v21  }
0x3ed: {  	(v2sf) =	vpush v3, $0xE;
	v14 =	vld [tilespmem:s19+$0x29E0];
	vm10 =	vge.f32 v21, $0.0e+00;
	v19 =	vmul.f32 v19, v20  }
0x3ee: {  	v15 =	vld [tilespmem:s19+$0x29D0];
	vm11 =	vge.f32 v20, $0.0e+00;
	v17 =	vsel vm10, v21, v17  }
0x3ef: {  	v16 =	vld [tilespmem:s19+$0x29C0];
	v19 =	vsel vm11, v20, v19;
	[tilespmem:s21+$0x2790] =	vst v17  }
0x3f0: {  	[tilespmem:s20+$0x2400] =	vst v19;
	v19 =	vld [tilespmem:s26+$0x220];
	v9 =	vmul.f32 v9, v18  }
0x3f1: {  	vm12 =	vge.f32 v18, $0.0e+00;
	v20 =	vld [tilespmem:s25+$0x210];
	v17 =	vmul.f32 v23, v22  }
0x3f2: {  	vm13 =	vge.f32 v22, $0.0e+00;
	v18 =	vsel vm12, v18, v9;
	v9 =	vld [tilespmem:s19+$0x2970]  }
0x3f3: {  	v21 =	vsel vm13, v22, v17;
	v17 =	vld [tilespmem:s18+$0x25E0];
	[tilespmem:s19+$0x2960] =	vst v18  }
0x3f4: {  	[tilespmem:s18+$0x25D0] =	vst v21;
	v23 =	vld [tilespmem:s28+$0x270]  }
0x3f5: {  	v21 =	vld [tilespmem:s24+$0x260];
	v19 =	vmul.f32 v19, v24  }
0x3f6: {  	vm14 =	vge.f32 v24, $0.0e+00;
	v18 =	vld [tilespmem:s19+$0x2980];
	v22 =	vmul.f32 v20, v25  }
0x3f7: {  	(v2sf) =	vpush v0, $0x7;
	vm15 =	vge.f32 v25, $0.0e+00;
	v20 =	vld [tilespmem:s21+$0x27B0];
	v24 =	vsel vm14, v24, v19  }
0x3f8: {  	v19 =	vld [tilespmem:s20+$0x2420];
	v22 =	vsel vm15, v25, v22;
	[tilespmem:s21+$0x27A0] =	vst v24  }
0x3f9: {  	s22 =	simm.s32 $0x4;
	s23 =	simm.s32 $0x5;
	s28 =	simm.s32 $0x40;
	[tilespmem:s20+$0x2410] =	vst v22;
	v22 =	vld [tilespmem:s26+$0x230];
	v23 =	vmul.f32 v23, v9  }
.LBB2_4:
0x3fa: {  	p0 =	sne.s32 s23, $0x1F;
	s28 =	sand.u32 $0x3FFFFFF0, s28;
	v24 =	vld [tilespmem:s25+$0x220];
	v21 =	vmul.f32 v21, v17;
	vm0 =	vge.f32 v9, $0.0e+00  }
0x3fb: {  	vm1 =	vge.f32 v17, $0.0e+00;
	v25 =	vld [tilespmem:s28+$0x0];
	v9 =	vsel vm0, v9, v23  }
0x3fc: {  	v17 =	vsel vm1, v17, v21;
	v21 =	vld [tilespmem:s18+$0x25F0];
	[tilespmem:s19+$0x2970] =	vst v9;
	s30 =	spop (v2sf)  }
0x3fd: {  	[tilespmem:s18+$0x25E0] =	vst v17;
	v23 =	vld [tilespmem:s30+$0x200]  }
0x3fe: {  	v26 =	vld [tilespmem:s24+$0x270];
	v22 =	vmul.f32 v22, v20  }
0x3ff: {  	vm0 =	vge.f32 v20, $0.0e+00;
	v24 =	vmul.f32 v24, v19;
	v17 =	vld [tilespmem:s19+$0x29B0]  }
0x400: {  	vm1 =	vge.f32 v19, $0.0e+00;
	v9 =	vshll.u32 v25, $0x7;
	v20 =	vsel vm0, v20, v22;
	v22 =	vld [tilespmem:s21+$0x27C0]  }
0x401: {  	(v2sf) =	vpush v9, $0x0;
	v19 =	vsel vm1, v19, v24;
	v24 =	vld [tilespmem:s20+$0x2430];
	[tilespmem:s21+$0x27B0] =	vst v20  }
0x402: {  	[tilespmem:s20+$0x2420] =	vst v19;
	v19 =	vld [tilespmem:s26+$0x240];
	v20 =	vmul.f32 v23, v18  }
0x403: {  	vm0 =	vge.f32 v18, $0.0e+00;
	v23 =	vld [tilespmem:s25+$0x230];
	v25 =	vmul.f32 v26, v21  }
0x404: {  	vm1 =	vge.f32 v21, $0.0e+00;
	v18 =	vsel vm0, v18, v20;
	v20 =	vld [tilespmem:s19+$0x2990]  }
0x405: {  	v21 =	vsel vm1, v21, v25;
	v25 =	vld [tilespmem:s18+$0x2600];
	[tilespmem:s19+$0x2980] =	vst v18  }
0x406: {  	[tilespmem:s18+$0x25F0] =	vst v21;
	s29 =	spop (v2sf);
	v18 =	vld [tilespmem:s30+$0x210]  }
0x407: {  	v21 =	vld [tilespmem:s29+$0x200];
	v19 =	vmul.f32 v19, v22  }
0x408: {  	vm0 =	vge.f32 v22, $0.0e+00;
	v23 =	vmul.f32 v23, v24;
	v26 =	vld [tilespmem:s19+$0x29A0]  }
0x409: {  	vm1 =	vge.f32 v24, $0.0e+00;
	v19 =	vsel vm0, v22, v19;
	v22 =	vld [tilespmem:s21+$0x27D0]  }
0x40a: {  	v23 =	vsel vm1, v24, v23;
	v24 =	vld [tilespmem:s20+$0x2440];
	[tilespmem:s21+$0x27C0] =	vst v19  }
0x40b: {  	[tilespmem:s20+$0x2430] =	vst v23;
	v19 =	vld [tilespmem:s26+$0x250];
	v18 =	vmul.f32 v18, v20  }
0x40c: {  	s24 =	sshll.u32 s22, $0xB;
	s22 =	smov.u32 s23;
	vm0 =	vge.f32 v20, $0.0e+00;
	v23 =	vld [tilespmem:s25+$0x240];
	v21 =	vmul.f32 v21, v25  }
0x40d: {  	s24 =	sand.u32 $0x3FFFF800, s24;
	vm1 =	vge.f32 v25, $0.0e+00;
	v27 =	vld [tilespmem:s18+$0x2610];
	v18 =	vsel vm0, v20, v18  }
0x40e: {  	v20 =	vld [tilespmem:s24+$0x2280];
	v21 =	vsel vm1, v25, v21;
	[tilespmem:s19+$0x2990] =	vst v18  }
0x40f: {  	[tilespmem:s18+$0x2600] =	vst v21;
	v18 =	vld [tilespmem:s30+$0x220]  }
0x410: {  	s28 =	spop (v2sf);
	v21 =	vld [tilespmem:s29+$0x210];
	v19 =	vmul.f32 v19, v22  }
0x411: {  	vm0 =	vge.f32 v22, $0.0e+00;
	v25 =	vld [tilespmem:s28+$0x200];
	v23 =	vmul.f32 v23, v24  }
0x412: {  	vm1 =	vge.f32 v24, $0.0e+00;
	v19 =	vsel vm0, v22, v19;
	v22 =	vld [tilespmem:s21+$0x27E0]  }
0x413: {  	v23 =	vsel vm1, v24, v23;
	v24 =	vld [tilespmem:s20+$0x2450];
	[tilespmem:s21+$0x27D0] =	vst v19  }
0x414: {  	[tilespmem:s20+$0x2440] =	vst v23;
	v19 =	vld [tilespmem:s26+$0x260];
	v18 =	vmul.f32 v18, v26  }
0x415: {  	vm0 =	vge.f32 v27, $0.0e+00;
	vm1 =	vge.f32 v26, $0.0e+00;
	v23 =	vld [tilespmem:s25+$0x250];
	v21 =	vmul.f32 v21, v27  }
0x416: {  	v25 =	vmul.f32 v25, v20;
	v28 =	vld [tilespmem:s18+$0x2620];
	(v2sf) =	vpush v1, $0xB;
	v18 =	vsel vm1, v26, v18  }
0x417: {  	vm1 =	vge.f32 v20, $0.0e+00;
	v26 =	vld [tilespmem:s24+$0x2290];
	v21 =	vsel vm0, v27, v21;
	[tilespmem:s19+$0x29A0] =	vst v18  }
0x418: {  	v18 =	vsel vm1, v20, v25;
	[tilespmem:s18+$0x2610] =	vst v21;
	v20 =	vld [tilespmem:s30+$0x230]  }
0x419: {  	[tilespmem:s24+$0x2280] =	vst v18;
	v18 =	vld [tilespmem:s29+$0x220];
	v19 =	vmul.f32 v19, v22  }
0x41a: {  	vm0 =	vge.f32 v22, $0.0e+00;
	v21 =	vld [tilespmem:s28+$0x210];
	v23 =	vmul.f32 v23, v24  }
0x41b: {  	vm1 =	vge.f32 v24, $0.0e+00;
	v19 =	vsel vm0, v22, v19;
	v22 =	vld [tilespmem:s21+$0x27F0]  }
0x41c: {  	v23 =	vsel vm1, v24, v23;
	v24 =	vld [tilespmem:s20+$0x2460];
	[tilespmem:s21+$0x27E0] =	vst v19  }
0x41d: {  	[tilespmem:s20+$0x2450] =	vst v23;
	v19 =	vld [tilespmem:s26+$0x270];
	v20 =	vmul.f32 v20, v17  }
0x41e: {  	vm0 =	vge.f32 v17, $0.0e+00;
	v23 =	vld [tilespmem:s25+$0x260];
	v18 =	vmul.f32 v18, v28  }
0x41f: {  	vm1 =	vge.f32 v28, $0.0e+00;
	v21 =	vmul.f32 v21, v26;
	v25 =	vld [tilespmem:s18+$0x2630];
	v17 =	vsel vm0, v17, v20  }
0x420: {  	vm0 =	vge.f32 v26, $0.0e+00;
	v20 =	vld [tilespmem:s24+$0x22A0];
	(v2sf) =	vpush v2, $0x4;
	v18 =	vsel vm1, v28, v18;
	[tilespmem:s19+$0x29B0] =	vst v17  }
0x421: {  	v17 =	vsel vm0, v26, v21;
	[tilespmem:s18+$0x2620] =	vst v18;
	v18 =	vld [tilespmem:s30+$0x240]  }
0x422: {  	[tilespmem:s24+$0x2290] =	vst v17;
	v17 =	vld [tilespmem:s29+$0x230];
	v19 =	vmul.f32 v19, v22  }
0x423: {  	vm0 =	vge.f32 v22, $0.0e+00;
	v21 =	vld [tilespmem:s28+$0x220];
	v23 =	vmul.f32 v23, v24  }
0x424: {  	vm1 =	vge.f32 v24, $0.0e+00;
	v19 =	vsel vm0, v22, v19;
	v22 =	vld [tilespmem:s21+$0x2800]  }
0x425: {  	v23 =	vsel vm1, v24, v23;
	v24 =	vld [tilespmem:s20+$0x2470];
	[tilespmem:s21+$0x27F0] =	vst v19;
	s26 =	spop (v2sf)  }
0x426: {  	[tilespmem:s20+$0x2460] =	vst v23;
	v19 =	vld [tilespmem:s26+$0x200];
	v18 =	vmul.f32 v18, v16  }
0x427: {  	vm0 =	vge.f32 v16, $0.0e+00;
	v23 =	vld [tilespmem:s25+$0x270];
	v17 =	vmul.f32 v17, v25  }
0x428: {  	vm1 =	vge.f32 v25, $0.0e+00;
	v21 =	vmul.f32 v21, v20;
	v26 =	vld [tilespmem:s18+$0x2640];
	v16 =	vsel vm0, v16, v18  }
0x429: {  	vm0 =	vge.f32 v20, $0.0e+00;
	v18 =	vld [tilespmem:s24+$0x22B0];
	v17 =	vsel vm1, v25, v17;
	[tilespmem:s19+$0x29C0] =	vst v16  }
0x42a: {  	v16 =	vsel vm0, v20, v21;
	[tilespmem:s18+$0x2630] =	vst v17;
	v17 =	vld [tilespmem:s30+$0x250]  }
0x42b: {  	[tilespmem:s24+$0x22A0] =	vst v16;
	v16 =	vld [tilespmem:s29+$0x240];
	v19 =	vmul.f32 v19, v22  }
0x42c: {  	vm0 =	vge.f32 v22, $0.0e+00;
	v20 =	vld [tilespmem:s28+$0x230];
	v21 =	vmul.f32 v23, v24  }
0x42d: {  	vm1 =	vge.f32 v24, $0.0e+00;
	v19 =	vsel vm0, v22, v19;
	v22 =	vld [tilespmem:s21+$0x2810]  }
0x42e: {  	v21 =	vsel vm1, v24, v21;
	v23 =	vld [tilespmem:s20+$0x2480];
	[tilespmem:s21+$0x2800] =	vst v19  }
0x42f: {  	[tilespmem:s20+$0x2470] =	vst v21;
	s25 =	spop (v2sf);
	v19 =	vld [tilespmem:s26+$0x210];
	v17 =	vmul.f32 v17, v15  }
0x430: {  	vm0 =	vge.f32 v15, $0.0e+00;
	v21 =	vld [tilespmem:s25+$0x200];
	v16 =	vmul.f32 v16, v26  }
0x431: {  	vm1 =	vge.f32 v26, $0.0e+00;
	v20 =	vmul.f32 v20, v18;
	v24 =	vld [tilespmem:s18+$0x2650];
	v15 =	vsel vm0, v15, v17  }
0x432: {  	vm0 =	vge.f32 v18, $0.0e+00;
	v17 =	vld [tilespmem:s24+$0x22C0];
	v16 =	vsel vm1, v26, v16;
	[tilespmem:s19+$0x29D0] =	vst v15  }
0x433: {  	v15 =	vsel vm0, v18, v20;
	[tilespmem:s18+$0x2640] =	vst v16;
	v16 =	vld [tilespmem:s30+$0x260]  }
0x434: {  	[tilespmem:s24+$0x22B0] =	vst v15;
	v15 =	vld [tilespmem:s29+$0x250];
	v18 =	vmul.f32 v19, v22  }
0x435: {  	vm0 =	vge.f32 v22, $0.0e+00;
	v19 =	vld [tilespmem:s28+$0x240];
	v20 =	vmul.f32 v21, v23;
	(v2sf) =	vpush v3, $0xF;
	v3 =	vmovc v1;
	v1 =	vmovc v0  }
0x436: {  	vm1 =	vge.f32 v23, $0.0e+00;
	v0 =	vmovc v2;
	v2 =	vmov v9;
	v18 =	vsel vm0, v22, v18;
	v21 =	vld [tilespmem:s21+$0x2820]  }
0x437: {  	v9 =	vsel vm1, v23, v20;
	v20 =	vld [tilespmem:s20+$0x2490];
	[tilespmem:s21+$0x2810] =	vst v18  }
0x438: {  	[tilespmem:s20+$0x2480] =	vst v9;
	v9 =	vld [tilespmem:s26+$0x220];
	v16 =	vmul.f32 v16, v14  }
0x439: {  	vm0 =	vge.f32 v14, $0.0e+00;
	v18 =	vld [tilespmem:s25+$0x210];
	v15 =	vmul.f32 v15, v24  }
0x43a: {  	vm1 =	vge.f32 v24, $0.0e+00;
	v19 =	vmul.f32 v19, v17;
	v22 =	vld [tilespmem:s18+$0x2660];
	v14 =	vsel vm0, v14, v16  }
0x43b: {  	vm0 =	vge.f32 v17, $0.0e+00;
	v16 =	vld [tilespmem:s24+$0x22D0];
	v15 =	vsel vm1, v24, v15;
	[tilespmem:s19+$0x29E0] =	vst v14  }
0x43c: {  	v14 =	vsel vm0, v17, v19;
	[tilespmem:s18+$0x2650] =	vst v15;
	v15 =	vld [tilespmem:s30+$0x270]  }
0x43d: {  	[tilespmem:s24+$0x22C0] =	vst v14;
	v14 =	vld [tilespmem:s29+$0x260];
	v9 =	vmul.f32 v9, v21  }
0x43e: {  	vm0 =	vge.f32 v21, $0.0e+00;
	v17 =	vld [tilespmem:s28+$0x250];
	v18 =	vmul.f32 v18, v20  }
0x43f: {  	vm1 =	vge.f32 v20, $0.0e+00;
	(v2sf) =	vpush v1, $0x8;
	v9 =	vsel vm0, v21, v9;
	v19 =	vld [tilespmem:s21+$0x2830]  }
0x440: {  	v18 =	vsel vm1, v20, v18;
	v20 =	vld [tilespmem:s20+$0x24A0];
	[tilespmem:s21+$0x2820] =	vst v9  }
0x441: {  	[tilespmem:s20+$0x2490] =	vst v18;
	v9 =	vld [tilespmem:s26+$0x230];
	v15 =	vmul.f32 v15, v13  }
0x442: {  	vm0 =	vge.f32 v13, $0.0e+00;
	v18 =	vld [tilespmem:s25+$0x220];
	v14 =	vmul.f32 v14, v22  }
0x443: {  	vm1 =	vge.f32 v22, $0.0e+00;
	v17 =	vmul.f32 v17, v16;
	v21 =	vld [tilespmem:s18+$0x2670];
	v13 =	vsel vm0, v13, v15  }
0x444: {  	vm0 =	vge.f32 v16, $0.0e+00;
	v15 =	vld [tilespmem:s24+$0x22E0];
	v14 =	vsel vm1, v22, v14;
	[tilespmem:s19+$0x29F0] =	vst v13;
	s30 =	spop (v2sf)  }
0x445: {  	v13 =	vsel vm0, v16, v17;
	[tilespmem:s18+$0x2660] =	vst v14;
	v14 =	vld [tilespmem:s30+$0x200]  }
0x446: {  	[tilespmem:s24+$0x22D0] =	vst v13;
	v13 =	vld [tilespmem:s29+$0x270];
	v9 =	vmul.f32 v9, v19  }
0x447: {  	vm0 =	vge.f32 v19, $0.0e+00;
	v16 =	vld [tilespmem:s28+$0x260];
	v17 =	vmul.f32 v18, v20  }
0x448: {  	vm1 =	vge.f32 v20, $0.0e+00;
	v9 =	vsel vm0, v19, v9;
	v18 =	vld [tilespmem:s21+$0x2840]  }
0x449: {  	(v2sf) =	vpush v2, $0x1;
	v17 =	vsel vm1, v20, v17;
	v19 =	vld [tilespmem:s20+$0x24B0];
	[tilespmem:s21+$0x2830] =	vst v9  }
0x44a: {  	[tilespmem:s20+$0x24A0] =	vst v17;
	v9 =	vld [tilespmem:s26+$0x240];
	v14 =	vmul.f32 v14, v12  }
0x44b: {  	vm0 =	vge.f32 v12, $0.0e+00;
	v17 =	vld [tilespmem:s25+$0x230];
	v13 =	vmul.f32 v13, v21  }
0x44c: {  	vm1 =	vge.f32 v21, $0.0e+00;
	v16 =	vmul.f32 v16, v15;
	v20 =	vld [tilespmem:s18+$0x2680];
	v12 =	vsel vm0, v12, v14  }
0x44d: {  	vm0 =	vge.f32 v15, $0.0e+00;
	v14 =	vld [tilespmem:s24+$0x22F0];
	v13 =	vsel vm1, v21, v13;
	[tilespmem:s19+$0x2A00] =	vst v12  }
0x44e: {  	v12 =	vsel vm0, v15, v16;
	[tilespmem:s18+$0x2670] =	vst v13;
	s29 =	spop (v2sf);
	v13 =	vld [tilespmem:s30+$0x210]  }
0x44f: {  	[tilespmem:s24+$0x22E0] =	vst v12;
	v12 =	vld [tilespmem:s29+$0x200];
	v9 =	vmul.f32 v9, v18  }
0x450: {  	vm0 =	vge.f32 v18, $0.0e+00;
	v15 =	vld [tilespmem:s28+$0x270];
	v16 =	vmul.f32 v17, v19  }
0x451: {  	vm1 =	vge.f32 v19, $0.0e+00;
	v9 =	vsel vm0, v18, v9;
	v17 =	vld [tilespmem:s21+$0x2850]  }
0x452: {  	v16 =	vsel vm1, v19, v16;
	v18 =	vld [tilespmem:s20+$0x24C0];
	[tilespmem:s21+$0x2840] =	vst v9  }
0x453: {  	[tilespmem:s20+$0x24B0] =	vst v16;
	v9 =	vld [tilespmem:s26+$0x250];
	v13 =	vmul.f32 v13, v11  }
0x454: {  	vm0 =	vge.f32 v11, $0.0e+00;
	v16 =	vld [tilespmem:s25+$0x240];
	v12 =	vmul.f32 v12, v20  }
0x455: {  	vm1 =	vge.f32 v20, $0.0e+00;
	v15 =	vmul.f32 v15, v14;
	v19 =	vld [tilespmem:s18+$0x2690];
	v11 =	vsel vm0, v11, v13  }
0x456: {  	vm0 =	vge.f32 v14, $0.0e+00;
	v13 =	vld [tilespmem:s24+$0x2300];
	v12 =	vsel vm1, v20, v12;
	[tilespmem:s19+$0x2A10] =	vst v11  }
0x457: {  	v11 =	vsel vm0, v14, v15;
	[tilespmem:s18+$0x2680] =	vst v12;
	v12 =	vld [tilespmem:s30+$0x220]  }
0x458: {  	[tilespmem:s24+$0x22F0] =	vst v11;
	s28 =	spop (v2sf);
	v11 =	vld [tilespmem:s29+$0x210];
	v9 =	vmul.f32 v9, v17  }
0x459: {  	vm0 =	vge.f32 v17, $0.0e+00;
	v14 =	vld [tilespmem:s28+$0x200];
	v15 =	vmul.f32 v16, v18  }
0x45a: {  	vm1 =	vge.f32 v18, $0.0e+00;
	v9 =	vsel vm0, v17, v9;
	v16 =	vld [tilespmem:s21+$0x2860]  }
0x45b: {  	v15 =	vsel vm1, v18, v15;
	v17 =	vld [tilespmem:s20+$0x24D0];
	[tilespmem:s21+$0x2850] =	vst v9  }
0x45c: {  	[tilespmem:s20+$0x24C0] =	vst v15;
	v9 =	vld [tilespmem:s26+$0x260];
	v12 =	vmul.f32 v12, v10  }
0x45d: {  	vm0 =	vge.f32 v19, $0.0e+00;
	vm1 =	vge.f32 v10, $0.0e+00;
	v15 =	vld [tilespmem:s25+$0x250];
	v11 =	vmul.f32 v11, v19  }
0x45e: {  	v14 =	vmul.f32 v14, v13;
	v18 =	vld [tilespmem:s18+$0x26A0];
	(v2sf) =	vpush v3, $0xC;
	v10 =	vsel vm1, v10, v12  }
0x45f: {  	vm1 =	vge.f32 v13, $0.0e+00;
	v12 =	vld [tilespmem:s24+$0x2310];
	v11 =	vsel vm0, v19, v11;
	[tilespmem:s19+$0x2A20] =	vst v10  }
0x460: {  	v10 =	vsel vm1, v13, v14;
	[tilespmem:s18+$0x2690] =	vst v11;
	v11 =	vld [tilespmem:s30+$0x230]  }
0x461: {  	[tilespmem:s24+$0x2300] =	vst v10;
	v10 =	vld [tilespmem:s29+$0x220];
	v9 =	vmul.f32 v9, v16  }
0x462: {  	vm0 =	vge.f32 v16, $0.0e+00;
	v13 =	vld [tilespmem:s28+$0x210];
	v14 =	vmul.f32 v15, v17  }
0x463: {  	vm1 =	vge.f32 v17, $0.0e+00;
	v9 =	vsel vm0, v16, v9;
	v15 =	vld [tilespmem:s21+$0x2870]  }
0x464: {  	v14 =	vsel vm1, v17, v14;
	v16 =	vld [tilespmem:s20+$0x24E0];
	[tilespmem:s21+$0x2860] =	vst v9  }
0x465: {  	[tilespmem:s20+$0x24D0] =	vst v14;
	v9 =	vld [tilespmem:s26+$0x270];
	v11 =	vmul.f32 v11, v8  }
0x466: {  	vm0 =	vge.f32 v8, $0.0e+00;
	v14 =	vld [tilespmem:s25+$0x260];
	v10 =	vmul.f32 v10, v18  }
0x467: {  	vm1 =	vge.f32 v18, $0.0e+00;
	v13 =	vmul.f32 v13, v12;
	v17 =	vld [tilespmem:s18+$0x26B0];
	v8 =	vsel vm0, v8, v11  }
0x468: {  	vm0 =	vge.f32 v12, $0.0e+00;
	v11 =	vld [tilespmem:s24+$0x2320];
	(v2sf) =	vpush v0, $0x5;
	v10 =	vsel vm1, v18, v10;
	[tilespmem:s19+$0x2A30] =	vst v8  }
0x469: {  	v8 =	vsel vm0, v12, v13;
	[tilespmem:s18+$0x26A0] =	vst v10;
	v10 =	vld [tilespmem:s30+$0x240]  }
0x46a: {  	[tilespmem:s24+$0x2310] =	vst v8;
	v8 =	vld [tilespmem:s29+$0x230];
	v9 =	vmul.f32 v9, v15  }
0x46b: {  	vm0 =	vge.f32 v15, $0.0e+00;
	v12 =	vld [tilespmem:s28+$0x220];
	v13 =	vmul.f32 v14, v16  }
0x46c: {  	vm1 =	vge.f32 v16, $0.0e+00;
	v9 =	vsel vm0, v15, v9;
	v14 =	vld [tilespmem:s21+$0x2880]  }
0x46d: {  	v13 =	vsel vm1, v16, v13;
	v15 =	vld [tilespmem:s20+$0x24F0];
	[tilespmem:s21+$0x2870] =	vst v9;
	s26 =	spop (v2sf)  }
0x46e: {  	[tilespmem:s20+$0x24E0] =	vst v13;
	v9 =	vld [tilespmem:s26+$0x200];
	v10 =	vmul.f32 v10, v7  }
0x46f: {  	vm0 =	vge.f32 v7, $0.0e+00;
	v13 =	vld [tilespmem:s25+$0x270];
	v8 =	vmul.f32 v8, v17  }
0x470: {  	vm1 =	vge.f32 v17, $0.0e+00;
	v12 =	vmul.f32 v12, v11;
	v16 =	vld [tilespmem:s18+$0x26C0];
	v7 =	vsel vm0, v7, v10  }
0x471: {  	vm0 =	vge.f32 v11, $0.0e+00;
	v10 =	vld [tilespmem:s24+$0x2330];
	v8 =	vsel vm1, v17, v8;
	[tilespmem:s19+$0x2A40] =	vst v7  }
0x472: {  	v7 =	vsel vm0, v11, v12;
	[tilespmem:s18+$0x26B0] =	vst v8;
	v8 =	vld [tilespmem:s30+$0x250]  }
0x473: {  	[tilespmem:s24+$0x2320] =	vst v7;
	v7 =	vld [tilespmem:s29+$0x240];
	v9 =	vmul.f32 v9, v14  }
0x474: {  	vm0 =	vge.f32 v14, $0.0e+00;
	v11 =	vld [tilespmem:s28+$0x230];
	v12 =	vmul.f32 v13, v15  }
0x475: {  	vm1 =	vge.f32 v15, $0.0e+00;
	v9 =	vsel vm0, v14, v9;
	v13 =	vld [tilespmem:s21+$0x2890]  }
0x476: {  	v12 =	vsel vm1, v15, v12;
	v14 =	vld [tilespmem:s20+$0x2500];
	[tilespmem:s21+$0x2880] =	vst v9  }
0x477: {  	[tilespmem:s20+$0x24F0] =	vst v12;
	s25 =	spop (v2sf);
	v9 =	vld [tilespmem:s26+$0x210];
	v8 =	vmul.f32 v8, v6  }
0x478: {  	vm0 =	vge.f32 v6, $0.0e+00;
	v12 =	vld [tilespmem:s25+$0x200];
	v7 =	vmul.f32 v7, v16  }
0x479: {  	vm1 =	vge.f32 v16, $0.0e+00;
	v11 =	vmul.f32 v11, v10;
	v15 =	vld [tilespmem:s18+$0x26D0];
	v6 =	vsel vm0, v6, v8  }
0x47a: {  	vm0 =	vge.f32 v10, $0.0e+00;
	v8 =	vld [tilespmem:s24+$0x2340];
	v7 =	vsel vm1, v16, v7;
	[tilespmem:s19+$0x2A50] =	vst v6  }
0x47b: {  	v6 =	vsel vm0, v10, v11;
	[tilespmem:s18+$0x26C0] =	vst v7;
	v7 =	vld [tilespmem:s30+$0x260]  }
0x47c: {  	[tilespmem:s24+$0x2330] =	vst v6;
	v6 =	vld [tilespmem:s29+$0x250];
	v9 =	vmul.f32 v9, v13  }
0x47d: {  	vm0 =	vge.f32 v13, $0.0e+00;
	v10 =	vld [tilespmem:s28+$0x240];
	v11 =	vmul.f32 v12, v14  }
0x47e: {  	vm1 =	vge.f32 v14, $0.0e+00;
	v9 =	vsel vm0, v13, v9;
	v12 =	vld [tilespmem:s21+$0x28A0]  }
0x47f: {  	v11 =	vsel vm1, v14, v11;
	v13 =	vld [tilespmem:s20+$0x2510];
	[tilespmem:s21+$0x2890] =	vst v9  }
0x480: {  	[tilespmem:s20+$0x2500] =	vst v11;
	v9 =	vld [tilespmem:s26+$0x220];
	v7 =	vmul.f32 v7, v5  }
0x481: {  	vm0 =	vge.f32 v5, $0.0e+00;
	v11 =	vld [tilespmem:s25+$0x210];
	v6 =	vmul.f32 v6, v15  }
0x482: {  	vm1 =	vge.f32 v15, $0.0e+00;
	v10 =	vmul.f32 v10, v8;
	v14 =	vld [tilespmem:s18+$0x26E0];
	v5 =	vsel vm0, v5, v7  }
0x483: {  	vm0 =	vge.f32 v8, $0.0e+00;
	v7 =	vld [tilespmem:s24+$0x2350];
	v6 =	vsel vm1, v15, v6;
	[tilespmem:s19+$0x2A60] =	vst v5  }
0x484: {  	v5 =	vsel vm0, v8, v10;
	[tilespmem:s18+$0x26D0] =	vst v6;
	v6 =	vld [tilespmem:s30+$0x270]  }
0x485: {  	[tilespmem:s24+$0x2340] =	vst v5;
	v5 =	vld [tilespmem:s29+$0x260];
	v8 =	vmul.f32 v9, v12  }
0x486: {  	vm0 =	vge.f32 v12, $0.0e+00;
	v9 =	vld [tilespmem:s28+$0x250];
	v10 =	vmul.f32 v11, v13  }
0x487: {  	vm1 =	vge.f32 v13, $0.0e+00;
	(v2sf) =	vpush v1, $0x9;
	v8 =	vsel vm0, v12, v8;
	v11 =	vld [tilespmem:s21+$0x28B0]  }
0x488: {  	v10 =	vsel vm1, v13, v10;
	v12 =	vld [tilespmem:s20+$0x2520];
	[tilespmem:s21+$0x28A0] =	vst v8  }
0x489: {  	[tilespmem:s20+$0x2510] =	vst v10;
	v8 =	vld [tilespmem:s26+$0x230];
	v6 =	vmul.f32 v6, v4  }
0x48a: {  	vm0 =	vge.f32 v4, $0.0e+00;
	v10 =	vld [tilespmem:s25+$0x220];
	v5 =	vmul.f32 v5, v14  }
0x48b: {  	vm1 =	vge.f32 v14, $0.0e+00;
	v9 =	vmul.f32 v9, v7;
	v6 =	vsel vm0, v4, v6;
	v4 =	vld [tilespmem:s21+$0x2A70]  }
0x48c: {  	vm0 =	vge.f32 v7, $0.0e+00;
	v5 =	vsel vm1, v14, v5;
	v13 =	vld [tilespmem:s18+$0x26F0];
	[tilespmem:s19+$0x2A70] =	vst v6;
	s19 =	smov.u32 s21;
	s21 =	smov.u32 s18;
	s18 =	smov.u32 s20  }
0x48d: {  	s20 =	smov.u32 s24;
	v6 =	vsel vm0, v7, v9;
	v7 =	vld [tilespmem:s24+$0x2360];
	[tilespmem:s21+$0x26E0] =	vst v5  }
0x48e: {  	[tilespmem:s20+$0x2350] =	vst v6;
	v5 =	vld [tilespmem:s29+$0x270];
	v6 =	vmul.f32 v8, v11  }
0x48f: {  	vm0 =	vge.f32 v11, $0.0e+00;
	v8 =	vld [tilespmem:s28+$0x260];
	v9 =	vmul.f32 v10, v12  }
0x490: {  	vm1 =	vge.f32 v12, $0.0e+00;
	v6 =	vsel vm0, v11, v6;
	v10 =	vld [tilespmem:s19+$0x28C0]  }
0x491: {  	(v2sf) =	vpush v2, $0x2;
	v9 =	vsel vm1, v12, v9;
	v11 =	vld [tilespmem:s18+$0x2530];
	[tilespmem:s19+$0x28B0] =	vst v6  }
0x492: {  	[tilespmem:s18+$0x2520] =	vst v9;
	v6 =	vld [tilespmem:s26+$0x240]  }
0x493: {  	v9 =	vld [tilespmem:s25+$0x230];
	v12 =	vmul.f32 v5, v13  }
0x494: {  	vm0 =	vge.f32 v13, $0.0e+00;
	v8 =	vmul.f32 v8, v7;
	v5 =	vld [tilespmem:s19+$0x2A60]  }
0x495: {  	vm1 =	vge.f32 v7, $0.0e+00;
	v12 =	vsel vm0, v13, v12;
	v13 =	vld [tilespmem:s21+$0x2700]  }
0x496: {  	v7 =	vsel vm1, v7, v8;
	v8 =	vld [tilespmem:s20+$0x2370];
	[tilespmem:s21+$0x26F0] =	vst v12;
	s29 =	spop (v2sf)  }
0x497: {  	[tilespmem:s20+$0x2360] =	vst v7;
	v7 =	vld [tilespmem:s29+$0x200];
	v6 =	vmul.f32 v6, v10  }
0x498: {  	vm0 =	vge.f32 v10, $0.0e+00;
	v12 =	vld [tilespmem:s28+$0x270];
	v9 =	vmul.f32 v9, v11  }
0x499: {  	vm1 =	vge.f32 v11, $0.0e+00;
	v6 =	vsel vm0, v10, v6;
	v10 =	vld [tilespmem:s19+$0x28D0]  }
0x49a: {  	v9 =	vsel vm1, v11, v9;
	v11 =	vld [tilespmem:s18+$0x2540];
	[tilespmem:s19+$0x28C0] =	vst v6  }
0x49b: {  	[tilespmem:s18+$0x2530] =	vst v9;
	v9 =	vld [tilespmem:s26+$0x250]  }
0x49c: {  	v14 =	vld [tilespmem:s25+$0x240];
	v7 =	vmul.f32 v7, v13  }
0x49d: {  	vm0 =	vge.f32 v13, $0.0e+00;
	v12 =	vmul.f32 v12, v8;
	v6 =	vld [tilespmem:s19+$0x2A50]  }
0x49e: {  	vm1 =	vge.f32 v8, $0.0e+00;
	v7 =	vsel vm0, v13, v7;
	v13 =	vld [tilespmem:s21+$0x2710]  }
0x49f: {  	v8 =	vsel vm1, v8, v12;
	v12 =	vld [tilespmem:s20+$0x2380];
	[tilespmem:s21+$0x2700] =	vst v7  }
0x4a0: {  	[tilespmem:s20+$0x2370] =	vst v8;
	s28 =	spop (v2sf);
	v7 =	vld [tilespmem:s29+$0x210];
	v8 =	vmul.f32 v9, v10  }
0x4a1: {  	vm0 =	vge.f32 v10, $0.0e+00;
	v9 =	vld [tilespmem:s28+$0x200];
	v14 =	vmul.f32 v14, v11  }
0x4a2: {  	vm1 =	vge.f32 v11, $0.0e+00;
	v8 =	vsel vm0, v10, v8;
	v10 =	vld [tilespmem:s19+$0x28E0]  }
0x4a3: {  	v11 =	vsel vm1, v11, v14;
	v14 =	vld [tilespmem:s18+$0x2550];
	[tilespmem:s19+$0x28D0] =	vst v8  }
0x4a4: {  	[tilespmem:s18+$0x2540] =	vst v11;
	v8 =	vld [tilespmem:s26+$0x260]  }
0x4a5: {  	v11 =	vld [tilespmem:s25+$0x250];
	v15 =	vmul.f32 v7, v13  }
0x4a6: {  	vm0 =	vge.f32 v13, $0.0e+00;
	v9 =	vmul.f32 v9, v12;
	v7 =	vld [tilespmem:s19+$0x2A40];
	(v2sf) =	vpush v3, $0xD  }
0x4a7: {  	vm1 =	vge.f32 v12, $0.0e+00;
	v13 =	vsel vm0, v13, v15;
	v15 =	vld [tilespmem:s21+$0x2720]  }
0x4a8: {  	v9 =	vsel vm1, v12, v9;
	v12 =	vld [tilespmem:s20+$0x2390];
	[tilespmem:s21+$0x2710] =	vst v13  }
0x4a9: {  	[tilespmem:s20+$0x2380] =	vst v9;
	v9 =	vld [tilespmem:s29+$0x220];
	v8 =	vmul.f32 v8, v10  }
0x4aa: {  	vm0 =	vge.f32 v10, $0.0e+00;
	v13 =	vld [tilespmem:s28+$0x210];
	v11 =	vmul.f32 v11, v14  }
0x4ab: {  	vm1 =	vge.f32 v14, $0.0e+00;
	v8 =	vsel vm0, v10, v8;
	v10 =	vld [tilespmem:s19+$0x28F0]  }
0x4ac: {  	v11 =	vsel vm1, v14, v11;
	v14 =	vld [tilespmem:s18+$0x2560];
	[tilespmem:s19+$0x28E0] =	vst v8  }
0x4ad: {  	[tilespmem:s18+$0x2550] =	vst v11;
	v11 =	vld [tilespmem:s26+$0x270]  }
0x4ae: {  	v16 =	vld [tilespmem:s25+$0x260];
	v9 =	vmul.f32 v9, v15  }
0x4af: {  	vm0 =	vge.f32 v15, $0.0e+00;
	v13 =	vmul.f32 v13, v12;
	v8 =	vld [tilespmem:s19+$0x2A30]  }
0x4b0: {  	vm1 =	vge.f32 v12, $0.0e+00;
	(v2sf) =	vpush v0, $0x6;
	v9 =	vsel vm0, v15, v9;
	v15 =	vld [tilespmem:s21+$0x2730]  }
0x4b1: {  	v12 =	vsel vm1, v12, v13;
	v13 =	vld [tilespmem:s20+$0x23A0];
	[tilespmem:s21+$0x2720] =	vst v9  }
0x4b2: {  	[tilespmem:s20+$0x2390] =	vst v12;
	v9 =	vld [tilespmem:s29+$0x230];
	v11 =	vmul.f32 v11, v10  }
0x4b3: {  	vm0 =	vge.f32 v10, $0.0e+00;
	v12 =	vld [tilespmem:s28+$0x220];
	v16 =	vmul.f32 v16, v14  }
0x4b4: {  	vm1 =	vge.f32 v14, $0.0e+00;
	v10 =	vsel vm0, v10, v11;
	v11 =	vld [tilespmem:s19+$0x2900]  }
0x4b5: {  	v14 =	vsel vm1, v14, v16;
	v16 =	vld [tilespmem:s18+$0x2570];
	[tilespmem:s19+$0x28F0] =	vst v10;
	s30 =	spop (v2sf)  }
0x4b6: {  	[tilespmem:s18+$0x2560] =	vst v14;
	v14 =	vld [tilespmem:s30+$0x200]  }
0x4b7: {  	v17 =	vld [tilespmem:s25+$0x270];
	v9 =	vmul.f32 v9, v15  }
0x4b8: {  	vm0 =	vge.f32 v15, $0.0e+00;
	v12 =	vmul.f32 v12, v13;
	v10 =	vld [tilespmem:s19+$0x2A20]  }
0x4b9: {  	vm1 =	vge.f32 v13, $0.0e+00;
	v9 =	vsel vm0, v15, v9;
	v15 =	vld [tilespmem:s21+$0x2740]  }
0x4ba: {  	v12 =	vsel vm1, v13, v12;
	v13 =	vld [tilespmem:s20+$0x23B0];
	[tilespmem:s21+$0x2730] =	vst v9  }
0x4bb: {  	[tilespmem:s20+$0x23A0] =	vst v12;
	v9 =	vld [tilespmem:s29+$0x240];
	v12 =	vmul.f32 v14, v11  }
0x4bc: {  	vm0 =	vge.f32 v11, $0.0e+00;
	v14 =	vld [tilespmem:s28+$0x230];
	v17 =	vmul.f32 v17, v16  }
0x4bd: {  	vm1 =	vge.f32 v16, $0.0e+00;
	v11 =	vsel vm0, v11, v12;
	v12 =	vld [tilespmem:s19+$0x2910]  }
0x4be: {  	v16 =	vsel vm1, v16, v17;
	v17 =	vld [tilespmem:s18+$0x2580];
	[tilespmem:s19+$0x2900] =	vst v11  }
0x4bf: {  	[tilespmem:s18+$0x2570] =	vst v16;
	s24 =	spop (v2sf);
	v16 =	vld [tilespmem:s30+$0x210]  }
0x4c0: {  	v18 =	vld [tilespmem:s24+$0x200];
	v9 =	vmul.f32 v9, v15  }
0x4c1: {  	vm0 =	vge.f32 v15, $0.0e+00;
	v14 =	vmul.f32 v14, v13;
	v11 =	vld [tilespmem:s19+$0x2A10]  }
0x4c2: {  	vm1 =	vge.f32 v13, $0.0e+00;
	v9 =	vsel vm0, v15, v9;
	v15 =	vld [tilespmem:s21+$0x2750]  }
0x4c3: {  	v13 =	vsel vm1, v13, v14;
	v14 =	vld [tilespmem:s20+$0x23C0];
	[tilespmem:s21+$0x2740] =	vst v9  }
0x4c4: {  	[tilespmem:s20+$0x23B0] =	vst v13;
	v9 =	vld [tilespmem:s29+$0x250];
	v13 =	vmul.f32 v16, v12  }
0x4c5: {  	vm0 =	vge.f32 v12, $0.0e+00;
	v16 =	vld [tilespmem:s28+$0x240];
	v18 =	vmul.f32 v18, v17  }
0x4c6: {  	vm1 =	vge.f32 v17, $0.0e+00;
	v12 =	vsel vm0, v12, v13;
	v13 =	vld [tilespmem:s19+$0x2920]  }
0x4c7: {  	v17 =	vsel vm1, v17, v18;
	v18 =	vld [tilespmem:s18+$0x2590];
	[tilespmem:s19+$0x2910] =	vst v12  }
0x4c8: {  	[tilespmem:s18+$0x2580] =	vst v17;
	v17 =	vld [tilespmem:s30+$0x220]  }
0x4c9: {  	v19 =	vld [tilespmem:s24+$0x210];
	v9 =	vmul.f32 v9, v15  }
0x4ca: {  	vm0 =	vge.f32 v15, $0.0e+00;
	v16 =	vmul.f32 v16, v14;
	v12 =	vld [tilespmem:s19+$0x2A00]  }
0x4cb: {  	vm1 =	vge.f32 v14, $0.0e+00;
	v9 =	vsel vm0, v15, v9;
	v15 =	vld [tilespmem:s21+$0x2760]  }
0x4cc: {  	v14 =	vsel vm1, v14, v16;
	v16 =	vld [tilespmem:s20+$0x23D0];
	[tilespmem:s21+$0x2750] =	vst v9  }
0x4cd: {  	[tilespmem:s20+$0x23C0] =	vst v14;
	v9 =	vld [tilespmem:s29+$0x260];
	v14 =	vmul.f32 v17, v13  }
0x4ce: {  	vm0 =	vge.f32 v13, $0.0e+00;
	v17 =	vld [tilespmem:s28+$0x250];
	v19 =	vmul.f32 v19, v18  }
0x4cf: {  	vm1 =	vge.f32 v18, $0.0e+00;
	(v2sf) =	vpush v1, $0xA;
	v13 =	vsel vm0, v13, v14;
	v14 =	vld [tilespmem:s19+$0x2930]  }
0x4d0: {  	v18 =	vsel vm1, v18, v19;
	v19 =	vld [tilespmem:s18+$0x25A0];
	[tilespmem:s19+$0x2920] =	vst v13  }
0x4d1: {  	[tilespmem:s18+$0x2590] =	vst v18;
	v18 =	vld [tilespmem:s30+$0x230]  }
0x4d2: {  	v20 =	vld [tilespmem:s24+$0x220];
	v9 =	vmul.f32 v9, v15  }
0x4d3: {  	vm0 =	vge.f32 v15, $0.0e+00;
	v17 =	vmul.f32 v17, v16;
	v13 =	vld [tilespmem:s19+$0x29F0]  }
0x4d4: {  	vm1 =	vge.f32 v16, $0.0e+00;
	v9 =	vsel vm0, v15, v9;
	v15 =	vld [tilespmem:s21+$0x2770]  }
0x4d5: {  	v16 =	vsel vm1, v16, v17;
	v17 =	vld [tilespmem:s20+$0x23E0];
	[tilespmem:s21+$0x2760] =	vst v9  }
0x4d6: {  	[tilespmem:s20+$0x23D0] =	vst v16;
	v9 =	vld [tilespmem:s29+$0x270];
	v16 =	vmul.f32 v18, v14  }
0x4d7: {  	vm0 =	vge.f32 v14, $0.0e+00;
	v18 =	vld [tilespmem:s28+$0x260];
	v20 =	vmul.f32 v20, v19  }
0x4d8: {  	vm1 =	vge.f32 v19, $0.0e+00;
	v14 =	vsel vm0, v14, v16;
	v16 =	vld [tilespmem:s19+$0x2940]  }
0x4d9: {  	(v2sf) =	vpush v2, $0x3;
	v19 =	vsel vm1, v19, v20;
	v20 =	vld [tilespmem:s18+$0x25B0];
	[tilespmem:s19+$0x2930] =	vst v14  }
0x4da: {  	[tilespmem:s18+$0x25A0] =	vst v19;
	v19 =	vld [tilespmem:s30+$0x240]  }
0x4db: {  	v21 =	vld [tilespmem:s24+$0x230];
	v9 =	vmul.f32 v9, v15  }
0x4dc: {  	vm0 =	vge.f32 v15, $0.0e+00;
	v18 =	vmul.f32 v18, v17;
	v14 =	vld [tilespmem:s19+$0x29E0]  }
0x4dd: {  	vm1 =	vge.f32 v17, $0.0e+00;
	v9 =	vsel vm0, v15, v9;
	v22 =	vld [tilespmem:s21+$0x2780]  }
0x4de: {  	v15 =	vsel vm1, v17, v18;
	v17 =	vld [tilespmem:s20+$0x23F0];
	[tilespmem:s21+$0x2770] =	vst v9;
	s26 =	spop (v2sf)  }
0x4df: {  	[tilespmem:s20+$0x23E0] =	vst v15;
	v9 =	vld [tilespmem:s26+$0x200];
	v15 =	vmul.f32 v19, v16  }
0x4e0: {  	vm0 =	vge.f32 v16, $0.0e+00;
	v18 =	vld [tilespmem:s28+$0x270];
	v19 =	vmul.f32 v21, v20  }
0x4e1: {  	vm1 =	vge.f32 v20, $0.0e+00;
	v15 =	vsel vm0, v16, v15;
	v16 =	vld [tilespmem:s19+$0x2950]  }
0x4e2: {  	v19 =	vsel vm1, v20, v19;
	v20 =	vld [tilespmem:s18+$0x25C0];
	[tilespmem:s19+$0x2940] =	vst v15  }
0x4e3: {  	[tilespmem:s18+$0x25B0] =	vst v19;
	v19 =	vld [tilespmem:s30+$0x250]  }
0x4e4: {  	v21 =	vld [tilespmem:s24+$0x240];
	v9 =	vmul.f32 v9, v22  }
0x4e5: {  	vm0 =	vge.f32 v22, $0.0e+00;
	v18 =	vmul.f32 v18, v17;
	v15 =	vld [tilespmem:s19+$0x29D0]  }
0x4e6: {  	vm1 =	vge.f32 v17, $0.0e+00;
	v9 =	vsel vm0, v22, v9;
	v22 =	vld [tilespmem:s21+$0x2790]  }
0x4e7: {  	v17 =	vsel vm1, v17, v18;
	v18 =	vld [tilespmem:s20+$0x2400];
	[tilespmem:s21+$0x2780] =	vst v9  }
0x4e8: {  	[tilespmem:s20+$0x23F0] =	vst v17;
	s25 =	spop (v2sf);
	v9 =	vld [tilespmem:s26+$0x210];
	v17 =	vmul.f32 v19, v16  }
0x4e9: {  	vm0 =	vge.f32 v16, $0.0e+00;
	v19 =	vld [tilespmem:s25+$0x200];
	v21 =	vmul.f32 v21, v20  }
0x4ea: {  	vm1 =	vge.f32 v20, $0.0e+00;
	v16 =	vsel vm0, v16, v17;
	v17 =	vld [tilespmem:s19+$0x2960]  }
0x4eb: {  	v20 =	vsel vm1, v20, v21;
	v21 =	vld [tilespmem:s18+$0x25D0];
	[tilespmem:s19+$0x2950] =	vst v16  }
0x4ec: {  	[tilespmem:s18+$0x25C0] =	vst v20;
	v20 =	vld [tilespmem:s30+$0x260]  }
0x4ed: {  	v23 =	vld [tilespmem:s24+$0x250];
	v9 =	vmul.f32 v9, v22  }
0x4ee: {  	vm0 =	vge.f32 v22, $0.0e+00;
	v19 =	vmul.f32 v19, v18;
	v16 =	vld [tilespmem:s19+$0x29C0];
	(v2sf) =	vpush v3, $0xE  }
0x4ef: {  	vm1 =	vge.f32 v18, $0.0e+00;
	v9 =	vsel vm0, v22, v9;
	v22 =	vld [tilespmem:s21+$0x27A0]  }
0x4f0: {  	v18 =	vsel vm1, v18, v19;
	v19 =	vld [tilespmem:s20+$0x2410];
	[tilespmem:s21+$0x2790] =	vst v9  }
0x4f1: {  	[tilespmem:s20+$0x2400] =	vst v18;
	v18 =	vld [tilespmem:s26+$0x220];
	v9 =	vmul.f32 v20, v17  }
0x4f2: {  	vm0 =	vge.f32 v17, $0.0e+00;
	v20 =	vld [tilespmem:s25+$0x210];
	v23 =	vmul.f32 v23, v21  }
0x4f3: {  	vm1 =	vge.f32 v21, $0.0e+00;
	v24 =	vsel vm0, v17, v9;
	v9 =	vld [tilespmem:s19+$0x2970]  }
0x4f4: {  	v21 =	vsel vm1, v21, v23;
	v17 =	vld [tilespmem:s18+$0x25E0];
	[tilespmem:s19+$0x2960] =	vst v24  }
0x4f5: {  	[tilespmem:s18+$0x25D0] =	vst v21;
	v23 =	vld [tilespmem:s30+$0x270]  }
.Ltmp1:
0x4f6: {  	v21 =	vld [tilespmem:s24+$0x260];
	v24 =	vmul.f32 v18, v22;
	(pc) =	sbr.rel @p0 .LBB2_4-.Ltmp1, $4  }
0x4f7: {  	vm0 =	vge.f32 v22, $0.0e+00;
	v25 =	vmul.f32 v20, v19;
	v18 =	vld [tilespmem:s19+$0x2980]  }
0x4f8: {  	vm1 =	vge.f32 v19, $0.0e+00;
	(v2sf) =	vpush v0, $0x7;
	v22 =	vsel vm0, v22, v24;
	v20 =	vld [tilespmem:s21+$0x27B0]  }
0x4f9: {  	v24 =	vsel vm1, v19, v25;
	v19 =	vld [tilespmem:s20+$0x2420];
	[tilespmem:s21+$0x27A0] =	vst v22  }
0x4fa: {  	s23 =	sadd.s32 $0x1, s23;
	s28 =	sshll.u32 s22, $0x4;
	[tilespmem:s20+$0x2410] =	vst v24;
	v22 =	vld [tilespmem:s26+$0x230];
	v23 =	vmul.f32 v23, v9  }
0x4fb: {  	s23 =	sand.u32 $0x3FFFFFF0, s28  }
0x4fc: {  	v25 =	vld [tilespmem:s23+$0x0];
	_ =	sdelay $0x1  }
0x4fd: {  	v24 =	vld [tilespmem:s25+$0x220];
	vm0 =	vge.f32 v9, $0.0e+00  }
0x4fe: {  	v51 =	vld [tilespmem:s18+$0x25F0];
	v9 =	vsel vm0, v9, v23  }
0x4ff: {  	v21 =	vmul.f32 v21, v17;
	v26 =	vld [tilespmem:s19+$0x29B0];
	[tilespmem:s19+$0x2970] =	vst v9;
	s23 =	spop (v2sf)  }
0x500: {  	vm1 =	vge.f32 v17, $0.0e+00;
	v52 =	vld [tilespmem:s23+$0x200];
	v9 =	vshll.u32 v25, $0x7  }
0x501: {  	v54 =	vld [tilespmem:s21+$0x27C0];
	v17 =	vsel vm1, v17, v21;
	v22 =	vmul.f32 v22, v20;
	(v2sf) =	vpush v9, $0x0  }
0x502: {  	v55 =	vld [tilespmem:s20+$0x2430];
	vm12 =	vge.f32 v20, $0.0e+00;
	[tilespmem:s18+$0x25E0] =	vst v17;
	v24 =	vmul.f32 v24, v19  }
0x503: {  	vm13 =	vge.f32 v19, $0.0e+00;
	v53 =	vld [tilespmem:s24+$0x270];
	v20 =	vsel vm12, v20, v22  }
0x504: {  	v58 =	vld [tilespmem:s19+$0x2990];
	v19 =	vsel vm13, v19, v24;
	[tilespmem:s21+$0x27B0] =	vst v20  }
0x505: {  	[tilespmem:s20+$0x2420] =	vst v19;
	v56 =	vld [tilespmem:s26+$0x240];
	v17 =	vmul.f32 v52, v18  }
0x506: {  	vm14 =	vge.f32 v18, $0.0e+00;
	v57 =	vld [tilespmem:s25+$0x230]  }
0x507: {  	v59 =	vld [tilespmem:s18+$0x2600];
	v17 =	vsel vm14, v18, v17  }
0x508: {  	v60 =	vld [tilespmem:s19+$0x29A0];
	v23 =	vmul.f32 v53, v51;
	[tilespmem:s19+$0x2980] =	vst v17  }
0x509: {  	vm15 =	vge.f32 v51, $0.0e+00;
	v17 =	vld [tilespmem:s23+$0x210]  }
0x50a: {  	v61 =	vld [tilespmem:s21+$0x27D0];
	v21 =	vsel vm15, v51, v23;
	v19 =	vmul.f32 v56, v54  }
0x50b: {  	v62 =	vld [tilespmem:s20+$0x2440];
	vm4 =	vge.f32 v54, $0.0e+00;
	[tilespmem:s18+$0x25F0] =	vst v21;
	s29 =	spop (v2sf);
	v20 =	vmul.f32 v57, v55  }
0x50c: {  	vm5 =	vge.f32 v55, $0.0e+00;
	v21 =	vld [tilespmem:s29+$0x200];
	v19 =	vsel vm4, v54, v19  }
0x50d: {  	v27 =	vld [tilespmem:s18+$0x2610];
	v20 =	vsel vm5, v55, v20;
	[tilespmem:s21+$0x27C0] =	vst v19  }
0x50e: {  	s22 =	sshll.u32 s22, $0xB;
	[tilespmem:s20+$0x2430] =	vst v20;
	v19 =	vld [tilespmem:s26+$0x250];
	v17 =	vmul.f32 v17, v58  }
0x50f: {  	s22 =	sand.u32 $0x3FFFF800, s22;
	vm6 =	vge.f32 v58, $0.0e+00;
	v20 =	vld [tilespmem:s25+$0x240]  }
0x510: {  	v63 =	vld [tilespmem:s22+$0x2280];
	v17 =	vsel vm6, v58, v17;
	s30 =	spop (v2sf)  }
0x511: {  	v21 =	vmul.f32 v21, v59;
	[tilespmem:s19+$0x2990] =	vst v17;
	v31 =	vld [tilespmem:s30+$0x200]  }
0x512: {  	vm7 =	vge.f32 v59, $0.0e+00;
	v17 =	vld [tilespmem:s23+$0x220]  }
0x513: {  	v32 =	vld [tilespmem:s21+$0x27E0];
	v21 =	vsel vm7, v59, v21;
	v19 =	vmul.f32 v19, v61  }
0x514: {  	v33 =	vld [tilespmem:s20+$0x2450];
	vm8 =	vge.f32 v61, $0.0e+00;
	[tilespmem:s18+$0x2600] =	vst v21;
	v20 =	vmul.f32 v20, v62  }
0x515: {  	vm9 =	vge.f32 v62, $0.0e+00;
	v21 =	vld [tilespmem:s29+$0x210];
	v19 =	vsel vm8, v61, v19  }
0x516: {  	v28 =	vld [tilespmem:s18+$0x2620];
	v20 =	vsel vm9, v62, v20;
	[tilespmem:s21+$0x27D0] =	vst v19;
	v23 =	vmul.f32 v31, v63  }
0x517: {  	vm11 =	vge.f32 v63, $0.0e+00;
	[tilespmem:s20+$0x2440] =	vst v20;
	v19 =	vld [tilespmem:s26+$0x260];
	v17 =	vmul.f32 v17, v60  }
0x518: {  	vm10 =	vge.f32 v60, $0.0e+00;
	v20 =	vld [tilespmem:s25+$0x250];
	v35 =	vsel vm11, v63, v23  }
0x519: {  	v34 =	vld [tilespmem:s22+$0x2290];
	(v2sf) =	vpush v1, $0xB;
	v17 =	vsel vm10, v60, v17;
	[tilespmem:s22+$0x2280] =	vst v35  }
0x51a: {  	v21 =	vmul.f32 v21, v27;
	[tilespmem:s19+$0x29A0] =	vst v17;
	v39 =	vld [tilespmem:s30+$0x210]  }
0x51b: {  	vm12 =	vge.f32 v27, $0.0e+00;
	v37 =	vld [tilespmem:s23+$0x230]  }
0x51c: {  	v41 =	vld [tilespmem:s21+$0x27F0];
	v36 =	vsel vm12, v27, v21;
	v38 =	vmul.f32 v19, v32  }
0x51d: {  	v42 =	vld [tilespmem:s20+$0x2460];
	vm13 =	vge.f32 v32, $0.0e+00;
	[tilespmem:s18+$0x2610] =	vst v36;
	v20 =	vmul.f32 v20, v33  }
0x51e: {  	vm14 =	vge.f32 v33, $0.0e+00;
	v40 =	vld [tilespmem:s29+$0x220];
	v17 =	vsel vm13, v32, v38  }
0x51f: {  	v45 =	vld [tilespmem:s18+$0x2630];
	v20 =	vsel vm14, v33, v20;
	[tilespmem:s21+$0x27E0] =	vst v17;
	v18 =	vmul.f32 v39, v34  }
0x520: {  	vm4 =	vge.f32 v34, $0.0e+00;
	[tilespmem:s20+$0x2450] =	vst v20;
	v17 =	vld [tilespmem:s26+$0x270];
	v43 =	vmul.f32 v37, v26  }
0x521: {  	vm15 =	vge.f32 v26, $0.0e+00;
	v44 =	vld [tilespmem:s25+$0x260];
	v18 =	vsel vm4, v34, v18  }
0x522: {  	v46 =	vld [tilespmem:s22+$0x22A0];
	v20 =	vsel vm15, v26, v43;
	[tilespmem:s22+$0x2290] =	vst v18  }
0x523: {  	(v2sf) =	vpush v2, $0x4;
	v19 =	vmul.f32 v40, v28;
	[tilespmem:s19+$0x29B0] =	vst v20;
	v18 =	vld [tilespmem:s30+$0x220]  }
0x524: {  	vm5 =	vge.f32 v28, $0.0e+00;
	v20 =	vld [tilespmem:s23+$0x240]  }
0x525: {  	v47 =	vld [tilespmem:s21+$0x2800];
	v19 =	vsel vm5, v28, v19;
	v17 =	vmul.f32 v17, v41  }
0x526: {  	v48 =	vld [tilespmem:s20+$0x2470];
	vm6 =	vge.f32 v41, $0.0e+00;
	[tilespmem:s18+$0x2620] =	vst v19;
	v21 =	vmul.f32 v44, v42  }
0x527: {  	vm7 =	vge.f32 v42, $0.0e+00;
	v19 =	vld [tilespmem:s29+$0x230];
	v17 =	vsel vm6, v41, v17  }
0x528: {  	v49 =	vld [tilespmem:s18+$0x2640];
	s24 =	spop (v2sf);
	v21 =	vsel vm7, v42, v21;
	[tilespmem:s21+$0x27F0] =	vst v17;
	v18 =	vmul.f32 v18, v46  }
0x529: {  	vm9 =	vge.f32 v46, $0.0e+00;
	[tilespmem:s20+$0x2460] =	vst v21;
	v17 =	vld [tilespmem:s24+$0x200];
	v20 =	vmul.f32 v20, v16  }
0x52a: {  	vm8 =	vge.f32 v16, $0.0e+00;
	v21 =	vld [tilespmem:s25+$0x270];
	v51 =	vsel vm9, v46, v18  }
0x52b: {  	v50 =	vld [tilespmem:s22+$0x22B0];
	v16 =	vsel vm8, v16, v20;
	[tilespmem:s22+$0x22A0] =	vst v51  }
0x52c: {  	v19 =	vmul.f32 v19, v45;
	[tilespmem:s19+$0x29C0] =	vst v16;
	v55 =	vld [tilespmem:s30+$0x230]  }
0x52d: {  	vm10 =	vge.f32 v45, $0.0e+00;
	v53 =	vld [tilespmem:s23+$0x250]  }
0x52e: {  	v29 =	vld [tilespmem:s20+$0x2490];
	v52 =	vsel vm10, v45, v19;
	v54 =	vmul.f32 v17, v47  }
0x52f: {  	v56 =	vld [tilespmem:s21+$0x2810];
	vm11 =	vge.f32 v47, $0.0e+00;
	[tilespmem:s18+$0x2630] =	vst v52;
	v21 =	vmul.f32 v21, v48  }
0x530: {  	vm12 =	vge.f32 v48, $0.0e+00;
	v18 =	vld [tilespmem:s29+$0x240];
	v16 =	vsel vm11, v47, v54  }
0x531: {  	v57 =	vld [tilespmem:s20+$0x2480];
	v21 =	vsel vm12, v48, v21;
	[tilespmem:s21+$0x2800] =	vst v16;
	v17 =	vmul.f32 v55, v50  }
0x532: {  	vm14 =	vge.f32 v50, $0.0e+00;
	s31 =	spop (v2sf);
	[tilespmem:s20+$0x2470] =	vst v21;
	v16 =	vld [tilespmem:s24+$0x210];
	v19 =	vmul.f32 v53, v15  }
0x533: {  	vm13 =	vge.f32 v15, $0.0e+00;
	v21 =	vld [tilespmem:s31+$0x200];
	v60 =	vsel vm14, v50, v17  }
0x534: {  	v59 =	vld [tilespmem:s22+$0x22C0];
	v15 =	vsel vm13, v15, v19;
	[tilespmem:s22+$0x22B0] =	vst v60  }
0x535: {  	v18 =	vmul.f32 v18, v49;
	[tilespmem:s19+$0x29D0] =	vst v15;
	v25 =	vld [tilespmem:s30+$0x240]  }
0x536: {  	vm15 =	vge.f32 v49, $0.0e+00;
	v62 =	vld [tilespmem:s23+$0x260]  }
0x537: {  	v30 =	vld [tilespmem:s18+$0x2660];
	v61 =	vsel vm15, v49, v18;
	v63 =	vmul.f32 v16, v56  }
0x538: {  	v58 =	vld [tilespmem:s18+$0x2650];
	(v2sf) =	vpush v3, $0xF;
	vm4 =	vge.f32 v56, $0.0e+00;
	[tilespmem:s18+$0x2640] =	vst v61;
	v26 =	vmul.f32 v21, v57  }
0x539: {  	vm5 =	vge.f32 v57, $0.0e+00;
	v17 =	vld [tilespmem:s29+$0x250];
	v27 =	vsel vm4, v56, v63  }
0x53a: {  	v28 =	vld [tilespmem:s21+$0x2820];
	v20 =	vsel vm5, v57, v26;
	[tilespmem:s21+$0x2810] =	vst v27;
	v16 =	vmul.f32 v25, v59  }
0x53b: {  	vm7 =	vge.f32 v59, $0.0e+00;
	[tilespmem:s20+$0x2480] =	vst v20;
	v3 =	vld [tilespmem:s24+$0x220];
	v18 =	vmul.f32 v62, v14  }
0x53c: {  	vm6 =	vge.f32 v14, $0.0e+00;
	v20 =	vld [tilespmem:s31+$0x210];
	v32 =	vsel vm7, v59, v16  }
0x53d: {  	v31 =	vld [tilespmem:s22+$0x22D0];
	v14 =	vsel vm6, v14, v18;
	[tilespmem:s22+$0x22C0] =	vst v32  }
0x53e: {  	v17 =	vmul.f32 v17, v58;
	[tilespmem:s19+$0x29E0] =	vst v14;
	v14 =	vld [tilespmem:s30+$0x250]  }
0x53f: {  	vm8 =	vge.f32 v58, $0.0e+00;
	v34 =	vld [tilespmem:s23+$0x270]  }
0x540: {  	v24 =	vld [tilespmem:s18+$0x26A0];
	v33 =	vsel vm8, v58, v17;
	v3 =	vmul.f32 v3, v28  }
0x541: {  	v36 =	vld [tilespmem:s21+$0x2830];
	vm9 =	vge.f32 v28, $0.0e+00;
	[tilespmem:s18+$0x2650] =	vst v33;
	v35 =	vmul.f32 v20, v29  }
0x542: {  	vm10 =	vge.f32 v29, $0.0e+00;
	v16 =	vld [tilespmem:s29+$0x260];
	v3 =	vsel vm9, v28, v3  }
0x543: {  	v37 =	vld [tilespmem:s20+$0x24A0];
	v19 =	vsel vm10, v29, v35;
	[tilespmem:s21+$0x2820] =	vst v3;
	v14 =	vmul.f32 v14, v31  }
0x544: {  	(v2sf) =	vpush v0, $0x8;
	vm12 =	vge.f32 v31, $0.0e+00;
	[tilespmem:s20+$0x2490] =	vst v19;
	v3 =	vld [tilespmem:s24+$0x230];
	v17 =	vmul.f32 v34, v13  }
0x545: {  	vm11 =	vge.f32 v13, $0.0e+00;
	v19 =	vld [tilespmem:s31+$0x220];
	v40 =	vsel vm12, v31, v14  }
0x546: {  	v39 =	vld [tilespmem:s22+$0x22E0];
	v13 =	vsel vm11, v13, v17;
	[tilespmem:s22+$0x22D0] =	vst v40  }
0x547: {  	s23 =	spop (v2sf);
	v16 =	vmul.f32 v16, v30;
	[tilespmem:s19+$0x29F0] =	vst v13;
	v13 =	vld [tilespmem:s30+$0x260]  }
0x548: {  	vm13 =	vge.f32 v30, $0.0e+00;
	v42 =	vld [tilespmem:s23+$0x200]  }
0x549: {  	v38 =	vld [tilespmem:s18+$0x2670];
	(v2sf) =	vpush v9, $0x1;
	v41 =	vsel vm13, v30, v16;
	v3 =	vmul.f32 v3, v36  }
0x54a: {  	v44 =	vld [tilespmem:s21+$0x2840];
	vm14 =	vge.f32 v36, $0.0e+00;
	[tilespmem:s18+$0x2660] =	vst v41;
	v43 =	vmul.f32 v19, v37  }
0x54b: {  	vm15 =	vge.f32 v37, $0.0e+00;
	v14 =	vld [tilespmem:s29+$0x270];
	v3 =	vsel vm14, v36, v3  }
0x54c: {  	v45 =	vld [tilespmem:s20+$0x24B0];
	v18 =	vsel vm15, v37, v43;
	[tilespmem:s21+$0x2830] =	vst v3;
	v13 =	vmul.f32 v13, v39  }
0x54d: {  	vm5 =	vge.f32 v39, $0.0e+00;
	[tilespmem:s20+$0x24A0] =	vst v18;
	v3 =	vld [tilespmem:s24+$0x240];
	v16 =	vmul.f32 v42, v12  }
0x54e: {  	vm4 =	vge.f32 v12, $0.0e+00;
	v18 =	vld [tilespmem:s31+$0x230];
	v48 =	vsel vm5, v39, v13  }
0x54f: {  	v47 =	vld [tilespmem:s22+$0x22F0];
	v12 =	vsel vm4, v12, v16;
	[tilespmem:s22+$0x22E0] =	vst v48  }
0x550: {  	v14 =	vmul.f32 v14, v38;
	[tilespmem:s19+$0x2A00] =	vst v12;
	v12 =	vld [tilespmem:s30+$0x270]  }
0x551: {  	v46 =	vld [tilespmem:s18+$0x2680];
	vm6 =	vge.f32 v38, $0.0e+00  }
0x552: {  	v52 =	vld [tilespmem:s21+$0x2850];
	v49 =	vsel vm6, v38, v14;
	v3 =	vmul.f32 v3, v44  }
0x553: {  	v53 =	vld [tilespmem:s20+$0x24C0];
	vm7 =	vge.f32 v44, $0.0e+00;
	s26 =	spop (v2sf);
	[tilespmem:s18+$0x2670] =	vst v49;
	v51 =	vmul.f32 v18, v45  }
0x554: {  	vm8 =	vge.f32 v45, $0.0e+00;
	v13 =	vld [tilespmem:s26+$0x200];
	v3 =	vsel vm7, v44, v3  }
0x555: {  	v50 =	vld [tilespmem:s23+$0x210];
	v17 =	vsel vm8, v45, v51;
	[tilespmem:s21+$0x2840] =	vst v3;
	v12 =	vmul.f32 v12, v47  }
0x556: {  	vm10 =	vge.f32 v47, $0.0e+00;
	[tilespmem:s20+$0x24B0] =	vst v17;
	v54 =	vld [tilespmem:s24+$0x250]  }
0x557: {  	v56 =	vld [tilespmem:s31+$0x240];
	v12 =	vsel vm10, v47, v12  }
0x558: {  	v58 =	vld [tilespmem:s22+$0x2300];
	s30 =	spop (v2sf);
	[tilespmem:s22+$0x22F0] =	vst v12  }
0x559: {  	v13 =	vmul.f32 v13, v46;
	v60 =	vld [tilespmem:s30+$0x200]  }
0x55a: {  	v63 =	vld [tilespmem:s20+$0x24D0];
	vm11 =	vge.f32 v46, $0.0e+00;
	v55 =	vmul.f32 v50, v11  }
0x55b: {  	v57 =	vld [tilespmem:s18+$0x2690];
	vm9 =	vge.f32 v11, $0.0e+00;
	v13 =	vsel vm11, v46, v13;
	v59 =	vmul.f32 v54, v52  }
0x55c: {  	v62 =	vld [tilespmem:s21+$0x2860];
	vm12 =	vge.f32 v52, $0.0e+00;
	v3 =	vsel vm9, v11, v55;
	[tilespmem:s18+$0x2680] =	vst v13;
	v14 =	vmul.f32 v56, v53  }
0x55d: {  	vm13 =	vge.f32 v53, $0.0e+00;
	[tilespmem:s19+$0x2A10] =	vst v3;
	v61 =	vld [tilespmem:s26+$0x210];
	v12 =	vsel vm12, v52, v59  }
0x55e: {  	v3 =	vld [tilespmem:s23+$0x220];
	v14 =	vsel vm13, v53, v14;
	[tilespmem:s21+$0x2850] =	vst v12;
	v13 =	vmul.f32 v60, v58  }
0x55f: {  	vm14 =	vge.f32 v58, $0.0e+00;
	[tilespmem:s20+$0x24C0] =	vst v14;
	v12 =	vld [tilespmem:s24+$0x260]  }
0x560: {  	(v2sf) =	vpush v1, $0xC;
	v14 =	vld [tilespmem:s31+$0x250];
	v11 =	vsel vm14, v58, v13  }
0x561: {  	v25 =	vld [tilespmem:s22+$0x2310];
	[tilespmem:s22+$0x2300] =	vst v11  }
0x562: {  	v26 =	vmul.f32 v61, v57;
	v11 =	vld [tilespmem:s30+$0x210]  }
0x563: {  	vm15 =	vge.f32 v57, $0.0e+00  }
0x564: {  	v13 =	vsel vm15, v57, v26  }
0x565: {  	[tilespmem:s18+$0x2690] =	vst v13  }
0x566: {  	v13 =	vld [tilespmem:s26+$0x220]  }
0x567: {  	v11 =	vmul.f32 v11, v25  }
0x568: {  	vm4 =	vge.f32 v25, $0.0e+00  }
0x569: {  	v11 =	vsel vm4, v25, v11  }
0x56a: {  	v27 =	vld [tilespmem:s22+$0x2320];
	[tilespmem:s22+$0x2310] =	vst v11  }
0x56b: {  	v13 =	vmul.f32 v13, v24;
	v29 =	vld [tilespmem:s30+$0x220]  }
0x56c: {  	vm6 =	vge.f32 v24, $0.0e+00;
	v28 =	vmul.f32 v14, v63  }
0x56d: {  	vm5 =	vge.f32 v63, $0.0e+00;
	v30 =	vld [tilespmem:s20+$0x24E0];
	v13 =	vsel vm6, v24, v13  }
0x56e: {  	v31 =	vld [tilespmem:s18+$0x26B0];
	v11 =	vsel vm5, v63, v28;
	[tilespmem:s18+$0x26A0] =	vst v13  }
0x56f: {  	[tilespmem:s20+$0x24D0] =	vst v11;
	v13 =	vld [tilespmem:s26+$0x230]  }
0x570: {  	v32 =	vld [tilespmem:s31+$0x260];
	v14 =	vmul.f32 v29, v27  }
0x571: {  	vm7 =	vge.f32 v27, $0.0e+00  }
0x572: {  	(v2sf) =	vpush v2, $0x5;
	v14 =	vsel vm7, v27, v14  }
0x573: {  	v33 =	vld [tilespmem:s22+$0x2330];
	[tilespmem:s22+$0x2320] =	vst v14  }
0x574: {  	v13 =	vmul.f32 v13, v31;
	v35 =	vld [tilespmem:s30+$0x230]  }
0x575: {  	vm9 =	vge.f32 v31, $0.0e+00;
	v34 =	vmul.f32 v32, v30  }
0x576: {  	v36 =	vld [tilespmem:s20+$0x24F0];
	vm8 =	vge.f32 v30, $0.0e+00;
	v11 =	vsel vm9, v31, v13  }
0x577: {  	v37 =	vld [tilespmem:s18+$0x26C0];
	v14 =	vsel vm8, v30, v34;
	[tilespmem:s18+$0x26B0] =	vst v11  }
0x578: {  	[tilespmem:s20+$0x24E0] =	vst v14;
	v11 =	vld [tilespmem:s26+$0x240]  }
0x579: {  	v38 =	vld [tilespmem:s31+$0x270];
	v18 =	vmul.f32 v35, v33  }
0x57a: {  	vm10 =	vge.f32 v33, $0.0e+00  }
0x57b: {  	v16 =	vsel vm10, v33, v18  }
0x57c: {  	v39 =	vld [tilespmem:s22+$0x2340];
	[tilespmem:s22+$0x2330] =	vst v16  }
0x57d: {  	v11 =	vmul.f32 v11, v37;
	v16 =	vld [tilespmem:s30+$0x240]  }
0x57e: {  	vm12 =	vge.f32 v37, $0.0e+00;
	v13 =	vmul.f32 v38, v36  }
0x57f: {  	v40 =	vld [tilespmem:s20+$0x2500];
	vm11 =	vge.f32 v36, $0.0e+00;
	v11 =	vsel vm12, v37, v11  }
0x580: {  	s25 =	spop (v2sf);
	v41 =	vld [tilespmem:s18+$0x26D0];
	v13 =	vsel vm11, v36, v13;
	[tilespmem:s18+$0x26C0] =	vst v11  }
0x581: {  	s31 =	spop (v2sf);
	[tilespmem:s20+$0x24F0] =	vst v13;
	v11 =	vld [tilespmem:s26+$0x250]  }
0x582: {  	v42 =	vld [tilespmem:s31+$0x200];
	v16 =	vmul.f32 v16, v39  }
0x583: {  	vm13 =	vge.f32 v39, $0.0e+00  }
0x584: {  	v16 =	vsel vm13, v39, v16  }
0x585: {  	v43 =	vld [tilespmem:s22+$0x2350];
	[tilespmem:s22+$0x2340] =	vst v16  }
0x586: {  	v11 =	vmul.f32 v11, v41;
	v16 =	vld [tilespmem:s30+$0x250]  }
0x587: {  	vm15 =	vge.f32 v41, $0.0e+00;
	v14 =	vmul.f32 v42, v40  }
0x588: {  	v44 =	vld [tilespmem:s20+$0x2510];
	vm14 =	vge.f32 v40, $0.0e+00;
	v11 =	vsel vm15, v41, v11  }
0x589: {  	v45 =	vld [tilespmem:s18+$0x26E0];
	v14 =	vsel vm14, v40, v14;
	[tilespmem:s18+$0x26D0] =	vst v11  }
0x58a: {  	[tilespmem:s20+$0x2500] =	vst v14;
	v11 =	vld [tilespmem:s26+$0x260]  }
0x58b: {  	v46 =	vld [tilespmem:s31+$0x210];
	v16 =	vmul.f32 v16, v43  }
0x58c: {  	(v2sf) =	vpush v0, $0x9;
	vm4 =	vge.f32 v43, $0.0e+00  }
0x58d: {  	v16 =	vsel vm4, v43, v16  }
0x58e: {  	v48 =	vld [tilespmem:s22+$0x2360];
	v12 =	vmul.f32 v12, v62;
	[tilespmem:s22+$0x2350] =	vst v16  }
0x58f: {  	vm5 =	vge.f32 v62, $0.0e+00;
	v11 =	vmul.f32 v11, v45;
	v50 =	vld [tilespmem:s30+$0x260]  }
0x590: {  	v47 =	vld [tilespmem:s21+$0x2870];
	v12 =	vsel vm5, v62, v12;
	vm7 =	vge.f32 v45, $0.0e+00;
	v49 =	vmul.f32 v46, v44  }
0x591: {  	v52 =	vld [tilespmem:s20+$0x2520];
	vm6 =	vge.f32 v44, $0.0e+00;
	[tilespmem:s21+$0x2860] =	vst v12;
	(v2sf) =	vpush v9, $0x2;
	v11 =	vsel vm7, v45, v11  }
0x592: {  	v53 =	vld [tilespmem:s18+$0x26F0];
	v12 =	vsel vm6, v44, v49;
	[tilespmem:s18+$0x26E0] =	vst v11  }
0x593: {  	[tilespmem:s20+$0x2510] =	vst v12;
	v11 =	vld [tilespmem:s26+$0x270]  }
0x594: {  	v54 =	vld [tilespmem:s31+$0x220];
	v13 =	vmul.f32 v50, v48  }
0x595: {  	v51 =	vld [tilespmem:s24+$0x270];
	vm8 =	vge.f32 v48, $0.0e+00  }
0x596: {  	v13 =	vsel vm8, v48, v13  }
0x597: {  	v57 =	vld [tilespmem:s22+$0x2370];
	[tilespmem:s22+$0x2360] =	vst v13  }
0x598: {  	v11 =	vmul.f32 v11, v53;
	v59 =	vld [tilespmem:s30+$0x270]  }
0x599: {  	v55 =	vld [tilespmem:s21+$0x2880];
	vm11 =	vge.f32 v53, $0.0e+00;
	v58 =	vmul.f32 v54, v52  }
0x59a: {  	v61 =	vld [tilespmem:s18+$0x2700];
	vm10 =	vge.f32 v52, $0.0e+00;
	v16 =	vmul.f32 v51, v47;
	v11 =	vsel vm11, v53, v11  }
0x59b: {  	v60 =	vld [tilespmem:s20+$0x2530];
	vm9 =	vge.f32 v47, $0.0e+00;
	s29 =	spop (v2sf);
	v13 =	vsel vm10, v52, v58;
	[tilespmem:s18+$0x26F0] =	vst v11  }
0x59c: {  	v56 =	vsel vm9, v47, v16;
	[tilespmem:s20+$0x2520] =	vst v13;
	v11 =	vld [tilespmem:s29+$0x200]  }
0x59d: {  	[tilespmem:s21+$0x2870] =	vst v56;
	v13 =	vld [tilespmem:s31+$0x230];
	v14 =	vmul.f32 v59, v57  }
0x59e: {  	vm12 =	vge.f32 v57, $0.0e+00;
	v15 =	vld [tilespmem:s25+$0x200]  }
0x59f: {  	v14 =	vsel vm12, v57, v14  }
0x5a0: {  	v63 =	vld [tilespmem:s22+$0x2380];
	s30 =	spop (v2sf);
	[tilespmem:s22+$0x2370] =	vst v14  }
0x5a1: {  	v11 =	vmul.f32 v11, v61;
	v14 =	vld [tilespmem:s30+$0x200]  }
0x5a2: {  	v21 =	vld [tilespmem:s20+$0x2540];
	vm15 =	vge.f32 v61, $0.0e+00;
	v13 =	vmul.f32 v13, v60  }
0x5a3: {  	v22 =	vld [tilespmem:s18+$0x2710];
	vm14 =	vge.f32 v60, $0.0e+00;
	v15 =	vmul.f32 v15, v55;
	v11 =	vsel vm15, v61, v11  }
0x5a4: {  	v62 =	vld [tilespmem:s21+$0x2890];
	vm13 =	vge.f32 v55, $0.0e+00;
	v13 =	vsel vm14, v60, v13;
	[tilespmem:s18+$0x2700] =	vst v11  }
0x5a5: {  	v15 =	vsel vm13, v55, v15;
	[tilespmem:s20+$0x2530] =	vst v13;
	v11 =	vld [tilespmem:s29+$0x210]  }
0x5a6: {  	[tilespmem:s21+$0x2880] =	vst v15;
	v13 =	vld [tilespmem:s31+$0x240];
	v14 =	vmul.f32 v14, v63  }
0x5a7: {  	vm4 =	vge.f32 v63, $0.0e+00;
	v15 =	vld [tilespmem:s25+$0x210]  }
0x5a8: {  	v14 =	vsel vm4, v63, v14  }
0x5a9: {  	v24 =	vld [tilespmem:s22+$0x2390];
	[tilespmem:s22+$0x2380] =	vst v14  }
0x5aa: {  	v11 =	vmul.f32 v11, v22;
	v14 =	vld [tilespmem:s30+$0x210]  }
0x5ab: {  	v23 =	vld [tilespmem:s21+$0x28A0];
	vm7 =	vge.f32 v22, $0.0e+00;
	v13 =	vmul.f32 v13, v21  }
0x5ac: {  	v26 =	vld [tilespmem:s18+$0x2720];
	vm6 =	vge.f32 v21, $0.0e+00;
	v15 =	vmul.f32 v15, v62;
	v11 =	vsel vm7, v22, v11  }
0x5ad: {  	v25 =	vld [tilespmem:s20+$0x2550];
	vm5 =	vge.f32 v62, $0.0e+00;
	v13 =	vsel vm6, v21, v13;
	[tilespmem:s18+$0x2710] =	vst v11  }
0x5ae: {  	v15 =	vsel vm5, v62, v15;
	[tilespmem:s20+$0x2540] =	vst v13;
	v11 =	vld [tilespmem:s29+$0x220]  }
0x5af: {  	[tilespmem:s21+$0x2890] =	vst v15;
	v13 =	vld [tilespmem:s31+$0x250];
	v14 =	vmul.f32 v14, v24  }
0x5b0: {  	vm8 =	vge.f32 v24, $0.0e+00;
	v15 =	vld [tilespmem:s25+$0x220]  }
0x5b1: {  	v14 =	vsel vm8, v24, v14  }
0x5b2: {  	v28 =	vld [tilespmem:s22+$0x23A0];
	[tilespmem:s22+$0x2390] =	vst v14  }
0x5b3: {  	v11 =	vmul.f32 v11, v26;
	v14 =	vld [tilespmem:s30+$0x220]  }
0x5b4: {  	v29 =	vld [tilespmem:s20+$0x2560];
	vm11 =	vge.f32 v26, $0.0e+00;
	v13 =	vmul.f32 v13, v25  }
0x5b5: {  	v27 =	vld [tilespmem:s21+$0x28B0];
	vm10 =	vge.f32 v25, $0.0e+00;
	v15 =	vmul.f32 v15, v23;
	v11 =	vsel vm11, v26, v11  }
0x5b6: {  	v30 =	vld [tilespmem:s18+$0x2730];
	vm9 =	vge.f32 v23, $0.0e+00;
	v13 =	vsel vm10, v25, v13;
	[tilespmem:s18+$0x2720] =	vst v11  }
0x5b7: {  	v15 =	vsel vm9, v23, v15;
	[tilespmem:s20+$0x2550] =	vst v13;
	v31 =	vld [tilespmem:s29+$0x230]  }
0x5b8: {  	[tilespmem:s21+$0x28A0] =	vst v15;
	v13 =	vld [tilespmem:s31+$0x260];
	v14 =	vmul.f32 v14, v28  }
0x5b9: {  	(v2sf) =	vpush v1, $0xD;
	vm12 =	vge.f32 v28, $0.0e+00;
	v15 =	vld [tilespmem:s25+$0x230]  }
0x5ba: {  	(v2sf) =	vpush v2, $0x6;
	v14 =	vsel vm12, v28, v14  }
0x5bb: {  	v33 =	vld [tilespmem:s22+$0x23B0];
	[tilespmem:s22+$0x23A0] =	vst v14  }
0x5bc: {  	v18 =	vmul.f32 v31, v30;
	v14 =	vld [tilespmem:s30+$0x230]  }
0x5bd: {  	v32 =	vld [tilespmem:s21+$0x28C0];
	vm15 =	vge.f32 v30, $0.0e+00;
	v13 =	vmul.f32 v13, v29  }
0x5be: {  	v34 =	vld [tilespmem:s20+$0x2570];
	vm14 =	vge.f32 v29, $0.0e+00;
	v15 =	vmul.f32 v15, v27;
	v12 =	vsel vm15, v30, v18  }
0x5bf: {  	v35 =	vld [tilespmem:s18+$0x2740];
	vm13 =	vge.f32 v27, $0.0e+00;
	v13 =	vsel vm14, v29, v13;
	[tilespmem:s18+$0x2730] =	vst v12  }
0x5c0: {  	v15 =	vsel vm13, v27, v15;
	[tilespmem:s20+$0x2560] =	vst v13;
	v37 =	vld [tilespmem:s29+$0x240]  }
0x5c1: {  	[tilespmem:s21+$0x28B0] =	vst v15;
	v36 =	vld [tilespmem:s31+$0x270];
	v14 =	vmul.f32 v14, v33  }
0x5c2: {  	vm4 =	vge.f32 v33, $0.0e+00;
	v15 =	vld [tilespmem:s25+$0x240]  }
0x5c3: {  	v14 =	vsel vm4, v33, v14  }
0x5c4: {  	v39 =	vld [tilespmem:s22+$0x23C0];
	[tilespmem:s22+$0x23B0] =	vst v14  }
0x5c5: {  	v19 =	vmul.f32 v37, v35;
	v41 =	vld [tilespmem:s30+$0x240]  }
0x5c6: {  	v38 =	vld [tilespmem:s21+$0x28D0];
	vm7 =	vge.f32 v35, $0.0e+00;
	v40 =	vmul.f32 v36, v34  }
0x5c7: {  	v43 =	vld [tilespmem:s20+$0x2580];
	vm6 =	vge.f32 v34, $0.0e+00;
	v15 =	vmul.f32 v15, v32;
	v13 =	vsel vm7, v35, v19  }
0x5c8: {  	v44 =	vld [tilespmem:s18+$0x2750];
	s24 =	spop (v2sf);
	vm5 =	vge.f32 v32, $0.0e+00;
	v14 =	vsel vm6, v34, v40;
	[tilespmem:s18+$0x2740] =	vst v13  }
0x5c9: {  	v15 =	vsel vm5, v32, v15;
	s31 =	spop (v2sf);
	[tilespmem:s20+$0x2570] =	vst v14;
	v46 =	vld [tilespmem:s29+$0x250]  }
0x5ca: {  	[tilespmem:s21+$0x28C0] =	vst v15;
	v45 =	vld [tilespmem:s31+$0x200];
	v15 =	vmul.f32 v41, v39  }
0x5cb: {  	vm8 =	vge.f32 v39, $0.0e+00;
	v42 =	vld [tilespmem:s25+$0x250]  }
0x5cc: {  	v15 =	vsel vm8, v39, v15  }
0x5cd: {  	v49 =	vld [tilespmem:s22+$0x23D0];
	[tilespmem:s22+$0x23C0] =	vst v15  }
0x5ce: {  	v20 =	vmul.f32 v46, v44;
	v51 =	vld [tilespmem:s30+$0x250]  }
0x5cf: {  	v47 =	vld [tilespmem:s21+$0x28E0];
	vm11 =	vge.f32 v44, $0.0e+00;
	v50 =	vmul.f32 v45, v43  }
0x5d0: {  	v54 =	vld [tilespmem:s18+$0x2760];
	vm10 =	vge.f32 v43, $0.0e+00;
	v18 =	vmul.f32 v42, v38;
	v14 =	vsel vm11, v44, v20  }
0x5d1: {  	v53 =	vld [tilespmem:s20+$0x2590];
	vm9 =	vge.f32 v38, $0.0e+00;
	v15 =	vsel vm10, v43, v50;
	[tilespmem:s18+$0x2750] =	vst v14  }
0x5d2: {  	v48 =	vsel vm9, v38, v18;
	[tilespmem:s20+$0x2580] =	vst v15;
	v56 =	vld [tilespmem:s29+$0x260]  }
0x5d3: {  	[tilespmem:s21+$0x28D0] =	vst v48;
	v55 =	vld [tilespmem:s31+$0x210];
	v16 =	vmul.f32 v51, v49  }
0x5d4: {  	(v2sf) =	vpush v0, $0xA;
	vm12 =	vge.f32 v49, $0.0e+00;
	v52 =	vld [tilespmem:s25+$0x260]  }
0x5d5: {  	v16 =	vsel vm12, v49, v16  }
0x5d6: {  	v59 =	vld [tilespmem:s22+$0x23E0];
	[tilespmem:s22+$0x23D0] =	vst v16  }
0x5d7: {  	v21 =	vmul.f32 v56, v54;
	v61 =	vld [tilespmem:s30+$0x260]  }
0x5d8: {  	v57 =	vld [tilespmem:s21+$0x28F0];
	vm15 =	vge.f32 v54, $0.0e+00;
	vm14 =	vge.f32 v53, $0.0e+00;
	v60 =	vmul.f32 v55, v53  }
0x5d9: {  	v63 =	vld [tilespmem:s20+$0x25A0];
	(v2sf) =	vpush v9, $0x3;
	v19 =	vmul.f32 v52, v47;
	v15 =	vsel vm15, v54, v21  }
0x5da: {  	vm13 =	vge.f32 v47, $0.0e+00;
	v28 =	vld [tilespmem:s18+$0x2770];
	v16 =	vsel vm14, v53, v60;
	[tilespmem:s18+$0x2760] =	vst v15  }
0x5db: {  	v58 =	vsel vm13, v47, v19;
	[tilespmem:s20+$0x2590] =	vst v16;
	v30 =	vld [tilespmem:s29+$0x270]  }
0x5dc: {  	[tilespmem:s21+$0x28E0] =	vst v58;
	v29 =	vld [tilespmem:s31+$0x220];
	v18 =	vmul.f32 v61, v59  }
0x5dd: {  	vm4 =	vge.f32 v59, $0.0e+00;
	v62 =	vld [tilespmem:s25+$0x270]  }
0x5de: {  	v18 =	vsel vm4, v59, v18  }
0x5df: {  	v33 =	vld [tilespmem:s22+$0x23F0];
	[tilespmem:s22+$0x23E0] =	vst v18  }
0x5e0: {  	v22 =	vmul.f32 v30, v28;
	v35 =	vld [tilespmem:s30+$0x270]  }
0x5e1: {  	v31 =	vld [tilespmem:s21+$0x2900];
	vm7 =	vge.f32 v28, $0.0e+00;
	v34 =	vmul.f32 v29, v63  }
0x5e2: {  	v37 =	vld [tilespmem:s20+$0x25B0];
	vm6 =	vge.f32 v63, $0.0e+00;
	v20 =	vmul.f32 v62, v57;
	v16 =	vsel vm7, v28, v22  }
0x5e3: {  	vm5 =	vge.f32 v57, $0.0e+00;
	v38 =	vld [tilespmem:s18+$0x2780];
	s25 =	spop (v2sf);
	v17 =	vsel vm6, v63, v34;
	[tilespmem:s18+$0x2770] =	vst v16  }
0x5e4: {  	v32 =	vsel vm5, v57, v20;
	[tilespmem:s20+$0x25A0] =	vst v17;
	v40 =	vld [tilespmem:s25+$0x200]  }
0x5e5: {  	[tilespmem:s21+$0x28F0] =	vst v32;
	v39 =	vld [tilespmem:s31+$0x230];
	v19 =	vmul.f32 v35, v33  }
0x5e6: {  	vm8 =	vge.f32 v33, $0.0e+00;
	v36 =	vld [tilespmem:s24+$0x200]  }
0x5e7: {  	v19 =	vsel vm8, v33, v19  }
0x5e8: {  	v43 =	vld [tilespmem:s22+$0x2400];
	s30 =	spop (v2sf);
	[tilespmem:s22+$0x23F0] =	vst v19  }
0x5e9: {  	v23 =	vmul.f32 v40, v38;
	v45 =	vld [tilespmem:s30+$0x200]  }
0x5ea: {  	v48 =	vld [tilespmem:s18+$0x2790];
	vm11 =	vge.f32 v38, $0.0e+00;
	v44 =	vmul.f32 v39, v37  }
0x5eb: {  	v41 =	vld [tilespmem:s21+$0x2910];
	vm10 =	vge.f32 v37, $0.0e+00;
	v21 =	vmul.f32 v36, v31;
	v17 =	vsel vm11, v38, v23  }
0x5ec: {  	vm9 =	vge.f32 v31, $0.0e+00;
	v47 =	vld [tilespmem:s20+$0x25C0];
	v18 =	vsel vm10, v37, v44;
	[tilespmem:s18+$0x2780] =	vst v17  }
0x5ed: {  	v42 =	vsel vm9, v31, v21;
	[tilespmem:s20+$0x25B0] =	vst v18;
	v50 =	vld [tilespmem:s25+$0x210]  }
0x5ee: {  	[tilespmem:s21+$0x2900] =	vst v42;
	v49 =	vld [tilespmem:s31+$0x240];
	v20 =	vmul.f32 v45, v43  }
0x5ef: {  	vm12 =	vge.f32 v43, $0.0e+00;
	v46 =	vld [tilespmem:s24+$0x210]  }
0x5f0: {  	v20 =	vsel vm12, v43, v20  }
0x5f1: {  	v53 =	vld [tilespmem:s22+$0x2410];
	[tilespmem:s22+$0x2400] =	vst v20  }
0x5f2: {  	v24 =	vmul.f32 v50, v48;
	v55 =	vld [tilespmem:s30+$0x210]  }
0x5f3: {  	v58 =	vld [tilespmem:s18+$0x27A0];
	vm15 =	vge.f32 v48, $0.0e+00;
	v54 =	vmul.f32 v49, v47  }
0x5f4: {  	v51 =	vld [tilespmem:s21+$0x2920];
	vm14 =	vge.f32 v47, $0.0e+00;
	v22 =	vmul.f32 v46, v41;
	v18 =	vsel vm15, v48, v24  }
0x5f5: {  	vm13 =	vge.f32 v41, $0.0e+00;
	v57 =	vld [tilespmem:s20+$0x25D0];
	v19 =	vsel vm14, v47, v54;
	[tilespmem:s18+$0x2790] =	vst v18  }
0x5f6: {  	v52 =	vsel vm13, v41, v22;
	[tilespmem:s20+$0x25C0] =	vst v19;
	v60 =	vld [tilespmem:s25+$0x220]  }
0x5f7: {  	[tilespmem:s21+$0x2910] =	vst v52;
	v59 =	vld [tilespmem:s31+$0x250];
	v21 =	vmul.f32 v55, v53  }
0x5f8: {  	vm4 =	vge.f32 v53, $0.0e+00;
	v56 =	vld [tilespmem:s24+$0x220]  }
0x5f9: {  	v21 =	vsel vm4, v53, v21  }
0x5fa: {  	v63 =	vld [tilespmem:s22+$0x2420];
	[tilespmem:s22+$0x2410] =	vst v21  }
0x5fb: {  	v25 =	vmul.f32 v60, v58;
	v33 =	vld [tilespmem:s30+$0x220]  }
0x5fc: {  	v61 =	vld [tilespmem:s21+$0x2930];
	vm7 =	vge.f32 v58, $0.0e+00;
	v32 =	vmul.f32 v59, v57  }
0x5fd: {  	vm6 =	vge.f32 v57, $0.0e+00;
	v36 =	vld [tilespmem:s18+$0x27B0];
	v23 =	vmul.f32 v56, v51;
	v19 =	vsel vm7, v58, v25  }
0x5fe: {  	vm5 =	vge.f32 v51, $0.0e+00;
	v35 =	vld [tilespmem:s20+$0x25E0];
	v20 =	vsel vm6, v57, v32;
	[tilespmem:s18+$0x27A0] =	vst v19  }
0x5ff: {  	v62 =	vsel vm5, v51, v23;
	[tilespmem:s20+$0x25D0] =	vst v20;
	v38 =	vld [tilespmem:s25+$0x230]  }
0x600: {  	[tilespmem:s21+$0x2920] =	vst v62;
	v37 =	vld [tilespmem:s31+$0x260];
	v22 =	vmul.f32 v33, v63  }
0x601: {  	(v2sf) =	vpush v1, $0xE;
	vm8 =	vge.f32 v63, $0.0e+00;
	v34 =	vld [tilespmem:s24+$0x230]  }
0x602: {  	(v2sf) =	vpush v2, $0x7;
	v22 =	vsel vm8, v63, v22  }
0x603: {  	v41 =	vld [tilespmem:s22+$0x2430];
	[tilespmem:s22+$0x2420] =	vst v22  }
0x604: {  	v26 =	vmul.f32 v38, v36;
	v43 =	vld [tilespmem:s30+$0x230]  }
0x605: {  	v39 =	vld [tilespmem:s21+$0x2940];
	vm11 =	vge.f32 v36, $0.0e+00;
	v42 =	vmul.f32 v37, v35  }
0x606: {  	v46 =	vld [tilespmem:s18+$0x27C0];
	vm10 =	vge.f32 v35, $0.0e+00;
	v24 =	vmul.f32 v34, v61;
	v20 =	vsel vm11, v36, v26  }
0x607: {  	vm9 =	vge.f32 v61, $0.0e+00;
	v45 =	vld [tilespmem:s20+$0x25F0];
	v21 =	vsel vm10, v35, v42;
	[tilespmem:s18+$0x27B0] =	vst v20  }
0x608: {  	v40 =	vsel vm9, v61, v24;
	[tilespmem:s20+$0x25E0] =	vst v21;
	v48 =	vld [tilespmem:s25+$0x240]  }
0x609: {  	[tilespmem:s21+$0x2930] =	vst v40;
	v47 =	vld [tilespmem:s31+$0x270];
	v23 =	vmul.f32 v43, v41  }
0x60a: {  	vm12 =	vge.f32 v41, $0.0e+00;
	v44 =	vld [tilespmem:s24+$0x240]  }
0x60b: {  	v11 =	vld [tilespmem:s21+$0x2A70];
	v23 =	vsel vm12, v41, v23  }
0x60c: {  	v50 =	vld [tilespmem:s22+$0x2440];
	[tilespmem:s22+$0x2430] =	vst v23  }
0x60d: {  	v27 =	vmul.f32 v48, v46;
	v52 =	vld [tilespmem:s30+$0x240]  }
0x60e: {  	v29 =	vld [tilespmem:s21+$0x2950];
	vm15 =	vge.f32 v46, $0.0e+00;
	v51 =	vmul.f32 v47, v45  }
0x60f: {  	v54 =	vld [tilespmem:s20+$0x2600];
	vm14 =	vge.f32 v45, $0.0e+00;
	v25 =	vmul.f32 v44, v39;
	v21 =	vsel vm15, v46, v27  }
0x610: {  	s26 =	spop (v2sf);
	vm13 =	vge.f32 v39, $0.0e+00;
	v55 =	vld [tilespmem:s18+$0x27D0];
	v22 =	vsel vm14, v45, v51;
	[tilespmem:s18+$0x27C0] =	vst v21  }
0x611: {  	v49 =	vsel vm13, v39, v25;
	s31 =	spop (v2sf);
	[tilespmem:s20+$0x25F0] =	vst v22;
	v57 =	vld [tilespmem:s25+$0x250]  }
0x612: {  	[tilespmem:s21+$0x2940] =	vst v49;
	v56 =	vld [tilespmem:s31+$0x200];
	v24 =	vmul.f32 v52, v50  }
0x613: {  	vm4 =	vge.f32 v50, $0.0e+00;
	v53 =	vld [tilespmem:s24+$0x250]  }
0x614: {  	v12 =	vld [tilespmem:s21+$0x2A60];
	v24 =	vsel vm4, v50, v24  }
0x615: {  	v59 =	vld [tilespmem:s22+$0x2450];
	[tilespmem:s22+$0x2440] =	vst v24  }
0x616: {  	v28 =	vmul.f32 v57, v55;
	v61 =	vld [tilespmem:s30+$0x250]  }
0x617: {  	v30 =	vld [tilespmem:s21+$0x2960];
	vm7 =	vge.f32 v55, $0.0e+00;
	v60 =	vmul.f32 v56, v54  }
0x618: {  	vm6 =	vge.f32 v54, $0.0e+00;
	v63 =	vld [tilespmem:s20+$0x2610];
	v26 =	vmul.f32 v53, v29;
	v22 =	vsel vm7, v55, v28  }
0x619: {  	vm5 =	vge.f32 v29, $0.0e+00;
	v36 =	vld [tilespmem:s18+$0x27E0];
	v23 =	vsel vm6, v54, v60;
	[tilespmem:s18+$0x27D0] =	vst v22  }
0x61a: {  	v58 =	vsel vm5, v29, v26;
	[tilespmem:s20+$0x2600] =	vst v23;
	v38 =	vld [tilespmem:s25+$0x260]  }
0x61b: {  	[tilespmem:s21+$0x2950] =	vst v58;
	v37 =	vld [tilespmem:s31+$0x210];
	v25 =	vmul.f32 v61, v59  }
0x61c: {  	(v2sf) =	vpush v0, $0xB;
	vm8 =	vge.f32 v59, $0.0e+00;
	v62 =	vld [tilespmem:s24+$0x260]  }
0x61d: {  	v13 =	vld [tilespmem:s21+$0x2A50];
	v25 =	vsel vm8, v59, v25  }
0x61e: {  	v39 =	vld [tilespmem:s22+$0x2460];
	[tilespmem:s22+$0x2450] =	vst v25  }
0x61f: {  	v28 =	vmul.f32 v38, v36;
	v25 =	vld [tilespmem:s30+$0x260]  }
0x620: {  	v31 =	vld [tilespmem:s21+$0x2970];
	(v2sf) =	vpush v9, $0x4;
	vm10 =	vge.f32 v36, $0.0e+00;
	v24 =	vmul.f32 v37, v63  }
0x621: {  	v32 =	vld [tilespmem:s20+$0x2620];
	vm9 =	vge.f32 v63, $0.0e+00;
	v27 =	vmul.f32 v62, v30;
	v23 =	vsel vm10, v36, v28  }
0x622: {  	v40 =	vld [tilespmem:s18+$0x27F0];
	vm11 =	vge.f32 v30, $0.0e+00;
	v24 =	vsel vm9, v63, v24;
	[tilespmem:s18+$0x27E0] =	vst v23  }
0x623: {  	v27 =	vsel vm11, v30, v27;
	[tilespmem:s20+$0x2610] =	vst v24;
	v23 =	vld [tilespmem:s25+$0x270]  }
0x624: {  	[tilespmem:s21+$0x2960] =	vst v27;
	v41 =	vld [tilespmem:s31+$0x220];
	v25 =	vmul.f32 v25, v39  }
0x625: {  	vm12 =	vge.f32 v39, $0.0e+00;
	v27 =	vld [tilespmem:s24+$0x270]  }
0x626: {  	v14 =	vld [tilespmem:s21+$0x2A40];
	v25 =	vsel vm12, v39, v25  }
0x627: {  	v42 =	vld [tilespmem:s22+$0x2470];
	[tilespmem:s22+$0x2460] =	vst v25  }
0x628: {  	v23 =	vmul.f32 v23, v40;
	v44 =	vld [tilespmem:s30+$0x270]  }
0x629: {  	v47 =	vld [tilespmem:s18+$0x2800];
	vm14 =	vge.f32 v40, $0.0e+00;
	v43 =	vmul.f32 v41, v32  }
0x62a: {  	vm13 =	vge.f32 v32, $0.0e+00;
	v46 =	vld [tilespmem:s20+$0x2630];
	v27 =	vmul.f32 v27, v31;
	v23 =	vsel vm14, v40, v23  }
0x62b: {  	vm15 =	vge.f32 v31, $0.0e+00;
	v45 =	vld [tilespmem:s21+$0x2980];
	s24 =	spop (v2sf);
	v25 =	vsel vm13, v32, v43;
	[tilespmem:s18+$0x27F0] =	vst v23  }
0x62c: {  	v48 =	vsel vm15, v31, v27;
	[tilespmem:s20+$0x2620] =	vst v25;
	v23 =	vld [tilespmem:s24+$0x200]  }
0x62d: {  	[tilespmem:s21+$0x2970] =	vst v48;
	v49 =	vld [tilespmem:s31+$0x230];
	v50 =	vmul.f32 v44, v42  }
0x62e: {  	vm4 =	vge.f32 v42, $0.0e+00;
	v51 =	vld [tilespmem:s26+$0x200]  }
0x62f: {  	v15 =	vld [tilespmem:s21+$0x2A30];
	v25 =	vsel vm4, v42, v50  }
0x630: {  	v53 =	vld [tilespmem:s22+$0x2480];
	s30 =	spop (v2sf);
	[tilespmem:s22+$0x2470] =	vst v25  }
0x631: {  	v23 =	vmul.f32 v23, v47;
	v55 =	vld [tilespmem:s30+$0x200]  }
0x632: {  	v58 =	vld [tilespmem:s18+$0x2810];
	vm6 =	vge.f32 v47, $0.0e+00;
	v54 =	vmul.f32 v49, v46  }
0x633: {  	vm5 =	vge.f32 v46, $0.0e+00;
	v57 =	vld [tilespmem:s20+$0x2640];
	v28 =	vmul.f32 v51, v45;
	v23 =	vsel vm6, v47, v23  }
0x634: {  	v56 =	vld [tilespmem:s21+$0x2990];
	vm7 =	vge.f32 v45, $0.0e+00;
	v25 =	vsel vm5, v46, v54;
	[tilespmem:s18+$0x2800] =	vst v23  }
0x635: {  	v59 =	vsel vm7, v45, v28;
	[tilespmem:s20+$0x2630] =	vst v25;
	v60 =	vld [tilespmem:s24+$0x210]  }
0x636: {  	[tilespmem:s21+$0x2980] =	vst v59;
	v25 =	vld [tilespmem:s31+$0x240];
	v27 =	vmul.f32 v55, v53  }
0x637: {  	vm8 =	vge.f32 v53, $0.0e+00;
	v23 =	vld [tilespmem:s26+$0x210]  }
0x638: {  	v26 =	vsel vm8, v53, v27  }
0x639: {  	v61 =	vld [tilespmem:s22+$0x2490];
	[tilespmem:s22+$0x2480] =	vst v26  }
0x63a: {  	v28 =	vmul.f32 v60, v58;
	v26 =	vld [tilespmem:s30+$0x210]  }
0x63b: {  	v62 =	vld [tilespmem:s21+$0x29A0];
	vm10 =	vge.f32 v58, $0.0e+00;
	v25 =	vmul.f32 v25, v57  }
0x63c: {  	v36 =	vld [tilespmem:s18+$0x2820];
	vm9 =	vge.f32 v57, $0.0e+00;
	v23 =	vmul.f32 v23, v56;
	v24 =	vsel vm10, v58, v28  }
0x63d: {  	vm11 =	vge.f32 v56, $0.0e+00;
	v63 =	vld [tilespmem:s20+$0x2650];
	v25 =	vsel vm9, v57, v25;
	[tilespmem:s18+$0x2810] =	vst v24  }
0x63e: {  	v23 =	vsel vm11, v56, v23;
	[tilespmem:s20+$0x2640] =	vst v25;
	v24 =	vld [tilespmem:s24+$0x220]  }
0x63f: {  	[tilespmem:s21+$0x2990] =	vst v23;
	v37 =	vld [tilespmem:s31+$0x250];
	v26 =	vmul.f32 v26, v61  }
0x640: {  	vm12 =	vge.f32 v61, $0.0e+00;
	v23 =	vld [tilespmem:s26+$0x220]  }
0x641: {  	v16 =	vld [tilespmem:s21+$0x2A20];
	v26 =	vsel vm12, v61, v26  }
0x642: {  	v38 =	vld [tilespmem:s22+$0x24A0];
	[tilespmem:s22+$0x2490] =	vst v26  }
0x643: {  	v24 =	vmul.f32 v24, v36;
	v40 =	vld [tilespmem:s30+$0x220]  }
0x644: {  	v52 =	vld [tilespmem:s21+$0x29B0];
	vm14 =	vge.f32 v36, $0.0e+00;
	v39 =	vmul.f32 v37, v63  }
0x645: {  	v41 =	vld [tilespmem:s20+$0x2660];
	vm13 =	vge.f32 v63, $0.0e+00;
	v23 =	vmul.f32 v23, v62;
	v24 =	vsel vm14, v36, v24  }
0x646: {  	vm15 =	vge.f32 v62, $0.0e+00;
	v42 =	vld [tilespmem:s18+$0x2830];
	v26 =	vsel vm13, v63, v39;
	[tilespmem:s18+$0x2820] =	vst v24  }
0x647: {  	v23 =	vsel vm15, v62, v23;
	[tilespmem:s20+$0x2650] =	vst v26;
	v43 =	vld [tilespmem:s24+$0x230]  }
0x648: {  	[tilespmem:s21+$0x29A0] =	vst v23;
	v26 =	vld [tilespmem:s31+$0x260];
	v44 =	vmul.f32 v40, v38  }
0x649: {  	(v2sf) =	vpush v1, $0xF;
	vm4 =	vge.f32 v38, $0.0e+00;
	v23 =	vld [tilespmem:s26+$0x230]  }
0x64a: {  	(v2sf) =	vpush v2, $0x8;
	v24 =	vsel vm4, v38, v44  }
0x64b: {  	v45 =	vld [tilespmem:s22+$0x24B0];
	[tilespmem:s22+$0x24A0] =	vst v24  }
0x64c: {  	v1 =	vmul.f32 v43, v42;
	v47 =	vld [tilespmem:s30+$0x230]  }
0x64d: {  	v17 =	vld [tilespmem:s21+$0x2A10];
	vm6 =	vge.f32 v42, $0.0e+00;
	v46 =	vmul.f32 v26, v41  }
0x64e: {  	v48 =	vld [tilespmem:s20+$0x2670];
	vm5 =	vge.f32 v41, $0.0e+00;
	v23 =	vmul.f32 v23, v52;
	v1 =	vsel vm6, v42, v1  }
0x64f: {  	vm7 =	vge.f32 v52, $0.0e+00;
	v49 =	vld [tilespmem:s18+$0x2840];
	v24 =	vsel vm5, v41, v46;
	[tilespmem:s18+$0x2830] =	vst v1  }
0x650: {  	v51 =	vsel vm7, v52, v23;
	[tilespmem:s20+$0x2660] =	vst v24;
	v52 =	vld [tilespmem:s24+$0x240]  }
0x651: {  	v50 =	vld [tilespmem:s31+$0x270];
	v26 =	vmul.f32 v47, v45  }
0x652: {  	v22 =	vld [tilespmem:s21+$0x29C0];
	vm8 =	vge.f32 v45, $0.0e+00;
	[tilespmem:s21+$0x29B0] =	vst v51  }
0x653: {  	v1 =	vld [tilespmem:s26+$0x240];
	v26 =	vsel vm8, v45, v26  }
0x654: {  	v53 =	vld [tilespmem:s22+$0x24C0];
	[tilespmem:s22+$0x24B0] =	vst v26  }
0x655: {  	v23 =	vmul.f32 v52, v49;
	v26 =	vld [tilespmem:s30+$0x240]  }
0x656: {  	v18 =	vld [tilespmem:s21+$0x2A00];
	vm10 =	vge.f32 v49, $0.0e+00;
	v25 =	vmul.f32 v50, v48  }
0x657: {  	v54 =	vld [tilespmem:s20+$0x2680];
	vm9 =	vge.f32 v48, $0.0e+00;
	v23 =	vsel vm10, v49, v23  }
0x658: {  	s25 =	spop (v2sf);
	v55 =	vld [tilespmem:s18+$0x2850];
	v1 =	vmul.f32 v1, v22;
	v25 =	vsel vm9, v48, v25;
	[tilespmem:s18+$0x2840] =	vst v23  }
0x659: {  	vm11 =	vge.f32 v22, $0.0e+00;
	s31 =	spop (v2sf);
	[tilespmem:s20+$0x2670] =	vst v25;
	v56 =	vld [tilespmem:s24+$0x250]  }
0x65a: {  	v1 =	vsel vm11, v22, v1;
	v25 =	vld [tilespmem:s31+$0x200];
	v57 =	vmul.f32 v26, v53  }
0x65b: {  	v21 =	vld [tilespmem:s21+$0x29D0];
	vm12 =	vge.f32 v53, $0.0e+00;
	[tilespmem:s21+$0x29C0] =	vst v1  }
0x65c: {  	v1 =	vld [tilespmem:s26+$0x250];
	v23 =	vsel vm12, v53, v57  }
0x65d: {  	v58 =	vld [tilespmem:s22+$0x24D0];
	[tilespmem:s22+$0x24C0] =	vst v23  }
0x65e: {  	v22 =	vmul.f32 v56, v55;
	v60 =	vld [tilespmem:s30+$0x250]  }
0x65f: {  	v19 =	vld [tilespmem:s21+$0x29F0];
	vm14 =	vge.f32 v55, $0.0e+00;
	v59 =	vmul.f32 v25, v54  }
0x660: {  	v62 =	vld [tilespmem:s18+$0x2860];
	vm13 =	vge.f32 v54, $0.0e+00;
	v22 =	vsel vm14, v55, v22  }
0x661: {  	v61 =	vld [tilespmem:s20+$0x2690];
	v1 =	vmul.f32 v1, v21;
	v23 =	vsel vm13, v54, v59;
	[tilespmem:s18+$0x2850] =	vst v22  }
0x662: {  	vm15 =	vge.f32 v21, $0.0e+00;
	[tilespmem:s20+$0x2680] =	vst v23;
	v28 =	vld [tilespmem:s24+$0x260]  }
0x663: {  	v1 =	vsel vm15, v21, v1;
	v63 =	vld [tilespmem:s31+$0x210];
	v29 =	vmul.f32 v60, v58  }
0x664: {  	v20 =	vld [tilespmem:s21+$0x29E0];
	(v2sf) =	vpush v0, $0xC;
	vm4 =	vge.f32 v58, $0.0e+00;
	[tilespmem:s21+$0x29D0] =	vst v1  }
0x665: {  	v1 =	vld [tilespmem:s26+$0x260];
	v22 =	vsel vm4, v58, v29  }
0x666: {  	v30 =	vld [tilespmem:s22+$0x24E0];
	[tilespmem:s22+$0x24D0] =	vst v22  }
0x667: {  	v21 =	vmul.f32 v28, v62;
	v32 =	vld [tilespmem:s30+$0x260]  }
0x668: {  	vm6 =	vge.f32 v62, $0.0e+00;
	v31 =	vmul.f32 v63, v61  }
0x669: {  	v34 =	vld [tilespmem:s18+$0x2870];
	vm5 =	vge.f32 v61, $0.0e+00;
	(v2sf) =	vpush v9, $0x5;
	v21 =	vsel vm6, v62, v21  }
0x66a: {  	v33 =	vld [tilespmem:s20+$0x26A0];
	v1 =	vmul.f32 v1, v20;
	v22 =	vsel vm5, v61, v31;
	[tilespmem:s18+$0x2860] =	vst v21  }
0x66b: {  	vm7 =	vge.f32 v20, $0.0e+00;
	[tilespmem:s20+$0x2690] =	vst v22;
	v36 =	vld [tilespmem:s24+$0x270]  }
0x66c: {  	v1 =	vsel vm7, v20, v1;
	v35 =	vld [tilespmem:s31+$0x220];
	v37 =	vmul.f32 v32, v30  }
0x66d: {  	vm8 =	vge.f32 v30, $0.0e+00;
	[tilespmem:s21+$0x29E0] =	vst v1  }
0x66e: {  	v1 =	vld [tilespmem:s26+$0x270];
	v21 =	vsel vm8, v30, v37  }
0x66f: {  	v38 =	vld [tilespmem:s22+$0x24F0];
	[tilespmem:s22+$0x24E0] =	vst v21  }
0x670: {  	v20 =	vmul.f32 v36, v34;
	v40 =	vld [tilespmem:s30+$0x270]  }
0x671: {  	vm10 =	vge.f32 v34, $0.0e+00;
	v39 =	vmul.f32 v35, v33  }
0x672: {  	v42 =	vld [tilespmem:s18+$0x2880];
	vm9 =	vge.f32 v33, $0.0e+00;
	v20 =	vsel vm10, v34, v20  }
0x673: {  	v41 =	vld [tilespmem:s20+$0x26B0];
	s29 =	spop (v2sf);
	v1 =	vmul.f32 v1, v19;
	v21 =	vsel vm9, v33, v39;
	[tilespmem:s18+$0x2870] =	vst v20  }
0x674: {  	vm11 =	vge.f32 v19, $0.0e+00;
	[tilespmem:s20+$0x26A0] =	vst v21;
	v44 =	vld [tilespmem:s29+$0x200]  }
0x675: {  	v1 =	vsel vm11, v19, v1;
	v43 =	vld [tilespmem:s31+$0x230];
	v45 =	vmul.f32 v40, v38  }
0x676: {  	vm12 =	vge.f32 v38, $0.0e+00;
	[tilespmem:s21+$0x29F0] =	vst v1  }
0x677: {  	v1 =	vld [tilespmem:s25+$0x200];
	v20 =	vsel vm12, v38, v45  }
0x678: {  	v46 =	vld [tilespmem:s22+$0x2500];
	s30 =	spop (v2sf);
	[tilespmem:s22+$0x24F0] =	vst v20  }
0x679: {  	v19 =	vmul.f32 v44, v42;
	v48 =	vld [tilespmem:s30+$0x200]  }
0x67a: {  	vm14 =	vge.f32 v42, $0.0e+00;
	v47 =	vmul.f32 v43, v41  }
0x67b: {  	v50 =	vld [tilespmem:s18+$0x2890];
	vm13 =	vge.f32 v41, $0.0e+00;
	v19 =	vsel vm14, v42, v19  }
0x67c: {  	v49 =	vld [tilespmem:s20+$0x26C0];
	v1 =	vmul.f32 v1, v18;
	v20 =	vsel vm13, v41, v47;
	[tilespmem:s18+$0x2880] =	vst v19  }
0x67d: {  	vm15 =	vge.f32 v18, $0.0e+00;
	[tilespmem:s20+$0x26B0] =	vst v20;
	v52 =	vld [tilespmem:s29+$0x210]  }
0x67e: {  	v1 =	vsel vm15, v18, v1;
	v51 =	vld [tilespmem:s31+$0x240];
	v53 =	vmul.f32 v48, v46  }
0x67f: {  	vm4 =	vge.f32 v46, $0.0e+00;
	[tilespmem:s21+$0x2A00] =	vst v1  }
0x680: {  	v1 =	vld [tilespmem:s25+$0x210];
	v19 =	vsel vm4, v46, v53  }
0x681: {  	v54 =	vld [tilespmem:s22+$0x2510];
	[tilespmem:s22+$0x2500] =	vst v19  }
0x682: {  	v18 =	vmul.f32 v52, v50;
	v56 =	vld [tilespmem:s30+$0x210]  }
0x683: {  	vm6 =	vge.f32 v50, $0.0e+00;
	v55 =	vmul.f32 v51, v49  }
0x684: {  	v57 =	vld [tilespmem:s20+$0x26D0];
	vm5 =	vge.f32 v49, $0.0e+00;
	v18 =	vsel vm6, v50, v18  }
0x685: {  	v58 =	vld [tilespmem:s18+$0x28A0];
	v1 =	vmul.f32 v1, v17;
	v19 =	vsel vm5, v49, v55;
	[tilespmem:s18+$0x2890] =	vst v18  }
0x686: {  	vm8 =	vge.f32 v17, $0.0e+00;
	[tilespmem:s20+$0x26C0] =	vst v19;
	v60 =	vld [tilespmem:s29+$0x220]  }
0x687: {  	v1 =	vsel vm8, v17, v1;
	v59 =	vld [tilespmem:s31+$0x250];
	v61 =	vmul.f32 v56, v54  }
0x688: {  	v3 =	vmul.f32 v3, v10;
	vm9 =	vge.f32 v54, $0.0e+00;
	[tilespmem:s21+$0x2A10] =	vst v1  }
0x689: {  	vm7 =	vge.f32 v10, $0.0e+00;
	v1 =	vld [tilespmem:s25+$0x220];
	v17 =	vsel vm9, v54, v61  }
0x68a: {  	v63 =	vld [tilespmem:s22+$0x2520];
	v3 =	vsel vm7, v10, v3;
	[tilespmem:s22+$0x2510] =	vst v17  }
0x68b: {  	[tilespmem:s19+$0x2A20] =	vst v3;
	v3 =	vmul.f32 v60, v58;
	v17 =	vld [tilespmem:s30+$0x220]  }
0x68c: {  	v62 =	vld [tilespmem:s23+$0x230];
	vm11 =	vge.f32 v58, $0.0e+00;
	v10 =	vmul.f32 v59, v57  }
0x68d: {  	v24 =	vld [tilespmem:s20+$0x26E0];
	vm10 =	vge.f32 v57, $0.0e+00;
	v3 =	vsel vm11, v58, v3  }
0x68e: {  	v25 =	vld [tilespmem:s18+$0x28B0];
	v1 =	vmul.f32 v1, v16;
	v10 =	vsel vm10, v57, v10;
	[tilespmem:s18+$0x28A0] =	vst v3  }
0x68f: {  	vm13 =	vge.f32 v16, $0.0e+00;
	[tilespmem:s20+$0x26D0] =	vst v10;
	v3 =	vld [tilespmem:s29+$0x230]  }
0x690: {  	v1 =	vsel vm13, v16, v1;
	v26 =	vld [tilespmem:s31+$0x260];
	v27 =	vmul.f32 v17, v63  }
0x691: {  	vm14 =	vge.f32 v63, $0.0e+00;
	v18 =	vmul.f32 v62, v8;
	[tilespmem:s21+$0x2A20] =	vst v1  }
0x692: {  	(v2sf) =	vpush v2, $0x9;
	vm12 =	vge.f32 v8, $0.0e+00;
	v29 =	vld [tilespmem:s25+$0x230];
	v30 =	vsel vm14, v63, v27  }
0x693: {  	v31 =	vld [tilespmem:s22+$0x2530];
	v8 =	vsel vm12, v8, v18;
	[tilespmem:s22+$0x2520] =	vst v30  }
0x694: {  	[tilespmem:s19+$0x2A30] =	vst v8;
	v3 =	vmul.f32 v3, v25;
	v32 =	vld [tilespmem:s30+$0x230]  }
0x695: {  	vm4 =	vge.f32 v25, $0.0e+00;
	v28 =	vld [tilespmem:s23+$0x240];
	v18 =	vmul.f32 v26, v24  }
0x696: {  	v34 =	vld [tilespmem:s18+$0x28C0];
	vm15 =	vge.f32 v24, $0.0e+00;
	v3 =	vsel vm4, v25, v3  }
0x697: {  	v33 =	vld [tilespmem:s20+$0x26F0];
	v17 =	vmul.f32 v29, v15;
	v18 =	vsel vm15, v24, v18;
	[tilespmem:s18+$0x28B0] =	vst v3  }
0x698: {  	vm6 =	vge.f32 v15, $0.0e+00;
	[tilespmem:s20+$0x26E0] =	vst v18;
	v37 =	vld [tilespmem:s29+$0x240]  }
0x699: {  	v36 =	vsel vm6, v15, v17;
	v35 =	vld [tilespmem:s31+$0x270];
	v38 =	vmul.f32 v32, v31  }
0x69a: {  	vm7 =	vge.f32 v31, $0.0e+00;
	v42 =	vld [tilespmem:s22+$0x2540];
	v16 =	vmul.f32 v28, v7;
	[tilespmem:s21+$0x2A30] =	vst v36  }
0x69b: {  	vm5 =	vge.f32 v7, $0.0e+00;
	v40 =	vld [tilespmem:s25+$0x240];
	v41 =	vsel vm7, v31, v38  }
0x69c: {  	v45 =	vld [tilespmem:s20+$0x2700];
	v7 =	vsel vm5, v7, v16;
	[tilespmem:s22+$0x2530] =	vst v41  }
0x69d: {  	[tilespmem:s19+$0x2A40] =	vst v7;
	v7 =	vmul.f32 v37, v34;
	v44 =	vld [tilespmem:s30+$0x240]  }
0x69e: {  	v20 =	vld [tilespmem:s18+$0x28F0];
	vm9 =	vge.f32 v34, $0.0e+00;
	v43 =	vmul.f32 v35, v33  }
0x69f: {  	vm8 =	vge.f32 v33, $0.0e+00;
	v46 =	vld [tilespmem:s18+$0x28D0];
	v7 =	vsel vm9, v34, v7  }
0x6a0: {  	v39 =	vld [tilespmem:s23+$0x250];
	v18 =	vmul.f32 v40, v14;
	v15 =	vsel vm8, v33, v43;
	[tilespmem:s18+$0x28C0] =	vst v7  }
0x6a1: {  	vm11 =	vge.f32 v14, $0.0e+00;
	s31 =	spop (v2sf);
	[tilespmem:s20+$0x26F0] =	vst v15;
	v7 =	vld [tilespmem:s29+$0x250]  }
0x6a2: {  	v47 =	vsel vm11, v14, v18;
	v15 =	vld [tilespmem:s31+$0x200];
	v48 =	vmul.f32 v44, v42  }
0x6a3: {  	v52 =	vld [tilespmem:s22+$0x2550];
	vm12 =	vge.f32 v42, $0.0e+00;
	[tilespmem:s21+$0x2A40] =	vst v47  }
0x6a4: {  	v50 =	vld [tilespmem:s25+$0x250];
	v51 =	vsel vm12, v42, v48  }
0x6a5: {  	v55 =	vld [tilespmem:s20+$0x2710];
	v17 =	vmul.f32 v39, v6;
	[tilespmem:s22+$0x2540] =	vst v51  }
0x6a6: {  	vm10 =	vge.f32 v6, $0.0e+00;
	v7 =	vmul.f32 v7, v46;
	v54 =	vld [tilespmem:s30+$0x250]  }
0x6a7: {  	v56 =	vld [tilespmem:s18+$0x28E0];
	vm14 =	vge.f32 v46, $0.0e+00;
	v6 =	vsel vm10, v6, v17;
	v53 =	vmul.f32 v15, v45  }
0x6a8: {  	vm13 =	vge.f32 v45, $0.0e+00;
	v1 =	vld [tilespmem:s18+$0x2A70];
	[tilespmem:s19+$0x2A50] =	vst v6;
	v7 =	vsel vm14, v46, v7  }
0x6a9: {  	v49 =	vld [tilespmem:s23+$0x260];
	v17 =	vmul.f32 v50, v13;
	v14 =	vsel vm13, v45, v53;
	[tilespmem:s18+$0x28D0] =	vst v7  }
0x6aa: {  	vm15 =	vge.f32 v13, $0.0e+00;
	[tilespmem:s20+$0x2700] =	vst v14;
	v58 =	vld [tilespmem:s29+$0x260]  }
0x6ab: {  	v57 =	vsel vm15, v13, v17;
	v14 =	vld [tilespmem:s31+$0x210];
	v15 =	vmul.f32 v54, v52  }
0x6ac: {  	v61 =	vld [tilespmem:s22+$0x2560];
	vm4 =	vge.f32 v52, $0.0e+00;
	[tilespmem:s21+$0x2A50] =	vst v57  }
0x6ad: {  	(v2sf) =	vpush v0, $0xD;
	v59 =	vld [tilespmem:s25+$0x260];
	v60 =	vsel vm4, v52, v15  }
0x6ae: {  	v29 =	vld [tilespmem:s20+$0x2730];
	v16 =	vmul.f32 v49, v5;
	[tilespmem:s22+$0x2550] =	vst v60  }
0x6af: {  	vm7 =	vge.f32 v5, $0.0e+00;
	v13 =	vmul.f32 v58, v56;
	v62 =	vld [tilespmem:s30+$0x260]  }
0x6b0: {  	v26 =	vld [tilespmem:s22+$0x2570];
	vm6 =	vge.f32 v56, $0.0e+00;
	v5 =	vsel vm7, v5, v16;
	v14 =	vmul.f32 v14, v55  }
0x6b1: {  	vm5 =	vge.f32 v55, $0.0e+00;
	v63 =	vld [tilespmem:s20+$0x2720];
	(v2sf) =	vpush v9, $0x6;
	[tilespmem:s19+$0x2A60] =	vst v5;
	v10 =	vsel vm6, v56, v13  }
0x6b2: {  	v23 =	vld [tilespmem:s23+$0x270];
	v17 =	vmul.f32 v59, v12;
	v14 =	vsel vm5, v55, v14;
	[tilespmem:s18+$0x28E0] =	vst v10  }
0x6b3: {  	vm8 =	vge.f32 v12, $0.0e+00;
	[tilespmem:s20+$0x2710] =	vst v14;
	v10 =	vld [tilespmem:s29+$0x270]  }
0x6b4: {  	v21 =	vsel vm8, v12, v17;
	v14 =	vld [tilespmem:s31+$0x220];
	v22 =	vmul.f32 v62, v61  }
0x6b5: {  	v3 =	vld [tilespmem:s18+$0x2A60];
	vm9 =	vge.f32 v61, $0.0e+00;
	[tilespmem:s21+$0x2A60] =	vst v21  }
0x6b6: {  	v24 =	vld [tilespmem:s25+$0x270];
	v25 =	vsel vm9, v61, v22  }
0x6b7: {  	v6 =	vld [tilespmem:s18+$0x2A50];
	v15 =	vmul.f32 v23, v4;
	[tilespmem:s22+$0x2560] =	vst v25  }
0x6b8: {  	vm12 =	vge.f32 v4, $0.0e+00;
	v10 =	vmul.f32 v10, v20;
	v28 =	vld [tilespmem:s30+$0x270]  }
0x6b9: {  	vm11 =	vge.f32 v20, $0.0e+00;
	v5 =	vld [tilespmem:s18+$0x2A30];
	v4 =	vsel vm12, v4, v15;
	v27 =	vmul.f32 v14, v63  }
0x6ba: {  	vm10 =	vge.f32 v63, $0.0e+00;
	v7 =	vld [tilespmem:s18+$0x2A40];
	[tilespmem:s19+$0x2A70] =	vst v4;
	v10 =	vsel vm11, v20, v10  }
0x6bb: {  	v4 =	vld [tilespmem:s18+$0x2A20];
	v16 =	vmul.f32 v24, v11;
	v8 =	vsel vm10, v63, v27;
	[tilespmem:s18+$0x28F0] =	vst v10  }
0x6bc: {  	s23 =	spop (v2sf);
	vm13 =	vge.f32 v11, $0.0e+00;
	[tilespmem:s20+$0x2720] =	vst v8;
	v8 =	vld [tilespmem:s18+$0x2900]  }
0x6bd: {  	v31 =	vsel vm13, v11, v16;
	v10 =	vld [tilespmem:s23+$0x200];
	v14 =	vmul.f32 v28, v26  }
0x6be: {  	vm14 =	vge.f32 v26, $0.0e+00;
	[tilespmem:s21+$0x2A70] =	vst v31;
	v30 =	vld [tilespmem:s31+$0x230]  }
0x6bf: {  	v32 =	vld [tilespmem:s20+$0x2740];
	v14 =	vsel vm14, v26, v14  }
0x6c0: {  	v33 =	vld [tilespmem:s22+$0x2580];
	s25 =	spop (v2sf);
	[tilespmem:s22+$0x2570] =	vst v14  }
0x6c1: {  	v14 =	vld [tilespmem:s25+$0x200];
	_ =	sdelay $0x4  }
0x6c2: {  	v14 =	vmul.f32 v14, v33  }
0x6c3: {  	vm15 =	vge.f32 v33, $0.0e+00  }
0x6c4: {  	v14 =	vsel vm15, v33, v14  }
0x6c5: {  	v34 =	vld [tilespmem:s22+$0x2590];
	[tilespmem:s22+$0x2580] =	vst v14  }
0x6c6: {  	v14 =	vld [tilespmem:s25+$0x210];
	_ =	sdelay $0x4  }
0x6c7: {  	v14 =	vmul.f32 v14, v34  }
0x6c8: {  	vm4 =	vge.f32 v34, $0.0e+00  }
0x6c9: {  	v14 =	vsel vm4, v34, v14  }
0x6ca: {  	v35 =	vld [tilespmem:s22+$0x25A0];
	[tilespmem:s22+$0x2590] =	vst v14  }
0x6cb: {  	v14 =	vld [tilespmem:s25+$0x220];
	_ =	sdelay $0x4  }
0x6cc: {  	v14 =	vmul.f32 v14, v35  }
0x6cd: {  	vm5 =	vge.f32 v35, $0.0e+00  }
0x6ce: {  	v14 =	vsel vm5, v35, v14  }
0x6cf: {  	v36 =	vld [tilespmem:s22+$0x25B0];
	[tilespmem:s22+$0x25A0] =	vst v14  }
0x6d0: {  	v14 =	vld [tilespmem:s25+$0x230];
	_ =	sdelay $0x4  }
0x6d1: {  	v14 =	vmul.f32 v14, v36  }
0x6d2: {  	vm6 =	vge.f32 v36, $0.0e+00  }
0x6d3: {  	v14 =	vsel vm6, v36, v14  }
0x6d4: {  	v37 =	vld [tilespmem:s22+$0x25C0];
	[tilespmem:s22+$0x25B0] =	vst v14  }
0x6d5: {  	v14 =	vld [tilespmem:s25+$0x240];
	_ =	sdelay $0x4  }
0x6d6: {  	v14 =	vmul.f32 v14, v37  }
0x6d7: {  	vm7 =	vge.f32 v37, $0.0e+00  }
0x6d8: {  	v14 =	vsel vm7, v37, v14  }
0x6d9: {  	v38 =	vld [tilespmem:s22+$0x25D0];
	[tilespmem:s22+$0x25C0] =	vst v14  }
0x6da: {  	v14 =	vld [tilespmem:s25+$0x250];
	_ =	sdelay $0x4  }
0x6db: {  	v14 =	vmul.f32 v14, v38  }
0x6dc: {  	vm8 =	vge.f32 v38, $0.0e+00  }
0x6dd: {  	v14 =	vsel vm8, v38, v14  }
0x6de: {  	v39 =	vld [tilespmem:s22+$0x25E0];
	[tilespmem:s22+$0x25D0] =	vst v14  }
0x6df: {  	(v2sf) =	vpush v2, $0xA;
	v14 =	vld [tilespmem:s25+$0x260]  }
0x6e0: {  	(v2sf) =	vpush v0, $0xE  }
0x6e1: {  	(v2sf) =	vpush v9, $0x7;
	_ =	sdelay $0x2  }
0x6e2: {  	v14 =	vmul.f32 v14, v39  }
0x6e3: {  	vm9 =	vge.f32 v39, $0.0e+00  }
0x6e4: {  	v14 =	vsel vm9, v39, v14  }
0x6e5: {  	v40 =	vld [tilespmem:s22+$0x25F0];
	[tilespmem:s22+$0x25E0] =	vst v14  }
0x6e6: {  	v14 =	vld [tilespmem:s25+$0x270];
	_ =	sdelay $0x4  }
0x6e7: {  	v14 =	vmul.f32 v14, v40  }
0x6e8: {  	vm10 =	vge.f32 v40, $0.0e+00;
	s25 =	spop (v2sf)  }
0x6e9: {  	s21 =	spop (v2sf);
	v14 =	vsel vm10, v40, v14  }
0x6ea: {  	v41 =	vld [tilespmem:s22+$0x2600];
	s26 =	spop (v2sf);
	[tilespmem:s22+$0x25F0] =	vst v14  }
0x6eb: {  	v14 =	vld [tilespmem:s26+$0x200];
	_ =	sdelay $0x4  }
0x6ec: {  	v14 =	vmul.f32 v14, v41  }
0x6ed: {  	vm11 =	vge.f32 v41, $0.0e+00  }
0x6ee: {  	v14 =	vsel vm11, v41, v14  }
0x6ef: {  	v42 =	vld [tilespmem:s22+$0x2610];
	[tilespmem:s22+$0x2600] =	vst v14  }
0x6f0: {  	v14 =	vld [tilespmem:s26+$0x210];
	_ =	sdelay $0x4  }
0x6f1: {  	v14 =	vmul.f32 v14, v42  }
0x6f2: {  	vm12 =	vge.f32 v42, $0.0e+00  }
0x6f3: {  	v14 =	vsel vm12, v42, v14  }
0x6f4: {  	v43 =	vld [tilespmem:s22+$0x2620];
	[tilespmem:s22+$0x2610] =	vst v14  }
0x6f5: {  	v14 =	vld [tilespmem:s26+$0x220];
	_ =	sdelay $0x4  }
0x6f6: {  	v14 =	vmul.f32 v14, v43  }
0x6f7: {  	vm13 =	vge.f32 v43, $0.0e+00  }
0x6f8: {  	v14 =	vsel vm13, v43, v14  }
0x6f9: {  	v44 =	vld [tilespmem:s22+$0x2630];
	[tilespmem:s22+$0x2620] =	vst v14  }
0x6fa: {  	v14 =	vld [tilespmem:s26+$0x230];
	_ =	sdelay $0x4  }
0x6fb: {  	v14 =	vmul.f32 v14, v44  }
0x6fc: {  	vm14 =	vge.f32 v44, $0.0e+00  }
0x6fd: {  	v14 =	vsel vm14, v44, v14  }
0x6fe: {  	v45 =	vld [tilespmem:s22+$0x2640];
	[tilespmem:s22+$0x2630] =	vst v14  }
0x6ff: {  	v14 =	vld [tilespmem:s26+$0x240];
	_ =	sdelay $0x4  }
0x700: {  	v14 =	vmul.f32 v14, v45  }
0x701: {  	vm15 =	vge.f32 v45, $0.0e+00  }
0x702: {  	v14 =	vsel vm15, v45, v14  }
0x703: {  	v46 =	vld [tilespmem:s22+$0x2650];
	[tilespmem:s22+$0x2640] =	vst v14  }
0x704: {  	v14 =	vld [tilespmem:s26+$0x250];
	_ =	sdelay $0x4  }
0x705: {  	v14 =	vmul.f32 v14, v46  }
0x706: {  	vm4 =	vge.f32 v46, $0.0e+00  }
0x707: {  	v14 =	vsel vm4, v46, v14  }
0x708: {  	v47 =	vld [tilespmem:s22+$0x2660];
	[tilespmem:s22+$0x2650] =	vst v14  }
0x709: {  	(v2sf) =	vpush v2, $0xB;
	v14 =	vld [tilespmem:s26+$0x260]  }
0x70a: {  	(v2sf) =	vpush v0, $0xF  }
0x70b: {  	(v2sf) =	vpush v9, $0x8;
	_ =	sdelay $0x2  }
0x70c: {  	v48 =	vmul.f32 v14, v47  }
0x70d: {  	vm5 =	vge.f32 v47, $0.0e+00  }
0x70e: {  	v0 =	vsel vm5, v47, v48  }
0x70f: {  	v49 =	vld [tilespmem:s22+$0x2670];
	[tilespmem:s22+$0x2660] =	vst v0  }
0x710: {  	v0 =	vld [tilespmem:s26+$0x270];
	_ =	sdelay $0x4  }
0x711: {  	v0 =	vmul.f32 v0, v49  }
0x712: {  	vm6 =	vge.f32 v49, $0.0e+00;
	s29 =	spop (v2sf)  }
0x713: {  	s19 =	spop (v2sf);
	v0 =	vsel vm6, v49, v0  }
0x714: {  	v50 =	vld [tilespmem:s22+$0x2680];
	s28 =	spop (v2sf);
	[tilespmem:s22+$0x2670] =	vst v0  }
0x715: {  	v0 =	vld [tilespmem:s28+$0x200];
	_ =	sdelay $0x4  }
0x716: {  	v0 =	vmul.f32 v0, v50  }
0x717: {  	vm7 =	vge.f32 v50, $0.0e+00  }
0x718: {  	v0 =	vsel vm7, v50, v0  }
0x719: {  	v51 =	vld [tilespmem:s22+$0x2690];
	[tilespmem:s22+$0x2680] =	vst v0  }
0x71a: {  	v0 =	vld [tilespmem:s28+$0x210];
	_ =	sdelay $0x4  }
0x71b: {  	v0 =	vmul.f32 v0, v51  }
0x71c: {  	vm8 =	vge.f32 v51, $0.0e+00  }
0x71d: {  	v0 =	vsel vm8, v51, v0  }
0x71e: {  	v52 =	vld [tilespmem:s22+$0x26A0];
	[tilespmem:s22+$0x2690] =	vst v0  }
0x71f: {  	v0 =	vld [tilespmem:s28+$0x220];
	_ =	sdelay $0x4  }
0x720: {  	v0 =	vmul.f32 v0, v52  }
0x721: {  	vm9 =	vge.f32 v52, $0.0e+00  }
0x722: {  	v0 =	vsel vm9, v52, v0  }
0x723: {  	v53 =	vld [tilespmem:s22+$0x26B0];
	[tilespmem:s22+$0x26A0] =	vst v0  }
0x724: {  	v0 =	vld [tilespmem:s28+$0x230];
	_ =	sdelay $0x4  }
0x725: {  	v0 =	vmul.f32 v0, v53  }
0x726: {  	vm10 =	vge.f32 v53, $0.0e+00  }
0x727: {  	v0 =	vsel vm10, v53, v0  }
0x728: {  	v54 =	vld [tilespmem:s22+$0x26C0];
	[tilespmem:s22+$0x26B0] =	vst v0  }
0x729: {  	v0 =	vld [tilespmem:s28+$0x240];
	_ =	sdelay $0x4  }
0x72a: {  	v0 =	vmul.f32 v0, v54  }
0x72b: {  	vm11 =	vge.f32 v54, $0.0e+00  }
0x72c: {  	v0 =	vsel vm11, v54, v0  }
0x72d: {  	v55 =	vld [tilespmem:s22+$0x26D0];
	[tilespmem:s22+$0x26C0] =	vst v0  }
0x72e: {  	v0 =	vld [tilespmem:s28+$0x250];
	_ =	sdelay $0x4  }
0x72f: {  	v0 =	vmul.f32 v0, v55  }
0x730: {  	vm12 =	vge.f32 v55, $0.0e+00  }
0x731: {  	v0 =	vsel vm12, v55, v0  }
0x732: {  	v56 =	vld [tilespmem:s22+$0x26E0];
	[tilespmem:s22+$0x26D0] =	vst v0  }
0x733: {  	v0 =	vld [tilespmem:s28+$0x260]  }
0x734: {  	(v2sf) =	vpush v2, $0xC  }
0x735: {  	(v2sf) =	vpush v9, $0x9;
	_ =	sdelay $0x2  }
0x736: {  	v0 =	vmul.f32 v0, v56  }
0x737: {  	vm13 =	vge.f32 v56, $0.0e+00  }
0x738: {  	v0 =	vsel vm13, v56, v0  }
0x739: {  	v57 =	vld [tilespmem:s22+$0x26F0];
	[tilespmem:s22+$0x26E0] =	vst v0  }
0x73a: {  	v0 =	vld [tilespmem:s28+$0x270];
	_ =	sdelay $0x4  }
0x73b: {  	v0 =	vmul.f32 v0, v57  }
0x73c: {  	vm14 =	vge.f32 v57, $0.0e+00  }
0x73d: {  	s28 =	spop (v2sf);
	v0 =	vsel vm14, v57, v0  }
0x73e: {  	v58 =	vld [tilespmem:s22+$0x2700];
	s30 =	spop (v2sf);
	[tilespmem:s22+$0x26F0] =	vst v0  }
0x73f: {  	v0 =	vld [tilespmem:s30+$0x200];
	_ =	sdelay $0x4  }
0x740: {  	v0 =	vmul.f32 v0, v58  }
0x741: {  	vm15 =	vge.f32 v58, $0.0e+00  }
0x742: {  	v0 =	vsel vm15, v58, v0  }
0x743: {  	v59 =	vld [tilespmem:s22+$0x2710];
	[tilespmem:s22+$0x2700] =	vst v0  }
0x744: {  	v0 =	vld [tilespmem:s30+$0x210];
	_ =	sdelay $0x4  }
0x745: {  	v0 =	vmul.f32 v0, v59  }
0x746: {  	vm4 =	vge.f32 v59, $0.0e+00  }
0x747: {  	v0 =	vsel vm4, v59, v0  }
0x748: {  	v60 =	vld [tilespmem:s22+$0x2720];
	[tilespmem:s22+$0x2710] =	vst v0  }
0x749: {  	v0 =	vld [tilespmem:s30+$0x220];
	_ =	sdelay $0x4  }
0x74a: {  	v0 =	vmul.f32 v0, v60  }
0x74b: {  	vm5 =	vge.f32 v60, $0.0e+00  }
0x74c: {  	v0 =	vsel vm5, v60, v0  }
0x74d: {  	v61 =	vld [tilespmem:s22+$0x2730];
	[tilespmem:s22+$0x2720] =	vst v0  }
0x74e: {  	v0 =	vld [tilespmem:s30+$0x230];
	_ =	sdelay $0x2  }
0x74f: {  	v13 =	vmul.f32 v30, v29  }
0x750: {  	vm6 =	vge.f32 v29, $0.0e+00  }
0x751: {  	v12 =	vsel vm6, v29, v13;
	v0 =	vmul.f32 v0, v61  }
0x752: {  	[tilespmem:s20+$0x2730] =	vst v12;
	vm7 =	vge.f32 v61, $0.0e+00  }
0x753: {  	v12 =	vld [tilespmem:s31+$0x240];
	v0 =	vsel vm7, v61, v0  }
0x754: {  	v62 =	vld [tilespmem:s22+$0x2740];
	[tilespmem:s22+$0x2730] =	vst v0  }
0x755: {  	v0 =	vld [tilespmem:s30+$0x240];
	_ =	sdelay $0x2  }
0x756: {  	v12 =	vmul.f32 v12, v32  }
0x757: {  	vm8 =	vge.f32 v32, $0.0e+00  }
0x758: {  	v11 =	vsel vm8, v32, v12;
	v0 =	vmul.f32 v0, v62  }
0x759: {  	v63 =	vld [tilespmem:s20+$0x2750];
	[tilespmem:s20+$0x2740] =	vst v11;
	vm9 =	vge.f32 v62, $0.0e+00  }
0x75a: {  	v11 =	vld [tilespmem:s31+$0x250];
	v0 =	vsel vm9, v62, v0  }
0x75b: {  	v16 =	vld [tilespmem:s22+$0x2750];
	[tilespmem:s22+$0x2740] =	vst v0  }
0x75c: {  	v0 =	vld [tilespmem:s30+$0x250];
	_ =	sdelay $0x2  }
0x75d: {  	v11 =	vmul.f32 v11, v63  }
0x75e: {  	vm10 =	vge.f32 v63, $0.0e+00  }
0x75f: {  	v11 =	vsel vm10, v63, v11;
	v0 =	vmul.f32 v0, v16  }
0x760: {  	v17 =	vld [tilespmem:s20+$0x2760];
	[tilespmem:s20+$0x2750] =	vst v11;
	vm11 =	vge.f32 v16, $0.0e+00  }
0x761: {  	v11 =	vld [tilespmem:s31+$0x260];
	v0 =	vsel vm11, v16, v0  }
0x762: {  	v18 =	vld [tilespmem:s22+$0x2760];
	[tilespmem:s22+$0x2750] =	vst v0  }
0x763: {  	v0 =	vld [tilespmem:s30+$0x260]  }
0x764: {  	(v2sf) =	vpush v2, $0xD  }
0x765: {  	(v2sf) =	vpush v9, $0xA  }
0x766: {  	v11 =	vmul.f32 v11, v17  }
0x767: {  	vm12 =	vge.f32 v17, $0.0e+00  }
0x768: {  	v11 =	vsel vm12, v17, v11;
	v0 =	vmul.f32 v0, v18  }
0x769: {  	v19 =	vld [tilespmem:s20+$0x2770];
	[tilespmem:s20+$0x2760] =	vst v11;
	vm13 =	vge.f32 v18, $0.0e+00  }
0x76a: {  	v11 =	vld [tilespmem:s31+$0x270];
	v0 =	vsel vm13, v18, v0  }
0x76b: {  	v20 =	vld [tilespmem:s22+$0x2770];
	[tilespmem:s22+$0x2760] =	vst v0  }
0x76c: {  	v0 =	vld [tilespmem:s30+$0x270];
	_ =	sdelay $0x2  }
0x76d: {  	v11 =	vmul.f32 v11, v19  }
0x76e: {  	vm14 =	vge.f32 v19, $0.0e+00  }
0x76f: {  	v11 =	vsel vm14, v19, v11;
	v0 =	vmul.f32 v0, v20  }
0x770: {  	v21 =	vld [tilespmem:s20+$0x2780];
	[tilespmem:s20+$0x2770] =	vst v11;
	vm15 =	vge.f32 v20, $0.0e+00  }
0x771: {  	v11 =	vld [tilespmem:s25+$0x200];
	s26 =	spop (v2sf);
	v0 =	vsel vm15, v20, v0  }
0x772: {  	v22 =	vld [tilespmem:s22+$0x2780];
	s31 =	spop (v2sf);
	[tilespmem:s22+$0x2770] =	vst v0  }
0x773: {  	v0 =	vld [tilespmem:s31+$0x200];
	_ =	sdelay $0x2  }
0x774: {  	v11 =	vmul.f32 v11, v21  }
0x775: {  	vm4 =	vge.f32 v21, $0.0e+00  }
0x776: {  	v11 =	vsel vm4, v21, v11;
	v0 =	vmul.f32 v0, v22  }
0x777: {  	v23 =	vld [tilespmem:s20+$0x2790];
	[tilespmem:s20+$0x2780] =	vst v11;
	vm5 =	vge.f32 v22, $0.0e+00  }
0x778: {  	v11 =	vld [tilespmem:s25+$0x210];
	v0 =	vsel vm5, v22, v0  }
0x779: {  	v24 =	vld [tilespmem:s22+$0x2790];
	[tilespmem:s22+$0x2780] =	vst v0  }
0x77a: {  	v0 =	vld [tilespmem:s31+$0x210];
	_ =	sdelay $0x2  }
0x77b: {  	v11 =	vmul.f32 v11, v23  }
0x77c: {  	vm6 =	vge.f32 v23, $0.0e+00  }
0x77d: {  	v11 =	vsel vm6, v23, v11;
	v0 =	vmul.f32 v0, v24  }
0x77e: {  	v25 =	vld [tilespmem:s20+$0x27A0];
	[tilespmem:s20+$0x2790] =	vst v11;
	vm7 =	vge.f32 v24, $0.0e+00  }
0x77f: {  	v11 =	vld [tilespmem:s25+$0x220];
	v0 =	vsel vm7, v24, v0  }
0x780: {  	v26 =	vld [tilespmem:s22+$0x27A0];
	[tilespmem:s22+$0x2790] =	vst v0  }
0x781: {  	v0 =	vld [tilespmem:s31+$0x220];
	_ =	sdelay $0x2  }
0x782: {  	v11 =	vmul.f32 v11, v25  }
0x783: {  	vm8 =	vge.f32 v25, $0.0e+00  }
0x784: {  	v11 =	vsel vm8, v25, v11;
	v0 =	vmul.f32 v0, v26  }
0x785: {  	v27 =	vld [tilespmem:s20+$0x27B0];
	[tilespmem:s20+$0x27A0] =	vst v11;
	vm9 =	vge.f32 v26, $0.0e+00  }
0x786: {  	v11 =	vld [tilespmem:s25+$0x230];
	v0 =	vsel vm9, v26, v0  }
0x787: {  	v28 =	vld [tilespmem:s22+$0x27B0];
	[tilespmem:s22+$0x27A0] =	vst v0  }
0x788: {  	v0 =	vld [tilespmem:s31+$0x230];
	_ =	sdelay $0x2  }
0x789: {  	v11 =	vmul.f32 v11, v27  }
0x78a: {  	vm10 =	vge.f32 v27, $0.0e+00  }
0x78b: {  	v11 =	vsel vm10, v27, v11;
	v0 =	vmul.f32 v0, v28  }
0x78c: {  	v29 =	vld [tilespmem:s20+$0x27C0];
	[tilespmem:s20+$0x27B0] =	vst v11;
	vm11 =	vge.f32 v28, $0.0e+00  }
0x78d: {  	v11 =	vld [tilespmem:s25+$0x240];
	v0 =	vsel vm11, v28, v0  }
0x78e: {  	v30 =	vld [tilespmem:s22+$0x27C0];
	[tilespmem:s22+$0x27B0] =	vst v0  }
0x78f: {  	v0 =	vld [tilespmem:s31+$0x240];
	_ =	sdelay $0x2  }
0x790: {  	v11 =	vmul.f32 v11, v29  }
0x791: {  	vm12 =	vge.f32 v29, $0.0e+00  }
0x792: {  	v11 =	vsel vm12, v29, v11;
	v0 =	vmul.f32 v0, v30  }
0x793: {  	v31 =	vld [tilespmem:s20+$0x27D0];
	[tilespmem:s20+$0x27C0] =	vst v11;
	vm13 =	vge.f32 v30, $0.0e+00  }
0x794: {  	v11 =	vld [tilespmem:s25+$0x250];
	v0 =	vsel vm13, v30, v0  }
0x795: {  	v32 =	vld [tilespmem:s22+$0x27D0];
	[tilespmem:s22+$0x27C0] =	vst v0  }
0x796: {  	v0 =	vld [tilespmem:s31+$0x250];
	_ =	sdelay $0x2  }
0x797: {  	v11 =	vmul.f32 v11, v31  }
0x798: {  	vm14 =	vge.f32 v31, $0.0e+00  }
0x799: {  	v11 =	vsel vm14, v31, v11;
	v0 =	vmul.f32 v0, v32  }
0x79a: {  	v33 =	vld [tilespmem:s20+$0x27E0];
	[tilespmem:s20+$0x27D0] =	vst v11;
	vm15 =	vge.f32 v32, $0.0e+00  }
0x79b: {  	v11 =	vld [tilespmem:s25+$0x260];
	v0 =	vsel vm15, v32, v0  }
0x79c: {  	v34 =	vld [tilespmem:s22+$0x27E0];
	[tilespmem:s22+$0x27D0] =	vst v0  }
0x79d: {  	v0 =	vld [tilespmem:s31+$0x260]  }
0x79e: {  	(v2sf) =	vpush v2, $0xE  }
0x79f: {  	(v2sf) =	vpush v9, $0xB  }
0x7a0: {  	v11 =	vmul.f32 v11, v33  }
0x7a1: {  	vm4 =	vge.f32 v33, $0.0e+00  }
0x7a2: {  	v11 =	vsel vm4, v33, v11;
	v0 =	vmul.f32 v0, v34  }
0x7a3: {  	v35 =	vld [tilespmem:s20+$0x27F0];
	[tilespmem:s20+$0x27E0] =	vst v11;
	vm5 =	vge.f32 v34, $0.0e+00  }
0x7a4: {  	v11 =	vld [tilespmem:s25+$0x270];
	v0 =	vsel vm5, v34, v0  }
0x7a5: {  	v36 =	vld [tilespmem:s22+$0x27F0];
	[tilespmem:s22+$0x27E0] =	vst v0  }
0x7a6: {  	v0 =	vld [tilespmem:s31+$0x270];
	_ =	sdelay $0x2  }
0x7a7: {  	v11 =	vmul.f32 v11, v35  }
0x7a8: {  	vm6 =	vge.f32 v35, $0.0e+00  }
0x7a9: {  	v11 =	vsel vm6, v35, v11;
	v0 =	vmul.f32 v0, v36  }
0x7aa: {  	v37 =	vld [tilespmem:s20+$0x2800];
	[tilespmem:s20+$0x27F0] =	vst v11;
	vm7 =	vge.f32 v36, $0.0e+00  }
0x7ab: {  	s25 =	spop (v2sf);
	v11 =	vld [tilespmem:s29+$0x200];
	v0 =	vsel vm7, v36, v0  }
0x7ac: {  	v38 =	vld [tilespmem:s22+$0x2800];
	s30 =	spop (v2sf);
	[tilespmem:s22+$0x27F0] =	vst v0  }
0x7ad: {  	v0 =	vld [tilespmem:s30+$0x200];
	_ =	sdelay $0x2  }
0x7ae: {  	v11 =	vmul.f32 v11, v37  }
0x7af: {  	vm8 =	vge.f32 v37, $0.0e+00  }
0x7b0: {  	v11 =	vsel vm8, v37, v11;
	v0 =	vmul.f32 v0, v38  }
0x7b1: {  	v39 =	vld [tilespmem:s20+$0x2810];
	[tilespmem:s20+$0x2800] =	vst v11;
	vm9 =	vge.f32 v38, $0.0e+00  }
0x7b2: {  	v11 =	vld [tilespmem:s29+$0x210];
	v0 =	vsel vm9, v38, v0  }
0x7b3: {  	v40 =	vld [tilespmem:s22+$0x2810];
	[tilespmem:s22+$0x2800] =	vst v0  }
0x7b4: {  	v0 =	vld [tilespmem:s30+$0x210];
	_ =	sdelay $0x2  }
0x7b5: {  	v11 =	vmul.f32 v11, v39  }
0x7b6: {  	vm10 =	vge.f32 v39, $0.0e+00  }
0x7b7: {  	v11 =	vsel vm10, v39, v11;
	v0 =	vmul.f32 v0, v40  }
0x7b8: {  	v41 =	vld [tilespmem:s20+$0x2820];
	[tilespmem:s20+$0x2810] =	vst v11;
	vm11 =	vge.f32 v40, $0.0e+00  }
0x7b9: {  	v11 =	vld [tilespmem:s29+$0x220];
	v0 =	vsel vm11, v40, v0  }
0x7ba: {  	v42 =	vld [tilespmem:s22+$0x2820];
	[tilespmem:s22+$0x2810] =	vst v0  }
0x7bb: {  	v0 =	vld [tilespmem:s30+$0x220];
	_ =	sdelay $0x2  }
0x7bc: {  	v11 =	vmul.f32 v11, v41  }
0x7bd: {  	vm12 =	vge.f32 v41, $0.0e+00  }
0x7be: {  	v11 =	vsel vm12, v41, v11;
	v0 =	vmul.f32 v0, v42  }
0x7bf: {  	v43 =	vld [tilespmem:s20+$0x2830];
	[tilespmem:s20+$0x2820] =	vst v11;
	vm13 =	vge.f32 v42, $0.0e+00  }
0x7c0: {  	v11 =	vld [tilespmem:s29+$0x230];
	v0 =	vsel vm13, v42, v0  }
0x7c1: {  	v44 =	vld [tilespmem:s22+$0x2830];
	[tilespmem:s22+$0x2820] =	vst v0  }
0x7c2: {  	v0 =	vld [tilespmem:s30+$0x230];
	_ =	sdelay $0x2  }
0x7c3: {  	v11 =	vmul.f32 v11, v43  }
0x7c4: {  	vm14 =	vge.f32 v43, $0.0e+00  }
0x7c5: {  	v11 =	vsel vm14, v43, v11;
	v0 =	vmul.f32 v0, v44  }
0x7c6: {  	v45 =	vld [tilespmem:s20+$0x2840];
	[tilespmem:s20+$0x2830] =	vst v11;
	vm15 =	vge.f32 v44, $0.0e+00  }
0x7c7: {  	v11 =	vld [tilespmem:s29+$0x240];
	v0 =	vsel vm15, v44, v0  }
0x7c8: {  	v46 =	vld [tilespmem:s22+$0x2840];
	[tilespmem:s22+$0x2830] =	vst v0  }
0x7c9: {  	v0 =	vld [tilespmem:s30+$0x240];
	_ =	sdelay $0x2  }
0x7ca: {  	v11 =	vmul.f32 v11, v45  }
0x7cb: {  	vm4 =	vge.f32 v45, $0.0e+00  }
0x7cc: {  	v11 =	vsel vm4, v45, v11;
	v0 =	vmul.f32 v0, v46  }
0x7cd: {  	v47 =	vld [tilespmem:s20+$0x2850];
	[tilespmem:s20+$0x2840] =	vst v11;
	vm5 =	vge.f32 v46, $0.0e+00  }
0x7ce: {  	v11 =	vld [tilespmem:s29+$0x250];
	v0 =	vsel vm5, v46, v0  }
0x7cf: {  	v48 =	vld [tilespmem:s22+$0x2850];
	[tilespmem:s22+$0x2840] =	vst v0  }
0x7d0: {  	v0 =	vld [tilespmem:s30+$0x250];
	_ =	sdelay $0x2  }
0x7d1: {  	v11 =	vmul.f32 v11, v47  }
0x7d2: {  	vm6 =	vge.f32 v47, $0.0e+00  }
0x7d3: {  	v11 =	vsel vm6, v47, v11;
	v0 =	vmul.f32 v0, v48  }
0x7d4: {  	v49 =	vld [tilespmem:s20+$0x2860];
	[tilespmem:s20+$0x2850] =	vst v11;
	vm7 =	vge.f32 v48, $0.0e+00  }
0x7d5: {  	v11 =	vld [tilespmem:s29+$0x260];
	v0 =	vsel vm7, v48, v0  }
0x7d6: {  	v50 =	vld [tilespmem:s22+$0x2860];
	[tilespmem:s22+$0x2850] =	vst v0  }
0x7d7: {  	v0 =	vld [tilespmem:s30+$0x260]  }
0x7d8: {  	(v2sf) =	vpush v2, $0xF  }
0x7d9: {  	(v2sf) =	vpush v9, $0xC  }
0x7da: {  	v51 =	vmul.f32 v11, v49  }
0x7db: {  	vm8 =	vge.f32 v49, $0.0e+00  }
0x7dc: {  	v2 =	vsel vm8, v49, v51;
	v0 =	vmul.f32 v0, v50  }
0x7dd: {  	v52 =	vld [tilespmem:s20+$0x2870];
	[tilespmem:s20+$0x2860] =	vst v2;
	vm9 =	vge.f32 v50, $0.0e+00  }
0x7de: {  	v2 =	vld [tilespmem:s29+$0x270];
	v0 =	vsel vm9, v50, v0  }
0x7df: {  	v53 =	vld [tilespmem:s22+$0x2870];
	[tilespmem:s22+$0x2860] =	vst v0  }
0x7e0: {  	v0 =	vld [tilespmem:s30+$0x270];
	_ =	sdelay $0x2  }
0x7e1: {  	v2 =	vmul.f32 v2, v52  }
0x7e2: {  	vm10 =	vge.f32 v52, $0.0e+00  }
0x7e3: {  	v2 =	vsel vm10, v52, v2;
	v0 =	vmul.f32 v0, v53  }
0x7e4: {  	v54 =	vld [tilespmem:s20+$0x2880];
	[tilespmem:s20+$0x2870] =	vst v2;
	vm11 =	vge.f32 v53, $0.0e+00  }
0x7e5: {  	s24 =	spop (v2sf);
	v2 =	vld [tilespmem:s28+$0x200];
	v0 =	vsel vm11, v53, v0  }
0x7e6: {  	v55 =	vld [tilespmem:s22+$0x2880];
	s31 =	spop (v2sf);
	[tilespmem:s22+$0x2870] =	vst v0  }
0x7e7: {  	v0 =	vld [tilespmem:s31+$0x200];
	_ =	sdelay $0x2  }
0x7e8: {  	v2 =	vmul.f32 v2, v54  }
0x7e9: {  	vm12 =	vge.f32 v54, $0.0e+00  }
0x7ea: {  	v2 =	vsel vm12, v54, v2;
	v0 =	vmul.f32 v0, v55  }
0x7eb: {  	v56 =	vld [tilespmem:s20+$0x2890];
	[tilespmem:s20+$0x2880] =	vst v2;
	vm13 =	vge.f32 v55, $0.0e+00  }
0x7ec: {  	v2 =	vld [tilespmem:s28+$0x210];
	v0 =	vsel vm13, v55, v0  }
0x7ed: {  	v57 =	vld [tilespmem:s22+$0x2890];
	[tilespmem:s22+$0x2880] =	vst v0  }
0x7ee: {  	v0 =	vld [tilespmem:s31+$0x210];
	_ =	sdelay $0x2  }
0x7ef: {  	v2 =	vmul.f32 v2, v56  }
0x7f0: {  	vm14 =	vge.f32 v56, $0.0e+00  }
0x7f1: {  	v2 =	vsel vm14, v56, v2;
	v0 =	vmul.f32 v0, v57  }
0x7f2: {  	v58 =	vld [tilespmem:s20+$0x28A0];
	[tilespmem:s20+$0x2890] =	vst v2;
	vm15 =	vge.f32 v57, $0.0e+00  }
0x7f3: {  	v2 =	vld [tilespmem:s28+$0x220];
	v0 =	vsel vm15, v57, v0  }
0x7f4: {  	v59 =	vld [tilespmem:s22+$0x28A0];
	[tilespmem:s22+$0x2890] =	vst v0  }
0x7f5: {  	v0 =	vld [tilespmem:s31+$0x220];
	_ =	sdelay $0x2  }
0x7f6: {  	v2 =	vmul.f32 v2, v58  }
0x7f7: {  	vm4 =	vge.f32 v58, $0.0e+00  }
0x7f8: {  	v2 =	vsel vm4, v58, v2;
	v0 =	vmul.f32 v0, v59  }
0x7f9: {  	v60 =	vld [tilespmem:s20+$0x28B0];
	[tilespmem:s20+$0x28A0] =	vst v2;
	vm5 =	vge.f32 v59, $0.0e+00  }
0x7fa: {  	v2 =	vld [tilespmem:s28+$0x230];
	v0 =	vsel vm5, v59, v0  }
0x7fb: {  	v61 =	vld [tilespmem:s22+$0x28B0];
	[tilespmem:s22+$0x28A0] =	vst v0  }
0x7fc: {  	v62 =	vld [tilespmem:s31+$0x230];
	_ =	sdelay $0x2  }
0x7fd: {  	v2 =	vmul.f32 v2, v60  }
0x7fe: {  	vm6 =	vge.f32 v60, $0.0e+00  }
0x7ff: {  	v2 =	vsel vm6, v60, v2;
	v13 =	vmul.f32 v62, v61  }
0x800: {  	v63 =	vld [tilespmem:s20+$0x28C0];
	[tilespmem:s20+$0x28B0] =	vst v2;
	vm7 =	vge.f32 v61, $0.0e+00  }
0x801: {  	v2 =	vld [tilespmem:s28+$0x240];
	v12 =	vsel vm7, v61, v13  }
0x802: {  	v16 =	vld [tilespmem:s22+$0x28C0];
	[tilespmem:s22+$0x28B0] =	vst v12  }
0x803: {  	v12 =	vld [tilespmem:s31+$0x240];
	_ =	sdelay $0x2  }
0x804: {  	v17 =	vmul.f32 v2, v63  }
0x805: {  	vm8 =	vge.f32 v63, $0.0e+00  }
0x806: {  	v11 =	vsel vm8, v63, v17;
	v12 =	vmul.f32 v12, v16  }
0x807: {  	v18 =	vld [tilespmem:s20+$0x28D0];
	[tilespmem:s20+$0x28C0] =	vst v11;
	vm9 =	vge.f32 v16, $0.0e+00  }
0x808: {  	v11 =	vld [tilespmem:s28+$0x250];
	v12 =	vsel vm9, v16, v12  }
0x809: {  	v19 =	vld [tilespmem:s22+$0x28D0];
	[tilespmem:s22+$0x28C0] =	vst v12  }
0x80a: {  	v12 =	vld [tilespmem:s31+$0x250];
	_ =	sdelay $0x2  }
0x80b: {  	v20 =	vmul.f32 v11, v18  }
0x80c: {  	vm10 =	vge.f32 v18, $0.0e+00  }
0x80d: {  	v14 =	vsel vm10, v18, v20;
	v12 =	vmul.f32 v12, v19  }
0x80e: {  	v21 =	vld [tilespmem:s20+$0x28E0];
	[tilespmem:s20+$0x28D0] =	vst v14;
	vm11 =	vge.f32 v19, $0.0e+00  }
0x80f: {  	v14 =	vld [tilespmem:s28+$0x260];
	v12 =	vsel vm11, v19, v12  }
0x810: {  	v22 =	vld [tilespmem:s22+$0x28E0];
	[tilespmem:s22+$0x28D0] =	vst v12  }
0x811: {  	v23 =	vld [tilespmem:s31+$0x260];
	_ =	sdelay $0x1  }
0x812: {  	(v2sf) =	vpush v9, $0xD  }
0x813: {  	v14 =	vmul.f32 v14, v21  }
0x814: {  	vm12 =	vge.f32 v21, $0.0e+00  }
0x815: {  	v14 =	vsel vm12, v21, v14;
	v16 =	vmul.f32 v23, v22  }
0x816: {  	v24 =	vld [tilespmem:s20+$0x28F0];
	[tilespmem:s20+$0x28E0] =	vst v14;
	vm13 =	vge.f32 v22, $0.0e+00  }
0x817: {  	v14 =	vld [tilespmem:s28+$0x270];
	v13 =	vsel vm13, v22, v16  }
0x818: {  	v25 =	vld [tilespmem:s22+$0x28F0];
	[tilespmem:s22+$0x28E0] =	vst v13  }
0x819: {  	v26 =	vld [tilespmem:s31+$0x270];
	_ =	sdelay $0x2  }
0x81a: {  	v14 =	vmul.f32 v14, v24  }
0x81b: {  	vm14 =	vge.f32 v24, $0.0e+00  }
0x81c: {  	v14 =	vsel vm14, v24, v14;
	v17 =	vmul.f32 v26, v25  }
0x81d: {  	v27 =	vld [tilespmem:s20+$0x2900];
	[tilespmem:s20+$0x28F0] =	vst v14;
	vm15 =	vge.f32 v25, $0.0e+00  }
0x81e: {  	v14 =	vld [tilespmem:s26+$0x200];
	v16 =	vsel vm15, v25, v17  }
0x81f: {  	v28 =	vld [tilespmem:s22+$0x2900];
	s29 =	spop (v2sf);
	[tilespmem:s22+$0x28F0] =	vst v16  }
0x820: {  	v16 =	vld [tilespmem:s29+$0x200];
	_ =	sdelay $0x2  }
0x821: {  	v14 =	vmul.f32 v14, v27  }
0x822: {  	v10 =	vmul.f32 v10, v8;
	v29 =	vld [tilespmem:s18+$0x2910];
	vm5 =	vge.f32 v27, $0.0e+00  }
0x823: {  	v31 =	vld [tilespmem:s20+$0x2910];
	vm4 =	vge.f32 v8, $0.0e+00;
	v30 =	vsel vm5, v27, v14;
	v32 =	vmul.f32 v16, v28  }
0x824: {  	v36 =	vld [tilespmem:s22+$0x2910];
	v10 =	vsel vm4, v8, v10;
	vm6 =	vge.f32 v28, $0.0e+00;
	[tilespmem:s20+$0x2900] =	vst v30  }
0x825: {  	[tilespmem:s18+$0x2900] =	vst v10;
	v34 =	vld [tilespmem:s26+$0x210];
	v35 =	vsel vm6, v28, v32  }
0x826: {  	v33 =	vld [tilespmem:s23+$0x210];
	[tilespmem:s22+$0x2900] =	vst v35  }
0x827: {  	v37 =	vld [tilespmem:s29+$0x210];
	_ =	sdelay $0x2  }
0x828: {  	v19 =	vmul.f32 v34, v31  }
0x829: {  	v39 =	vld [tilespmem:s18+$0x2920];
	v38 =	vmul.f32 v33, v29;
	vm8 =	vge.f32 v31, $0.0e+00  }
0x82a: {  	v45 =	vld [tilespmem:s22+$0x2920];
	vm7 =	vge.f32 v29, $0.0e+00;
	v15 =	vsel vm8, v31, v19;
	v41 =	vmul.f32 v37, v36  }
0x82b: {  	v40 =	vld [tilespmem:s20+$0x2920];
	v18 =	vsel vm7, v29, v38;
	vm9 =	vge.f32 v36, $0.0e+00;
	[tilespmem:s20+$0x2910] =	vst v15  }
0x82c: {  	[tilespmem:s18+$0x2910] =	vst v18;
	v43 =	vld [tilespmem:s26+$0x220];
	v44 =	vsel vm9, v36, v41  }
0x82d: {  	v42 =	vld [tilespmem:s23+$0x220];
	[tilespmem:s22+$0x2910] =	vst v44  }
0x82e: {  	v46 =	vld [tilespmem:s29+$0x220];
	_ =	sdelay $0x2  }
0x82f: {  	v21 =	vmul.f32 v43, v40  }
0x830: {  	v47 =	vld [tilespmem:s18+$0x2930];
	v20 =	vmul.f32 v42, v39;
	vm11 =	vge.f32 v40, $0.0e+00  }
0x831: {  	v48 =	vld [tilespmem:s20+$0x2930];
	vm10 =	vge.f32 v39, $0.0e+00;
	v18 =	vsel vm11, v40, v21;
	v19 =	vmul.f32 v46, v45  }
0x832: {  	v50 =	vld [tilespmem:s22+$0x2930];
	vm12 =	vge.f32 v45, $0.0e+00;
	v20 =	vsel vm10, v39, v20;
	[tilespmem:s20+$0x2920] =	vst v18  }
0x833: {  	[tilespmem:s18+$0x2920] =	vst v20;
	v18 =	vld [tilespmem:s26+$0x230];
	v17 =	vsel vm12, v45, v19  }
0x834: {  	v49 =	vld [tilespmem:s23+$0x230];
	[tilespmem:s22+$0x2920] =	vst v17  }
0x835: {  	v51 =	vld [tilespmem:s29+$0x230];
	_ =	sdelay $0x2  }
0x836: {  	v53 =	vmul.f32 v18, v48  }
0x837: {  	v52 =	vld [tilespmem:s18+$0x2940];
	vm14 =	vge.f32 v48, $0.0e+00;
	v21 =	vmul.f32 v49, v47  }
0x838: {  	v54 =	vld [tilespmem:s20+$0x2940];
	vm13 =	vge.f32 v47, $0.0e+00;
	v20 =	vsel vm14, v48, v53;
	v55 =	vmul.f32 v51, v50  }
0x839: {  	v57 =	vld [tilespmem:s22+$0x2940];
	v21 =	vsel vm13, v47, v21;
	vm15 =	vge.f32 v50, $0.0e+00;
	[tilespmem:s20+$0x2930] =	vst v20  }
0x83a: {  	[tilespmem:s18+$0x2930] =	vst v21;
	v20 =	vld [tilespmem:s26+$0x240];
	v19 =	vsel vm15, v50, v55  }
0x83b: {  	v56 =	vld [tilespmem:s23+$0x240];
	[tilespmem:s22+$0x2930] =	vst v19  }
0x83c: {  	v58 =	vld [tilespmem:s29+$0x240];
	_ =	sdelay $0x2  }
0x83d: {  	v60 =	vmul.f32 v20, v54  }
0x83e: {  	v59 =	vld [tilespmem:s18+$0x2950];
	vm5 =	vge.f32 v54, $0.0e+00;
	v23 =	vmul.f32 v56, v52  }
0x83f: {  	vm4 =	vge.f32 v52, $0.0e+00;
	v61 =	vld [tilespmem:s20+$0x2950];
	v21 =	vsel vm5, v54, v60;
	v62 =	vmul.f32 v58, v57  }
0x840: {  	v34 =	vld [tilespmem:s22+$0x2950];
	v23 =	vsel vm4, v52, v23;
	vm6 =	vge.f32 v57, $0.0e+00;
	[tilespmem:s20+$0x2940] =	vst v21  }
0x841: {  	[tilespmem:s18+$0x2940] =	vst v23;
	v32 =	vld [tilespmem:s26+$0x250];
	v33 =	vsel vm6, v57, v62  }
0x842: {  	v63 =	vld [tilespmem:s23+$0x250];
	[tilespmem:s22+$0x2940] =	vst v33  }
0x843: {  	v35 =	vld [tilespmem:s29+$0x250];
	_ =	sdelay $0x2  }
0x844: {  	v27 =	vmul.f32 v32, v61  }
0x845: {  	v42 =	vld [tilespmem:s22+$0x2960];
	vm8 =	vge.f32 v61, $0.0e+00;
	v36 =	vmul.f32 v63, v59  }
0x846: {  	vm7 =	vge.f32 v59, $0.0e+00;
	v39 =	vld [tilespmem:s20+$0x2960];
	v23 =	vsel vm8, v61, v27;
	v40 =	vmul.f32 v35, v34  }
0x847: {  	v37 =	vld [tilespmem:s18+$0x2960];
	vm9 =	vge.f32 v34, $0.0e+00;
	v26 =	vsel vm7, v59, v36;
	[tilespmem:s20+$0x2950] =	vst v23  }
0x848: {  	[tilespmem:s18+$0x2950] =	vst v26;
	v23 =	vld [tilespmem:s26+$0x260];
	v24 =	vsel vm9, v34, v40  }
0x849: {  	v41 =	vld [tilespmem:s23+$0x260];
	[tilespmem:s22+$0x2950] =	vst v24  }
0x84a: {  	v24 =	vld [tilespmem:s29+$0x260];
	_ =	sdelay $0x1  }
0x84b: {  	(v2sf) =	vpush v9, $0xE  }
0x84c: {  	v23 =	vmul.f32 v23, v39  }
0x84d: {  	vm11 =	vge.f32 v39, $0.0e+00;
	v48 =	vld [tilespmem:s22+$0x2970];
	v28 =	vmul.f32 v41, v37  }
0x84e: {  	v44 =	vld [tilespmem:s18+$0x2970];
	vm10 =	vge.f32 v37, $0.0e+00;
	v23 =	vsel vm11, v39, v23;
	v24 =	vmul.f32 v24, v42  }
0x84f: {  	v46 =	vld [tilespmem:s20+$0x2970];
	vm12 =	vge.f32 v42, $0.0e+00;
	v25 =	vsel vm10, v37, v28;
	[tilespmem:s20+$0x2960] =	vst v23  }
0x850: {  	[tilespmem:s18+$0x2960] =	vst v25;
	v23 =	vld [tilespmem:s26+$0x270];
	v24 =	vsel vm12, v42, v24  }
0x851: {  	v47 =	vld [tilespmem:s23+$0x270];
	[tilespmem:s22+$0x2960] =	vst v24  }
0x852: {  	v24 =	vld [tilespmem:s29+$0x270];
	_ =	sdelay $0x2  }
0x853: {  	v23 =	vmul.f32 v23, v46  }
0x854: {  	v49 =	vld [tilespmem:s18+$0x2980];
	vm14 =	vge.f32 v46, $0.0e+00;
	v26 =	vmul.f32 v47, v44  }
0x855: {  	v52 =	vld [tilespmem:s22+$0x2980];
	vm13 =	vge.f32 v44, $0.0e+00;
	v23 =	vsel vm14, v46, v23;
	v24 =	vmul.f32 v24, v48  }
0x856: {  	v50 =	vld [tilespmem:s20+$0x2980];
	vm15 =	vge.f32 v48, $0.0e+00;
	v26 =	vsel vm13, v44, v26;
	[tilespmem:s20+$0x2970] =	vst v23  }
0x857: {  	[tilespmem:s18+$0x2970] =	vst v26;
	v23 =	vld [tilespmem:s25+$0x200];
	v24 =	vsel vm15, v48, v24  }
0x858: {  	s30 =	spop (v2sf);
	v51 =	vld [tilespmem:s21+$0x200];
	[tilespmem:s22+$0x2970] =	vst v24  }
0x859: {  	v24 =	vld [tilespmem:s30+$0x200];
	_ =	sdelay $0x2  }
0x85a: {  	v23 =	vmul.f32 v23, v50  }
0x85b: {  	v56 =	vld [tilespmem:s20+$0x2990];
	vm5 =	vge.f32 v50, $0.0e+00;
	v25 =	vmul.f32 v51, v49  }
0x85c: {  	vm4 =	vge.f32 v49, $0.0e+00;
	v54 =	vld [tilespmem:s18+$0x2990];
	v23 =	vsel vm5, v50, v23;
	v24 =	vmul.f32 v24, v52  }
0x85d: {  	v58 =	vld [tilespmem:s22+$0x2990];
	vm6 =	vge.f32 v52, $0.0e+00;
	v25 =	vsel vm4, v49, v25;
	[tilespmem:s20+$0x2980] =	vst v23  }
0x85e: {  	[tilespmem:s18+$0x2980] =	vst v25;
	v23 =	vld [tilespmem:s25+$0x210];
	v24 =	vsel vm6, v52, v24  }
0x85f: {  	v57 =	vld [tilespmem:s21+$0x210];
	[tilespmem:s22+$0x2980] =	vst v24  }
0x860: {  	v24 =	vld [tilespmem:s30+$0x210];
	_ =	sdelay $0x2  }
0x861: {  	v23 =	vmul.f32 v23, v56  }
0x862: {  	v60 =	vld [tilespmem:s20+$0x29A0];
	vm8 =	vge.f32 v56, $0.0e+00;
	v26 =	vmul.f32 v57, v54  }
0x863: {  	vm7 =	vge.f32 v54, $0.0e+00;
	v59 =	vld [tilespmem:s18+$0x29A0];
	v23 =	vsel vm8, v56, v23;
	v24 =	vmul.f32 v24, v58  }
0x864: {  	v62 =	vld [tilespmem:s22+$0x29A0];
	vm9 =	vge.f32 v58, $0.0e+00;
	v26 =	vsel vm7, v54, v26;
	[tilespmem:s20+$0x2990] =	vst v23  }
0x865: {  	[tilespmem:s18+$0x2990] =	vst v26;
	v23 =	vld [tilespmem:s25+$0x220];
	v24 =	vsel vm9, v58, v24  }
0x866: {  	v61 =	vld [tilespmem:s21+$0x220];
	[tilespmem:s22+$0x2990] =	vst v24  }
0x867: {  	v24 =	vld [tilespmem:s30+$0x220];
	_ =	sdelay $0x1  }
0x868: {  	v2 =	vld [tilespmem:s20+$0x2A60]  }
0x869: {  	v0 =	vld [tilespmem:s20+$0x2A70];
	v23 =	vmul.f32 v23, v60  }
0x86a: {  	v53 =	vld [tilespmem:s18+$0x29B0];
	vm11 =	vge.f32 v60, $0.0e+00;
	v25 =	vmul.f32 v61, v59  }
0x86b: {  	v63 =	vld [tilespmem:s22+$0x29B0];
	vm10 =	vge.f32 v59, $0.0e+00;
	v23 =	vsel vm11, v60, v23;
	v24 =	vmul.f32 v24, v62  }
0x86c: {  	v55 =	vld [tilespmem:s20+$0x29B0];
	vm12 =	vge.f32 v62, $0.0e+00;
	v25 =	vsel vm10, v59, v25;
	[tilespmem:s20+$0x29A0] =	vst v23  }
0x86d: {  	[tilespmem:s18+$0x29A0] =	vst v25;
	v23 =	vld [tilespmem:s25+$0x230];
	v24 =	vsel vm12, v62, v24  }
0x86e: {  	v25 =	vld [tilespmem:s21+$0x230];
	[tilespmem:s22+$0x29A0] =	vst v24  }
0x86f: {  	v24 =	vld [tilespmem:s30+$0x230];
	_ =	sdelay $0x2  }
0x870: {  	v11 =	vld [tilespmem:s20+$0x2A50];
	v23 =	vmul.f32 v23, v55  }
0x871: {  	v43 =	vld [tilespmem:s18+$0x29C0];
	vm14 =	vge.f32 v55, $0.0e+00;
	v25 =	vmul.f32 v25, v53  }
0x872: {  	v32 =	vld [tilespmem:s22+$0x29C0];
	vm13 =	vge.f32 v53, $0.0e+00;
	v23 =	vsel vm14, v55, v23;
	v24 =	vmul.f32 v24, v63  }
0x873: {  	v45 =	vld [tilespmem:s20+$0x29C0];
	vm15 =	vge.f32 v63, $0.0e+00;
	v25 =	vsel vm13, v53, v25;
	[tilespmem:s20+$0x29B0] =	vst v23  }
0x874: {  	[tilespmem:s18+$0x29B0] =	vst v25;
	v23 =	vld [tilespmem:s25+$0x240];
	v24 =	vsel vm15, v63, v24  }
0x875: {  	v25 =	vld [tilespmem:s21+$0x240];
	[tilespmem:s22+$0x29B0] =	vst v24  }
0x876: {  	v24 =	vld [tilespmem:s30+$0x240];
	_ =	sdelay $0x2  }
0x877: {  	v38 =	vld [tilespmem:s20+$0x29D0];
	v23 =	vmul.f32 v23, v45  }
0x878: {  	v12 =	vld [tilespmem:s20+$0x2A40];
	vm5 =	vge.f32 v45, $0.0e+00;
	v25 =	vmul.f32 v25, v43  }
0x879: {  	v21 =	vld [tilespmem:s18+$0x29D0];
	vm4 =	vge.f32 v43, $0.0e+00;
	v23 =	vsel vm5, v45, v23;
	v24 =	vmul.f32 v24, v32  }
0x87a: {  	v33 =	vld [tilespmem:s22+$0x29D0];
	vm6 =	vge.f32 v32, $0.0e+00;
	v25 =	vsel vm4, v43, v25;
	[tilespmem:s20+$0x29C0] =	vst v23  }
0x87b: {  	[tilespmem:s18+$0x29C0] =	vst v25;
	v23 =	vld [tilespmem:s25+$0x250];
	v24 =	vsel vm6, v32, v24  }
0x87c: {  	v25 =	vld [tilespmem:s21+$0x250];
	[tilespmem:s22+$0x29C0] =	vst v24  }
0x87d: {  	v24 =	vld [tilespmem:s30+$0x250];
	_ =	sdelay $0x2  }
0x87e: {  	v13 =	vld [tilespmem:s20+$0x2A30];
	v23 =	vmul.f32 v23, v38  }
0x87f: {  	v20 =	vld [tilespmem:s20+$0x29E0];
	vm8 =	vge.f32 v38, $0.0e+00;
	v25 =	vmul.f32 v25, v21  }
0x880: {  	v37 =	vld [tilespmem:s22+$0x29E0];
	vm7 =	vge.f32 v21, $0.0e+00;
	v34 =	vsel vm8, v38, v23;
	v35 =	vmul.f32 v24, v33  }
0x881: {  	v19 =	vld [tilespmem:s18+$0x29E0];
	vm9 =	vge.f32 v33, $0.0e+00;
	v21 =	vsel vm7, v21, v25;
	[tilespmem:s20+$0x29D0] =	vst v34  }
0x882: {  	[tilespmem:s18+$0x29D0] =	vst v21;
	v21 =	vld [tilespmem:s25+$0x260];
	v22 =	vsel vm9, v33, v35  }
0x883: {  	v36 =	vld [tilespmem:s21+$0x260];
	[tilespmem:s22+$0x29D0] =	vst v22  }
0x884: {  	v22 =	vld [tilespmem:s30+$0x260];
	_ =	sdelay $0x1  }
0x885: {  	(v2sf) =	vpush v9, $0xF  }
0x886: {  	v8 =	vld [tilespmem:s20+$0x2A20];
	v38 =	vmul.f32 v21, v20  }
0x887: {  	v18 =	vld [tilespmem:s20+$0x29F0];
	vm11 =	vge.f32 v20, $0.0e+00;
	v23 =	vmul.f32 v36, v19  }
0x888: {  	v41 =	vld [tilespmem:s22+$0x29F0];
	vm10 =	vge.f32 v19, $0.0e+00;
	v9 =	vsel vm11, v20, v38;
	v39 =	vmul.f32 v22, v37  }
0x889: {  	v17 =	vld [tilespmem:s18+$0x29F0];
	vm12 =	vge.f32 v37, $0.0e+00;
	v19 =	vsel vm10, v19, v23;
	[tilespmem:s20+$0x29E0] =	vst v9  }
0x88a: {  	[tilespmem:s18+$0x29E0] =	vst v19;
	v9 =	vld [tilespmem:s25+$0x270];
	v19 =	vsel vm12, v37, v39  }
0x88b: {  	v40 =	vld [tilespmem:s21+$0x270];
	[tilespmem:s22+$0x29E0] =	vst v19  }
0x88c: {  	v19 =	vld [tilespmem:s30+$0x270];
	_ =	sdelay $0x1  }
0x88d: {  	v10 =	vld [tilespmem:s18+$0x2A10]  }
0x88e: {  	v14 =	vld [tilespmem:s20+$0x2A10];
	v9 =	vmul.f32 v9, v18  }
0x88f: {  	v15 =	vld [tilespmem:s18+$0x2A00];
	vm14 =	vge.f32 v18, $0.0e+00;
	v20 =	vmul.f32 v40, v17  }
0x890: {  	v16 =	vld [tilespmem:s20+$0x2A00];
	vm13 =	vge.f32 v17, $0.0e+00;
	v9 =	vsel vm14, v18, v9;
	v42 =	vmul.f32 v19, v41  }
0x891: {  	v44 =	vld [tilespmem:s22+$0x2A00];
	vm15 =	vge.f32 v41, $0.0e+00;
	v17 =	vsel vm13, v17, v20;
	[tilespmem:s20+$0x29F0] =	vst v9  }
0x892: {  	[tilespmem:s18+$0x29F0] =	vst v17;
	v9 =	vld [tilespmem:s24+$0x200];
	v17 =	vsel vm15, v41, v42  }
0x893: {  	s31 =	spop (v2sf);
	v43 =	vld [tilespmem:s19+$0x200];
	[tilespmem:s22+$0x29F0] =	vst v17  }
0x894: {  	v17 =	vld [tilespmem:s31+$0x200];
	_ =	sdelay $0x2  }
0x895: {  	v9 =	vmul.f32 v9, v16  }
0x896: {  	vm5 =	vge.f32 v16, $0.0e+00;
	v18 =	vmul.f32 v43, v15  }
0x897: {  	vm4 =	vge.f32 v15, $0.0e+00;
	v9 =	vsel vm5, v16, v9;
	v45 =	vmul.f32 v17, v44  }
0x898: {  	v47 =	vld [tilespmem:s22+$0x2A10];
	vm6 =	vge.f32 v44, $0.0e+00;
	v15 =	vsel vm4, v15, v18;
	[tilespmem:s20+$0x2A00] =	vst v9  }
0x899: {  	[tilespmem:s18+$0x2A00] =	vst v15;
	v9 =	vld [tilespmem:s24+$0x210];
	v15 =	vsel vm6, v44, v45  }
0x89a: {  	v46 =	vld [tilespmem:s19+$0x210];
	[tilespmem:s22+$0x2A00] =	vst v15  }
0x89b: {  	v15 =	vld [tilespmem:s31+$0x210];
	_ =	sdelay $0x2  }
0x89c: {  	v9 =	vmul.f32 v9, v14  }
0x89d: {  	vm8 =	vge.f32 v14, $0.0e+00;
	v16 =	vmul.f32 v46, v10  }
0x89e: {  	vm7 =	vge.f32 v10, $0.0e+00;
	v9 =	vsel vm8, v14, v9;
	v48 =	vmul.f32 v15, v47  }
0x89f: {  	v50 =	vld [tilespmem:s22+$0x2A20];
	vm9 =	vge.f32 v47, $0.0e+00;
	v10 =	vsel vm7, v10, v16;
	[tilespmem:s20+$0x2A10] =	vst v9  }
0x8a0: {  	[tilespmem:s18+$0x2A10] =	vst v10;
	v9 =	vld [tilespmem:s24+$0x220];
	v10 =	vsel vm9, v47, v48  }
0x8a1: {  	v49 =	vld [tilespmem:s19+$0x220];
	[tilespmem:s22+$0x2A10] =	vst v10  }
0x8a2: {  	v10 =	vld [tilespmem:s31+$0x220];
	_ =	sdelay $0x2  }
0x8a3: {  	v9 =	vmul.f32 v9, v8  }
0x8a4: {  	vm11 =	vge.f32 v8, $0.0e+00;
	v14 =	vmul.f32 v49, v4  }
0x8a5: {  	vm10 =	vge.f32 v4, $0.0e+00;
	v51 =	vsel vm11, v8, v9;
	v52 =	vmul.f32 v10, v50  }
0x8a6: {  	v54 =	vld [tilespmem:s22+$0x2A30];
	vm12 =	vge.f32 v50, $0.0e+00;
	v4 =	vsel vm10, v4, v14;
	[tilespmem:s20+$0x2A20] =	vst v51  }
0x8a7: {  	[tilespmem:s18+$0x2A20] =	vst v4;
	v4 =	vld [tilespmem:s24+$0x230];
	v8 =	vsel vm12, v50, v52  }
0x8a8: {  	v53 =	vld [tilespmem:s19+$0x230];
	[tilespmem:s22+$0x2A20] =	vst v8  }
0x8a9: {  	v8 =	vld [tilespmem:s31+$0x230];
	_ =	sdelay $0x2  }
0x8aa: {  	v4 =	vmul.f32 v4, v13  }
0x8ab: {  	vm14 =	vge.f32 v13, $0.0e+00;
	v9 =	vmul.f32 v53, v5  }
0x8ac: {  	vm13 =	vge.f32 v5, $0.0e+00;
	v4 =	vsel vm14, v13, v4;
	v55 =	vmul.f32 v8, v54  }
0x8ad: {  	v57 =	vld [tilespmem:s22+$0x2A40];
	vm15 =	vge.f32 v54, $0.0e+00;
	v5 =	vsel vm13, v5, v9;
	[tilespmem:s20+$0x2A30] =	vst v4  }
0x8ae: {  	[tilespmem:s18+$0x2A30] =	vst v5;
	v4 =	vld [tilespmem:s24+$0x240];
	v5 =	vsel vm15, v54, v55  }
0x8af: {  	v56 =	vld [tilespmem:s19+$0x240];
	[tilespmem:s22+$0x2A30] =	vst v5  }
0x8b0: {  	v5 =	vld [tilespmem:s31+$0x240];
	_ =	sdelay $0x2  }
0x8b1: {  	v4 =	vmul.f32 v4, v12  }
0x8b2: {  	vm5 =	vge.f32 v12, $0.0e+00;
	v8 =	vmul.f32 v56, v7  }
0x8b3: {  	vm4 =	vge.f32 v7, $0.0e+00;
	v4 =	vsel vm5, v12, v4;
	v5 =	vmul.f32 v5, v57  }
0x8b4: {  	v58 =	vld [tilespmem:s22+$0x2A50];
	vm6 =	vge.f32 v57, $0.0e+00;
	[tilespmem:s20+$0x2A40] =	vst v4;
	v7 =	vsel vm4, v7, v8  }
0x8b5: {  	v4 =	vld [tilespmem:s24+$0x250];
	[tilespmem:s18+$0x2A40] =	vst v7;
	v5 =	vsel vm6, v57, v5  }
0x8b6: {  	v7 =	vld [tilespmem:s19+$0x250];
	[tilespmem:s22+$0x2A40] =	vst v5  }
0x8b7: {  	v5 =	vld [tilespmem:s31+$0x250];
	_ =	sdelay $0x2  }
0x8b8: {  	v4 =	vmul.f32 v4, v11  }
0x8b9: {  	vm8 =	vge.f32 v11, $0.0e+00;
	v7 =	vmul.f32 v7, v6  }
0x8ba: {  	vm7 =	vge.f32 v6, $0.0e+00;
	v4 =	vsel vm8, v11, v4;
	v5 =	vmul.f32 v5, v58  }
0x8bb: {  	v59 =	vld [tilespmem:s22+$0x2A60];
	vm9 =	vge.f32 v58, $0.0e+00;
	[tilespmem:s20+$0x2A50] =	vst v4;
	v6 =	vsel vm7, v6, v7  }
0x8bc: {  	v4 =	vld [tilespmem:s24+$0x260];
	[tilespmem:s18+$0x2A50] =	vst v6;
	v5 =	vsel vm9, v58, v5  }
0x8bd: {  	v6 =	vld [tilespmem:s19+$0x260];
	[tilespmem:s22+$0x2A50] =	vst v5  }
0x8be: {  	v5 =	vld [tilespmem:s31+$0x260];
	_ =	sdelay $0x2  }
0x8bf: {  	v4 =	vmul.f32 v4, v2  }
0x8c0: {  	vm11 =	vge.f32 v2, $0.0e+00;
	v6 =	vmul.f32 v6, v3  }
0x8c1: {  	vm10 =	vge.f32 v3, $0.0e+00;
	v2 =	vsel vm11, v2, v4;
	v60 =	vmul.f32 v5, v59  }
0x8c2: {  	v62 =	vld [tilespmem:s22+$0x2A70];
	vm12 =	vge.f32 v59, $0.0e+00;
	[tilespmem:s20+$0x2A60] =	vst v2;
	v3 =	vsel vm10, v3, v6  }
0x8c3: {  	v2 =	vld [tilespmem:s24+$0x270];
	[tilespmem:s18+$0x2A60] =	vst v3;
	v3 =	vsel vm12, v59, v60  }
0x8c4: {  	v61 =	vld [tilespmem:s19+$0x270];
	[tilespmem:s22+$0x2A60] =	vst v3  }
0x8c5: {  	v3 =	vld [tilespmem:s31+$0x270];
	_ =	sdelay $0x2  }
0x8c6: {  	v2 =	vmul.f32 v2, v0  }
0x8c7: {  	vm14 =	vge.f32 v0, $0.0e+00;
	v4 =	vmul.f32 v61, v1  }
0x8c8: {  	vm13 =	vge.f32 v1, $0.0e+00;
	v0 =	vsel vm14, v0, v2;
	v3 =	vmul.f32 v3, v62  }
0x8c9: {  	s17 =	sadd.s32 $0x1, s17;
	vm15 =	vge.f32 v62, $0.0e+00;
	[tilespmem:s20+$0x2A70] =	vst v0;
	v1 =	vsel vm13, v1, v4  }
0x8ca: {  	p0 =	sne.s32 s17, s8;
	[tilespmem:s18+$0x2A70] =	vst v1;
	v63 =	vsel vm15, v62, v3  }
.Ltmp2:
0x8cb: {  	[tilespmem:s22+$0x2A70] =	vst v63;
	(pc) =	sbr.rel @p0 .LBB2_1-.Ltmp2, $4  }
0x8cc: {  	[hbm4b:s7+s4] =	stream.linear.scatter [tilespmem:s9], [sflag:$0x3], $0x10000, $0x38;
	[tilespmem:$0x12280] =	vst v63  }
0x8cd: {  	_ =	swait.ge [sflag:s16], $0x10000  }
0x8ce: {  	[sflag:s16] =	ssyncset.done $0x0  }
0x8cf: {  	[sflag:s16] =	ssyncadd.s32 $0xFFFF0000  }
0x8d0: {  	_ =	sfence.sel $0x180000  }
0x8d1: {  	[bflag:$0x0] =	sbarrier.arrive $0xFFFF  }
0x8d2: {  	p0 =	sne.s32 s3, $0x0;
	_ =	strace $0x90000047  }
0x8d3: {  	s0 =	sadd.s32 @!p0 $0x100000, s0;
	[bflag:$0x2] =	sbarrier.arrive $0xFFFF  }
0x8d4: {  	[sflag:s0] =	ssyncadd.tile.s32 @!p0 $0x1;
	_ =	shalt  }
.Lfunc_end2:
_tile_overlayer_lowered:
.L_overlay_start_2:
0x8d5: {  	(tag) =	ssettag $0x2  }
0x8d6: {  	s0 =	rddreg [dreg:$0x0];
	s2 =	stileid.u32  }
0x8d7: {  	s1 =	rddreg [dreg:$0x1];
	p0 =	sne.s32 s2, $0x0  }
0x8d8: {  	s3 =	rddreg [dreg:$0x2];
	[bflag:$0x3] =	sbarrier.arrive $0xFFFF;
	s2 =	simm.s32 @!p0 $0x1C04  }
0x8d9: {  	[timem:s3], [sflag:s2] =	dma.local @!p0 [hbm:s0], s1  }
0x8da: {  	s0 =	simm.s32 @!p0 $0x4  }
0x8db: {  	_ =	swait.ge @!p0 [sflag:s0], s1  }
0x8dc: {  	s1 =	ssub.s32 @!p0 $0x0, s1;
	[sflag:s0] =	ssyncset.done @!p0 $0x0  }
0x8dd: {  	[sflag:s0] =	ssyncadd.s32 @!p0 s1  }
0x8de: {  	[bflag:$0x3] =	sbarrier.arrive $0xFFFF  }
0x8df: {  	_ =	shalt  }

</sc_bundles>
